<compile_context>
chip_gen: v7x
topology: tpu7x:2x2x1
jax: 0.10.2.dev20260603
libtpu: 0.0.44.dev20260713+nightly
codegen_flags: <defaults>
</compile_context>

<pallas_src>
import functools

import jax
import jax.numpy as jnp
from jax import lax
from jax.experimental import pallas as pl
from jax.experimental.pallas import tpu as pltpu
from jax.experimental.pallas import tpu_sc as plsc

N = 10000
E = 160000
H = 256

NC = 2
NS = 16
NW = NC * NS
L = 16

f32 = jnp.float32
i32 = jnp.int32


EPW = E // NW
GC = 64
NFULL = EPW // GC
TAIL = EPW - NFULL * GC

_mesh = plsc.VectorSubcoreMesh(
    core_axis_name="c", subcore_axis_name="s", num_cores=NC, num_subcores=NS)
_sc_params = pltpu.CompilerParams(needs_layout_passes=False)


@functools.partial(
    pl.kernel,
    out_type=[jax.ShapeDtypeStruct((E, H), f32),
              jax.ShapeDtypeStruct((E, H), f32)],
    mesh=_mesh,
    scratch_types=[
        pltpu.VMEM((EPW,), i32),
        pltpu.VMEM((EPW,), i32),
        pltpu.VMEM((GC, H), f32),
        pltpu.VMEM((GC, H), f32),
        pltpu.VMEM((GC, H), f32),
        pltpu.VMEM((GC, H), f32),
        pltpu.VMEM((GC, H), f32),
        pltpu.VMEM((GC, H), f32),
        pltpu.SemaphoreType.DMA,
        pltpu.SemaphoreType.DMA,
        pltpu.SemaphoreType.DMA,
        pltpu.SemaphoreType.DMA,
        pltpu.SemaphoreType.DMA,
        pltpu.SemaphoreType.DMA,
        pltpu.SemaphoreType.DMA,
        pltpu.SemaphoreType.DMA,
        pltpu.SemaphoreType.DMA,
        pltpu.SemaphoreType.DMA,
        pltpu.SemaphoreType.DMA,
        pltpu.SemaphoreType.DMA,
    ],
    compiler_params=_sc_params,
)
def _gather2(ps_hbm, pr_hbm, sidx_hbm, ridx_hbm, gs_hbm, gr_hbm,
             sidx_v, ridx_v,
             bs0, bs1, bs2, br0, br1, br2,
             gs0, gs1, gs2, gr0, gr1, gr2,
             ws0, ws1, ws2, wr0, wr1, wr2):
    wid = lax.axis_index("s") * NC + lax.axis_index("c")
    base = wid * EPW
    bs = (bs0, bs1, bs2)
    br = (br0, br1, br2)
    gsem = (gs0, gs1, gs2)
    rsem = (gr0, gr1, gr2)
    wssem = (ws0, ws1, ws2)
    wrsem = (wr0, wr1, wr2)

    pltpu.sync_copy(sidx_hbm.at[pl.ds(base, EPW)], sidx_v)
    pltpu.sync_copy(ridx_hbm.at[pl.ds(base, EPW)], ridx_v)

    def fire(i, b):
        off = i * GC
        pltpu.async_copy(ps_hbm.at[sidx_v.at[pl.ds(off, GC)]], bs[b], gsem[b])
        pltpu.async_copy(pr_hbm.at[ridx_v.at[pl.ds(off, GC)]], br[b], rsem[b])

    def wait_gather(b):
        pltpu.make_async_copy(
            ps_hbm.at[sidx_v.at[pl.ds(0, GC)]], bs[b], gsem[b]).wait()
        pltpu.make_async_copy(
            pr_hbm.at[ridx_v.at[pl.ds(0, GC)]], br[b], rsem[b]).wait()

    def fire_wb(i, b):
        off = i * GC
        pltpu.async_copy(bs[b], gs_hbm.at[pl.ds(base + off, GC)], wssem[b])
        pltpu.async_copy(br[b], gr_hbm.at[pl.ds(base + off, GC)], wrsem[b])

    def wait_wb(b):
        pltpu.make_async_copy(
            bs[b], gs_hbm.at[pl.ds(base, GC)], wssem[b]).wait()
        pltpu.make_async_copy(
            br[b], gr_hbm.at[pl.ds(base, GC)], wrsem[b]).wait()

    for i in (0, 1):
        fire(i, i)

    @pl.loop(0, NFULL)
    def _body(i):
        for b in range(3):
            @pl.when((i % 3) == b)
            def _(b=b):
                wait_gather(b)
                fire_wb(i, b)

        @pl.when(i + 2 < NFULL)
        def _fnext():
            for b in range(3):
                @pl.when(((i + 2) % 3) == b)
                def _(b=b):
                    @pl.when(i >= 1)
                    def _w():
                        wait_wb(b)
                    fire(i + 2, b)

    for b in range(3):
        wait_wb(b)

    toff = NFULL * GC
    cs = pltpu.async_copy(
        ps_hbm.at[sidx_v.at[pl.ds(toff, TAIL)]], bs0.at[pl.ds(0, TAIL)], gs0)
    cr = pltpu.async_copy(
        pr_hbm.at[ridx_v.at[pl.ds(toff, TAIL)]], br0.at[pl.ds(0, TAIL)], gr0)
    cs.wait()
    cr.wait()
    pltpu.sync_copy(bs0.at[pl.ds(0, TAIL)], gs_hbm.at[pl.ds(base + toff, TAIL)])
    pltpu.sync_copy(br0.at[pl.ds(0, TAIL)], gr_hbm.at[pl.ds(base + toff, TAIL)])



NPW = 320
NPAD = NW * NPW
RC = 2000
NCHUNK = E // RC
RB = 64
IDXSZ = RC + RB
LSZ = 2176
MAXBLK = NCHUNK * (RC // RB + 1)
PTCAP = MAXBLK * RB + LSZ
SB = 32
SLEN = SB * RB
FB = 160
NSUP = FB // SB
RBG = 128
SBB = SLEN // RBG


@functools.partial(
    pl.kernel,
    out_type=[jax.ShapeDtypeStruct((NW * PTCAP,), i32),
              jax.ShapeDtypeStruct((NW * PTCAP,), i32),
              jax.ShapeDtypeStruct((NW * L,), i32)],
    mesh=_mesh,
    scratch_types=[
        pltpu.VMEM((RC,), i32),
        pltpu.VMEM((RC,), i32),
        pltpu.VMEM((LSZ,), i32),
        pltpu.VMEM((LSZ,), i32),
        pltpu.VMEM((LSZ,), i32),
        pltpu.VMEM((LSZ,), i32),
        pltpu.VMEM((L,), i32),
        pltpu.SemaphoreType.DMA,
        pltpu.SemaphoreType.DMA,
        pltpu.SemaphoreType.DMA,
        pltpu.SemaphoreType.DMA,
        pltpu.SemaphoreType.DMA,
    ],
    compiler_params=_sc_params,
)
def _seg_compress(ridx_hbm, eidl_hbm, locl_hbm, nblk_hbm,
                  rix_a, rix_b, eid_a, eid_b, loc_a, loc_b, nb_v,
                  sem_r, sem_ea, sem_eb, sem_la, sem_lb):
    wid = lax.axis_index("s") * NC + lax.axis_index("c")
    lo = wid * NPW
    hi = jnp.minimum(lo + NPW, N)
    lanes = lax.iota(i32, L)
    zi = jnp.zeros((L,), i32)
    lbase = wid * PTCAP

    @pl.loop(0, LSZ // L, unroll=8)
    def _zeid(j):
        eid_a[pl.ds(j * L, L)] = zi
        eid_b[pl.ds(j * L, L)] = zi

    pltpu.async_copy(ridx_hbm.at[pl.ds(0, RC)], rix_a, sem_r).wait()

    def _chunk(ci, blkacc):
        ebase = ci * RC
        even = (ci % 2) == 0

        @pl.when(ci + 1 < NCHUNK)
        def _pref():
            @pl.when(even)
            def _pb():
                pltpu.async_copy(
                    ridx_hbm.at[pl.ds(ebase + RC, RC)], rix_b, sem_r)
            @pl.when(jnp.logical_not(even))
            def _pa():
                pltpu.async_copy(
                    ridx_hbm.at[pl.ds(ebase + RC, RC)], rix_a, sem_r)

        def _with_buf(rix_v, eid_v, loc_v, sem_e, sem_l):
            @pl.when(ci >= 2)
            def _wprev():
                pltpu.make_async_copy(
                    eid_v, eidl_hbm.at[pl.ds(0, LSZ)], sem_e).wait()
                pltpu.make_async_copy(
                    loc_v, locl_hbm.at[pl.ds(0, LSZ)], sem_l).wait()

            @plsc.parallel_loop(0, RC // L, unroll=4,
                                carry=jnp.zeros((L,), i32))
            def cnt_vec(j, cv):
                r = rix_v[pl.ds(j * L, L)]
                m = (r >= lo) & (r < hi)
                mi = m.astype(i32)
                pos = plsc.cumsum(mi) - 1
                tgt = jnp.where(m, cv + pos, IDXSZ)
                plsc.store_scatter(eid_v, [tgt], ebase + j * L + lanes)
                plsc.store_scatter(loc_v, [tgt], r - lo)
                return cv + plsc.all_reduce_population_count(m)

            @pl.loop(0, 2 * RB // L)
            def _pad(k):
                t = cnt_vec + k * L + lanes
                plsc.store_scatter(loc_v, [t], jnp.full((L,), NPW, i32))

            woff = lbase + jnp.max(blkacc) * RB
            pltpu.async_copy(eid_v, eidl_hbm.at[pl.ds(woff, LSZ)], sem_e)
            pltpu.async_copy(loc_v, locl_hbm.at[pl.ds(woff, LSZ)], sem_l)
            return blkacc + (cnt_vec + (RB - 1)) // RB

        def _ea(ba):
            return _with_buf(rix_a, eid_a, loc_a, sem_ea, sem_la)

        def _eb(ba):
            return _with_buf(rix_b, eid_b, loc_b, sem_eb, sem_lb)

        blkacc = lax.cond(even, _ea, _eb, blkacc)

        @pl.when(ci + 1 < NCHUNK)
        def _wait_pref():
            @pl.when(even)
            def _wb():
                pltpu.make_async_copy(
                    ridx_hbm.at[pl.ds(0, RC)], rix_b, sem_r).wait()
            @pl.when(jnp.logical_not(even))
            def _wa():
                pltpu.make_async_copy(
                    ridx_hbm.at[pl.ds(0, RC)], rix_a, sem_r).wait()

        return blkacc

    blkacc = lax.fori_loop(0, NCHUNK, _chunk, jnp.zeros((L,), i32))

    pltpu.make_async_copy(eid_a, eidl_hbm.at[pl.ds(0, LSZ)], sem_ea).wait()
    pltpu.make_async_copy(loc_a, locl_hbm.at[pl.ds(0, LSZ)], sem_la).wait()
    pltpu.make_async_copy(eid_b, eidl_hbm.at[pl.ds(0, LSZ)], sem_eb).wait()
    pltpu.make_async_copy(loc_b, locl_hbm.at[pl.ds(0, LSZ)], sem_lb).wait()
    nb_v[pl.ds(0, L)] = blkacc
    pltpu.sync_copy(nb_v, nblk_hbm.at[pl.ds(wid * L, L)])

    @pl.loop(0, LSZ // L)
    def _zpad(j):
        eid_a[pl.ds(j * L, L)] = zi
        loc_a[pl.ds(j * L, L)] = jnp.full((L,), NPW, i32)

    b0 = jnp.max(blkacc)

    def _padw(t, _):
        woff = lbase + (b0 + t * SB) * RB
        pltpu.sync_copy(eid_a.at[pl.ds(0, SLEN)],
                        eidl_hbm.at[pl.ds(woff, SLEN)])
        pltpu.sync_copy(loc_a.at[pl.ds(0, SLEN)],
                        locl_hbm.at[pl.ds(woff, SLEN)])
        return 0

    lax.fori_loop(0, jnp.maximum(0, (FB - b0 + SB - 1) // SB), _padw, 0)


@functools.partial(
    pl.kernel,
    out_type=jax.ShapeDtypeStruct((NPAD, H), f32),
    mesh=_mesh,
    scratch_types=[
        pltpu.VMEM((NPW + 8, H), f32),
        pltpu.VMEM((SLEN,), i32),
        pltpu.VMEM((SLEN,), i32),
        pltpu.VMEM((L,), i32),
        pltpu.VMEM((RBG, H), f32),
        pltpu.SemaphoreType.DMA,
    ],
    compiler_params=_sc_params,
)
def _seg_accum(msg_hbm, eidl_hbm, locl_hbm, nblk_hbm, agg_hbm,
               acc_v, eid_s, loc_s, nb_v, rows_v, sem):
    wid = lax.axis_index("s") * NC + lax.axis_index("c")
    lo = wid * NPW
    lanes = lax.iota(i32, L)
    zf = jnp.zeros((L,), f32)
    lbase = wid * PTCAP

    @pl.loop(0, NPW + 8)
    def _zacc(j):
        for c in range(H // L):
            acc_v[j, pl.ds(c * L, L)] = zf

    pltpu.sync_copy(nblk_hbm.at[pl.ds(wid * L, L)], nb_v)
    nbtot = jnp.max(nb_v[pl.ds(0, L)])
    nbig = (nbtot + 1) // 2
    nsuper = (nbig + (SBB - 1)) // SBB

    def _super(s, _):
        pltpu.sync_copy(eidl_hbm.at[pl.ds(lbase + s * SLEN, SLEN)], eid_s)
        pltpu.sync_copy(locl_hbm.at[pl.ds(lbase + s * SLEN, SLEN)], loc_s)
        nb_s = jnp.minimum(nbig - s * SBB, SBB)

        def _gbody(b, _):
            pltpu.async_copy(
                msg_hbm.at[eid_s.at[pl.ds(b * RBG, RBG)]], rows_v,
                sem).wait()

            def _abody(k, _):
                q = loc_s[pl.ds(b * RBG + k * L, L)]
                rowi = k * L + lanes

                @plsc.parallel_loop(0, H, unroll=4)
                def _phase(p):
                    col = (p + lanes) & (H - 1)
                    vals = plsc.load_gather(rows_v, [rowi, col])
                    plsc.addupdate_scatter(acc_v, [q, col], vals)

                return 0

            lax.fori_loop(0, RBG // L, _abody, 0)
            return 0

        lax.fori_loop(0, nb_s, _gbody, 0)
        return 0

    lax.fori_loop(0, nsuper, _super, 0)

    pltpu.sync_copy(acc_v.at[pl.ds(0, NPW)], agg_hbm.at[pl.ds(lo, NPW)])



NB_A = 400
NB_E = 400
EB = 1600


def _preproj_body(nf, ws, wr, ps, pr):
    x = nf[...]
    ps[...] = jnp.dot(x, ws[...], preferred_element_type=f32)
    pr[...] = jnp.dot(x, wr[...], preferred_element_type=f32)


def _ln(x, g, b):
    mu = jnp.mean(x, -1, keepdims=True)
    xc = x - mu
    var = jnp.mean(xc * xc, -1, keepdims=True)
    return xc * lax.rsqrt(var + 1e-5) * g + b


def _edge_body(gs, gr, ef, w0, w1, w2, b0, b1, b2, g, bt, msg, ne):
    efv = ef[...]
    x = gs[...] + gr[...] + jnp.dot(efv, w0[...], preferred_element_type=f32)
    x = jnp.maximum(x + b0[...], 0.0)
    x = jnp.maximum(jnp.dot(x, w1[...], preferred_element_type=f32) + b1[...], 0.0)
    x = jnp.dot(x, w2[...], preferred_element_type=f32) + b2[...]
    y = _ln(x, g[...], bt[...])
    msg[...] = y
    ne[...] = y + efv


def _node_body(nf, agg, w0a, w0b, w1, w2, b0, b1, b2, g, bt, out):
    nfv = nf[...]
    x = (jnp.dot(nfv, w0a[...], preferred_element_type=f32)
         + jnp.dot(agg[...], w0b[...], preferred_element_type=f32))
    x = jnp.maximum(x + b0[...], 0.0)
    x = jnp.maximum(jnp.dot(x, w1[...], preferred_element_type=f32) + b1[...], 0.0)
    x = jnp.dot(x, w2[...], preferred_element_type=f32) + b2[...]
    out[...] = _ln(x, g[...], bt[...]) + nfv


def _full(shape):
    return pl.BlockSpec(shape, lambda i: (0, 0))


def kernel(senders, receivers, node_features, edge_features,
           eW0, eb0, eW1, eb1, eW2, eb2, eg, ebt,
           nW0, nb0, nW1, nb1, nW2, nb2, ng, nbt):
    w_es, w_er, w_ee = eW0[0:H], eW0[H:2 * H], eW0[2 * H:3 * H]
    nW0a, nW0b = nW0[0:H], nW0[H:2 * H]
    eb0r, eb1r, eb2r = eb0.reshape(1, H), eb1.reshape(1, H), eb2.reshape(1, H)
    egr, ebtr = eg.reshape(1, H), ebt.reshape(1, H)
    nb0r, nb1r, nb2r = nb0.reshape(1, H), nb1.reshape(1, H), nb2.reshape(1, H)
    ngr, nbtr = ng.reshape(1, H), nbt.reshape(1, H)

    eidl, locl, nblks = _seg_compress(receivers)

    ps, pr = pl.pallas_call(
        _preproj_body,
        grid=(N // NB_A,),
        in_specs=[pl.BlockSpec((NB_A, H), lambda i: (i, 0)),
                  _full((H, H)), _full((H, H))],
        out_specs=[pl.BlockSpec((NB_A, H), lambda i: (i, 0))] * 2,
        out_shape=[jax.ShapeDtypeStruct((N, H), f32)] * 2,
    )(node_features, w_es, w_er)

    gs, gr = _gather2(ps, pr, senders, receivers)

    msg, new_edge = pl.pallas_call(
        _edge_body,
        grid=(E // EB,),
        in_specs=[pl.BlockSpec((EB, H), lambda i: (i, 0))] * 3
        + [_full((H, H))] * 3 + [_full((1, H))] * 5,
        out_specs=[pl.BlockSpec((EB, H), lambda i: (i, 0))] * 2,
        out_shape=[jax.ShapeDtypeStruct((E, H), f32)] * 2,
    )(gs, gr, edge_features, w_ee, eW1, eW2, eb0r, eb1r, eb2r, egr, ebtr)

    aggp = _seg_accum(msg, eidl, locl, nblks)

    new_node = pl.pallas_call(
        _node_body,
        grid=(N // NB_E,),
        in_specs=[pl.BlockSpec((NB_E, H), lambda i: (i, 0))] * 2
        + [_full((H, H))] * 4 + [_full((1, H))] * 5,
        out_specs=pl.BlockSpec((NB_E, H), lambda i: (i, 0)),
        out_shape=jax.ShapeDtypeStruct((N, H), f32),
    )(node_features, aggp, nW0a, nW0b, nW1, nW2, nb0r, nb1r, nb2r, ngr, nbtr)

    return (new_node, new_edge)

# --- scband reference (transcript-rebuilt; emitter-appended) ---
"""Pipeline reference for scband-graph-net-block-31945966748038 (READ-ONLY COPY).

The authoritative reference and input builder live on the scoring server;
editing this copy changes nothing except your own understanding.
"""

import jax, jax.numpy as jnp
import numpy as np

N = 10000
E = 160000
H = 256


def _ln(x, g, b):
    mu = x.mean(-1, keepdims=True)
    var = x.var(-1, keepdims=True)
    return (x - mu) / jnp.sqrt(var + 1e-5) * g + b


def _mlp(x, W0, b0, W1, b1, W2, b2, g, beta):
    x = jax.nn.relu(x @ W0 + b0)
    x = jax.nn.relu(x @ W1 + b1)
    x = x @ W2 + b2
    return _ln(x, g, beta)


def setup_inputs(seed: int = 0) -> dict:
    key = jax.random.key(seed)
    ks = [jax.random.fold_in(key, i) for i in range(32)]
    inp = {}
    inp['senders'] = jax.random.randint(ks[0], (E,), 0, N, dtype=jnp.int32)
    inp['receivers'] = jax.random.randint(ks[1], (E,), 0, N, dtype=jnp.int32)
    inp['node_features'] = jax.random.normal(ks[2], (N, H), dtype=jnp.float32)
    inp['edge_features'] = jax.random.normal(ks[3], (E, H), dtype=jnp.float32)
    s = 0.02
    # edge MLP params: input 3H -> H -> H -> H, plus LayerNorm
    inp['eW0'] = jax.random.normal(ks[4], (3 * H, H), dtype=jnp.float32) * s
    inp['eb0'] = jnp.zeros((H,), dtype=jnp.float32)
    inp['eW1'] = jax.random.normal(ks[5], (H, H), dtype=jnp.float32) * s
    inp['eb1'] = jnp.zeros((H,), dtype=jnp.float32)
    inp['eW2'] = jax.random.normal(ks[6], (H, H), dtype=jnp.float32) * s
    inp['eb2'] = jnp.zeros((H,), dtype=jnp.float32)
    inp['eg'] = jnp.ones((H,), dtype=jnp.float32)
    inp['ebt'] = jnp.zeros((H,), dtype=jnp.float32)
    # node MLP params: input 2H -> H -> H -> H, plus LayerNorm
    inp['nW0'] = jax.random.normal(ks[7], (2 * H, H), dtype=jnp.float32) * s
    inp['nb0'] = jnp.zeros((H,), dtype=jnp.float32)
    inp['nW1'] = jax.random.normal(ks[8], (H, H), dtype=jnp.float32) * s
    inp['nb1'] = jnp.zeros((H,), dtype=jnp.float32)
    inp['nW2'] = jax.random.normal(ks[9], (H, H), dtype=jnp.float32) * s
    inp['nb2'] = jnp.zeros((H,), dtype=jnp.float32)
    inp['ng'] = jnp.ones((H,), dtype=jnp.float32)
    inp['nbt'] = jnp.zeros((H,), dtype=jnp.float32)
    return inp


def reference(senders, receivers, node_features, edge_features,
              eW0, eb0, eW1, eb1, eW2, eb2, eg, ebt,
              nW0, nb0, nW1, nb1, nW2, nb2, ng, nbt):
    # update_edges: gather sender/receiver node features, concat with edge features, MLP
    sender_feat = jnp.take(node_features, senders, axis=0)
    receiver_feat = jnp.take(node_features, receivers, axis=0)
    edge_in = jnp.concatenate([sender_feat, receiver_feat, edge_features], axis=-1)
    new_edge = _mlp(edge_in, eW0, eb0, eW1, eb1, eW2, eb2, eg, ebt)
    # update_nodes: scatter-add new edge features by receiver, concat, MLP
    agg = jax.ops.segment_sum(new_edge, receivers, num_segments=N)
    node_in = jnp.concatenate([node_features, agg], axis=-1)
    new_node = _mlp(node_in, nW0, nb0, nW1, nb1, nW2, nb2, ng, nbt)
    # residuals
    new_node = new_node + node_features
    new_edge = new_edge + edge_features
    return (new_node, new_edge)

if __name__ == "__main__":
    import jax
    _d = setup_inputs()
    print(jax.jit(kernel)(*tuple(_d.values())))

</pallas_src>

<mosaic_0001>
#map = affine_map<(d0, d1) -> (0)>
module attributes {stable_mosaic.version = 14 : i64} {
  func.func @_seg_compress(%arg0: i32, %arg1: i32, %arg2: memref<160000xi32, #tpu.memory_space<hbm>>, %arg3: memref<5312512xi32, #tpu.memory_space<hbm>>, %arg4: memref<5312512xi32, #tpu.memory_space<hbm>>, %arg5: memref<512xi32, #tpu.memory_space<hbm>>, %arg6: memref<2000xi32, #tpu.memory_space<vmem>>, %arg7: memref<2000xi32, #tpu.memory_space<vmem>>, %arg8: memref<2176xi32, #tpu.memory_space<vmem>>, %arg9: memref<2176xi32, #tpu.memory_space<vmem>>, %arg10: memref<2176xi32, #tpu.memory_space<vmem>>, %arg11: memref<2176xi32, #tpu.memory_space<vmem>>, %arg12: memref<16xi32, #tpu.memory_space<vmem>>, %arg13: memref<!tpu.dma_semaphore, #tpu.memory_space<semaphore_mem>>, %arg14: memref<!tpu.dma_semaphore, #tpu.memory_space<semaphore_mem>>, %arg15: memref<!tpu.dma_semaphore, #tpu.memory_space<semaphore_mem>>, %arg16: memref<!tpu.dma_semaphore, #tpu.memory_space<semaphore_mem>>, %arg17: memref<!tpu.dma_semaphore, #tpu.memory_space<semaphore_mem>>) attributes {dimension_semantics = [#tpu.dimension_semantics<core_parallel>, #tpu.dimension_semantics<subcore_parallel>], iteration_bounds = array<i64: 2, 16>, scalar_prefetch = 0 : i64, scratch_operands = 12 : i64, tpu.core_type = #tpu.core_type<sc_vector_subcore>, window_params = [{transform_indices = #map}, {transform_indices = #map}, {transform_indices = #map}, {transform_indices = #map}]} {
    %mul3A = arith.constant 2 : i32
    %mul3A_0 = arith.muli %arg1, %mul3A : i32
    %add3A = arith.addi %mul3A_0, %arg0 : i32
    %mul3A_1 = arith.constant 320 : i32
    %mul3A_2 = arith.muli %add3A, %mul3A_1 : i32
    %add3A_3 = arith.constant 320 : i32
    %add3A_4 = arith.addi %mul3A_2, %add3A_3 : i32
    %min3A = arith.constant 10000 : i32
    %min3A_5 = arith.minsi %add3A_4, %min3A : i32
    %iota3A = tpu.iota {dimensions = array<i32: 0>} : vector<16xi32>
    %broadcast_in_dim3A = arith.constant 0 : i32
    %broadcast_in_dim3A_6 = vector.broadcast %broadcast_in_dim3A : i32 to vector<16xi32>
    %mul3A_7 = arith.constant 166016 : i32
    %mul3A_8 = arith.muli %add3A, %mul3A_7 : i32
    %scan3A = arith.constant 0 : i32
    %scan3A_9 = arith.constant 136 : i32
    %scan3A_10 = arith.addi %scan3A, %scan3A_9 : i32
    %scan3A_11 = arith.constant 8 : i32
    scf.for %scan3A_92 = %scan3A to %scan3A_10 step %scan3A_11  : i32 {
      %mul3A_93 = arith.constant 1 : i32
      %mul3A_94 = arith.muli %scan3A_92, %mul3A_93 : i32
      %add3A_95 = arith.constant 0 : i32
      %add3A_96 = arith.addi %add3A_95, %mul3A_94 : i32
      %mul3A_97 = arith.constant 16 : i32
      %mul3A_98 = arith.muli %add3A_96, %mul3A_97 : i32
      %swap3A_99 = arith.index_cast %mul3A_98 : i32 to index
      %swap3A_100 = tpu.vector_load %arg8[%swap3A_99] {strides = array<i32>} : memref<2176xi32, #tpu.memory_space<vmem>>, vector<16xi32>,
      tpu.vector_store %arg8[%swap3A_99], %broadcast_in_dim3A_6 {strides = array<i32>} : memref<2176xi32, #tpu.memory_space<vmem>>, vector<16xi32>,
      %mul3A_101 = arith.constant 16 : i32
      %mul3A_102 = arith.muli %add3A_96, %mul3A_101 : i32
      %swap3A_103 = arith.index_cast %mul3A_102 : i32 to index
      %swap3A_104 = tpu.vector_load %arg9[%swap3A_103] {strides = array<i32>} : memref<2176xi32, #tpu.memory_space<vmem>>, vector<16xi32>,
      tpu.vector_store %arg9[%swap3A_103], %broadcast_in_dim3A_6 {strides = array<i32>} : memref<2176xi32, #tpu.memory_space<vmem>>, vector<16xi32>,
      %scan3A_105 = arith.constant 1 : i32
      %scan3A_106 = arith.addi %scan3A_92, %scan3A_105 : i32
      %mul3A_107 = arith.constant 1 : i32
      %mul3A_108 = arith.muli %scan3A_106, %mul3A_107 : i32
      %add3A_109 = arith.constant 0 : i32
      %add3A_110 = arith.addi %add3A_109, %mul3A_108 : i32
      %mul3A_111 = arith.constant 16 : i32
      %mul3A_112 = arith.muli %add3A_110, %mul3A_111 : i32
      %swap3A_113 = arith.index_cast %mul3A_112 : i32 to index
      %swap3A_114 = tpu.vector_load %arg8[%swap3A_113] {strides = array<i32>} : memref<2176xi32, #tpu.memory_space<vmem>>, vector<16xi32>,
      tpu.vector_store %arg8[%swap3A_113], %broadcast_in_dim3A_6 {strides = array<i32>} : memref<2176xi32, #tpu.memory_space<vmem>>, vector<16xi32>,
      %mul3A_115 = arith.constant 16 : i32
      %mul3A_116 = arith.muli %add3A_110, %mul3A_115 : i32
      %swap3A_117 = arith.index_cast %mul3A_116 : i32 to index
      %swap3A_118 = tpu.vector_load %arg9[%swap3A_117] {strides = array<i32>} : memref<2176xi32, #tpu.memory_space<vmem>>, vector<16xi32>,
      tpu.vector_store %arg9[%swap3A_117], %broadcast_in_dim3A_6 {strides = array<i32>} : memref<2176xi32, #tpu.memory_space<vmem>>, vector<16xi32>,
      %scan3A_119 = arith.constant 2 : i32
      %scan3A_120 = arith.addi %scan3A_92, %scan3A_119 : i32
      %mul3A_121 = arith.constant 1 : i32
      %mul3A_122 = arith.muli %scan3A_120, %mul3A_121 : i32
      %add3A_123 = arith.constant 0 : i32
      %add3A_124 = arith.addi %add3A_123, %mul3A_122 : i32
      %mul3A_125 = arith.constant 16 : i32
      %mul3A_126 = arith.muli %add3A_124, %mul3A_125 : i32
      %swap3A_127 = arith.index_cast %mul3A_126 : i32 to index
      %swap3A_128 = tpu.vector_load %arg8[%swap3A_127] {strides = array<i32>} : memref<2176xi32, #tpu.memory_space<vmem>>, vector<16xi32>,
      tpu.vector_store %arg8[%swap3A_127], %broadcast_in_dim3A_6 {strides = array<i32>} : memref<2176xi32, #tpu.memory_space<vmem>>, vector<16xi32>,
      %mul3A_129 = arith.constant 16 : i32
      %mul3A_130 = arith.muli %add3A_124, %mul3A_129 : i32
      %swap3A_131 = arith.index_cast %mul3A_130 : i32 to index
      %swap3A_132 = tpu.vector_load %arg9[%swap3A_131] {strides = array<i32>} : memref<2176xi32, #tpu.memory_space<vmem>>, vector<16xi32>,
      tpu.vector_store %arg9[%swap3A_131], %broadcast_in_dim3A_6 {strides = array<i32>} : memref<2176xi32, #tpu.memory_space<vmem>>, vector<16xi32>,
      %scan3A_133 = arith.constant 3 : i32
      %scan3A_134 = arith.addi %scan3A_92, %scan3A_133 : i32
      %mul3A_135 = arith.constant 1 : i32
      %mul3A_136 = arith.muli %scan3A_134, %mul3A_135 : i32
      %add3A_137 = arith.constant 0 : i32
      %add3A_138 = arith.addi %add3A_137, %mul3A_136 : i32
      %mul3A_139 = arith.constant 16 : i32
      %mul3A_140 = arith.muli %add3A_138, %mul3A_139 : i32
      %swap3A_141 = arith.index_cast %mul3A_140 : i32 to index
      %swap3A_142 = tpu.vector_load %arg8[%swap3A_141] {strides = array<i32>} : memref<2176xi32, #tpu.memory_space<vmem>>, vector<16xi32>,
      tpu.vector_store %arg8[%swap3A_141], %broadcast_in_dim3A_6 {strides = array<i32>} : memref<2176xi32, #tpu.memory_space<vmem>>, vector<16xi32>,
      %mul3A_143 = arith.constant 16 : i32
      %mul3A_144 = arith.muli %add3A_138, %mul3A_143 : i32
      %swap3A_145 = arith.index_cast %mul3A_144 : i32 to index
      %swap3A_146 = tpu.vector_load %arg9[%swap3A_145] {strides = array<i32>} : memref<2176xi32, #tpu.memory_space<vmem>>, vector<16xi32>,
      tpu.vector_store %arg9[%swap3A_145], %broadcast_in_dim3A_6 {strides = array<i32>} : memref<2176xi32, #tpu.memory_space<vmem>>, vector<16xi32>,
      %scan3A_147 = arith.constant 4 : i32
      %scan3A_148 = arith.addi %scan3A_92, %scan3A_147 : i32
      %mul3A_149 = arith.constant 1 : i32
      %mul3A_150 = arith.muli %scan3A_148, %mul3A_149 : i32
      %add3A_151 = arith.constant 0 : i32
      %add3A_152 = arith.addi %add3A_151, %mul3A_150 : i32
      %mul3A_153 = arith.constant 16 : i32
      %mul3A_154 = arith.muli %add3A_152, %mul3A_153 : i32
      %swap3A_155 = arith.index_cast %mul3A_154 : i32 to index
      %swap3A_156 = tpu.vector_load %arg8[%swap3A_155] {strides = array<i32>} : memref<2176xi32, #tpu.memory_space<vmem>>, vector<16xi32>,
      tpu.vector_store %arg8[%swap3A_155], %broadcast_in_dim3A_6 {strides = array<i32>} : memref<2176xi32, #tpu.memory_space<vmem>>, vector<16xi32>,
      %mul3A_157 = arith.constant 16 : i32
      %mul3A_158 = arith.muli %add3A_152, %mul3A_157 : i32
      %swap3A_159 = arith.index_cast %mul3A_158 : i32 to index
      %swap3A_160 = tpu.vector_load %arg9[%swap3A_159] {strides = array<i32>} : memref<2176xi32, #tpu.memory_space<vmem>>, vector<16xi32>,
      tpu.vector_store %arg9[%swap3A_159], %broadcast_in_dim3A_6 {strides = array<i32>} : memref<2176xi32, #tpu.memory_space<vmem>>, vector<16xi32>,
      %scan3A_161 = arith.constant 5 : i32
      %scan3A_162 = arith.addi %scan3A_92, %scan3A_161 : i32
      %mul3A_163 = arith.constant 1 : i32
      %mul3A_164 = arith.muli %scan3A_162, %mul3A_163 : i32
      %add3A_165 = arith.constant 0 : i32
      %add3A_166 = arith.addi %add3A_165, %mul3A_164 : i32
      %mul3A_167 = arith.constant 16 : i32
      %mul3A_168 = arith.muli %add3A_166, %mul3A_167 : i32
      %swap3A_169 = arith.index_cast %mul3A_168 : i32 to index
      %swap3A_170 = tpu.vector_load %arg8[%swap3A_169] {strides = array<i32>} : memref<2176xi32, #tpu.memory_space<vmem>>, vector<16xi32>,
      tpu.vector_store %arg8[%swap3A_169], %broadcast_in_dim3A_6 {strides = array<i32>} : memref<2176xi32, #tpu.memory_space<vmem>>, vector<16xi32>,
      %mul3A_171 = arith.constant 16 : i32
      %mul3A_172 = arith.muli %add3A_166, %mul3A_171 : i32
      %swap3A_173 = arith.index_cast %mul3A_172 : i32 to index
      %swap3A_174 = tpu.vector_load %arg9[%swap3A_173] {strides = array<i32>} : memref<2176xi32, #tpu.memory_space<vmem>>, vector<16xi32>,
      tpu.vector_store %arg9[%swap3A_173], %broadcast_in_dim3A_6 {strides = array<i32>} : memref<2176xi32, #tpu.memory_space<vmem>>, vector<16xi32>,
      %scan3A_175 = arith.constant 6 : i32
      %scan3A_176 = arith.addi %scan3A_92, %scan3A_175 : i32
      %mul3A_177 = arith.constant 1 : i32
      %mul3A_178 = arith.muli %scan3A_176, %mul3A_177 : i32
      %add3A_179 = arith.constant 0 : i32
      %add3A_180 = arith.addi %add3A_179, %mul3A_178 : i32
      %mul3A_181 = arith.constant 16 : i32
      %mul3A_182 = arith.muli %add3A_180, %mul3A_181 : i32
      %swap3A_183 = arith.index_cast %mul3A_182 : i32 to index
      %swap3A_184 = tpu.vector_load %arg8[%swap3A_183] {strides = array<i32>} : memref<2176xi32, #tpu.memory_space<vmem>>, vector<16xi32>,
      tpu.vector_store %arg8[%swap3A_183], %broadcast_in_dim3A_6 {strides = array<i32>} : memref<2176xi32, #tpu.memory_space<vmem>>, vector<16xi32>,
      %mul3A_185 = arith.constant 16 : i32
      %mul3A_186 = arith.muli %add3A_180, %mul3A_185 : i32
      %swap3A_187 = arith.index_cast %mul3A_186 : i32 to index
      %swap3A_188 = tpu.vector_load %arg9[%swap3A_187] {strides = array<i32>} : memref<2176xi32, #tpu.memory_space<vmem>>, vector<16xi32>,
      tpu.vector_store %arg9[%swap3A_187], %broadcast_in_dim3A_6 {strides = array<i32>} : memref<2176xi32, #tpu.memory_space<vmem>>, vector<16xi32>,
      %scan3A_189 = arith.constant 7 : i32
      %scan3A_190 = arith.addi %scan3A_92, %scan3A_189 : i32
      %mul3A_191 = arith.constant 1 : i32
      %mul3A_192 = arith.muli %scan3A_190, %mul3A_191 : i32
      %add3A_193 = arith.constant 0 : i32
      %add3A_194 = arith.addi %add3A_193, %mul3A_192 : i32
      %mul3A_195 = arith.constant 16 : i32
      %mul3A_196 = arith.muli %add3A_194, %mul3A_195 : i32
      %swap3A_197 = arith.index_cast %mul3A_196 : i32 to index
      %swap3A_198 = tpu.vector_load %arg8[%swap3A_197] {strides = array<i32>} : memref<2176xi32, #tpu.memory_space<vmem>>, vector<16xi32>,
      tpu.vector_store %arg8[%swap3A_197], %broadcast_in_dim3A_6 {strides = array<i32>} : memref<2176xi32, #tpu.memory_space<vmem>>, vector<16xi32>,
      %mul3A_199 = arith.constant 16 : i32
      %mul3A_200 = arith.muli %add3A_194, %mul3A_199 : i32
      %swap3A_201 = arith.index_cast %mul3A_200 : i32 to index
      %swap3A_202 = tpu.vector_load %arg9[%swap3A_201] {strides = array<i32>} : memref<2176xi32, #tpu.memory_space<vmem>>, vector<16xi32>,
      tpu.vector_store %arg9[%swap3A_201], %broadcast_in_dim3A_6 {strides = array<i32>} : memref<2176xi32, #tpu.memory_space<vmem>>, vector<16xi32>,
    }
    %scan3A_12 = arith.constant 136 : i32
    %dma_start3A = arith.constant 0 : i32
    %dma_start3A_13 = tpu.memref_slice %arg2[%dma_start3A] : memref<160000xi32, #tpu.memory_space<hbm>> -> memref<2000xi32, #tpu.memory_space<hbm>>
    %dma_start3A_14 = arith.constant 0 : i32
    %dma_start3A_15 = tpu.memref_slice %arg2[%dma_start3A_14] : memref<160000xi32, #tpu.memory_space<hbm>> -> memref<2000xi32, #tpu.memory_space<hbm>>
    tpu.enqueue_dma source(%dma_start3A_15 : memref<2000xi32, #tpu.memory_space<hbm>>) target(%arg6 : memref<2000xi32, #tpu.memory_space<vmem>>) target_semaphore(%arg13 : memref<!tpu.dma_semaphore, #tpu.memory_space<semaphore_mem>>)
    %dma_wait3A = arith.constant 0 : i32
    %dma_wait3A_16 = tpu.memref_slice %arg2[%dma_wait3A] : memref<160000xi32, #tpu.memory_space<hbm>> -> memref<2000xi32, #tpu.memory_space<hbm>>
    %dma_wait3A_17 = arith.constant 0 : i32
    %dma_wait3A_18 = tpu.memref_slice %arg2[%dma_wait3A_17] : memref<160000xi32, #tpu.memory_space<hbm>> -> memref<2000xi32, #tpu.memory_space<hbm>>
    tpu.wait_dma2 semaphore(%arg13 : memref<!tpu.dma_semaphore, #tpu.memory_space<semaphore_mem>>) src(%dma_wait3A_18 : memref<2000xi32, #tpu.memory_space<hbm>>) dst(%arg6 : memref<2000xi32, #tpu.memory_space<vmem>>)
    %broadcast_in_dim3A_19 = arith.constant 0 : i32
    %broadcast_in_dim3A_20 = vector.broadcast %broadcast_in_dim3A_19 : i32 to vector<16xi32>
    %scan3A_21 = arith.constant 0 : i32
    %scan3A_22 = arith.constant 80 : i32
    %scan3A_23 = arith.addi %scan3A_21, %scan3A_22 : i32
    %scan3A_24 = arith.constant 1 : i32
    %scan3A_25 = scf.for %scan3A_92 = %scan3A_21 to %scan3A_23 step %scan3A_24 iter_args(%scan3A_93 = %broadcast_in_dim3A_20) -> (vector<16xi32>)  : i32 {
      %mul3A_94 = arith.constant 2000 : i32
      %mul3A_95 = arith.muli %scan3A_92, %mul3A_94 : i32
      %jit3A_96 = arith.constant 2 : i32
      %eq3A = arith.constant 0 : i32
      %eq3A_97 = arith.cmpi eq, %jit3A_96, %eq3A : i32
      %jit3A_98 = arith.constant 1 : i32
      %select_n3A_99 = arith.select %eq3A_97, %jit3A_98, %jit3A_96 : i32
      %rem3A_100 = arith.remsi %scan3A_92, %select_n3A_99 : i32
      %ne3A_101 = arith.constant 0 : i32
      %ne3A_102 = arith.cmpi ne, %rem3A_100, %ne3A_101 : i32
      %lt3A = arith.constant 0 : i32
      %lt3A_103 = arith.cmpi slt, %rem3A_100, %lt3A : i32
      %lt3A_104 = arith.constant 0 : i32
      %lt3A_105 = arith.cmpi slt, %select_n3A_99, %lt3A_104 : i32
      %ne3A_106 = arith.xori %lt3A_103, %lt3A_105 : i1
      %and3A_107 = arith.andi %ne3A_106, %ne3A_102 : i1
      %add3A_108 = arith.addi %rem3A_100, %select_n3A_99 : i32
      %select_n3A_109 = arith.select %and3A_107, %add3A_108, %rem3A_100 : i32
      %eq3A_110 = arith.constant 0 : i32
      %eq3A_111 = arith.cmpi eq, %select_n3A_109, %eq3A_110 : i32
      %add3A_112 = arith.constant 1 : i32
      %add3A_113 = arith.addi %scan3A_92, %add3A_112 : i32
      %lt3A_114 = arith.constant 80 : i32
      %lt3A_115 = arith.cmpi slt, %add3A_113, %lt3A_114 : i32
      %convert_element_type3A = arith.extui %lt3A_115 : i1 to i32
      %cond3A = arith.constant 0 : i32
      %cond3A_116 = arith.cmpi ne, %convert_element_type3A, %cond3A : i32
      scf.if %cond3A_116 {
        %convert_element_type3A_128 = arith.extui %eq3A_111 : i1 to i32
        %cond3A_129 = arith.constant 0 : i32
        %cond3A_130 = arith.cmpi ne, %convert_element_type3A_128, %cond3A_129 : i32
        scf.if %cond3A_130 {
          %add3A_135 = arith.constant 2000 : i32
          %add3A_136 = arith.addi %mul3A_95, %add3A_135 : i32
          %dma_start3A_137 = tpu.memref_slice %arg2[%add3A_136] : memref<160000xi32, #tpu.memory_space<hbm>> -> memref<2000xi32, #tpu.memory_space<hbm>>
          %dma_start3A_138 = tpu.memref_slice %arg2[%add3A_136] : memref<160000xi32, #tpu.memory_space<hbm>> -> memref<2000xi32, #tpu.memory_space<hbm>>
          tpu.enqueue_dma source(%dma_start3A_138 : memref<2000xi32, #tpu.memory_space<hbm>>) target(%arg7 : memref<2000xi32, #tpu.memory_space<vmem>>) target_semaphore(%arg13 : memref<!tpu.dma_semaphore, #tpu.memory_space<semaphore_mem>>)
        } else {
        }
        %not3A = arith.constant true
        %not3A_131 = arith.xori %eq3A_111, %not3A : i1
        %convert_element_type3A_132 = arith.extui %not3A_131 : i1 to i32
        %cond3A_133 = arith.constant 0 : i32
        %cond3A_134 = arith.cmpi ne, %convert_element_type3A_132, %cond3A_133 : i32
        scf.if %cond3A_134 {
          %add3A_135 = arith.constant 2000 : i32
          %add3A_136 = arith.addi %mul3A_95, %add3A_135 : i32
          %dma_start3A_137 = tpu.memref_slice %arg2[%add3A_136] : memref<160000xi32, #tpu.memory_space<hbm>> -> memref<2000xi32, #tpu.memory_space<hbm>>
          %dma_start3A_138 = tpu.memref_slice %arg2[%add3A_136] : memref<160000xi32, #tpu.memory_space<hbm>> -> memref<2000xi32, #tpu.memory_space<hbm>>
          tpu.enqueue_dma source(%dma_start3A_138 : memref<2000xi32, #tpu.memory_space<hbm>>) target(%arg6 : memref<2000xi32, #tpu.memory_space<vmem>>) target_semaphore(%arg13 : memref<!tpu.dma_semaphore, #tpu.memory_space<semaphore_mem>>)
        } else {
        }
      } else {
      }
      %convert_element_type3A_117 = arith.extui %eq3A_111 : i1 to i32
      %cond3A_118 = arith.constant 0 : i32
      %cond3A_119 = arith.cmpi ne, %convert_element_type3A_117, %cond3A_118 : i32
      %cond3A_120 = scf.if %cond3A_119 -> (vector<16xi32>) {
        %ge3A = arith.constant 2 : i32
        %ge3A_128 = arith.cmpi sge, %scan3A_92, %ge3A : i32
        %convert_element_type3A_129 = arith.extui %ge3A_128 : i1 to i32
        %cond3A_130 = arith.constant 0 : i32
        %cond3A_131 = arith.cmpi ne, %convert_element_type3A_129, %cond3A_130 : i32
        scf.if %cond3A_131 {
          %dma_wait3A_192 = arith.constant 0 : i32
          %dma_wait3A_193 = tpu.memref_slice %arg3[%dma_wait3A_192] : memref<5312512xi32, #tpu.memory_space<hbm>> -> memref<2176xi32, #tpu.memory_space<hbm>>
          %dma_wait3A_194 = arith.constant 0 : i32
          %dma_wait3A_195 = tpu.memref_slice %arg3[%dma_wait3A_194] : memref<5312512xi32, #tpu.memory_space<hbm>> -> memref<2176xi32, #tpu.memory_space<hbm>>
          tpu.wait_dma2 semaphore(%arg14 : memref<!tpu.dma_semaphore, #tpu.memory_space<semaphore_mem>>) src(%arg8 : memref<2176xi32, #tpu.memory_space<vmem>>) dst(%dma_wait3A_195 : memref<2176xi32, #tpu.memory_space<hbm>>)
          %dma_wait3A_196 = arith.constant 0 : i32
          %dma_wait3A_197 = tpu.memref_slice %arg4[%dma_wait3A_196] : memref<5312512xi32, #tpu.memory_space<hbm>> -> memref<2176xi32, #tpu.memory_space<hbm>>
          %dma_wait3A_198 = arith.constant 0 : i32
          %dma_wait3A_199 = tpu.memref_slice %arg4[%dma_wait3A_198] : memref<5312512xi32, #tpu.memory_space<hbm>> -> memref<2176xi32, #tpu.memory_space<hbm>>
          tpu.wait_dma2 semaphore(%arg16 : memref<!tpu.dma_semaphore, #tpu.memory_space<semaphore_mem>>) src(%arg10 : memref<2176xi32, #tpu.memory_space<vmem>>) dst(%dma_wait3A_199 : memref<2176xi32, #tpu.memory_space<hbm>>)
        } else {
        }
        %broadcast_in_dim3A_132 = arith.constant 0 : i32
        %broadcast_in_dim3A_133 = vector.broadcast %broadcast_in_dim3A_132 : i32 to vector<16xi32>
        %parallel_loop3A = arith.constant 0 : i32
        %parallel_loop3A_134 = arith.constant 125 : i32
        %parallel_loop3A_135 = arith.constant 1 : i32
        %parallel_loop3A_136 = scf.for %parallel_loop3A_192 = %parallel_loop3A to %parallel_loop3A_134 step %parallel_loop3A_135 iter_args(%parallel_loop3A_193 = %broadcast_in_dim3A_133) -> (vector<16xi32>)  : i32 {
          %parallel_loop3A_194 = arith.constant 16 : i32
          %parallel_loop3A_195 = arith.muli %parallel_loop3A_192, %parallel_loop3A_194 : i32
          %parallel_loop3A_196 = arith.index_cast %parallel_loop3A_195 : i32 to index
          %parallel_loop3A_197 = tpu.vector_load %arg6[%parallel_loop3A_196] {strides = array<i32>} : memref<2000xi32, #tpu.memory_space<vmem>>, vector<16xi32>,
          %parallel_loop3A_198 = vector.broadcast %mul3A_2 : i32 to vector<16xi32>
          %parallel_loop3A_199 = arith.cmpi sge, %parallel_loop3A_197, %parallel_loop3A_198 : vector<16xi32>
          %parallel_loop3A_200 = vector.broadcast %min3A_5 : i32 to vector<16xi32>
          %parallel_loop3A_201 = arith.cmpi slt, %parallel_loop3A_197, %parallel_loop3A_200 : vector<16xi32>
          %parallel_loop3A_202 = arith.andi %parallel_loop3A_199, %parallel_loop3A_201 : vector<16xi1>
          %parallel_loop3A_203 = arith.extui %parallel_loop3A_202 : vector<16xi1> to vector<16xi32>
          %parallel_loop3A_204 = arith.constant true
          %parallel_loop3A_205 = vector.broadcast %parallel_loop3A_204 : i1 to vector<16xi1>
          %parallel_loop3A_206 = tpu.scan <sum>, %parallel_loop3A_203 masked %parallel_loop3A_205 : vector<16xi32>, vector<16xi1> -> vector<16xi32>
          %parallel_loop3A_207 = arith.constant 1 : i32
          %parallel_loop3A_208 = vector.broadcast %parallel_loop3A_207 : i32 to vector<16xi32>
          %parallel_loop3A_209 = arith.subi %parallel_loop3A_206, %parallel_loop3A_208 : vector<16xi32>
          %parallel_loop3A_210 = arith.addi %parallel_loop3A_193, %parallel_loop3A_209 : vector<16xi32>
          %parallel_loop3A_211 = arith.constant 2064 : i32
          %parallel_loop3A_212 = vector.broadcast %parallel_loop3A_211 : i32 to vector<16xi32>
          %parallel_loop3A_213 = arith.select %parallel_loop3A_202, %parallel_loop3A_210, %parallel_loop3A_212 : vector<16xi1>, vector<16xi32>
          %parallel_loop3A_214 = arith.constant 16 : i32
          %parallel_loop3A_215 = arith.muli %parallel_loop3A_192, %parallel_loop3A_214 : i32
          %parallel_loop3A_216 = arith.addi %mul3A_95, %parallel_loop3A_215 : i32
          %parallel_loop3A_217 = vector.broadcast %parallel_loop3A_216 : i32 to vector<16xi32>
          %parallel_loop3A_218 = arith.addi %parallel_loop3A_217, %iota3A : vector<16xi32>
          tpu.vector_store_idx %arg8[%parallel_loop3A_213], %parallel_loop3A_218 : memref<2176xi32, #tpu.memory_space<vmem>>[vector<16xi32>], vector<16xi32>,
          %parallel_loop3A_219 = vector.broadcast %mul3A_2 : i32 to vector<16xi32>
          %parallel_loop3A_220 = arith.subi %parallel_loop3A_197, %parallel_loop3A_219 : vector<16xi32>
          tpu.vector_store_idx %arg10[%parallel_loop3A_213], %parallel_loop3A_220 : memref<2176xi32, #tpu.memory_space<vmem>>[vector<16xi32>], vector<16xi32>,
          %parallel_loop3A_221 = tpu.all_reduce %parallel_loop3A_202 {dim = 0 : i64, kind = #tpu.reduction_kind<sum>} : vector<16xi1> -> vector<16xi32>
          %parallel_loop3A_222 = arith.addi %parallel_loop3A_193, %parallel_loop3A_221 : vector<16xi32>
          scf.yield %parallel_loop3A_222 : vector<16xi32>
        } {sc.loop_unroll_factor = 4 : i64, sc.parallel_access}
        %scan3A_137 = arith.constant 0 : i32
        %scan3A_138 = arith.constant 8 : i32
        %scan3A_139 = arith.addi %scan3A_137, %scan3A_138 : i32
        %scan3A_140 = arith.constant 1 : i32
        scf.for %scan3A_192 = %scan3A_137 to %scan3A_139 step %scan3A_140  : i32 {
          %mul3A_193 = arith.constant 1 : i32
          %mul3A_194 = arith.muli %scan3A_192, %mul3A_193 : i32
          %add3A_195 = arith.constant 0 : i32
          %add3A_196 = arith.addi %add3A_195, %mul3A_194 : i32
          %mul3A_197 = arith.constant 16 : i32
          %mul3A_198 = arith.muli %add3A_196, %mul3A_197 : i32
          %add3A_199 = vector.broadcast %mul3A_198 : i32 to vector<16xi32>
          %add3A_200 = arith.addi %parallel_loop3A_136, %add3A_199 : vector<16xi32>
          %add3A_201 = arith.addi %add3A_200, %iota3A : vector<16xi32>
          %broadcast_in_dim3A_202 = arith.constant 320 : i32
          %broadcast_in_dim3A_203 = vector.broadcast %broadcast_in_dim3A_202 : i32 to vector<16xi32>
          tpu.vector_store_idx %arg10[%add3A_201], %broadcast_in_dim3A_203 : memref<2176xi32, #tpu.memory_space<vmem>>[vector<16xi32>], vector<16xi32>,
        }
        %scan3A_141 = arith.constant 8 : i32
        %reduce_max3A_142 = arith.constant true
        %reduce_max3A_143 = vector.broadcast %reduce_max3A_142 : i1 to vector<16xi1>
        %reduce_max3A_144 = arith.constant -2147483648 : i32
        %reduce_max3A_145 = vector.broadcast %reduce_max3A_144 : i32 to vector<16xi32>
        %reduce_max3A_146 = arith.xori %scan3A_93, %reduce_max3A_145 : vector<16xi32>
        %reduce_max3A_147 = tpu.scan <max>, %reduce_max3A_146 masked %reduce_max3A_143 : vector<16xi32>, vector<16xi1> -> vector<16xi32>
        %reduce_max3A_148 = arith.xori %reduce_max3A_147, %reduce_max3A_145 : vector<16xi32>
        %reduce_max3A_149 = vector.extract %reduce_max3A_148[15] : i32 from vector<16xi32>
        %mul3A_150 = arith.constant 64 : i32
        %mul3A_151 = arith.muli %reduce_max3A_149, %mul3A_150 : i32
        %add3A_152 = arith.addi %mul3A_8, %mul3A_151 : i32
        %dma_start3A_153 = tpu.memref_slice %arg3[%add3A_152] : memref<5312512xi32, #tpu.memory_space<hbm>> -> memref<2176xi32, #tpu.memory_space<hbm>>
        %dma_start3A_154 = tpu.memref_slice %arg3[%add3A_152] : memref<5312512xi32, #tpu.memory_space<hbm>> -> memref<2176xi32, #tpu.memory_space<hbm>>
        tpu.enqueue_dma source(%arg8 : memref<2176xi32, #tpu.memory_space<vmem>>) target(%dma_start3A_154 : memref<2176xi32, #tpu.memory_space<hbm>>) target_semaphore(%arg14 : memref<!tpu.dma_semaphore, #tpu.memory_space<semaphore_mem>>)
        %dma_start3A_155 = tpu.memref_slice %arg4[%add3A_152] : memref<5312512xi32, #tpu.memory_space<hbm>> -> memref<2176xi32, #tpu.memory_space<hbm>>
        %dma_start3A_156 = tpu.memref_slice %arg4[%add3A_152] : memref<5312512xi32, #tpu.memory_space<hbm>> -> memref<2176xi32, #tpu.memory_space<hbm>>
        tpu.enqueue_dma source(%arg10 : memref<2176xi32, #tpu.memory_space<vmem>>) target(%dma_start3A_156 : memref<2176xi32, #tpu.memory_space<hbm>>) target_semaphore(%arg16 : memref<!tpu.dma_semaphore, #tpu.memory_space<semaphore_mem>>)
        %add3A_157 = arith.constant 63 : i32
        %add3A_158 = vector.broadcast %add3A_157 : i32 to vector<16xi32>
        %add3A_159 = arith.addi %parallel_loop3A_136, %add3A_158 : vector<16xi32>
        %jit3A_160 = arith.constant 64 : i32
        %div3A_161 = vector.broadcast %jit3A_160 : i32 to vector<16xi32>
        %div3A_162 = arith.divsi %add3A_159, %div3A_161 : vector<16xi32>
        %sign3A_163 = arith.constant 0 : i32
        %sign3A_164 = vector.broadcast %sign3A_163 : i32 to vector<16xi32>
        %sign3A_165 = arith.cmpi sgt, %add3A_159, %sign3A_164 : vector<16xi32>
        %sign3A_166 = arith.extui %sign3A_165 : vector<16xi1> to vector<16xi32>
        %sign3A_167 = arith.constant 0 : i32
        %sign3A_168 = vector.broadcast %sign3A_167 : i32 to vector<16xi32>
        %sign3A_169 = arith.cmpi slt, %add3A_159, %sign3A_168 : vector<16xi32>
        %sign3A_170 = arith.extui %sign3A_169 : vector<16xi1> to vector<16xi32>
        %sign3A_171 = arith.subi %sign3A_166, %sign3A_170 : vector<16xi32>
        %sign3A_172 = arith.constant 0 : i32
        %sign3A_173 = arith.cmpi sgt, %jit3A_160, %sign3A_172 : i32
        %sign3A_174 = arith.extui %sign3A_173 : i1 to i32
        %sign3A_175 = arith.constant 0 : i32
        %sign3A_176 = arith.cmpi slt, %jit3A_160, %sign3A_175 : i32
        %sign3A_177 = arith.extui %sign3A_176 : i1 to i32
        %sign3A_178 = arith.subi %sign3A_174, %sign3A_177 : i32
        %ne3A_179 = vector.broadcast %sign3A_178 : i32 to vector<16xi32>
        %ne3A_180 = arith.cmpi ne, %sign3A_171, %ne3A_179 : vector<16xi32>
        %rem3A_181 = vector.broadcast %jit3A_160 : i32 to vector<16xi32>
        %rem3A_182 = arith.remsi %add3A_159, %rem3A_181 : vector<16xi32>
        %ne3A_183 = arith.constant 0 : i32
        %ne3A_184 = vector.broadcast %ne3A_183 : i32 to vector<16xi32>
        %ne3A_185 = arith.cmpi ne, %rem3A_182, %ne3A_184 : vector<16xi32>
        %and3A_186 = arith.andi %ne3A_180, %ne3A_185 : vector<16xi1>
        %sub3A_187 = arith.constant 1 : i32
        %sub3A_188 = vector.broadcast %sub3A_187 : i32 to vector<16xi32>
        %sub3A_189 = arith.subi %div3A_162, %sub3A_188 : vector<16xi32>
        %select_n3A_190 = arith.select %and3A_186, %sub3A_189, %div3A_162 : vector<16xi1>, vector<16xi32>
        %add3A_191 = arith.addi %scan3A_93, %select_n3A_190 : vector<16xi32>
        scf.yield %add3A_191 : vector<16xi32>
      } else {
        %ge3A = arith.constant 2 : i32
        %ge3A_128 = arith.cmpi sge, %scan3A_92, %ge3A : i32
        %convert_element_type3A_129 = arith.extui %ge3A_128 : i1 to i32
        %cond3A_130 = arith.constant 0 : i32
        %cond3A_131 = arith.cmpi ne, %convert_element_type3A_129, %cond3A_130 : i32
        scf.if %cond3A_131 {
          %dma_wait3A_192 = arith.constant 0 : i32
          %dma_wait3A_193 = tpu.memref_slice %arg3[%dma_wait3A_192] : memref<5312512xi32, #tpu.memory_space<hbm>> -> memref<2176xi32, #tpu.memory_space<hbm>>
          %dma_wait3A_194 = arith.constant 0 : i32
          %dma_wait3A_195 = tpu.memref_slice %arg3[%dma_wait3A_194] : memref<5312512xi32, #tpu.memory_space<hbm>> -> memref<2176xi32, #tpu.memory_space<hbm>>
          tpu.wait_dma2 semaphore(%arg15 : memref<!tpu.dma_semaphore, #tpu.memory_space<semaphore_mem>>) src(%arg9 : memref<2176xi32, #tpu.memory_space<vmem>>) dst(%dma_wait3A_195 : memref<2176xi32, #tpu.memory_space<hbm>>)
          %dma_wait3A_196 = arith.constant 0 : i32
          %dma_wait3A_197 = tpu.memref_slice %arg4[%dma_wait3A_196] : memref<5312512xi32, #tpu.memory_space<hbm>> -> memref<2176xi32, #tpu.memory_space<hbm>>
          %dma_wait3A_198 = arith.constant 0 : i32
          %dma_wait3A_199 = tpu.memref_slice %arg4[%dma_wait3A_198] : memref<5312512xi32, #tpu.memory_space<hbm>> -> memref<2176xi32, #tpu.memory_space<hbm>>
          tpu.wait_dma2 semaphore(%arg17 : memref<!tpu.dma_semaphore, #tpu.memory_space<semaphore_mem>>) src(%arg11 : memref<2176xi32, #tpu.memory_space<vmem>>) dst(%dma_wait3A_199 : memref<2176xi32, #tpu.memory_space<hbm>>)
        } else {
        }
        %broadcast_in_dim3A_132 = arith.constant 0 : i32
        %broadcast_in_dim3A_133 = vector.broadcast %broadcast_in_dim3A_132 : i32 to vector<16xi32>
        %parallel_loop3A = arith.constant 0 : i32
        %parallel_loop3A_134 = arith.constant 125 : i32
        %parallel_loop3A_135 = arith.constant 1 : i32
        %parallel_loop3A_136 = scf.for %parallel_loop3A_192 = %parallel_loop3A to %parallel_loop3A_134 step %parallel_loop3A_135 iter_args(%parallel_loop3A_193 = %broadcast_in_dim3A_133) -> (vector<16xi32>)  : i32 {
          %parallel_loop3A_194 = arith.constant 16 : i32
          %parallel_loop3A_195 = arith.muli %parallel_loop3A_192, %parallel_loop3A_194 : i32
          %parallel_loop3A_196 = arith.index_cast %parallel_loop3A_195 : i32 to index
          %parallel_loop3A_197 = tpu.vector_load %arg7[%parallel_loop3A_196] {strides = array<i32>} : memref<2000xi32, #tpu.memory_space<vmem>>, vector<16xi32>,
          %parallel_loop3A_198 = vector.broadcast %mul3A_2 : i32 to vector<16xi32>
          %parallel_loop3A_199 = arith.cmpi sge, %parallel_loop3A_197, %parallel_loop3A_198 : vector<16xi32>
          %parallel_loop3A_200 = vector.broadcast %min3A_5 : i32 to vector<16xi32>
          %parallel_loop3A_201 = arith.cmpi slt, %parallel_loop3A_197, %parallel_loop3A_200 : vector<16xi32>
          %parallel_loop3A_202 = arith.andi %parallel_loop3A_199, %parallel_loop3A_201 : vector<16xi1>
          %parallel_loop3A_203 = arith.extui %parallel_loop3A_202 : vector<16xi1> to vector<16xi32>
          %parallel_loop3A_204 = arith.constant true
          %parallel_loop3A_205 = vector.broadcast %parallel_loop3A_204 : i1 to vector<16xi1>
          %parallel_loop3A_206 = tpu.scan <sum>, %parallel_loop3A_203 masked %parallel_loop3A_205 : vector<16xi32>, vector<16xi1> -> vector<16xi32>
          %parallel_loop3A_207 = arith.constant 1 : i32
          %parallel_loop3A_208 = vector.broadcast %parallel_loop3A_207 : i32 to vector<16xi32>
          %parallel_loop3A_209 = arith.subi %parallel_loop3A_206, %parallel_loop3A_208 : vector<16xi32>
          %parallel_loop3A_210 = arith.addi %parallel_loop3A_193, %parallel_loop3A_209 : vector<16xi32>
          %parallel_loop3A_211 = arith.constant 2064 : i32
          %parallel_loop3A_212 = vector.broadcast %parallel_loop3A_211 : i32 to vector<16xi32>
          %parallel_loop3A_213 = arith.select %parallel_loop3A_202, %parallel_loop3A_210, %parallel_loop3A_212 : vector<16xi1>, vector<16xi32>
          %parallel_loop3A_214 = arith.constant 16 : i32
          %parallel_loop3A_215 = arith.muli %parallel_loop3A_192, %parallel_loop3A_214 : i32
          %parallel_loop3A_216 = arith.addi %mul3A_95, %parallel_loop3A_215 : i32
          %parallel_loop3A_217 = vector.broadcast %parallel_loop3A_216 : i32 to vector<16xi32>
          %parallel_loop3A_218 = arith.addi %parallel_loop3A_217, %iota3A : vector<16xi32>
          tpu.vector_store_idx %arg9[%parallel_loop3A_213], %parallel_loop3A_218 : memref<2176xi32, #tpu.memory_space<vmem>>[vector<16xi32>], vector<16xi32>,
          %parallel_loop3A_219 = vector.broadcast %mul3A_2 : i32 to vector<16xi32>
          %parallel_loop3A_220 = arith.subi %parallel_loop3A_197, %parallel_loop3A_219 : vector<16xi32>
          tpu.vector_store_idx %arg11[%parallel_loop3A_213], %parallel_loop3A_220 : memref<2176xi32, #tpu.memory_space<vmem>>[vector<16xi32>], vector<16xi32>,
          %parallel_loop3A_221 = tpu.all_reduce %parallel_loop3A_202 {dim = 0 : i64, kind = #tpu.reduction_kind<sum>} : vector<16xi1> -> vector<16xi32>
          %parallel_loop3A_222 = arith.addi %parallel_loop3A_193, %parallel_loop3A_221 : vector<16xi32>
          scf.yield %parallel_loop3A_222 : vector<16xi32>
        } {sc.loop_unroll_factor = 4 : i64, sc.parallel_access}
        %scan3A_137 = arith.constant 0 : i32
        %scan3A_138 = arith.constant 8 : i32
        %scan3A_139 = arith.addi %scan3A_137, %scan3A_138 : i32
        %scan3A_140 = arith.constant 1 : i32
        scf.for %scan3A_192 = %scan3A_137 to %scan3A_139 step %scan3A_140  : i32 {
          %mul3A_193 = arith.constant 1 : i32
          %mul3A_194 = arith.muli %scan3A_192, %mul3A_193 : i32
          %add3A_195 = arith.constant 0 : i32
          %add3A_196 = arith.addi %add3A_195, %mul3A_194 : i32
          %mul3A_197 = arith.constant 16 : i32
          %mul3A_198 = arith.muli %add3A_196, %mul3A_197 : i32
          %add3A_199 = vector.broadcast %mul3A_198 : i32 to vector<16xi32>
          %add3A_200 = arith.addi %parallel_loop3A_136, %add3A_199 : vector<16xi32>
          %add3A_201 = arith.addi %add3A_200, %iota3A : vector<16xi32>
          %broadcast_in_dim3A_202 = arith.constant 320 : i32
          %broadcast_in_dim3A_203 = vector.broadcast %broadcast_in_dim3A_202 : i32 to vector<16xi32>
          tpu.vector_store_idx %arg11[%add3A_201], %broadcast_in_dim3A_203 : memref<2176xi32, #tpu.memory_space<vmem>>[vector<16xi32>], vector<16xi32>,
        }
        %scan3A_141 = arith.constant 8 : i32
        %reduce_max3A_142 = arith.constant true
        %reduce_max3A_143 = vector.broadcast %reduce_max3A_142 : i1 to vector<16xi1>
        %reduce_max3A_144 = arith.constant -2147483648 : i32
        %reduce_max3A_145 = vector.broadcast %reduce_max3A_144 : i32 to vector<16xi32>
        %reduce_max3A_146 = arith.xori %scan3A_93, %reduce_max3A_145 : vector<16xi32>
        %reduce_max3A_147 = tpu.scan <max>, %reduce_max3A_146 masked %reduce_max3A_143 : vector<16xi32>, vector<16xi1> -> vector<16xi32>
        %reduce_max3A_148 = arith.xori %reduce_max3A_147, %reduce_max3A_145 : vector<16xi32>
        %reduce_max3A_149 = vector.extract %reduce_max3A_148[15] : i32 from vector<16xi32>
        %mul3A_150 = arith.constant 64 : i32
        %mul3A_151 = arith.muli %reduce_max3A_149, %mul3A_150 : i32
        %add3A_152 = arith.addi %mul3A_8, %mul3A_151 : i32
        %dma_start3A_153 = tpu.memref_slice %arg3[%add3A_152] : memref<5312512xi32, #tpu.memory_space<hbm>> -> memref<2176xi32, #tpu.memory_space<hbm>>
        %dma_start3A_154 = tpu.memref_slice %arg3[%add3A_152] : memref<5312512xi32, #tpu.memory_space<hbm>> -> memref<2176xi32, #tpu.memory_space<hbm>>
        tpu.enqueue_dma source(%arg9 : memref<2176xi32, #tpu.memory_space<vmem>>) target(%dma_start3A_154 : memref<2176xi32, #tpu.memory_space<hbm>>) target_semaphore(%arg15 : memref<!tpu.dma_semaphore, #tpu.memory_space<semaphore_mem>>)
        %dma_start3A_155 = tpu.memref_slice %arg4[%add3A_152] : memref<5312512xi32, #tpu.memory_space<hbm>> -> memref<2176xi32, #tpu.memory_space<hbm>>
        %dma_start3A_156 = tpu.memref_slice %arg4[%add3A_152] : memref<5312512xi32, #tpu.memory_space<hbm>> -> memref<2176xi32, #tpu.memory_space<hbm>>
        tpu.enqueue_dma source(%arg11 : memref<2176xi32, #tpu.memory_space<vmem>>) target(%dma_start3A_156 : memref<2176xi32, #tpu.memory_space<hbm>>) target_semaphore(%arg17 : memref<!tpu.dma_semaphore, #tpu.memory_space<semaphore_mem>>)
        %add3A_157 = arith.constant 63 : i32
        %add3A_158 = vector.broadcast %add3A_157 : i32 to vector<16xi32>
        %add3A_159 = arith.addi %parallel_loop3A_136, %add3A_158 : vector<16xi32>
        %jit3A_160 = arith.constant 64 : i32
        %div3A_161 = vector.broadcast %jit3A_160 : i32 to vector<16xi32>
        %div3A_162 = arith.divsi %add3A_159, %div3A_161 : vector<16xi32>
        %sign3A_163 = arith.constant 0 : i32
        %sign3A_164 = vector.broadcast %sign3A_163 : i32 to vector<16xi32>
        %sign3A_165 = arith.cmpi sgt, %add3A_159, %sign3A_164 : vector<16xi32>
        %sign3A_166 = arith.extui %sign3A_165 : vector<16xi1> to vector<16xi32>
        %sign3A_167 = arith.constant 0 : i32
        %sign3A_168 = vector.broadcast %sign3A_167 : i32 to vector<16xi32>
        %sign3A_169 = arith.cmpi slt, %add3A_159, %sign3A_168 : vector<16xi32>
        %sign3A_170 = arith.extui %sign3A_169 : vector<16xi1> to vector<16xi32>
        %sign3A_171 = arith.subi %sign3A_166, %sign3A_170 : vector<16xi32>
        %sign3A_172 = arith.constant 0 : i32
        %sign3A_173 = arith.cmpi sgt, %jit3A_160, %sign3A_172 : i32
        %sign3A_174 = arith.extui %sign3A_173 : i1 to i32
        %sign3A_175 = arith.constant 0 : i32
        %sign3A_176 = arith.cmpi slt, %jit3A_160, %sign3A_175 : i32
        %sign3A_177 = arith.extui %sign3A_176 : i1 to i32
        %sign3A_178 = arith.subi %sign3A_174, %sign3A_177 : i32
        %ne3A_179 = vector.broadcast %sign3A_178 : i32 to vector<16xi32>
        %ne3A_180 = arith.cmpi ne, %sign3A_171, %ne3A_179 : vector<16xi32>
        %rem3A_181 = vector.broadcast %jit3A_160 : i32 to vector<16xi32>
        %rem3A_182 = arith.remsi %add3A_159, %rem3A_181 : vector<16xi32>
        %ne3A_183 = arith.constant 0 : i32
        %ne3A_184 = vector.broadcast %ne3A_183 : i32 to vector<16xi32>
        %ne3A_185 = arith.cmpi ne, %rem3A_182, %ne3A_184 : vector<16xi32>
        %and3A_186 = arith.andi %ne3A_180, %ne3A_185 : vector<16xi1>
        %sub3A_187 = arith.constant 1 : i32
        %sub3A_188 = vector.broadcast %sub3A_187 : i32 to vector<16xi32>
        %sub3A_189 = arith.subi %div3A_162, %sub3A_188 : vector<16xi32>
        %select_n3A_190 = arith.select %and3A_186, %sub3A_189, %div3A_162 : vector<16xi1>, vector<16xi32>
        %add3A_191 = arith.addi %scan3A_93, %select_n3A_190 : vector<16xi32>
        scf.yield %add3A_191 : vector<16xi32>
      }
      %add3A_121 = arith.constant 1 : i32
      %add3A_122 = arith.addi %scan3A_92, %add3A_121 : i32
      %lt3A_123 = arith.constant 80 : i32
      %lt3A_124 = arith.cmpi slt, %add3A_122, %lt3A_123 : i32
      %convert_element_type3A_125 = arith.extui %lt3A_124 : i1 to i32
      %cond3A_126 = arith.constant 0 : i32
      %cond3A_127 = arith.cmpi ne, %convert_element_type3A_125, %cond3A_126 : i32
      scf.if %cond3A_127 {
        %convert_element_type3A_128 = arith.extui %eq3A_111 : i1 to i32
        %cond3A_129 = arith.constant 0 : i32
        %cond3A_130 = arith.cmpi ne, %convert_element_type3A_128, %cond3A_129 : i32
        scf.if %cond3A_130 {
          %dma_wait3A_135 = arith.constant 0 : i32
          %dma_wait3A_136 = tpu.memref_slice %arg2[%dma_wait3A_135] : memref<160000xi32, #tpu.memory_space<hbm>> -> memref<2000xi32, #tpu.memory_space<hbm>>
          %dma_wait3A_137 = arith.constant 0 : i32
          %dma_wait3A_138 = tpu.memref_slice %arg2[%dma_wait3A_137] : memref<160000xi32, #tpu.memory_space<hbm>> -> memref<2000xi32, #tpu.memory_space<hbm>>
          tpu.wait_dma2 semaphore(%arg13 : memref<!tpu.dma_semaphore, #tpu.memory_space<semaphore_mem>>) src(%dma_wait3A_138 : memref<2000xi32, #tpu.memory_space<hbm>>) dst(%arg7 : memref<2000xi32, #tpu.memory_space<vmem>>)
        } else {
        }
        %not3A = arith.constant true
        %not3A_131 = arith.xori %eq3A_111, %not3A : i1
        %convert_element_type3A_132 = arith.extui %not3A_131 : i1 to i32
        %cond3A_133 = arith.constant 0 : i32
        %cond3A_134 = arith.cmpi ne, %convert_element_type3A_132, %cond3A_133 : i32
        scf.if %cond3A_134 {
          %dma_wait3A_135 = arith.constant 0 : i32
          %dma_wait3A_136 = tpu.memref_slice %arg2[%dma_wait3A_135] : memref<160000xi32, #tpu.memory_space<hbm>> -> memref<2000xi32, #tpu.memory_space<hbm>>
          %dma_wait3A_137 = arith.constant 0 : i32
          %dma_wait3A_138 = tpu.memref_slice %arg2[%dma_wait3A_137] : memref<160000xi32, #tpu.memory_space<hbm>> -> memref<2000xi32, #tpu.memory_space<hbm>>
          tpu.wait_dma2 semaphore(%arg13 : memref<!tpu.dma_semaphore, #tpu.memory_space<semaphore_mem>>) src(%dma_wait3A_138 : memref<2000xi32, #tpu.memory_space<hbm>>) dst(%arg6 : memref<2000xi32, #tpu.memory_space<vmem>>)
        } else {
        }
      } else {
      }
      scf.yield %cond3A_120 : vector<16xi32>
    }
    %scan3A_26 = arith.constant 80 : i32
    %dma_wait3A_27 = arith.constant 0 : i32
    %dma_wait3A_28 = tpu.memref_slice %arg3[%dma_wait3A_27] : memref<5312512xi32, #tpu.memory_space<hbm>> -> memref<2176xi32, #tpu.memory_space<hbm>>
    %dma_wait3A_29 = arith.constant 0 : i32
    %dma_wait3A_30 = tpu.memref_slice %arg3[%dma_wait3A_29] : memref<5312512xi32, #tpu.memory_space<hbm>> -> memref<2176xi32, #tpu.memory_space<hbm>>
    tpu.wait_dma2 semaphore(%arg14 : memref<!tpu.dma_semaphore, #tpu.memory_space<semaphore_mem>>) src(%arg8 : memref<2176xi32, #tpu.memory_space<vmem>>) dst(%dma_wait3A_30 : memref<2176xi32, #tpu.memory_space<hbm>>)
    %dma_wait3A_31 = arith.constant 0 : i32
    %dma_wait3A_32 = tpu.memref_slice %arg4[%dma_wait3A_31] : memref<5312512xi32, #tpu.memory_space<hbm>> -> memref<2176xi32, #tpu.memory_space<hbm>>
    %dma_wait3A_33 = arith.constant 0 : i32
    %dma_wait3A_34 = tpu.memref_slice %arg4[%dma_wait3A_33] : memref<5312512xi32, #tpu.memory_space<hbm>> -> memref<2176xi32, #tpu.memory_space<hbm>>
    tpu.wait_dma2 semaphore(%arg16 : memref<!tpu.dma_semaphore, #tpu.memory_space<semaphore_mem>>) src(%arg10 : memref<2176xi32, #tpu.memory_space<vmem>>) dst(%dma_wait3A_34 : memref<2176xi32, #tpu.memory_space<hbm>>)
    %dma_wait3A_35 = arith.constant 0 : i32
    %dma_wait3A_36 = tpu.memref_slice %arg3[%dma_wait3A_35] : memref<5312512xi32, #tpu.memory_space<hbm>> -> memref<2176xi32, #tpu.memory_space<hbm>>
    %dma_wait3A_37 = arith.constant 0 : i32
    %dma_wait3A_38 = tpu.memref_slice %arg3[%dma_wait3A_37] : memref<5312512xi32, #tpu.memory_space<hbm>> -> memref<2176xi32, #tpu.memory_space<hbm>>
    tpu.wait_dma2 semaphore(%arg15 : memref<!tpu.dma_semaphore, #tpu.memory_space<semaphore_mem>>) src(%arg9 : memref<2176xi32, #tpu.memory_space<vmem>>) dst(%dma_wait3A_38 : memref<2176xi32, #tpu.memory_space<hbm>>)
    %dma_wait3A_39 = arith.constant 0 : i32
    %dma_wait3A_40 = tpu.memref_slice %arg4[%dma_wait3A_39] : memref<5312512xi32, #tpu.memory_space<hbm>> -> memref<2176xi32, #tpu.memory_space<hbm>>
    %dma_wait3A_41 = arith.constant 0 : i32
    %dma_wait3A_42 = tpu.memref_slice %arg4[%dma_wait3A_41] : memref<5312512xi32, #tpu.memory_space<hbm>> -> memref<2176xi32, #tpu.memory_space<hbm>>
    tpu.wait_dma2 semaphore(%arg17 : memref<!tpu.dma_semaphore, #tpu.memory_space<semaphore_mem>>) src(%arg11 : memref<2176xi32, #tpu.memory_space<vmem>>) dst(%dma_wait3A_42 : memref<2176xi32, #tpu.memory_space<hbm>>)
    %swap3A = arith.constant 0 : index
    %swap3A_43 = tpu.vector_load %arg12[%swap3A] {strides = array<i32>} : memref<16xi32, #tpu.memory_space<vmem>>, vector<16xi32>,
    tpu.vector_store %arg12[%swap3A], %scan3A_25 {strides = array<i32>} : memref<16xi32, #tpu.memory_space<vmem>>, vector<16xi32>,
    %mul3A_44 = arith.constant 16 : i32
    %mul3A_45 = arith.muli %add3A, %mul3A_44 : i32
    "tpu.region"() ({
      %run_scoped3A = tpu.sem_alloc : memref<!tpu.dma_semaphore, #tpu.memory_space<semaphore_mem>>
      %dma_start3A_92 = tpu.memref_slice %arg5[%mul3A_45] : memref<512xi32, #tpu.memory_space<hbm>> -> memref<16xi32, #tpu.memory_space<hbm>>
      %dma_start3A_93 = tpu.memref_slice %arg5[%mul3A_45] : memref<512xi32, #tpu.memory_space<hbm>> -> memref<16xi32, #tpu.memory_space<hbm>>
      tpu.enqueue_dma source(%arg12 : memref<16xi32, #tpu.memory_space<vmem>>) target(%dma_start3A_93 : memref<16xi32, #tpu.memory_space<hbm>>) target_semaphore(%run_scoped3A : memref<!tpu.dma_semaphore, #tpu.memory_space<semaphore_mem>>)
      %dma_wait3A_94 = tpu.memref_slice %arg5[%mul3A_45] : memref<512xi32, #tpu.memory_space<hbm>> -> memref<16xi32, #tpu.memory_space<hbm>>
      %dma_wait3A_95 = tpu.memref_slice %arg5[%mul3A_45] : memref<512xi32, #tpu.memory_space<hbm>> -> memref<16xi32, #tpu.memory_space<hbm>>
      tpu.wait_dma2 semaphore(%run_scoped3A : memref<!tpu.dma_semaphore, #tpu.memory_space<semaphore_mem>>) src(%arg12 : memref<16xi32, #tpu.memory_space<vmem>>) dst(%dma_wait3A_95 : memref<16xi32, #tpu.memory_space<hbm>>)
      tpu.yield
    }) : () -> ()
    %scan3A_46 = arith.constant 0 : i32
    %scan3A_47 = arith.constant 136 : i32
    %scan3A_48 = arith.addi %scan3A_46, %scan3A_47 : i32
    %scan3A_49 = arith.constant 1 : i32
    scf.for %scan3A_92 = %scan3A_46 to %scan3A_48 step %scan3A_49  : i32 {
      %mul3A_93 = arith.constant 1 : i32
      %mul3A_94 = arith.muli %scan3A_92, %mul3A_93 : i32
      %add3A_95 = arith.constant 0 : i32
      %add3A_96 = arith.addi %add3A_95, %mul3A_94 : i32
      %mul3A_97 = arith.constant 16 : i32
      %mul3A_98 = arith.muli %add3A_96, %mul3A_97 : i32
      %swap3A_99 = arith.index_cast %mul3A_98 : i32 to index
      %swap3A_100 = tpu.vector_load %arg8[%swap3A_99] {strides = array<i32>} : memref<2176xi32, #tpu.memory_space<vmem>>, vector<16xi32>,
      tpu.vector_store %arg8[%swap3A_99], %broadcast_in_dim3A_6 {strides = array<i32>} : memref<2176xi32, #tpu.memory_space<vmem>>, vector<16xi32>,
      %broadcast_in_dim3A_101 = arith.constant 320 : i32
      %broadcast_in_dim3A_102 = vector.broadcast %broadcast_in_dim3A_101 : i32 to vector<16xi32>
      %mul3A_103 = arith.constant 16 : i32
      %mul3A_104 = arith.muli %add3A_96, %mul3A_103 : i32
      %swap3A_105 = arith.index_cast %mul3A_104 : i32 to index
      %swap3A_106 = tpu.vector_load %arg10[%swap3A_105] {strides = array<i32>} : memref<2176xi32, #tpu.memory_space<vmem>>, vector<16xi32>,
      tpu.vector_store %arg10[%swap3A_105], %broadcast_in_dim3A_102 {strides = array<i32>} : memref<2176xi32, #tpu.memory_space<vmem>>, vector<16xi32>,
    }
    %scan3A_50 = arith.constant 136 : i32
    %reduce_max3A = arith.constant true
    %reduce_max3A_51 = vector.broadcast %reduce_max3A : i1 to vector<16xi1>
    %reduce_max3A_52 = arith.constant -2147483648 : i32
    %reduce_max3A_53 = vector.broadcast %reduce_max3A_52 : i32 to vector<16xi32>
    %reduce_max3A_54 = arith.xori %scan3A_25, %reduce_max3A_53 : vector<16xi32>
    %reduce_max3A_55 = tpu.scan <max>, %reduce_max3A_54 masked %reduce_max3A_51 : vector<16xi32>, vector<16xi1> -> vector<16xi32>
    %reduce_max3A_56 = arith.xori %reduce_max3A_55, %reduce_max3A_53 : vector<16xi32>
    %reduce_max3A_57 = vector.extract %reduce_max3A_56[15] : i32 from vector<16xi32>
    %sub3A = arith.constant 160 : i32
    %sub3A_58 = arith.subi %sub3A, %reduce_max3A_57 : i32
    %add3A_59 = arith.constant 32 : i32
    %add3A_60 = arith.addi %sub3A_58, %add3A_59 : i32
    %sub3A_61 = arith.constant 1 : i32
    %sub3A_62 = arith.subi %add3A_60, %sub3A_61 : i32
    %jit3A = arith.constant 32 : i32
    %div3A = arith.divsi %sub3A_62, %jit3A : i32
    %sign3A = arith.constant 0 : i32
    %sign3A_63 = arith.cmpi sgt, %sub3A_62, %sign3A : i32
    %sign3A_64 = arith.extui %sign3A_63 : i1 to i32
    %sign3A_65 = arith.constant 0 : i32
    %sign3A_66 = arith.cmpi slt, %sub3A_62, %sign3A_65 : i32
    %sign3A_67 = arith.extui %sign3A_66 : i1 to i32
    %sign3A_68 = arith.subi %sign3A_64, %sign3A_67 : i32
    %sign3A_69 = arith.constant 0 : i32
    %sign3A_70 = arith.cmpi sgt, %jit3A, %sign3A_69 : i32
    %sign3A_71 = arith.extui %sign3A_70 : i1 to i32
    %sign3A_72 = arith.constant 0 : i32
    %sign3A_73 = arith.cmpi slt, %jit3A, %sign3A_72 : i32
    %sign3A_74 = arith.extui %sign3A_73 : i1 to i32
    %sign3A_75 = arith.subi %sign3A_71, %sign3A_74 : i32
    %ne3A = arith.cmpi ne, %sign3A_68, %sign3A_75 : i32
    %rem3A = arith.remsi %sub3A_62, %jit3A : i32
    %ne3A_76 = arith.constant 0 : i32
    %ne3A_77 = arith.cmpi ne, %rem3A, %ne3A_76 : i32
    %and3A = arith.andi %ne3A, %ne3A_77 : i1
    %sub3A_78 = arith.constant 1 : i32
    %sub3A_79 = arith.subi %div3A, %sub3A_78 : i32
    %select_n3A = arith.select %and3A, %sub3A_79, %div3A : i32
    %max3A = arith.constant 0 : i32
    %max3A_80 = arith.maxsi %max3A, %select_n3A : i32
    %while3A = arith.constant 0 : i32
    %while3A_81 = arith.constant 0 : i32
    %while3A_82 = arith.subi %max3A_80, %while3A : i32
    %while3A_83 = arith.addi %while3A, %while3A_82 : i32
    %while3A_84 = arith.constant 1 : i32
    %while3A_85 = arith.divsi %while3A_82, %while3A_84 : i32
    %while3A_86 = arith.muli %while3A_85, %while3A_84 : i32
    %while3A_87 = arith.addi %while3A, %while3A_86 : i32
    %while3A_88 = arith.constant 1 : i32
    %while3A_89 = scf.for %while3A_92 = %while3A to %while3A_87 step %while3A_88 iter_args(%while3A_93 = %while3A_81) -> (i32)  : i32 {
      %mul3A_94 = arith.constant 32 : i32
      %mul3A_95 = arith.muli %while3A_92, %mul3A_94 : i32
      %add3A_96 = arith.addi %reduce_max3A_57, %mul3A_95 : i32
      %mul3A_97 = arith.constant 64 : i32
      %mul3A_98 = arith.muli %add3A_96, %mul3A_97 : i32
      %add3A_99 = arith.addi %mul3A_8, %mul3A_98 : i32
      "tpu.region"() ({
        %run_scoped3A = tpu.sem_alloc : memref<!tpu.dma_semaphore, #tpu.memory_space<semaphore_mem>>
        %dma_start3A_101 = arith.constant 0 : i32
        %dma_start3A_102 = tpu.memref_slice %arg8[%dma_start3A_101] : memref<2176xi32, #tpu.memory_space<vmem>> -> memref<2048xi32, #tpu.memory_space<vmem>>
        %dma_start3A_103 = tpu.memref_slice %arg3[%add3A_99] : memref<5312512xi32, #tpu.memory_space<hbm>> -> memref<2048xi32, #tpu.memory_space<hbm>>
        %dma_start3A_104 = tpu.memref_slice %arg3[%add3A_99] : memref<5312512xi32, #tpu.memory_space<hbm>> -> memref<2048xi32, #tpu.memory_space<hbm>>
        %dma_start3A_105 = arith.constant 0 : i32
        %dma_start3A_106 = tpu.memref_slice %arg8[%dma_start3A_105] : memref<2176xi32, #tpu.memory_space<vmem>> -> memref<2048xi32, #tpu.memory_space<vmem>>
        tpu.enqueue_dma source(%dma_start3A_106 : memref<2048xi32, #tpu.memory_space<vmem>>) target(%dma_start3A_104 : memref<2048xi32, #tpu.memory_space<hbm>>) target_semaphore(%run_scoped3A : memref<!tpu.dma_semaphore, #tpu.memory_space<semaphore_mem>>)
        %dma_wait3A_107 = arith.constant 0 : i32
        %dma_wait3A_108 = tpu.memref_slice %arg8[%dma_wait3A_107] : memref<2176xi32, #tpu.memory_space<vmem>> -> memref<2048xi32, #tpu.memory_space<vmem>>
        %dma_wait3A_109 = tpu.memref_slice %arg3[%add3A_99] : memref<5312512xi32, #tpu.memory_space<hbm>> -> memref<2048xi32, #tpu.memory_space<hbm>>
        %dma_wait3A_110 = tpu.memref_slice %arg3[%add3A_99] : memref<5312512xi32, #tpu.memory_space<hbm>> -> memref<2048xi32, #tpu.memory_space<hbm>>
        %dma_wait3A_111 = arith.constant 0 : i32
        %dma_wait3A_112 = tpu.memref_slice %arg8[%dma_wait3A_111] : memref<2176xi32, #tpu.memory_space<vmem>> -> memref<2048xi32, #tpu.memory_space<vmem>>
        tpu.wait_dma2 semaphore(%run_scoped3A : memref<!tpu.dma_semaphore, #tpu.memory_space<semaphore_mem>>) src(%dma_wait3A_112 : memref<2048xi32, #tpu.memory_space<vmem>>) dst(%dma_wait3A_110 : memref<2048xi32, #tpu.memory_space<hbm>>)
        tpu.yield
      }) : () -> ()
      "tpu.region"() ({
        %run_scoped3A = tpu.sem_alloc : memref<!tpu.dma_semaphore, #tpu.memory_space<semaphore_mem>>
        %dma_start3A_101 = arith.constant 0 : i32
        %dma_start3A_102 = tpu.memref_slice %arg10[%dma_start3A_101] : memref<2176xi32, #tpu.memory_space<vmem>> -> memref<2048xi32, #tpu.memory_space<vmem>>
        %dma_start3A_103 = tpu.memref_slice %arg4[%add3A_99] : memref<5312512xi32, #tpu.memory_space<hbm>> -> memref<2048xi32, #tpu.memory_space<hbm>>
        %dma_start3A_104 = tpu.memref_slice %arg4[%add3A_99] : memref<5312512xi32, #tpu.memory_space<hbm>> -> memref<2048xi32, #tpu.memory_space<hbm>>
        %dma_start3A_105 = arith.constant 0 : i32
        %dma_start3A_106 = tpu.memref_slice %arg10[%dma_start3A_105] : memref<2176xi32, #tpu.memory_space<vmem>> -> memref<2048xi32, #tpu.memory_space<vmem>>
        tpu.enqueue_dma source(%dma_start3A_106 : memref<2048xi32, #tpu.memory_space<vmem>>) target(%dma_start3A_104 : memref<2048xi32, #tpu.memory_space<hbm>>) target_semaphore(%run_scoped3A : memref<!tpu.dma_semaphore, #tpu.memory_space<semaphore_mem>>)
        %dma_wait3A_107 = arith.constant 0 : i32
        %dma_wait3A_108 = tpu.memref_slice %arg10[%dma_wait3A_107] : memref<2176xi32, #tpu.memory_space<vmem>> -> memref<2048xi32, #tpu.memory_space<vmem>>
        %dma_wait3A_109 = tpu.memref_slice %arg4[%add3A_99] : memref<5312512xi32, #tpu.memory_space<hbm>> -> memref<2048xi32, #tpu.memory_space<hbm>>
        %dma_wait3A_110 = tpu.memref_slice %arg4[%add3A_99] : memref<5312512xi32, #tpu.memory_space<hbm>> -> memref<2048xi32, #tpu.memory_space<hbm>>
        %dma_wait3A_111 = arith.constant 0 : i32
        %dma_wait3A_112 = tpu.memref_slice %arg10[%dma_wait3A_111] : memref<2176xi32, #tpu.memory_space<vmem>> -> memref<2048xi32, #tpu.memory_space<vmem>>
        tpu.wait_dma2 semaphore(%run_scoped3A : memref<!tpu.dma_semaphore, #tpu.memory_space<semaphore_mem>>) src(%dma_wait3A_112 : memref<2048xi32, #tpu.memory_space<vmem>>) dst(%dma_wait3A_110 : memref<2048xi32, #tpu.memory_space<hbm>>)
        tpu.yield
      }) : () -> ()
      %while3A_100 = arith.constant 0 : i32
      scf.yield %while3A_100 : i32
    }
    %while3A_90 = arith.constant 1 : i32
    %while3A_91 = scf.for %while3A_92 = %while3A_87 to %while3A_83 step %while3A_90 iter_args(%while3A_93 = %while3A_89) -> (i32)  : i32 {
      %mul3A_94 = arith.constant 32 : i32
      %mul3A_95 = arith.muli %while3A_92, %mul3A_94 : i32
      %add3A_96 = arith.addi %reduce_max3A_57, %mul3A_95 : i32
      %mul3A_97 = arith.constant 64 : i32
      %mul3A_98 = arith.muli %add3A_96, %mul3A_97 : i32
      %add3A_99 = arith.addi %mul3A_8, %mul3A_98 : i32
      "tpu.region"() ({
        %run_scoped3A = tpu.sem_alloc : memref<!tpu.dma_semaphore, #tpu.memory_space<semaphore_mem>>
        %dma_start3A_101 = arith.constant 0 : i32
        %dma_start3A_102 = tpu.memref_slice %arg8[%dma_start3A_101] : memref<2176xi32, #tpu.memory_space<vmem>> -> memref<2048xi32, #tpu.memory_space<vmem>>
        %dma_start3A_103 = tpu.memref_slice %arg3[%add3A_99] : memref<5312512xi32, #tpu.memory_space<hbm>> -> memref<2048xi32, #tpu.memory_space<hbm>>
        %dma_start3A_104 = tpu.memref_slice %arg3[%add3A_99] : memref<5312512xi32, #tpu.memory_space<hbm>> -> memref<2048xi32, #tpu.memory_space<hbm>>
        %dma_start3A_105 = arith.constant 0 : i32
        %dma_start3A_106 = tpu.memref_slice %arg8[%dma_start3A_105] : memref<2176xi32, #tpu.memory_space<vmem>> -> memref<2048xi32, #tpu.memory_space<vmem>>
        tpu.enqueue_dma source(%dma_start3A_106 : memref<2048xi32, #tpu.memory_space<vmem>>) target(%dma_start3A_104 : memref<2048xi32, #tpu.memory_space<hbm>>) target_semaphore(%run_scoped3A : memref<!tpu.dma_semaphore, #tpu.memory_space<semaphore_mem>>)
        %dma_wait3A_107 = arith.constant 0 : i32
        %dma_wait3A_108 = tpu.memref_slice %arg8[%dma_wait3A_107] : memref<2176xi32, #tpu.memory_space<vmem>> -> memref<2048xi32, #tpu.memory_space<vmem>>
        %dma_wait3A_109 = tpu.memref_slice %arg3[%add3A_99] : memref<5312512xi32, #tpu.memory_space<hbm>> -> memref<2048xi32, #tpu.memory_space<hbm>>
        %dma_wait3A_110 = tpu.memref_slice %arg3[%add3A_99] : memref<5312512xi32, #tpu.memory_space<hbm>> -> memref<2048xi32, #tpu.memory_space<hbm>>
        %dma_wait3A_111 = arith.constant 0 : i32
        %dma_wait3A_112 = tpu.memref_slice %arg8[%dma_wait3A_111] : memref<2176xi32, #tpu.memory_space<vmem>> -> memref<2048xi32, #tpu.memory_space<vmem>>
        tpu.wait_dma2 semaphore(%run_scoped3A : memref<!tpu.dma_semaphore, #tpu.memory_space<semaphore_mem>>) src(%dma_wait3A_112 : memref<2048xi32, #tpu.memory_space<vmem>>) dst(%dma_wait3A_110 : memref<2048xi32, #tpu.memory_space<hbm>>)
        tpu.yield
      }) : () -> ()
      "tpu.region"() ({
        %run_scoped3A = tpu.sem_alloc : memref<!tpu.dma_semaphore, #tpu.memory_space<semaphore_mem>>
        %dma_start3A_101 = arith.constant 0 : i32
        %dma_start3A_102 = tpu.memref_slice %arg10[%dma_start3A_101] : memref<2176xi32, #tpu.memory_space<vmem>> -> memref<2048xi32, #tpu.memory_space<vmem>>
        %dma_start3A_103 = tpu.memref_slice %arg4[%add3A_99] : memref<5312512xi32, #tpu.memory_space<hbm>> -> memref<2048xi32, #tpu.memory_space<hbm>>
        %dma_start3A_104 = tpu.memref_slice %arg4[%add3A_99] : memref<5312512xi32, #tpu.memory_space<hbm>> -> memref<2048xi32, #tpu.memory_space<hbm>>
        %dma_start3A_105 = arith.constant 0 : i32
        %dma_start3A_106 = tpu.memref_slice %arg10[%dma_start3A_105] : memref<2176xi32, #tpu.memory_space<vmem>> -> memref<2048xi32, #tpu.memory_space<vmem>>
        tpu.enqueue_dma source(%dma_start3A_106 : memref<2048xi32, #tpu.memory_space<vmem>>) target(%dma_start3A_104 : memref<2048xi32, #tpu.memory_space<hbm>>) target_semaphore(%run_scoped3A : memref<!tpu.dma_semaphore, #tpu.memory_space<semaphore_mem>>)
        %dma_wait3A_107 = arith.constant 0 : i32
        %dma_wait3A_108 = tpu.memref_slice %arg10[%dma_wait3A_107] : memref<2176xi32, #tpu.memory_space<vmem>> -> memref<2048xi32, #tpu.memory_space<vmem>>
        %dma_wait3A_109 = tpu.memref_slice %arg4[%add3A_99] : memref<5312512xi32, #tpu.memory_space<hbm>> -> memref<2048xi32, #tpu.memory_space<hbm>>
        %dma_wait3A_110 = tpu.memref_slice %arg4[%add3A_99] : memref<5312512xi32, #tpu.memory_space<hbm>> -> memref<2048xi32, #tpu.memory_space<hbm>>
        %dma_wait3A_111 = arith.constant 0 : i32
        %dma_wait3A_112 = tpu.memref_slice %arg10[%dma_wait3A_111] : memref<2176xi32, #tpu.memory_space<vmem>> -> memref<2048xi32, #tpu.memory_space<vmem>>
        tpu.wait_dma2 semaphore(%run_scoped3A : memref<!tpu.dma_semaphore, #tpu.memory_space<semaphore_mem>>) src(%dma_wait3A_112 : memref<2048xi32, #tpu.memory_space<vmem>>) dst(%dma_wait3A_110 : memref<2048xi32, #tpu.memory_space<hbm>>)
        tpu.yield
      }) : () -> ()
      %while3A_100 = arith.constant 0 : i32
      scf.yield %while3A_100 : i32
    }
    return
  }
}

#map = affine_map<(d0, d1) -> (0, 0)>
#map1 = affine_map<(d0, d1) -> (0)>
module attributes {stable_mosaic.version = 14 : i64} {
  func.func @_seg_accum(%arg0: i32, %arg1: i32, %arg2: memref<160000x256xf32, #tpu.memory_space<hbm>>, %arg3: memref<5312512xi32, #tpu.memory_space<hbm>>, %arg4: memref<5312512xi32, #tpu.memory_space<hbm>>, %arg5: memref<512xi32, #tpu.memory_space<hbm>>, %arg6: memref<10240x256xf32, #tpu.memory_space<hbm>>, %arg7: memref<328x256xf32, #tpu.memory_space<vmem>>, %arg8: memref<2048xi32, #tpu.memory_space<vmem>>, %arg9: memref<2048xi32, #tpu.memory_space<vmem>>, %arg10: memref<16xi32, #tpu.memory_space<vmem>>, %arg11: memref<128x256xf32, #tpu.memory_space<vmem>>, %arg12: memref<!tpu.dma_semaphore, #tpu.memory_space<semaphore_mem>>) attributes {dimension_semantics = [#tpu.dimension_semantics<core_parallel>, #tpu.dimension_semantics<subcore_parallel>], iteration_bounds = array<i64: 2, 16>, scalar_prefetch = 0 : i64, scratch_operands = 6 : i64, tpu.core_type = #tpu.core_type<sc_vector_subcore>, window_params = [{transform_indices = #map}, {transform_indices = #map1}, {transform_indices = #map1}, {transform_indices = #map1}, {transform_indices = #map}]} {
    %mul3A = arith.constant 2 : i32
    %mul3A_0 = arith.muli %arg1, %mul3A : i32
    %add3A = arith.addi %mul3A_0, %arg0 : i32
    %mul3A_1 = arith.constant 320 : i32
    %mul3A_2 = arith.muli %add3A, %mul3A_1 : i32
    %iota3A = tpu.iota {dimensions = array<i32: 0>} : vector<16xi32>
    %broadcast_in_dim3A = arith.constant 0.000000e+00 : f32
    %broadcast_in_dim3A_3 = vector.broadcast %broadcast_in_dim3A : f32 to vector<16xf32>
    %mul3A_4 = arith.constant 166016 : i32
    %mul3A_5 = arith.muli %add3A, %mul3A_4 : i32
    %scan3A = arith.constant 0 : i32
    %scan3A_6 = arith.constant 328 : i32
    %scan3A_7 = arith.addi %scan3A, %scan3A_6 : i32
    %scan3A_8 = arith.constant 1 : i32
    scf.for %scan3A_75 = %scan3A to %scan3A_7 step %scan3A_8  : i32 {
      %mul3A_76 = arith.constant 1 : i32
      %mul3A_77 = arith.muli %scan3A_75, %mul3A_76 : i32
      %add3A_78 = arith.constant 0 : i32
      %add3A_79 = arith.addi %add3A_78, %mul3A_77 : i32
      %swap3A = arith.index_cast %add3A_79 : i32 to index
      %swap3A_80 = arith.constant 0 : index
      %swap3A_81 = tpu.vector_load %arg7[%swap3A, %swap3A_80] {strides = array<i32>} : memref<328x256xf32, #tpu.memory_space<vmem>>, vector<16xf32>,
      tpu.vector_store %arg7[%swap3A, %swap3A_80], %broadcast_in_dim3A_3 {strides = array<i32>} : memref<328x256xf32, #tpu.memory_space<vmem>>, vector<16xf32>,
      %swap3A_82 = arith.index_cast %add3A_79 : i32 to index
      %swap3A_83 = arith.constant 16 : index
      %swap3A_84 = tpu.vector_load %arg7[%swap3A_82, %swap3A_83] {strides = array<i32>} : memref<328x256xf32, #tpu.memory_space<vmem>>, vector<16xf32>,
      tpu.vector_store %arg7[%swap3A_82, %swap3A_83], %broadcast_in_dim3A_3 {strides = array<i32>} : memref<328x256xf32, #tpu.memory_space<vmem>>, vector<16xf32>,
      %swap3A_85 = arith.index_cast %add3A_79 : i32 to index
      %swap3A_86 = arith.constant 32 : index
      %swap3A_87 = tpu.vector_load %arg7[%swap3A_85, %swap3A_86] {strides = array<i32>} : memref<328x256xf32, #tpu.memory_space<vmem>>, vector<16xf32>,
      tpu.vector_store %arg7[%swap3A_85, %swap3A_86], %broadcast_in_dim3A_3 {strides = array<i32>} : memref<328x256xf32, #tpu.memory_space<vmem>>, vector<16xf32>,
      %swap3A_88 = arith.index_cast %add3A_79 : i32 to index
      %swap3A_89 = arith.constant 48 : index
      %swap3A_90 = tpu.vector_load %arg7[%swap3A_88, %swap3A_89] {strides = array<i32>} : memref<328x256xf32, #tpu.memory_space<vmem>>, vector<16xf32>,
      tpu.vector_store %arg7[%swap3A_88, %swap3A_89], %broadcast_in_dim3A_3 {strides = array<i32>} : memref<328x256xf32, #tpu.memory_space<vmem>>, vector<16xf32>,
      %swap3A_91 = arith.index_cast %add3A_79 : i32 to index
      %swap3A_92 = arith.constant 64 : index
      %swap3A_93 = tpu.vector_load %arg7[%swap3A_91, %swap3A_92] {strides = array<i32>} : memref<328x256xf32, #tpu.memory_space<vmem>>, vector<16xf32>,
      tpu.vector_store %arg7[%swap3A_91, %swap3A_92], %broadcast_in_dim3A_3 {strides = array<i32>} : memref<328x256xf32, #tpu.memory_space<vmem>>, vector<16xf32>,
      %swap3A_94 = arith.index_cast %add3A_79 : i32 to index
      %swap3A_95 = arith.constant 80 : index
      %swap3A_96 = tpu.vector_load %arg7[%swap3A_94, %swap3A_95] {strides = array<i32>} : memref<328x256xf32, #tpu.memory_space<vmem>>, vector<16xf32>,
      tpu.vector_store %arg7[%swap3A_94, %swap3A_95], %broadcast_in_dim3A_3 {strides = array<i32>} : memref<328x256xf32, #tpu.memory_space<vmem>>, vector<16xf32>,
      %swap3A_97 = arith.index_cast %add3A_79 : i32 to index
      %swap3A_98 = arith.constant 96 : index
      %swap3A_99 = tpu.vector_load %arg7[%swap3A_97, %swap3A_98] {strides = array<i32>} : memref<328x256xf32, #tpu.memory_space<vmem>>, vector<16xf32>,
      tpu.vector_store %arg7[%swap3A_97, %swap3A_98], %broadcast_in_dim3A_3 {strides = array<i32>} : memref<328x256xf32, #tpu.memory_space<vmem>>, vector<16xf32>,
      %swap3A_100 = arith.index_cast %add3A_79 : i32 to index
      %swap3A_101 = arith.constant 112 : index
      %swap3A_102 = tpu.vector_load %arg7[%swap3A_100, %swap3A_101] {strides = array<i32>} : memref<328x256xf32, #tpu.memory_space<vmem>>, vector<16xf32>,
      tpu.vector_store %arg7[%swap3A_100, %swap3A_101], %broadcast_in_dim3A_3 {strides = array<i32>} : memref<328x256xf32, #tpu.memory_space<vmem>>, vector<16xf32>,
      %swap3A_103 = arith.index_cast %add3A_79 : i32 to index
      %swap3A_104 = arith.constant 128 : index
      %swap3A_105 = tpu.vector_load %arg7[%swap3A_103, %swap3A_104] {strides = array<i32>} : memref<328x256xf32, #tpu.memory_space<vmem>>, vector<16xf32>,
      tpu.vector_store %arg7[%swap3A_103, %swap3A_104], %broadcast_in_dim3A_3 {strides = array<i32>} : memref<328x256xf32, #tpu.memory_space<vmem>>, vector<16xf32>,
      %swap3A_106 = arith.index_cast %add3A_79 : i32 to index
      %swap3A_107 = arith.constant 144 : index
      %swap3A_108 = tpu.vector_load %arg7[%swap3A_106, %swap3A_107] {strides = array<i32>} : memref<328x256xf32, #tpu.memory_space<vmem>>, vector<16xf32>,
      tpu.vector_store %arg7[%swap3A_106, %swap3A_107], %broadcast_in_dim3A_3 {strides = array<i32>} : memref<328x256xf32, #tpu.memory_space<vmem>>, vector<16xf32>,
      %swap3A_109 = arith.index_cast %add3A_79 : i32 to index
      %swap3A_110 = arith.constant 160 : index
      %swap3A_111 = tpu.vector_load %arg7[%swap3A_109, %swap3A_110] {strides = array<i32>} : memref<328x256xf32, #tpu.memory_space<vmem>>, vector<16xf32>,
      tpu.vector_store %arg7[%swap3A_109, %swap3A_110], %broadcast_in_dim3A_3 {strides = array<i32>} : memref<328x256xf32, #tpu.memory_space<vmem>>, vector<16xf32>,
      %swap3A_112 = arith.index_cast %add3A_79 : i32 to index
      %swap3A_113 = arith.constant 176 : index
      %swap3A_114 = tpu.vector_load %arg7[%swap3A_112, %swap3A_113] {strides = array<i32>} : memref<328x256xf32, #tpu.memory_space<vmem>>, vector<16xf32>,
      tpu.vector_store %arg7[%swap3A_112, %swap3A_113], %broadcast_in_dim3A_3 {strides = array<i32>} : memref<328x256xf32, #tpu.memory_space<vmem>>, vector<16xf32>,
      %swap3A_115 = arith.index_cast %add3A_79 : i32 to index
      %swap3A_116 = arith.constant 192 : index
      %swap3A_117 = tpu.vector_load %arg7[%swap3A_115, %swap3A_116] {strides = array<i32>} : memref<328x256xf32, #tpu.memory_space<vmem>>, vector<16xf32>,
      tpu.vector_store %arg7[%swap3A_115, %swap3A_116], %broadcast_in_dim3A_3 {strides = array<i32>} : memref<328x256xf32, #tpu.memory_space<vmem>>, vector<16xf32>,
      %swap3A_118 = arith.index_cast %add3A_79 : i32 to index
      %swap3A_119 = arith.constant 208 : index
      %swap3A_120 = tpu.vector_load %arg7[%swap3A_118, %swap3A_119] {strides = array<i32>} : memref<328x256xf32, #tpu.memory_space<vmem>>, vector<16xf32>,
      tpu.vector_store %arg7[%swap3A_118, %swap3A_119], %broadcast_in_dim3A_3 {strides = array<i32>} : memref<328x256xf32, #tpu.memory_space<vmem>>, vector<16xf32>,
      %swap3A_121 = arith.index_cast %add3A_79 : i32 to index
      %swap3A_122 = arith.constant 224 : index
      %swap3A_123 = tpu.vector_load %arg7[%swap3A_121, %swap3A_122] {strides = array<i32>} : memref<328x256xf32, #tpu.memory_space<vmem>>, vector<16xf32>,
      tpu.vector_store %arg7[%swap3A_121, %swap3A_122], %broadcast_in_dim3A_3 {strides = array<i32>} : memref<328x256xf32, #tpu.memory_space<vmem>>, vector<16xf32>,
      %swap3A_124 = arith.index_cast %add3A_79 : i32 to index
      %swap3A_125 = arith.constant 240 : index
      %swap3A_126 = tpu.vector_load %arg7[%swap3A_124, %swap3A_125] {strides = array<i32>} : memref<328x256xf32, #tpu.memory_space<vmem>>, vector<16xf32>,
      tpu.vector_store %arg7[%swap3A_124, %swap3A_125], %broadcast_in_dim3A_3 {strides = array<i32>} : memref<328x256xf32, #tpu.memory_space<vmem>>, vector<16xf32>,
    }
    %scan3A_9 = arith.constant 328 : i32
    %mul3A_10 = arith.constant 16 : i32
    %mul3A_11 = arith.muli %add3A, %mul3A_10 : i32
    "tpu.region"() ({
      %run_scoped3A = tpu.sem_alloc : memref<!tpu.dma_semaphore, #tpu.memory_space<semaphore_mem>>
      %dma_start3A = tpu.memref_slice %arg5[%mul3A_11] : memref<512xi32, #tpu.memory_space<hbm>> -> memref<16xi32, #tpu.memory_space<hbm>>
      %dma_start3A_75 = tpu.memref_slice %arg5[%mul3A_11] : memref<512xi32, #tpu.memory_space<hbm>> -> memref<16xi32, #tpu.memory_space<hbm>>
      tpu.enqueue_dma source(%dma_start3A_75 : memref<16xi32, #tpu.memory_space<hbm>>) target(%arg10 : memref<16xi32, #tpu.memory_space<vmem>>) target_semaphore(%run_scoped3A : memref<!tpu.dma_semaphore, #tpu.memory_space<semaphore_mem>>)
      %dma_wait3A = tpu.memref_slice %arg5[%mul3A_11] : memref<512xi32, #tpu.memory_space<hbm>> -> memref<16xi32, #tpu.memory_space<hbm>>
      %dma_wait3A_76 = tpu.memref_slice %arg5[%mul3A_11] : memref<512xi32, #tpu.memory_space<hbm>> -> memref<16xi32, #tpu.memory_space<hbm>>
      tpu.wait_dma2 semaphore(%run_scoped3A : memref<!tpu.dma_semaphore, #tpu.memory_space<semaphore_mem>>) src(%dma_wait3A_76 : memref<16xi32, #tpu.memory_space<hbm>>) dst(%arg10 : memref<16xi32, #tpu.memory_space<vmem>>)
      tpu.yield
    }) : () -> ()
    %get3A = arith.constant 0 : index
    %get3A_12 = tpu.vector_load %arg10[%get3A] {strides = array<i32>} : memref<16xi32, #tpu.memory_space<vmem>>, vector<16xi32>,
    %reduce_max3A = arith.constant true
    %reduce_max3A_13 = vector.broadcast %reduce_max3A : i1 to vector<16xi1>
    %reduce_max3A_14 = arith.constant -2147483648 : i32
    %reduce_max3A_15 = vector.broadcast %reduce_max3A_14 : i32 to vector<16xi32>
    %reduce_max3A_16 = arith.xori %get3A_12, %reduce_max3A_15 : vector<16xi32>
    %reduce_max3A_17 = tpu.scan <max>, %reduce_max3A_16 masked %reduce_max3A_13 : vector<16xi32>, vector<16xi1> -> vector<16xi32>
    %reduce_max3A_18 = arith.xori %reduce_max3A_17, %reduce_max3A_15 : vector<16xi32>
    %reduce_max3A_19 = vector.extract %reduce_max3A_18[15] : i32 from vector<16xi32>
    %add3A_20 = arith.constant 1 : i32
    %add3A_21 = arith.addi %reduce_max3A_19, %add3A_20 : i32
    %jit3A = arith.constant 2 : i32
    %div3A = arith.divsi %add3A_21, %jit3A : i32
    %sign3A = arith.constant 0 : i32
    %sign3A_22 = arith.cmpi sgt, %add3A_21, %sign3A : i32
    %sign3A_23 = arith.extui %sign3A_22 : i1 to i32
    %sign3A_24 = arith.constant 0 : i32
    %sign3A_25 = arith.cmpi slt, %add3A_21, %sign3A_24 : i32
    %sign3A_26 = arith.extui %sign3A_25 : i1 to i32
    %sign3A_27 = arith.subi %sign3A_23, %sign3A_26 : i32
    %sign3A_28 = arith.constant 0 : i32
    %sign3A_29 = arith.cmpi sgt, %jit3A, %sign3A_28 : i32
    %sign3A_30 = arith.extui %sign3A_29 : i1 to i32
    %sign3A_31 = arith.constant 0 : i32
    %sign3A_32 = arith.cmpi slt, %jit3A, %sign3A_31 : i32
    %sign3A_33 = arith.extui %sign3A_32 : i1 to i32
    %sign3A_34 = arith.subi %sign3A_30, %sign3A_33 : i32
    %ne3A = arith.cmpi ne, %sign3A_27, %sign3A_34 : i32
    %rem3A = arith.remsi %add3A_21, %jit3A : i32
    %ne3A_35 = arith.constant 0 : i32
    %ne3A_36 = arith.cmpi ne, %rem3A, %ne3A_35 : i32
    %and3A = arith.andi %ne3A, %ne3A_36 : i1
    %sub3A = arith.constant 1 : i32
    %sub3A_37 = arith.subi %div3A, %sub3A : i32
    %select_n3A = arith.select %and3A, %sub3A_37, %div3A : i32
    %add3A_38 = arith.constant 15 : i32
    %add3A_39 = arith.addi %select_n3A, %add3A_38 : i32
    %jit3A_40 = arith.constant 16 : i32
    %div3A_41 = arith.divsi %add3A_39, %jit3A_40 : i32
    %sign3A_42 = arith.constant 0 : i32
    %sign3A_43 = arith.cmpi sgt, %add3A_39, %sign3A_42 : i32
    %sign3A_44 = arith.extui %sign3A_43 : i1 to i32
    %sign3A_45 = arith.constant 0 : i32
    %sign3A_46 = arith.cmpi slt, %add3A_39, %sign3A_45 : i32
    %sign3A_47 = arith.extui %sign3A_46 : i1 to i32
    %sign3A_48 = arith.subi %sign3A_44, %sign3A_47 : i32
    %sign3A_49 = arith.constant 0 : i32
    %sign3A_50 = arith.cmpi sgt, %jit3A_40, %sign3A_49 : i32
    %sign3A_51 = arith.extui %sign3A_50 : i1 to i32
    %sign3A_52 = arith.constant 0 : i32
    %sign3A_53 = arith.cmpi slt, %jit3A_40, %sign3A_52 : i32
    %sign3A_54 = arith.extui %sign3A_53 : i1 to i32
    %sign3A_55 = arith.subi %sign3A_51, %sign3A_54 : i32
    %ne3A_56 = arith.cmpi ne, %sign3A_48, %sign3A_55 : i32
    %rem3A_57 = arith.remsi %add3A_39, %jit3A_40 : i32
    %ne3A_58 = arith.constant 0 : i32
    %ne3A_59 = arith.cmpi ne, %rem3A_57, %ne3A_58 : i32
    %and3A_60 = arith.andi %ne3A_56, %ne3A_59 : i1
    %sub3A_61 = arith.constant 1 : i32
    %sub3A_62 = arith.subi %div3A_41, %sub3A_61 : i32
    %select_n3A_63 = arith.select %and3A_60, %sub3A_62, %div3A_41 : i32
    %while3A = arith.constant 0 : i32
    %while3A_64 = arith.constant 0 : i32
    %while3A_65 = arith.subi %select_n3A_63, %while3A : i32
    %while3A_66 = arith.addi %while3A, %while3A_65 : i32
    %while3A_67 = arith.constant 1 : i32
    %while3A_68 = arith.divsi %while3A_65, %while3A_67 : i32
    %while3A_69 = arith.muli %while3A_68, %while3A_67 : i32
    %while3A_70 = arith.addi %while3A, %while3A_69 : i32
    %while3A_71 = arith.constant 1 : i32
    %while3A_72 = scf.for %while3A_75 = %while3A to %while3A_70 step %while3A_71 iter_args(%while3A_76 = %while3A_64) -> (i32)  : i32 {
      %mul3A_77 = arith.constant 2048 : i32
      %mul3A_78 = arith.muli %while3A_75, %mul3A_77 : i32
      %add3A_79 = arith.addi %mul3A_5, %mul3A_78 : i32
      "tpu.region"() ({
        %run_scoped3A = tpu.sem_alloc : memref<!tpu.dma_semaphore, #tpu.memory_space<semaphore_mem>>
        %dma_start3A = tpu.memref_slice %arg3[%add3A_79] : memref<5312512xi32, #tpu.memory_space<hbm>> -> memref<2048xi32, #tpu.memory_space<hbm>>
        %dma_start3A_100 = tpu.memref_slice %arg3[%add3A_79] : memref<5312512xi32, #tpu.memory_space<hbm>> -> memref<2048xi32, #tpu.memory_space<hbm>>
        tpu.enqueue_dma source(%dma_start3A_100 : memref<2048xi32, #tpu.memory_space<hbm>>) target(%arg8 : memref<2048xi32, #tpu.memory_space<vmem>>) target_semaphore(%run_scoped3A : memref<!tpu.dma_semaphore, #tpu.memory_space<semaphore_mem>>)
        %dma_wait3A = tpu.memref_slice %arg3[%add3A_79] : memref<5312512xi32, #tpu.memory_space<hbm>> -> memref<2048xi32, #tpu.memory_space<hbm>>
        %dma_wait3A_101 = tpu.memref_slice %arg3[%add3A_79] : memref<5312512xi32, #tpu.memory_space<hbm>> -> memref<2048xi32, #tpu.memory_space<hbm>>
        tpu.wait_dma2 semaphore(%run_scoped3A : memref<!tpu.dma_semaphore, #tpu.memory_space<semaphore_mem>>) src(%dma_wait3A_101 : memref<2048xi32, #tpu.memory_space<hbm>>) dst(%arg8 : memref<2048xi32, #tpu.memory_space<vmem>>)
        tpu.yield
      }) : () -> ()
      %mul3A_80 = arith.constant 2048 : i32
      %mul3A_81 = arith.muli %while3A_75, %mul3A_80 : i32
      %add3A_82 = arith.addi %mul3A_5, %mul3A_81 : i32
      "tpu.region"() ({
        %run_scoped3A = tpu.sem_alloc : memref<!tpu.dma_semaphore, #tpu.memory_space<semaphore_mem>>
        %dma_start3A = tpu.memref_slice %arg4[%add3A_82] : memref<5312512xi32, #tpu.memory_space<hbm>> -> memref<2048xi32, #tpu.memory_space<hbm>>
        %dma_start3A_100 = tpu.memref_slice %arg4[%add3A_82] : memref<5312512xi32, #tpu.memory_space<hbm>> -> memref<2048xi32, #tpu.memory_space<hbm>>
        tpu.enqueue_dma source(%dma_start3A_100 : memref<2048xi32, #tpu.memory_space<hbm>>) target(%arg9 : memref<2048xi32, #tpu.memory_space<vmem>>) target_semaphore(%run_scoped3A : memref<!tpu.dma_semaphore, #tpu.memory_space<semaphore_mem>>)
        %dma_wait3A = tpu.memref_slice %arg4[%add3A_82] : memref<5312512xi32, #tpu.memory_space<hbm>> -> memref<2048xi32, #tpu.memory_space<hbm>>
        %dma_wait3A_101 = tpu.memref_slice %arg4[%add3A_82] : memref<5312512xi32, #tpu.memory_space<hbm>> -> memref<2048xi32, #tpu.memory_space<hbm>>
        tpu.wait_dma2 semaphore(%run_scoped3A : memref<!tpu.dma_semaphore, #tpu.memory_space<semaphore_mem>>) src(%dma_wait3A_101 : memref<2048xi32, #tpu.memory_space<hbm>>) dst(%arg9 : memref<2048xi32, #tpu.memory_space<vmem>>)
        tpu.yield
      }) : () -> ()
      %mul3A_83 = arith.constant 16 : i32
      %mul3A_84 = arith.muli %while3A_75, %mul3A_83 : i32
      %sub3A_85 = arith.subi %select_n3A, %mul3A_84 : i32
      %min3A = arith.constant 16 : i32
      %min3A_86 = arith.minsi %sub3A_85, %min3A : i32
      %while3A_87 = arith.constant 0 : i32
      %while3A_88 = arith.constant 0 : i32
      %while3A_89 = arith.subi %min3A_86, %while3A_87 : i32
      %while3A_90 = arith.addi %while3A_87, %while3A_89 : i32
      %while3A_91 = arith.constant 1 : i32
      %while3A_92 = arith.divsi %while3A_89, %while3A_91 : i32
      %while3A_93 = arith.muli %while3A_92, %while3A_91 : i32
      %while3A_94 = arith.addi %while3A_87, %while3A_93 : i32
      %while3A_95 = arith.constant 1 : i32
      %while3A_96 = scf.for %while3A_100 = %while3A_87 to %while3A_94 step %while3A_95 iter_args(%while3A_101 = %while3A_88) -> (i32)  : i32 {
        %mul3A_102 = arith.constant 128 : i32
        %mul3A_103 = arith.muli %while3A_100, %mul3A_102 : i32
        %dma_start3A = tpu.memref_slice %arg8[%mul3A_103] : memref<2048xi32, #tpu.memory_space<vmem>> -> memref<128xi32, #tpu.memory_space<vmem>>
        %dma_start3A_104 = arith.constant 0 : i32
        %dma_start3A_105 = arith.constant 0 : i32
        %dma_start3A_106 = tpu.memref_slice %arg2[%dma_start3A_104, %dma_start3A_105] : memref<160000x256xf32, #tpu.memory_space<hbm>> -> memref<160000x256xf32, #tpu.memory_space<hbm>>
        tpu.enqueue_indirect_dma source(%dma_start3A_106 : memref<160000x256xf32, #tpu.memory_space<hbm>>) target(%arg11 : memref<128x256xf32, #tpu.memory_space<vmem>>) offsets(%dma_start3A : memref<128xi32, #tpu.memory_space<vmem>>) semaphore(%arg12 : memref<!tpu.dma_semaphore, #tpu.memory_space<semaphore_mem>>)
        %dma_wait3A = tpu.memref_slice %arg8[%mul3A_103] : memref<2048xi32, #tpu.memory_space<vmem>> -> memref<128xi32, #tpu.memory_space<vmem>>
        %dma_wait3A_107 = arith.constant 0 : i32
        %dma_wait3A_108 = arith.constant 0 : i32
        %dma_wait3A_109 = tpu.memref_slice %arg2[%dma_wait3A_107, %dma_wait3A_108] : memref<160000x256xf32, #tpu.memory_space<hbm>> -> memref<160000x256xf32, #tpu.memory_space<hbm>>
        tpu.wait_indirect_dma semaphore(%arg12 : memref<!tpu.dma_semaphore, #tpu.memory_space<semaphore_mem>>) src(%dma_wait3A_109 : memref<160000x256xf32, #tpu.memory_space<hbm>>) dst(%arg11 : memref<128x256xf32, #tpu.memory_space<vmem>>)
        %scan3A_110 = arith.constant 0 : i32
        %scan3A_111 = arith.constant 0 : i32
        %scan3A_112 = arith.constant 8 : i32
        %scan3A_113 = arith.addi %scan3A_111, %scan3A_112 : i32
        %scan3A_114 = arith.constant 1 : i32
        %scan3A_115 = scf.for %scan3A_118 = %scan3A_111 to %scan3A_113 step %scan3A_114 iter_args(%scan3A_119 = %scan3A_110) -> (i32)  : i32 {
          %mul3A_120 = arith.constant 128 : i32
          %mul3A_121 = arith.muli %while3A_100, %mul3A_120 : i32
          %mul3A_122 = arith.constant 16 : i32
          %mul3A_123 = arith.muli %scan3A_118, %mul3A_122 : i32
          %add3A_124 = arith.addi %mul3A_121, %mul3A_123 : i32
          %get3A_125 = arith.index_cast %add3A_124 : i32 to index
          %get3A_126 = tpu.vector_load %arg9[%get3A_125] {strides = array<i32>} : memref<2048xi32, #tpu.memory_space<vmem>>, vector<16xi32>,
          %mul3A_127 = arith.constant 16 : i32
          %mul3A_128 = arith.muli %scan3A_118, %mul3A_127 : i32
          %add3A_129 = vector.broadcast %mul3A_128 : i32 to vector<16xi32>
          %add3A_130 = arith.addi %add3A_129, %iota3A : vector<16xi32>
          %parallel_loop3A = arith.constant 0 : i32
          %parallel_loop3A_131 = arith.constant 256 : i32
          %parallel_loop3A_132 = arith.constant 1 : i32
          scf.for %parallel_loop3A_134 = %parallel_loop3A to %parallel_loop3A_131 step %parallel_loop3A_132  : i32 {
            %parallel_loop3A_135 = vector.broadcast %parallel_loop3A_134 : i32 to vector<16xi32>
            %parallel_loop3A_136 = arith.addi %parallel_loop3A_135, %iota3A : vector<16xi32>
            %parallel_loop3A_137 = arith.constant 255 : i32
            %parallel_loop3A_138 = vector.broadcast %parallel_loop3A_137 : i32 to vector<16xi32>
            %parallel_loop3A_139 = arith.andi %parallel_loop3A_136, %parallel_loop3A_138 : vector<16xi32>
            %parallel_loop3A_140 = tpu.vector_load_idx %arg11[%add3A_130, %parallel_loop3A_139] : memref<128x256xf32, #tpu.memory_space<vmem>>[vector<16xi32>, vector<16xi32>], vector<16xf32>,
            tpu.vector_store_idx %arg7[%get3A_126, %parallel_loop3A_139], %parallel_loop3A_140 {add = true} : memref<328x256xf32, #tpu.memory_space<vmem>>[vector<16xi32>, vector<16xi32>], vector<16xf32>,
          } {sc.loop_unroll_factor = 4 : i64, sc.parallel_access}
          %scan3A_133 = arith.constant 0 : i32
          scf.yield %scan3A_133 : i32
        }
        %scan3A_116 = arith.constant 8 : i32
        %while3A_117 = arith.constant 0 : i32
        scf.yield %while3A_117 : i32
      }
      %while3A_97 = arith.constant 1 : i32
      %while3A_98 = scf.for %while3A_100 = %while3A_94 to %while3A_90 step %while3A_97 iter_args(%while3A_101 = %while3A_96) -> (i32)  : i32 {
        %mul3A_102 = arith.constant 128 : i32
        %mul3A_103 = arith.muli %while3A_100, %mul3A_102 : i32
        %dma_start3A = tpu.memref_slice %arg8[%mul3A_103] : memref<2048xi32, #tpu.memory_space<vmem>> -> memref<128xi32, #tpu.memory_space<vmem>>
        %dma_start3A_104 = arith.constant 0 : i32
        %dma_start3A_105 = arith.constant 0 : i32
        %dma_start3A_106 = tpu.memref_slice %arg2[%dma_start3A_104, %dma_start3A_105] : memref<160000x256xf32, #tpu.memory_space<hbm>> -> memref<160000x256xf32, #tpu.memory_space<hbm>>
        tpu.enqueue_indirect_dma source(%dma_start3A_106 : memref<160000x256xf32, #tpu.memory_space<hbm>>) target(%arg11 : memref<128x256xf32, #tpu.memory_space<vmem>>) offsets(%dma_start3A : memref<128xi32, #tpu.memory_space<vmem>>) semaphore(%arg12 : memref<!tpu.dma_semaphore, #tpu.memory_space<semaphore_mem>>)
        %dma_wait3A = tpu.memref_slice %arg8[%mul3A_103] : memref<2048xi32, #tpu.memory_space<vmem>> -> memref<128xi32, #tpu.memory_space<vmem>>
        %dma_wait3A_107 = arith.constant 0 : i32
        %dma_wait3A_108 = arith.constant 0 : i32
        %dma_wait3A_109 = tpu.memref_slice %arg2[%dma_wait3A_107, %dma_wait3A_108] : memref<160000x256xf32, #tpu.memory_space<hbm>> -> memref<160000x256xf32, #tpu.memory_space<hbm>>
        tpu.wait_indirect_dma semaphore(%arg12 : memref<!tpu.dma_semaphore, #tpu.memory_space<semaphore_mem>>) src(%dma_wait3A_109 : memref<160000x256xf32, #tpu.memory_space<hbm>>) dst(%arg11 : memref<128x256xf32, #tpu.memory_space<vmem>>)
        %scan3A_110 = arith.constant 0 : i32
        %scan3A_111 = arith.constant 0 : i32
        %scan3A_112 = arith.constant 8 : i32
        %scan3A_113 = arith.addi %scan3A_111, %scan3A_112 : i32
        %scan3A_114 = arith.constant 1 : i32
        %scan3A_115 = scf.for %scan3A_118 = %scan3A_111 to %scan3A_113 step %scan3A_114 iter_args(%scan3A_119 = %scan3A_110) -> (i32)  : i32 {
          %mul3A_120 = arith.constant 128 : i32
          %mul3A_121 = arith.muli %while3A_100, %mul3A_120 : i32
          %mul3A_122 = arith.constant 16 : i32
          %mul3A_123 = arith.muli %scan3A_118, %mul3A_122 : i32
          %add3A_124 = arith.addi %mul3A_121, %mul3A_123 : i32
          %get3A_125 = arith.index_cast %add3A_124 : i32 to index
          %get3A_126 = tpu.vector_load %arg9[%get3A_125] {strides = array<i32>} : memref<2048xi32, #tpu.memory_space<vmem>>, vector<16xi32>,
          %mul3A_127 = arith.constant 16 : i32
          %mul3A_128 = arith.muli %scan3A_118, %mul3A_127 : i32
          %add3A_129 = vector.broadcast %mul3A_128 : i32 to vector<16xi32>
          %add3A_130 = arith.addi %add3A_129, %iota3A : vector<16xi32>
          %parallel_loop3A = arith.constant 0 : i32
          %parallel_loop3A_131 = arith.constant 256 : i32
          %parallel_loop3A_132 = arith.constant 1 : i32
          scf.for %parallel_loop3A_134 = %parallel_loop3A to %parallel_loop3A_131 step %parallel_loop3A_132  : i32 {
            %parallel_loop3A_135 = vector.broadcast %parallel_loop3A_134 : i32 to vector<16xi32>
            %parallel_loop3A_136 = arith.addi %parallel_loop3A_135, %iota3A : vector<16xi32>
            %parallel_loop3A_137 = arith.constant 255 : i32
            %parallel_loop3A_138 = vector.broadcast %parallel_loop3A_137 : i32 to vector<16xi32>
            %parallel_loop3A_139 = arith.andi %parallel_loop3A_136, %parallel_loop3A_138 : vector<16xi32>
            %parallel_loop3A_140 = tpu.vector_load_idx %arg11[%add3A_130, %parallel_loop3A_139] : memref<128x256xf32, #tpu.memory_space<vmem>>[vector<16xi32>, vector<16xi32>], vector<16xf32>,
            tpu.vector_store_idx %arg7[%get3A_126, %parallel_loop3A_139], %parallel_loop3A_140 {add = true} : memref<328x256xf32, #tpu.memory_space<vmem>>[vector<16xi32>, vector<16xi32>], vector<16xf32>,
          } {sc.loop_unroll_factor = 4 : i64, sc.parallel_access}
          %scan3A_133 = arith.constant 0 : i32
          scf.yield %scan3A_133 : i32
        }
        %scan3A_116 = arith.constant 8 : i32
        %while3A_117 = arith.constant 0 : i32
        scf.yield %while3A_117 : i32
      }
      %while3A_99 = arith.constant 0 : i32
      scf.yield %while3A_99 : i32
    }
    %while3A_73 = arith.constant 1 : i32
    %while3A_74 = scf.for %while3A_75 = %while3A_70 to %while3A_66 step %while3A_73 iter_args(%while3A_76 = %while3A_72) -> (i32)  : i32 {
      %mul3A_77 = arith.constant 2048 : i32
      %mul3A_78 = arith.muli %while3A_75, %mul3A_77 : i32
      %add3A_79 = arith.addi %mul3A_5, %mul3A_78 : i32
      "tpu.region"() ({
        %run_scoped3A = tpu.sem_alloc : memref<!tpu.dma_semaphore, #tpu.memory_space<semaphore_mem>>
        %dma_start3A = tpu.memref_slice %arg3[%add3A_79] : memref<5312512xi32, #tpu.memory_space<hbm>> -> memref<2048xi32, #tpu.memory_space<hbm>>
        %dma_start3A_100 = tpu.memref_slice %arg3[%add3A_79] : memref<5312512xi32, #tpu.memory_space<hbm>> -> memref<2048xi32, #tpu.memory_space<hbm>>
        tpu.enqueue_dma source(%dma_start3A_100 : memref<2048xi32, #tpu.memory_space<hbm>>) target(%arg8 : memref<2048xi32, #tpu.memory_space<vmem>>) target_semaphore(%run_scoped3A : memref<!tpu.dma_semaphore, #tpu.memory_space<semaphore_mem>>)
        %dma_wait3A = tpu.memref_slice %arg3[%add3A_79] : memref<5312512xi32, #tpu.memory_space<hbm>> -> memref<2048xi32, #tpu.memory_space<hbm>>
        %dma_wait3A_101 = tpu.memref_slice %arg3[%add3A_79] : memref<5312512xi32, #tpu.memory_space<hbm>> -> memref<2048xi32, #tpu.memory_space<hbm>>
        tpu.wait_dma2 semaphore(%run_scoped3A : memref<!tpu.dma_semaphore, #tpu.memory_space<semaphore_mem>>) src(%dma_wait3A_101 : memref<2048xi32, #tpu.memory_space<hbm>>) dst(%arg8 : memref<2048xi32, #tpu.memory_space<vmem>>)
        tpu.yield
      }) : () -> ()
      %mul3A_80 = arith.constant 2048 : i32
      %mul3A_81 = arith.muli %while3A_75, %mul3A_80 : i32
      %add3A_82 = arith.addi %mul3A_5, %mul3A_81 : i32
      "tpu.region"() ({
        %run_scoped3A = tpu.sem_alloc : memref<!tpu.dma_semaphore, #tpu.memory_space<semaphore_mem>>
        %dma_start3A = tpu.memref_slice %arg4[%add3A_82] : memref<5312512xi32, #tpu.memory_space<hbm>> -> memref<2048xi32, #tpu.memory_space<hbm>>
        %dma_start3A_100 = tpu.memref_slice %arg4[%add3A_82] : memref<5312512xi32, #tpu.memory_space<hbm>> -> memref<2048xi32, #tpu.memory_space<hbm>>
        tpu.enqueue_dma source(%dma_start3A_100 : memref<2048xi32, #tpu.memory_space<hbm>>) target(%arg9 : memref<2048xi32, #tpu.memory_space<vmem>>) target_semaphore(%run_scoped3A : memref<!tpu.dma_semaphore, #tpu.memory_space<semaphore_mem>>)
        %dma_wait3A = tpu.memref_slice %arg4[%add3A_82] : memref<5312512xi32, #tpu.memory_space<hbm>> -> memref<2048xi32, #tpu.memory_space<hbm>>
        %dma_wait3A_101 = tpu.memref_slice %arg4[%add3A_82] : memref<5312512xi32, #tpu.memory_space<hbm>> -> memref<2048xi32, #tpu.memory_space<hbm>>
        tpu.wait_dma2 semaphore(%run_scoped3A : memref<!tpu.dma_semaphore, #tpu.memory_space<semaphore_mem>>) src(%dma_wait3A_101 : memref<2048xi32, #tpu.memory_space<hbm>>) dst(%arg9 : memref<2048xi32, #tpu.memory_space<vmem>>)
        tpu.yield
      }) : () -> ()
      %mul3A_83 = arith.constant 16 : i32
      %mul3A_84 = arith.muli %while3A_75, %mul3A_83 : i32
      %sub3A_85 = arith.subi %select_n3A, %mul3A_84 : i32
      %min3A = arith.constant 16 : i32
      %min3A_86 = arith.minsi %sub3A_85, %min3A : i32
      %while3A_87 = arith.constant 0 : i32
      %while3A_88 = arith.constant 0 : i32
      %while3A_89 = arith.subi %min3A_86, %while3A_87 : i32
      %while3A_90 = arith.addi %while3A_87, %while3A_89 : i32
      %while3A_91 = arith.constant 1 : i32
      %while3A_92 = arith.divsi %while3A_89, %while3A_91 : i32
      %while3A_93 = arith.muli %while3A_92, %while3A_91 : i32
      %while3A_94 = arith.addi %while3A_87, %while3A_93 : i32
      %while3A_95 = arith.constant 1 : i32
      %while3A_96 = scf.for %while3A_100 = %while3A_87 to %while3A_94 step %while3A_95 iter_args(%while3A_101 = %while3A_88) -> (i32)  : i32 {
        %mul3A_102 = arith.constant 128 : i32
        %mul3A_103 = arith.muli %while3A_100, %mul3A_102 : i32
        %dma_start3A = tpu.memref_slice %arg8[%mul3A_103] : memref<2048xi32, #tpu.memory_space<vmem>> -> memref<128xi32, #tpu.memory_space<vmem>>
        %dma_start3A_104 = arith.constant 0 : i32
        %dma_start3A_105 = arith.constant 0 : i32
        %dma_start3A_106 = tpu.memref_slice %arg2[%dma_start3A_104, %dma_start3A_105] : memref<160000x256xf32, #tpu.memory_space<hbm>> -> memref<160000x256xf32, #tpu.memory_space<hbm>>
        tpu.enqueue_indirect_dma source(%dma_start3A_106 : memref<160000x256xf32, #tpu.memory_space<hbm>>) target(%arg11 : memref<128x256xf32, #tpu.memory_space<vmem>>) offsets(%dma_start3A : memref<128xi32, #tpu.memory_space<vmem>>) semaphore(%arg12 : memref<!tpu.dma_semaphore, #tpu.memory_space<semaphore_mem>>)
        %dma_wait3A = tpu.memref_slice %arg8[%mul3A_103] : memref<2048xi32, #tpu.memory_space<vmem>> -> memref<128xi32, #tpu.memory_space<vmem>>
        %dma_wait3A_107 = arith.constant 0 : i32
        %dma_wait3A_108 = arith.constant 0 : i32
        %dma_wait3A_109 = tpu.memref_slice %arg2[%dma_wait3A_107, %dma_wait3A_108] : memref<160000x256xf32, #tpu.memory_space<hbm>> -> memref<160000x256xf32, #tpu.memory_space<hbm>>
        tpu.wait_indirect_dma semaphore(%arg12 : memref<!tpu.dma_semaphore, #tpu.memory_space<semaphore_mem>>) src(%dma_wait3A_109 : memref<160000x256xf32, #tpu.memory_space<hbm>>) dst(%arg11 : memref<128x256xf32, #tpu.memory_space<vmem>>)
        %scan3A_110 = arith.constant 0 : i32
        %scan3A_111 = arith.constant 0 : i32
        %scan3A_112 = arith.constant 8 : i32
        %scan3A_113 = arith.addi %scan3A_111, %scan3A_112 : i32
        %scan3A_114 = arith.constant 1 : i32
        %scan3A_115 = scf.for %scan3A_118 = %scan3A_111 to %scan3A_113 step %scan3A_114 iter_args(%scan3A_119 = %scan3A_110) -> (i32)  : i32 {
          %mul3A_120 = arith.constant 128 : i32
          %mul3A_121 = arith.muli %while3A_100, %mul3A_120 : i32
          %mul3A_122 = arith.constant 16 : i32
          %mul3A_123 = arith.muli %scan3A_118, %mul3A_122 : i32
          %add3A_124 = arith.addi %mul3A_121, %mul3A_123 : i32
          %get3A_125 = arith.index_cast %add3A_124 : i32 to index
          %get3A_126 = tpu.vector_load %arg9[%get3A_125] {strides = array<i32>} : memref<2048xi32, #tpu.memory_space<vmem>>, vector<16xi32>,
          %mul3A_127 = arith.constant 16 : i32
          %mul3A_128 = arith.muli %scan3A_118, %mul3A_127 : i32
          %add3A_129 = vector.broadcast %mul3A_128 : i32 to vector<16xi32>
          %add3A_130 = arith.addi %add3A_129, %iota3A : vector<16xi32>
          %parallel_loop3A = arith.constant 0 : i32
          %parallel_loop3A_131 = arith.constant 256 : i32
          %parallel_loop3A_132 = arith.constant 1 : i32
          scf.for %parallel_loop3A_134 = %parallel_loop3A to %parallel_loop3A_131 step %parallel_loop3A_132  : i32 {
            %parallel_loop3A_135 = vector.broadcast %parallel_loop3A_134 : i32 to vector<16xi32>
            %parallel_loop3A_136 = arith.addi %parallel_loop3A_135, %iota3A : vector<16xi32>
            %parallel_loop3A_137 = arith.constant 255 : i32
            %parallel_loop3A_138 = vector.broadcast %parallel_loop3A_137 : i32 to vector<16xi32>
            %parallel_loop3A_139 = arith.andi %parallel_loop3A_136, %parallel_loop3A_138 : vector<16xi32>
            %parallel_loop3A_140 = tpu.vector_load_idx %arg11[%add3A_130, %parallel_loop3A_139] : memref<128x256xf32, #tpu.memory_space<vmem>>[vector<16xi32>, vector<16xi32>], vector<16xf32>,
            tpu.vector_store_idx %arg7[%get3A_126, %parallel_loop3A_139], %parallel_loop3A_140 {add = true} : memref<328x256xf32, #tpu.memory_space<vmem>>[vector<16xi32>, vector<16xi32>], vector<16xf32>,
          } {sc.loop_unroll_factor = 4 : i64, sc.parallel_access}
          %scan3A_133 = arith.constant 0 : i32
          scf.yield %scan3A_133 : i32
        }
        %scan3A_116 = arith.constant 8 : i32
        %while3A_117 = arith.constant 0 : i32
        scf.yield %while3A_117 : i32
      }
      %while3A_97 = arith.constant 1 : i32
      %while3A_98 = scf.for %while3A_100 = %while3A_94 to %while3A_90 step %while3A_97 iter_args(%while3A_101 = %while3A_96) -> (i32)  : i32 {
        %mul3A_102 = arith.constant 128 : i32
        %mul3A_103 = arith.muli %while3A_100, %mul3A_102 : i32
        %dma_start3A = tpu.memref_slice %arg8[%mul3A_103] : memref<2048xi32, #tpu.memory_space<vmem>> -> memref<128xi32, #tpu.memory_space<vmem>>
        %dma_start3A_104 = arith.constant 0 : i32
        %dma_start3A_105 = arith.constant 0 : i32
        %dma_start3A_106 = tpu.memref_slice %arg2[%dma_start3A_104, %dma_start3A_105] : memref<160000x256xf32, #tpu.memory_space<hbm>> -> memref<160000x256xf32, #tpu.memory_space<hbm>>
        tpu.enqueue_indirect_dma source(%dma_start3A_106 : memref<160000x256xf32, #tpu.memory_space<hbm>>) target(%arg11 : memref<128x256xf32, #tpu.memory_space<vmem>>) offsets(%dma_start3A : memref<128xi32, #tpu.memory_space<vmem>>) semaphore(%arg12 : memref<!tpu.dma_semaphore, #tpu.memory_space<semaphore_mem>>)
        %dma_wait3A = tpu.memref_slice %arg8[%mul3A_103] : memref<2048xi32, #tpu.memory_space<vmem>> -> memref<128xi32, #tpu.memory_space<vmem>>
        %dma_wait3A_107 = arith.constant 0 : i32
        %dma_wait3A_108 = arith.constant 0 : i32
        %dma_wait3A_109 = tpu.memref_slice %arg2[%dma_wait3A_107, %dma_wait3A_108] : memref<160000x256xf32, #tpu.memory_space<hbm>> -> memref<160000x256xf32, #tpu.memory_space<hbm>>
        tpu.wait_indirect_dma semaphore(%arg12 : memref<!tpu.dma_semaphore, #tpu.memory_space<semaphore_mem>>) src(%dma_wait3A_109 : memref<160000x256xf32, #tpu.memory_space<hbm>>) dst(%arg11 : memref<128x256xf32, #tpu.memory_space<vmem>>)
        %scan3A_110 = arith.constant 0 : i32
        %scan3A_111 = arith.constant 0 : i32
        %scan3A_112 = arith.constant 8 : i32
        %scan3A_113 = arith.addi %scan3A_111, %scan3A_112 : i32
        %scan3A_114 = arith.constant 1 : i32
        %scan3A_115 = scf.for %scan3A_118 = %scan3A_111 to %scan3A_113 step %scan3A_114 iter_args(%scan3A_119 = %scan3A_110) -> (i32)  : i32 {
          %mul3A_120 = arith.constant 128 : i32
          %mul3A_121 = arith.muli %while3A_100, %mul3A_120 : i32
          %mul3A_122 = arith.constant 16 : i32
          %mul3A_123 = arith.muli %scan3A_118, %mul3A_122 : i32
          %add3A_124 = arith.addi %mul3A_121, %mul3A_123 : i32
          %get3A_125 = arith.index_cast %add3A_124 : i32 to index
          %get3A_126 = tpu.vector_load %arg9[%get3A_125] {strides = array<i32>} : memref<2048xi32, #tpu.memory_space<vmem>>, vector<16xi32>,
          %mul3A_127 = arith.constant 16 : i32
          %mul3A_128 = arith.muli %scan3A_118, %mul3A_127 : i32
          %add3A_129 = vector.broadcast %mul3A_128 : i32 to vector<16xi32>
          %add3A_130 = arith.addi %add3A_129, %iota3A : vector<16xi32>
          %parallel_loop3A = arith.constant 0 : i32
          %parallel_loop3A_131 = arith.constant 256 : i32
          %parallel_loop3A_132 = arith.constant 1 : i32
          scf.for %parallel_loop3A_134 = %parallel_loop3A to %parallel_loop3A_131 step %parallel_loop3A_132  : i32 {
            %parallel_loop3A_135 = vector.broadcast %parallel_loop3A_134 : i32 to vector<16xi32>
            %parallel_loop3A_136 = arith.addi %parallel_loop3A_135, %iota3A : vector<16xi32>
            %parallel_loop3A_137 = arith.constant 255 : i32
            %parallel_loop3A_138 = vector.broadcast %parallel_loop3A_137 : i32 to vector<16xi32>
            %parallel_loop3A_139 = arith.andi %parallel_loop3A_136, %parallel_loop3A_138 : vector<16xi32>
            %parallel_loop3A_140 = tpu.vector_load_idx %arg11[%add3A_130, %parallel_loop3A_139] : memref<128x256xf32, #tpu.memory_space<vmem>>[vector<16xi32>, vector<16xi32>], vector<16xf32>,
            tpu.vector_store_idx %arg7[%get3A_126, %parallel_loop3A_139], %parallel_loop3A_140 {add = true} : memref<328x256xf32, #tpu.memory_space<vmem>>[vector<16xi32>, vector<16xi32>], vector<16xf32>,
          } {sc.loop_unroll_factor = 4 : i64, sc.parallel_access}
          %scan3A_133 = arith.constant 0 : i32
          scf.yield %scan3A_133 : i32
        }
        %scan3A_116 = arith.constant 8 : i32
        %while3A_117 = arith.constant 0 : i32
        scf.yield %while3A_117 : i32
      }
      %while3A_99 = arith.constant 0 : i32
      scf.yield %while3A_99 : i32
    }
    "tpu.region"() ({
      %run_scoped3A = tpu.sem_alloc : memref<!tpu.dma_semaphore, #tpu.memory_space<semaphore_mem>>
      %dma_start3A = arith.constant 0 : i32
      %dma_start3A_75 = arith.constant 0 : i32
      %dma_start3A_76 = tpu.memref_slice %arg7[%dma_start3A, %dma_start3A_75] : memref<328x256xf32, #tpu.memory_space<vmem>> -> memref<320x256xf32, #tpu.memory_space<vmem>>
      %dma_start3A_77 = arith.constant 0 : i32
      %dma_start3A_78 = tpu.memref_slice %arg6[%mul3A_2, %dma_start3A_77] : memref<10240x256xf32, #tpu.memory_space<hbm>> -> memref<320x256xf32, #tpu.memory_space<hbm>>
      %dma_start3A_79 = arith.constant 0 : i32
      %dma_start3A_80 = tpu.memref_slice %arg6[%mul3A_2, %dma_start3A_79] : memref<10240x256xf32, #tpu.memory_space<hbm>> -> memref<320x256xf32, #tpu.memory_space<hbm>>
      %dma_start3A_81 = arith.constant 0 : i32
      %dma_start3A_82 = arith.constant 0 : i32
      %dma_start3A_83 = tpu.memref_slice %arg7[%dma_start3A_81, %dma_start3A_82] : memref<328x256xf32, #tpu.memory_space<vmem>> -> memref<320x256xf32, #tpu.memory_space<vmem>>
      tpu.enqueue_dma source(%dma_start3A_83 : memref<320x256xf32, #tpu.memory_space<vmem>>) target(%dma_start3A_80 : memref<320x256xf32, #tpu.memory_space<hbm>>) target_semaphore(%run_scoped3A : memref<!tpu.dma_semaphore, #tpu.memory_space<semaphore_mem>>)
      %dma_wait3A = arith.constant 0 : i32
      %dma_wait3A_84 = arith.constant 0 : i32
      %dma_wait3A_85 = tpu.memref_slice %arg7[%dma_wait3A, %dma_wait3A_84] : memref<328x256xf32, #tpu.memory_space<vmem>> -> memref<320x256xf32, #tpu.memory_space<vmem>>
      %dma_wait3A_86 = arith.constant 0 : i32
      %dma_wait3A_87 = tpu.memref_slice %arg6[%mul3A_2, %dma_wait3A_86] : memref<10240x256xf32, #tpu.memory_space<hbm>> -> memref<320x256xf32, #tpu.memory_space<hbm>>
      %dma_wait3A_88 = arith.constant 0 : i32
      %dma_wait3A_89 = tpu.memref_slice %arg6[%mul3A_2, %dma_wait3A_88] : memref<10240x256xf32, #tpu.memory_space<hbm>> -> memref<320x256xf32, #tpu.memory_space<hbm>>
      %dma_wait3A_90 = arith.constant 0 : i32
      %dma_wait3A_91 = arith.constant 0 : i32
      %dma_wait3A_92 = tpu.memref_slice %arg7[%dma_wait3A_90, %dma_wait3A_91] : memref<328x256xf32, #tpu.memory_space<vmem>> -> memref<320x256xf32, #tpu.memory_space<vmem>>
      tpu.wait_dma2 semaphore(%run_scoped3A : memref<!tpu.dma_semaphore, #tpu.memory_space<semaphore_mem>>) src(%dma_wait3A_92 : memref<320x256xf32, #tpu.memory_space<vmem>>) dst(%dma_wait3A_89 : memref<320x256xf32, #tpu.memory_space<hbm>>)
      tpu.yield
    }) : () -> ()
    return
  }
}

#map = affine_map<(d0, d1) -> (0, 0)>
#map1 = affine_map<(d0, d1) -> (0)>
module attributes {stable_mosaic.version = 14 : i64} {
  func.func @_gather2(%arg0: i32, %arg1: i32, %arg2: memref<10000x256xf32, #tpu.memory_space<hbm>>, %arg3: memref<10000x256xf32, #tpu.memory_space<hbm>>, %arg4: memref<160000xi32, #tpu.memory_space<hbm>>, %arg5: memref<160000xi32, #tpu.memory_space<hbm>>, %arg6: memref<160000x256xf32, #tpu.memory_space<hbm>>, %arg7: memref<160000x256xf32, #tpu.memory_space<hbm>>, %arg8: memref<5000xi32, #tpu.memory_space<vmem>>, %arg9: memref<5000xi32, #tpu.memory_space<vmem>>, %arg10: memref<64x256xf32, #tpu.memory_space<vmem>>, %arg11: memref<64x256xf32, #tpu.memory_space<vmem>>, %arg12: memref<64x256xf32, #tpu.memory_space<vmem>>, %arg13: memref<64x256xf32, #tpu.memory_space<vmem>>, %arg14: memref<64x256xf32, #tpu.memory_space<vmem>>, %arg15: memref<64x256xf32, #tpu.memory_space<vmem>>, %arg16: memref<!tpu.dma_semaphore, #tpu.memory_space<semaphore_mem>>, %arg17: memref<!tpu.dma_semaphore, #tpu.memory_space<semaphore_mem>>, %arg18: memref<!tpu.dma_semaphore, #tpu.memory_space<semaphore_mem>>, %arg19: memref<!tpu.dma_semaphore, #tpu.memory_space<semaphore_mem>>, %arg20: memref<!tpu.dma_semaphore, #tpu.memory_space<semaphore_mem>>, %arg21: memref<!tpu.dma_semaphore, #tpu.memory_space<semaphore_mem>>, %arg22: memref<!tpu.dma_semaphore, #tpu.memory_space<semaphore_mem>>, %arg23: memref<!tpu.dma_semaphore, #tpu.memory_space<semaphore_mem>>, %arg24: memref<!tpu.dma_semaphore, #tpu.memory_space<semaphore_mem>>, %arg25: memref<!tpu.dma_semaphore, #tpu.memory_space<semaphore_mem>>, %arg26: memref<!tpu.dma_semaphore, #tpu.memory_space<semaphore_mem>>, %arg27: memref<!tpu.dma_semaphore, #tpu.memory_space<semaphore_mem>>) attributes {dimension_semantics = [#tpu.dimension_semantics<core_parallel>, #tpu.dimension_semantics<subcore_parallel>], iteration_bounds = array<i64: 2, 16>, scalar_prefetch = 0 : i64, scratch_operands = 20 : i64, tpu.core_type = #tpu.core_type<sc_vector_subcore>, window_params = [{transform_indices = #map}, {transform_indices = #map}, {transform_indices = #map1}, {transform_indices = #map1}, {transform_indices = #map}, {transform_indices = #map}]} {
    %mul3A = arith.constant 2 : i32
    %mul3A_0 = arith.muli %arg1, %mul3A : i32
    %add3A = arith.addi %mul3A_0, %arg0 : i32
    %mul3A_1 = arith.constant 5000 : i32
    %mul3A_2 = arith.muli %add3A, %mul3A_1 : i32
    "tpu.region"() ({
      %run_scoped3A = tpu.sem_alloc : memref<!tpu.dma_semaphore, #tpu.memory_space<semaphore_mem>>
      %dma_start3A_85 = tpu.memref_slice %arg4[%mul3A_2] : memref<160000xi32, #tpu.memory_space<hbm>> -> memref<5000xi32, #tpu.memory_space<hbm>>
      %dma_start3A_86 = tpu.memref_slice %arg4[%mul3A_2] : memref<160000xi32, #tpu.memory_space<hbm>> -> memref<5000xi32, #tpu.memory_space<hbm>>
      tpu.enqueue_dma source(%dma_start3A_86 : memref<5000xi32, #tpu.memory_space<hbm>>) target(%arg8 : memref<5000xi32, #tpu.memory_space<vmem>>) target_semaphore(%run_scoped3A : memref<!tpu.dma_semaphore, #tpu.memory_space<semaphore_mem>>)
      %dma_wait3A_87 = tpu.memref_slice %arg4[%mul3A_2] : memref<160000xi32, #tpu.memory_space<hbm>> -> memref<5000xi32, #tpu.memory_space<hbm>>
      %dma_wait3A_88 = tpu.memref_slice %arg4[%mul3A_2] : memref<160000xi32, #tpu.memory_space<hbm>> -> memref<5000xi32, #tpu.memory_space<hbm>>
      tpu.wait_dma2 semaphore(%run_scoped3A : memref<!tpu.dma_semaphore, #tpu.memory_space<semaphore_mem>>) src(%dma_wait3A_88 : memref<5000xi32, #tpu.memory_space<hbm>>) dst(%arg8 : memref<5000xi32, #tpu.memory_space<vmem>>)
      tpu.yield
    }) : () -> ()
    "tpu.region"() ({
      %run_scoped3A = tpu.sem_alloc : memref<!tpu.dma_semaphore, #tpu.memory_space<semaphore_mem>>
      %dma_start3A_85 = tpu.memref_slice %arg5[%mul3A_2] : memref<160000xi32, #tpu.memory_space<hbm>> -> memref<5000xi32, #tpu.memory_space<hbm>>
      %dma_start3A_86 = tpu.memref_slice %arg5[%mul3A_2] : memref<160000xi32, #tpu.memory_space<hbm>> -> memref<5000xi32, #tpu.memory_space<hbm>>
      tpu.enqueue_dma source(%dma_start3A_86 : memref<5000xi32, #tpu.memory_space<hbm>>) target(%arg9 : memref<5000xi32, #tpu.memory_space<vmem>>) target_semaphore(%run_scoped3A : memref<!tpu.dma_semaphore, #tpu.memory_space<semaphore_mem>>)
      %dma_wait3A_87 = tpu.memref_slice %arg5[%mul3A_2] : memref<160000xi32, #tpu.memory_space<hbm>> -> memref<5000xi32, #tpu.memory_space<hbm>>
      %dma_wait3A_88 = tpu.memref_slice %arg5[%mul3A_2] : memref<160000xi32, #tpu.memory_space<hbm>> -> memref<5000xi32, #tpu.memory_space<hbm>>
      tpu.wait_dma2 semaphore(%run_scoped3A : memref<!tpu.dma_semaphore, #tpu.memory_space<semaphore_mem>>) src(%dma_wait3A_88 : memref<5000xi32, #tpu.memory_space<hbm>>) dst(%arg9 : memref<5000xi32, #tpu.memory_space<vmem>>)
      tpu.yield
    }) : () -> ()
    %dma_start3A = arith.constant 0 : i32
    %dma_start3A_3 = tpu.memref_slice %arg8[%dma_start3A] : memref<5000xi32, #tpu.memory_space<vmem>> -> memref<64xi32, #tpu.memory_space<vmem>>
    %dma_start3A_4 = arith.constant 0 : i32
    %dma_start3A_5 = arith.constant 0 : i32
    %dma_start3A_6 = tpu.memref_slice %arg2[%dma_start3A_4, %dma_start3A_5] : memref<10000x256xf32, #tpu.memory_space<hbm>> -> memref<10000x256xf32, #tpu.memory_space<hbm>>
    tpu.enqueue_indirect_dma source(%dma_start3A_6 : memref<10000x256xf32, #tpu.memory_space<hbm>>) target(%arg10 : memref<64x256xf32, #tpu.memory_space<vmem>>) offsets(%dma_start3A_3 : memref<64xi32, #tpu.memory_space<vmem>>) semaphore(%arg16 : memref<!tpu.dma_semaphore, #tpu.memory_space<semaphore_mem>>)
    %dma_start3A_7 = arith.constant 0 : i32
    %dma_start3A_8 = tpu.memref_slice %arg9[%dma_start3A_7] : memref<5000xi32, #tpu.memory_space<vmem>> -> memref<64xi32, #tpu.memory_space<vmem>>
    %dma_start3A_9 = arith.constant 0 : i32
    %dma_start3A_10 = arith.constant 0 : i32
    %dma_start3A_11 = tpu.memref_slice %arg3[%dma_start3A_9, %dma_start3A_10] : memref<10000x256xf32, #tpu.memory_space<hbm>> -> memref<10000x256xf32, #tpu.memory_space<hbm>>
    tpu.enqueue_indirect_dma source(%dma_start3A_11 : memref<10000x256xf32, #tpu.memory_space<hbm>>) target(%arg13 : memref<64x256xf32, #tpu.memory_space<vmem>>) offsets(%dma_start3A_8 : memref<64xi32, #tpu.memory_space<vmem>>) semaphore(%arg19 : memref<!tpu.dma_semaphore, #tpu.memory_space<semaphore_mem>>)
    %dma_start3A_12 = arith.constant 64 : i32
    %dma_start3A_13 = tpu.memref_slice %arg8[%dma_start3A_12] : memref<5000xi32, #tpu.memory_space<vmem>> -> memref<64xi32, #tpu.memory_space<vmem>>
    %dma_start3A_14 = arith.constant 0 : i32
    %dma_start3A_15 = arith.constant 0 : i32
    %dma_start3A_16 = tpu.memref_slice %arg2[%dma_start3A_14, %dma_start3A_15] : memref<10000x256xf32, #tpu.memory_space<hbm>> -> memref<10000x256xf32, #tpu.memory_space<hbm>>
    tpu.enqueue_indirect_dma source(%dma_start3A_16 : memref<10000x256xf32, #tpu.memory_space<hbm>>) target(%arg11 : memref<64x256xf32, #tpu.memory_space<vmem>>) offsets(%dma_start3A_13 : memref<64xi32, #tpu.memory_space<vmem>>) semaphore(%arg17 : memref<!tpu.dma_semaphore, #tpu.memory_space<semaphore_mem>>)
    %dma_start3A_17 = arith.constant 64 : i32
    %dma_start3A_18 = tpu.memref_slice %arg9[%dma_start3A_17] : memref<5000xi32, #tpu.memory_space<vmem>> -> memref<64xi32, #tpu.memory_space<vmem>>
    %dma_start3A_19 = arith.constant 0 : i32
    %dma_start3A_20 = arith.constant 0 : i32
    %dma_start3A_21 = tpu.memref_slice %arg3[%dma_start3A_19, %dma_start3A_20] : memref<10000x256xf32, #tpu.memory_space<hbm>> -> memref<10000x256xf32, #tpu.memory_space<hbm>>
    tpu.enqueue_indirect_dma source(%dma_start3A_21 : memref<10000x256xf32, #tpu.memory_space<hbm>>) target(%arg14 : memref<64x256xf32, #tpu.memory_space<vmem>>) offsets(%dma_start3A_18 : memref<64xi32, #tpu.memory_space<vmem>>) semaphore(%arg20 : memref<!tpu.dma_semaphore, #tpu.memory_space<semaphore_mem>>)
    %scan3A = arith.constant 0 : i32
    %scan3A_22 = arith.constant 78 : i32
    %scan3A_23 = arith.addi %scan3A, %scan3A_22 : i32
    %scan3A_24 = arith.constant 1 : i32
    scf.for %scan3A_85 = %scan3A to %scan3A_23 step %scan3A_24  : i32 {
      %mul3A_86 = arith.constant 1 : i32
      %mul3A_87 = arith.muli %scan3A_85, %mul3A_86 : i32
      %add3A_88 = arith.constant 0 : i32
      %add3A_89 = arith.addi %add3A_88, %mul3A_87 : i32
      %jit3A = arith.constant 3 : i32
      %eq3A = arith.constant 0 : i32
      %eq3A_90 = arith.cmpi eq, %jit3A, %eq3A : i32
      %jit3A_91 = arith.constant 1 : i32
      %select_n3A = arith.select %eq3A_90, %jit3A_91, %jit3A : i32
      %rem3A = arith.remsi %add3A_89, %select_n3A : i32
      %ne3A = arith.constant 0 : i32
      %ne3A_92 = arith.cmpi ne, %rem3A, %ne3A : i32
      %lt3A = arith.constant 0 : i32
      %lt3A_93 = arith.cmpi slt, %rem3A, %lt3A : i32
      %lt3A_94 = arith.constant 0 : i32
      %lt3A_95 = arith.cmpi slt, %select_n3A, %lt3A_94 : i32
      %ne3A_96 = arith.xori %lt3A_93, %lt3A_95 : i1
      %and3A = arith.andi %ne3A_96, %ne3A_92 : i1
      %add3A_97 = arith.addi %rem3A, %select_n3A : i32
      %select_n3A_98 = arith.select %and3A, %add3A_97, %rem3A : i32
      %eq3A_99 = arith.constant 0 : i32
      %eq3A_100 = arith.cmpi eq, %select_n3A_98, %eq3A_99 : i32
      %convert_element_type3A = arith.extui %eq3A_100 : i1 to i32
      %cond3A = arith.constant 0 : i32
      %cond3A_101 = arith.cmpi ne, %convert_element_type3A, %cond3A : i32
      scf.if %cond3A_101 {
        %dma_wait3A_151 = arith.constant 0 : i32
        %dma_wait3A_152 = tpu.memref_slice %arg8[%dma_wait3A_151] : memref<5000xi32, #tpu.memory_space<vmem>> -> memref<64xi32, #tpu.memory_space<vmem>>
        %dma_wait3A_153 = arith.constant 0 : i32
        %dma_wait3A_154 = arith.constant 0 : i32
        %dma_wait3A_155 = tpu.memref_slice %arg2[%dma_wait3A_153, %dma_wait3A_154] : memref<10000x256xf32, #tpu.memory_space<hbm>> -> memref<10000x256xf32, #tpu.memory_space<hbm>>
        tpu.wait_indirect_dma semaphore(%arg16 : memref<!tpu.dma_semaphore, #tpu.memory_space<semaphore_mem>>) src(%dma_wait3A_155 : memref<10000x256xf32, #tpu.memory_space<hbm>>) dst(%arg10 : memref<64x256xf32, #tpu.memory_space<vmem>>)
        %dma_wait3A_156 = arith.constant 0 : i32
        %dma_wait3A_157 = tpu.memref_slice %arg9[%dma_wait3A_156] : memref<5000xi32, #tpu.memory_space<vmem>> -> memref<64xi32, #tpu.memory_space<vmem>>
        %dma_wait3A_158 = arith.constant 0 : i32
        %dma_wait3A_159 = arith.constant 0 : i32
        %dma_wait3A_160 = tpu.memref_slice %arg3[%dma_wait3A_158, %dma_wait3A_159] : memref<10000x256xf32, #tpu.memory_space<hbm>> -> memref<10000x256xf32, #tpu.memory_space<hbm>>
        tpu.wait_indirect_dma semaphore(%arg19 : memref<!tpu.dma_semaphore, #tpu.memory_space<semaphore_mem>>) src(%dma_wait3A_160 : memref<10000x256xf32, #tpu.memory_space<hbm>>) dst(%arg13 : memref<64x256xf32, #tpu.memory_space<vmem>>)
        %mul3A_161 = arith.constant 64 : i32
        %mul3A_162 = arith.muli %add3A_89, %mul3A_161 : i32
        %add3A_163 = arith.addi %mul3A_2, %mul3A_162 : i32
        %dma_start3A_164 = arith.constant 0 : i32
        %dma_start3A_165 = tpu.memref_slice %arg6[%add3A_163, %dma_start3A_164] : memref<160000x256xf32, #tpu.memory_space<hbm>> -> memref<64x256xf32, #tpu.memory_space<hbm>>
        %dma_start3A_166 = arith.constant 0 : i32
        %dma_start3A_167 = tpu.memref_slice %arg6[%add3A_163, %dma_start3A_166] : memref<160000x256xf32, #tpu.memory_space<hbm>> -> memref<64x256xf32, #tpu.memory_space<hbm>>
        tpu.enqueue_dma source(%arg10 : memref<64x256xf32, #tpu.memory_space<vmem>>) target(%dma_start3A_167 : memref<64x256xf32, #tpu.memory_space<hbm>>) target_semaphore(%arg22 : memref<!tpu.dma_semaphore, #tpu.memory_space<semaphore_mem>>)
        %add3A_168 = arith.addi %mul3A_2, %mul3A_162 : i32
        %dma_start3A_169 = arith.constant 0 : i32
        %dma_start3A_170 = tpu.memref_slice %arg7[%add3A_168, %dma_start3A_169] : memref<160000x256xf32, #tpu.memory_space<hbm>> -> memref<64x256xf32, #tpu.memory_space<hbm>>
        %dma_start3A_171 = arith.constant 0 : i32
        %dma_start3A_172 = tpu.memref_slice %arg7[%add3A_168, %dma_start3A_171] : memref<160000x256xf32, #tpu.memory_space<hbm>> -> memref<64x256xf32, #tpu.memory_space<hbm>>
        tpu.enqueue_dma source(%arg13 : memref<64x256xf32, #tpu.memory_space<vmem>>) target(%dma_start3A_172 : memref<64x256xf32, #tpu.memory_space<hbm>>) target_semaphore(%arg25 : memref<!tpu.dma_semaphore, #tpu.memory_space<semaphore_mem>>)
      } else {
      }
      %jit3A_102 = arith.constant 3 : i32
      %eq3A_103 = arith.constant 0 : i32
      %eq3A_104 = arith.cmpi eq, %jit3A_102, %eq3A_103 : i32
      %jit3A_105 = arith.constant 1 : i32
      %select_n3A_106 = arith.select %eq3A_104, %jit3A_105, %jit3A_102 : i32
      %rem3A_107 = arith.remsi %add3A_89, %select_n3A_106 : i32
      %ne3A_108 = arith.constant 0 : i32
      %ne3A_109 = arith.cmpi ne, %rem3A_107, %ne3A_108 : i32
      %lt3A_110 = arith.constant 0 : i32
      %lt3A_111 = arith.cmpi slt, %rem3A_107, %lt3A_110 : i32
      %lt3A_112 = arith.constant 0 : i32
      %lt3A_113 = arith.cmpi slt, %select_n3A_106, %lt3A_112 : i32
      %ne3A_114 = arith.xori %lt3A_111, %lt3A_113 : i1
      %and3A_115 = arith.andi %ne3A_114, %ne3A_109 : i1
      %add3A_116 = arith.addi %rem3A_107, %select_n3A_106 : i32
      %select_n3A_117 = arith.select %and3A_115, %add3A_116, %rem3A_107 : i32
      %eq3A_118 = arith.constant 1 : i32
      %eq3A_119 = arith.cmpi eq, %select_n3A_117, %eq3A_118 : i32
      %convert_element_type3A_120 = arith.extui %eq3A_119 : i1 to i32
      %cond3A_121 = arith.constant 0 : i32
      %cond3A_122 = arith.cmpi ne, %convert_element_type3A_120, %cond3A_121 : i32
      scf.if %cond3A_122 {
        %dma_wait3A_151 = arith.constant 0 : i32
        %dma_wait3A_152 = tpu.memref_slice %arg8[%dma_wait3A_151] : memref<5000xi32, #tpu.memory_space<vmem>> -> memref<64xi32, #tpu.memory_space<vmem>>
        %dma_wait3A_153 = arith.constant 0 : i32
        %dma_wait3A_154 = arith.constant 0 : i32
        %dma_wait3A_155 = tpu.memref_slice %arg2[%dma_wait3A_153, %dma_wait3A_154] : memref<10000x256xf32, #tpu.memory_space<hbm>> -> memref<10000x256xf32, #tpu.memory_space<hbm>>
        tpu.wait_indirect_dma semaphore(%arg17 : memref<!tpu.dma_semaphore, #tpu.memory_space<semaphore_mem>>) src(%dma_wait3A_155 : memref<10000x256xf32, #tpu.memory_space<hbm>>) dst(%arg11 : memref<64x256xf32, #tpu.memory_space<vmem>>)
        %dma_wait3A_156 = arith.constant 0 : i32
        %dma_wait3A_157 = tpu.memref_slice %arg9[%dma_wait3A_156] : memref<5000xi32, #tpu.memory_space<vmem>> -> memref<64xi32, #tpu.memory_space<vmem>>
        %dma_wait3A_158 = arith.constant 0 : i32
        %dma_wait3A_159 = arith.constant 0 : i32
        %dma_wait3A_160 = tpu.memref_slice %arg3[%dma_wait3A_158, %dma_wait3A_159] : memref<10000x256xf32, #tpu.memory_space<hbm>> -> memref<10000x256xf32, #tpu.memory_space<hbm>>
        tpu.wait_indirect_dma semaphore(%arg20 : memref<!tpu.dma_semaphore, #tpu.memory_space<semaphore_mem>>) src(%dma_wait3A_160 : memref<10000x256xf32, #tpu.memory_space<hbm>>) dst(%arg14 : memref<64x256xf32, #tpu.memory_space<vmem>>)
        %mul3A_161 = arith.constant 64 : i32
        %mul3A_162 = arith.muli %add3A_89, %mul3A_161 : i32
        %add3A_163 = arith.addi %mul3A_2, %mul3A_162 : i32
        %dma_start3A_164 = arith.constant 0 : i32
        %dma_start3A_165 = tpu.memref_slice %arg6[%add3A_163, %dma_start3A_164] : memref<160000x256xf32, #tpu.memory_space<hbm>> -> memref<64x256xf32, #tpu.memory_space<hbm>>
        %dma_start3A_166 = arith.constant 0 : i32
        %dma_start3A_167 = tpu.memref_slice %arg6[%add3A_163, %dma_start3A_166] : memref<160000x256xf32, #tpu.memory_space<hbm>> -> memref<64x256xf32, #tpu.memory_space<hbm>>
        tpu.enqueue_dma source(%arg11 : memref<64x256xf32, #tpu.memory_space<vmem>>) target(%dma_start3A_167 : memref<64x256xf32, #tpu.memory_space<hbm>>) target_semaphore(%arg23 : memref<!tpu.dma_semaphore, #tpu.memory_space<semaphore_mem>>)
        %add3A_168 = arith.addi %mul3A_2, %mul3A_162 : i32
        %dma_start3A_169 = arith.constant 0 : i32
        %dma_start3A_170 = tpu.memref_slice %arg7[%add3A_168, %dma_start3A_169] : memref<160000x256xf32, #tpu.memory_space<hbm>> -> memref<64x256xf32, #tpu.memory_space<hbm>>
        %dma_start3A_171 = arith.constant 0 : i32
        %dma_start3A_172 = tpu.memref_slice %arg7[%add3A_168, %dma_start3A_171] : memref<160000x256xf32, #tpu.memory_space<hbm>> -> memref<64x256xf32, #tpu.memory_space<hbm>>
        tpu.enqueue_dma source(%arg14 : memref<64x256xf32, #tpu.memory_space<vmem>>) target(%dma_start3A_172 : memref<64x256xf32, #tpu.memory_space<hbm>>) target_semaphore(%arg26 : memref<!tpu.dma_semaphore, #tpu.memory_space<semaphore_mem>>)
      } else {
      }
      %jit3A_123 = arith.constant 3 : i32
      %eq3A_124 = arith.constant 0 : i32
      %eq3A_125 = arith.cmpi eq, %jit3A_123, %eq3A_124 : i32
      %jit3A_126 = arith.constant 1 : i32
      %select_n3A_127 = arith.select %eq3A_125, %jit3A_126, %jit3A_123 : i32
      %rem3A_128 = arith.remsi %add3A_89, %select_n3A_127 : i32
      %ne3A_129 = arith.constant 0 : i32
      %ne3A_130 = arith.cmpi ne, %rem3A_128, %ne3A_129 : i32
      %lt3A_131 = arith.constant 0 : i32
      %lt3A_132 = arith.cmpi slt, %rem3A_128, %lt3A_131 : i32
      %lt3A_133 = arith.constant 0 : i32
      %lt3A_134 = arith.cmpi slt, %select_n3A_127, %lt3A_133 : i32
      %ne3A_135 = arith.xori %lt3A_132, %lt3A_134 : i1
      %and3A_136 = arith.andi %ne3A_135, %ne3A_130 : i1
      %add3A_137 = arith.addi %rem3A_128, %select_n3A_127 : i32
      %select_n3A_138 = arith.select %and3A_136, %add3A_137, %rem3A_128 : i32
      %eq3A_139 = arith.constant 2 : i32
      %eq3A_140 = arith.cmpi eq, %select_n3A_138, %eq3A_139 : i32
      %convert_element_type3A_141 = arith.extui %eq3A_140 : i1 to i32
      %cond3A_142 = arith.constant 0 : i32
      %cond3A_143 = arith.cmpi ne, %convert_element_type3A_141, %cond3A_142 : i32
      scf.if %cond3A_143 {
        %dma_wait3A_151 = arith.constant 0 : i32
        %dma_wait3A_152 = tpu.memref_slice %arg8[%dma_wait3A_151] : memref<5000xi32, #tpu.memory_space<vmem>> -> memref<64xi32, #tpu.memory_space<vmem>>
        %dma_wait3A_153 = arith.constant 0 : i32
        %dma_wait3A_154 = arith.constant 0 : i32
        %dma_wait3A_155 = tpu.memref_slice %arg2[%dma_wait3A_153, %dma_wait3A_154] : memref<10000x256xf32, #tpu.memory_space<hbm>> -> memref<10000x256xf32, #tpu.memory_space<hbm>>
        tpu.wait_indirect_dma semaphore(%arg18 : memref<!tpu.dma_semaphore, #tpu.memory_space<semaphore_mem>>) src(%dma_wait3A_155 : memref<10000x256xf32, #tpu.memory_space<hbm>>) dst(%arg12 : memref<64x256xf32, #tpu.memory_space<vmem>>)
        %dma_wait3A_156 = arith.constant 0 : i32
        %dma_wait3A_157 = tpu.memref_slice %arg9[%dma_wait3A_156] : memref<5000xi32, #tpu.memory_space<vmem>> -> memref<64xi32, #tpu.memory_space<vmem>>
        %dma_wait3A_158 = arith.constant 0 : i32
        %dma_wait3A_159 = arith.constant 0 : i32
        %dma_wait3A_160 = tpu.memref_slice %arg3[%dma_wait3A_158, %dma_wait3A_159] : memref<10000x256xf32, #tpu.memory_space<hbm>> -> memref<10000x256xf32, #tpu.memory_space<hbm>>
        tpu.wait_indirect_dma semaphore(%arg21 : memref<!tpu.dma_semaphore, #tpu.memory_space<semaphore_mem>>) src(%dma_wait3A_160 : memref<10000x256xf32, #tpu.memory_space<hbm>>) dst(%arg15 : memref<64x256xf32, #tpu.memory_space<vmem>>)
        %mul3A_161 = arith.constant 64 : i32
        %mul3A_162 = arith.muli %add3A_89, %mul3A_161 : i32
        %add3A_163 = arith.addi %mul3A_2, %mul3A_162 : i32
        %dma_start3A_164 = arith.constant 0 : i32
        %dma_start3A_165 = tpu.memref_slice %arg6[%add3A_163, %dma_start3A_164] : memref<160000x256xf32, #tpu.memory_space<hbm>> -> memref<64x256xf32, #tpu.memory_space<hbm>>
        %dma_start3A_166 = arith.constant 0 : i32
        %dma_start3A_167 = tpu.memref_slice %arg6[%add3A_163, %dma_start3A_166] : memref<160000x256xf32, #tpu.memory_space<hbm>> -> memref<64x256xf32, #tpu.memory_space<hbm>>
        tpu.enqueue_dma source(%arg12 : memref<64x256xf32, #tpu.memory_space<vmem>>) target(%dma_start3A_167 : memref<64x256xf32, #tpu.memory_space<hbm>>) target_semaphore(%arg24 : memref<!tpu.dma_semaphore, #tpu.memory_space<semaphore_mem>>)
        %add3A_168 = arith.addi %mul3A_2, %mul3A_162 : i32
        %dma_start3A_169 = arith.constant 0 : i32
        %dma_start3A_170 = tpu.memref_slice %arg7[%add3A_168, %dma_start3A_169] : memref<160000x256xf32, #tpu.memory_space<hbm>> -> memref<64x256xf32, #tpu.memory_space<hbm>>
        %dma_start3A_171 = arith.constant 0 : i32
        %dma_start3A_172 = tpu.memref_slice %arg7[%add3A_168, %dma_start3A_171] : memref<160000x256xf32, #tpu.memory_space<hbm>> -> memref<64x256xf32, #tpu.memory_space<hbm>>
        tpu.enqueue_dma source(%arg15 : memref<64x256xf32, #tpu.memory_space<vmem>>) target(%dma_start3A_172 : memref<64x256xf32, #tpu.memory_space<hbm>>) target_semaphore(%arg27 : memref<!tpu.dma_semaphore, #tpu.memory_space<semaphore_mem>>)
      } else {
      }
      %add3A_144 = arith.constant 2 : i32
      %add3A_145 = arith.addi %add3A_89, %add3A_144 : i32
      %lt3A_146 = arith.constant 78 : i32
      %lt3A_147 = arith.cmpi slt, %add3A_145, %lt3A_146 : i32
      %convert_element_type3A_148 = arith.extui %lt3A_147 : i1 to i32
      %cond3A_149 = arith.constant 0 : i32
      %cond3A_150 = arith.cmpi ne, %convert_element_type3A_148, %cond3A_149 : i32
      scf.if %cond3A_150 {
        %add3A_151 = arith.constant 2 : i32
        %add3A_152 = arith.addi %add3A_89, %add3A_151 : i32
        %jit3A_153 = arith.constant 3 : i32
        %eq3A_154 = arith.constant 0 : i32
        %eq3A_155 = arith.cmpi eq, %jit3A_153, %eq3A_154 : i32
        %jit3A_156 = arith.constant 1 : i32
        %select_n3A_157 = arith.select %eq3A_155, %jit3A_156, %jit3A_153 : i32
        %rem3A_158 = arith.remsi %add3A_152, %select_n3A_157 : i32
        %ne3A_159 = arith.constant 0 : i32
        %ne3A_160 = arith.cmpi ne, %rem3A_158, %ne3A_159 : i32
        %lt3A_161 = arith.constant 0 : i32
        %lt3A_162 = arith.cmpi slt, %rem3A_158, %lt3A_161 : i32
        %lt3A_163 = arith.constant 0 : i32
        %lt3A_164 = arith.cmpi slt, %select_n3A_157, %lt3A_163 : i32
        %ne3A_165 = arith.xori %lt3A_162, %lt3A_164 : i1
        %and3A_166 = arith.andi %ne3A_165, %ne3A_160 : i1
        %add3A_167 = arith.addi %rem3A_158, %select_n3A_157 : i32
        %select_n3A_168 = arith.select %and3A_166, %add3A_167, %rem3A_158 : i32
        %eq3A_169 = arith.constant 0 : i32
        %eq3A_170 = arith.cmpi eq, %select_n3A_168, %eq3A_169 : i32
        %convert_element_type3A_171 = arith.extui %eq3A_170 : i1 to i32
        %cond3A_172 = arith.constant 0 : i32
        %cond3A_173 = arith.cmpi ne, %convert_element_type3A_171, %cond3A_172 : i32
        scf.if %cond3A_173 {
          %ge3A = arith.constant 1 : i32
          %ge3A_220 = arith.cmpi sge, %add3A_89, %ge3A : i32
          %convert_element_type3A_221 = arith.extui %ge3A_220 : i1 to i32
          %cond3A_222 = arith.constant 0 : i32
          %cond3A_223 = arith.cmpi ne, %convert_element_type3A_221, %cond3A_222 : i32
          scf.if %cond3A_223 {
            %dma_wait3A_236 = arith.constant 0 : i32
            %dma_wait3A_237 = tpu.memref_slice %arg6[%mul3A_2, %dma_wait3A_236] : memref<160000x256xf32, #tpu.memory_space<hbm>> -> memref<64x256xf32, #tpu.memory_space<hbm>>
            %dma_wait3A_238 = arith.constant 0 : i32
            %dma_wait3A_239 = tpu.memref_slice %arg6[%mul3A_2, %dma_wait3A_238] : memref<160000x256xf32, #tpu.memory_space<hbm>> -> memref<64x256xf32, #tpu.memory_space<hbm>>
            tpu.wait_dma2 semaphore(%arg22 : memref<!tpu.dma_semaphore, #tpu.memory_space<semaphore_mem>>) src(%arg10 : memref<64x256xf32, #tpu.memory_space<vmem>>) dst(%dma_wait3A_239 : memref<64x256xf32, #tpu.memory_space<hbm>>)
            %dma_wait3A_240 = arith.constant 0 : i32
            %dma_wait3A_241 = tpu.memref_slice %arg7[%mul3A_2, %dma_wait3A_240] : memref<160000x256xf32, #tpu.memory_space<hbm>> -> memref<64x256xf32, #tpu.memory_space<hbm>>
            %dma_wait3A_242 = arith.constant 0 : i32
            %dma_wait3A_243 = tpu.memref_slice %arg7[%mul3A_2, %dma_wait3A_242] : memref<160000x256xf32, #tpu.memory_space<hbm>> -> memref<64x256xf32, #tpu.memory_space<hbm>>
            tpu.wait_dma2 semaphore(%arg25 : memref<!tpu.dma_semaphore, #tpu.memory_space<semaphore_mem>>) src(%arg13 : memref<64x256xf32, #tpu.memory_space<vmem>>) dst(%dma_wait3A_243 : memref<64x256xf32, #tpu.memory_space<hbm>>)
          } else {
          }
          %add3A_224 = arith.constant 2 : i32
          %add3A_225 = arith.addi %add3A_89, %add3A_224 : i32
          %mul3A_226 = arith.constant 64 : i32
          %mul3A_227 = arith.muli %add3A_225, %mul3A_226 : i32
          %dma_start3A_228 = tpu.memref_slice %arg8[%mul3A_227] : memref<5000xi32, #tpu.memory_space<vmem>> -> memref<64xi32, #tpu.memory_space<vmem>>
          %dma_start3A_229 = arith.constant 0 : i32
          %dma_start3A_230 = arith.constant 0 : i32
          %dma_start3A_231 = tpu.memref_slice %arg2[%dma_start3A_229, %dma_start3A_230] : memref<10000x256xf32, #tpu.memory_space<hbm>> -> memref<10000x256xf32, #tpu.memory_space<hbm>>
          tpu.enqueue_indirect_dma source(%dma_start3A_231 : memref<10000x256xf32, #tpu.memory_space<hbm>>) target(%arg10 : memref<64x256xf32, #tpu.memory_space<vmem>>) offsets(%dma_start3A_228 : memref<64xi32, #tpu.memory_space<vmem>>) semaphore(%arg16 : memref<!tpu.dma_semaphore, #tpu.memory_space<semaphore_mem>>)
          %dma_start3A_232 = tpu.memref_slice %arg9[%mul3A_227] : memref<5000xi32, #tpu.memory_space<vmem>> -> memref<64xi32, #tpu.memory_space<vmem>>
          %dma_start3A_233 = arith.constant 0 : i32
          %dma_start3A_234 = arith.constant 0 : i32
          %dma_start3A_235 = tpu.memref_slice %arg3[%dma_start3A_233, %dma_start3A_234] : memref<10000x256xf32, #tpu.memory_space<hbm>> -> memref<10000x256xf32, #tpu.memory_space<hbm>>
          tpu.enqueue_indirect_dma source(%dma_start3A_235 : memref<10000x256xf32, #tpu.memory_space<hbm>>) target(%arg13 : memref<64x256xf32, #tpu.memory_space<vmem>>) offsets(%dma_start3A_232 : memref<64xi32, #tpu.memory_space<vmem>>) semaphore(%arg19 : memref<!tpu.dma_semaphore, #tpu.memory_space<semaphore_mem>>)
        } else {
        }
        %add3A_174 = arith.constant 2 : i32
        %add3A_175 = arith.addi %add3A_89, %add3A_174 : i32
        %jit3A_176 = arith.constant 3 : i32
        %eq3A_177 = arith.constant 0 : i32
        %eq3A_178 = arith.cmpi eq, %jit3A_176, %eq3A_177 : i32
        %jit3A_179 = arith.constant 1 : i32
        %select_n3A_180 = arith.select %eq3A_178, %jit3A_179, %jit3A_176 : i32
        %rem3A_181 = arith.remsi %add3A_175, %select_n3A_180 : i32
        %ne3A_182 = arith.constant 0 : i32
        %ne3A_183 = arith.cmpi ne, %rem3A_181, %ne3A_182 : i32
        %lt3A_184 = arith.constant 0 : i32
        %lt3A_185 = arith.cmpi slt, %rem3A_181, %lt3A_184 : i32
        %lt3A_186 = arith.constant 0 : i32
        %lt3A_187 = arith.cmpi slt, %select_n3A_180, %lt3A_186 : i32
        %ne3A_188 = arith.xori %lt3A_185, %lt3A_187 : i1
        %and3A_189 = arith.andi %ne3A_188, %ne3A_183 : i1
        %add3A_190 = arith.addi %rem3A_181, %select_n3A_180 : i32
        %select_n3A_191 = arith.select %and3A_189, %add3A_190, %rem3A_181 : i32
        %eq3A_192 = arith.constant 1 : i32
        %eq3A_193 = arith.cmpi eq, %select_n3A_191, %eq3A_192 : i32
        %convert_element_type3A_194 = arith.extui %eq3A_193 : i1 to i32
        %cond3A_195 = arith.constant 0 : i32
        %cond3A_196 = arith.cmpi ne, %convert_element_type3A_194, %cond3A_195 : i32
        scf.if %cond3A_196 {
          %ge3A = arith.constant 1 : i32
          %ge3A_220 = arith.cmpi sge, %add3A_89, %ge3A : i32
          %convert_element_type3A_221 = arith.extui %ge3A_220 : i1 to i32
          %cond3A_222 = arith.constant 0 : i32
          %cond3A_223 = arith.cmpi ne, %convert_element_type3A_221, %cond3A_222 : i32
          scf.if %cond3A_223 {
            %dma_wait3A_236 = arith.constant 0 : i32
            %dma_wait3A_237 = tpu.memref_slice %arg6[%mul3A_2, %dma_wait3A_236] : memref<160000x256xf32, #tpu.memory_space<hbm>> -> memref<64x256xf32, #tpu.memory_space<hbm>>
            %dma_wait3A_238 = arith.constant 0 : i32
            %dma_wait3A_239 = tpu.memref_slice %arg6[%mul3A_2, %dma_wait3A_238] : memref<160000x256xf32, #tpu.memory_space<hbm>> -> memref<64x256xf32, #tpu.memory_space<hbm>>
            tpu.wait_dma2 semaphore(%arg23 : memref<!tpu.dma_semaphore, #tpu.memory_space<semaphore_mem>>) src(%arg11 : memref<64x256xf32, #tpu.memory_space<vmem>>) dst(%dma_wait3A_239 : memref<64x256xf32, #tpu.memory_space<hbm>>)
            %dma_wait3A_240 = arith.constant 0 : i32
            %dma_wait3A_241 = tpu.memref_slice %arg7[%mul3A_2, %dma_wait3A_240] : memref<160000x256xf32, #tpu.memory_space<hbm>> -> memref<64x256xf32, #tpu.memory_space<hbm>>
            %dma_wait3A_242 = arith.constant 0 : i32
            %dma_wait3A_243 = tpu.memref_slice %arg7[%mul3A_2, %dma_wait3A_242] : memref<160000x256xf32, #tpu.memory_space<hbm>> -> memref<64x256xf32, #tpu.memory_space<hbm>>
            tpu.wait_dma2 semaphore(%arg26 : memref<!tpu.dma_semaphore, #tpu.memory_space<semaphore_mem>>) src(%arg14 : memref<64x256xf32, #tpu.memory_space<vmem>>) dst(%dma_wait3A_243 : memref<64x256xf32, #tpu.memory_space<hbm>>)
          } else {
          }
          %add3A_224 = arith.constant 2 : i32
          %add3A_225 = arith.addi %add3A_89, %add3A_224 : i32
          %mul3A_226 = arith.constant 64 : i32
          %mul3A_227 = arith.muli %add3A_225, %mul3A_226 : i32
          %dma_start3A_228 = tpu.memref_slice %arg8[%mul3A_227] : memref<5000xi32, #tpu.memory_space<vmem>> -> memref<64xi32, #tpu.memory_space<vmem>>
          %dma_start3A_229 = arith.constant 0 : i32
          %dma_start3A_230 = arith.constant 0 : i32
          %dma_start3A_231 = tpu.memref_slice %arg2[%dma_start3A_229, %dma_start3A_230] : memref<10000x256xf32, #tpu.memory_space<hbm>> -> memref<10000x256xf32, #tpu.memory_space<hbm>>
          tpu.enqueue_indirect_dma source(%dma_start3A_231 : memref<10000x256xf32, #tpu.memory_space<hbm>>) target(%arg11 : memref<64x256xf32, #tpu.memory_space<vmem>>) offsets(%dma_start3A_228 : memref<64xi32, #tpu.memory_space<vmem>>) semaphore(%arg17 : memref<!tpu.dma_semaphore, #tpu.memory_space<semaphore_mem>>)
          %dma_start3A_232 = tpu.memref_slice %arg9[%mul3A_227] : memref<5000xi32, #tpu.memory_space<vmem>> -> memref<64xi32, #tpu.memory_space<vmem>>
          %dma_start3A_233 = arith.constant 0 : i32
          %dma_start3A_234 = arith.constant 0 : i32
          %dma_start3A_235 = tpu.memref_slice %arg3[%dma_start3A_233, %dma_start3A_234] : memref<10000x256xf32, #tpu.memory_space<hbm>> -> memref<10000x256xf32, #tpu.memory_space<hbm>>
          tpu.enqueue_indirect_dma source(%dma_start3A_235 : memref<10000x256xf32, #tpu.memory_space<hbm>>) target(%arg14 : memref<64x256xf32, #tpu.memory_space<vmem>>) offsets(%dma_start3A_232 : memref<64xi32, #tpu.memory_space<vmem>>) semaphore(%arg20 : memref<!tpu.dma_semaphore, #tpu.memory_space<semaphore_mem>>)
        } else {
        }
        %add3A_197 = arith.constant 2 : i32
        %add3A_198 = arith.addi %add3A_89, %add3A_197 : i32
        %jit3A_199 = arith.constant 3 : i32
        %eq3A_200 = arith.constant 0 : i32
        %eq3A_201 = arith.cmpi eq, %jit3A_199, %eq3A_200 : i32
        %jit3A_202 = arith.constant 1 : i32
        %select_n3A_203 = arith.select %eq3A_201, %jit3A_202, %jit3A_199 : i32
        %rem3A_204 = arith.remsi %add3A_198, %select_n3A_203 : i32
        %ne3A_205 = arith.constant 0 : i32
        %ne3A_206 = arith.cmpi ne, %rem3A_204, %ne3A_205 : i32
        %lt3A_207 = arith.constant 0 : i32
        %lt3A_208 = arith.cmpi slt, %rem3A_204, %lt3A_207 : i32
        %lt3A_209 = arith.constant 0 : i32
        %lt3A_210 = arith.cmpi slt, %select_n3A_203, %lt3A_209 : i32
        %ne3A_211 = arith.xori %lt3A_208, %lt3A_210 : i1
        %and3A_212 = arith.andi %ne3A_211, %ne3A_206 : i1
        %add3A_213 = arith.addi %rem3A_204, %select_n3A_203 : i32
        %select_n3A_214 = arith.select %and3A_212, %add3A_213, %rem3A_204 : i32
        %eq3A_215 = arith.constant 2 : i32
        %eq3A_216 = arith.cmpi eq, %select_n3A_214, %eq3A_215 : i32
        %convert_element_type3A_217 = arith.extui %eq3A_216 : i1 to i32
        %cond3A_218 = arith.constant 0 : i32
        %cond3A_219 = arith.cmpi ne, %convert_element_type3A_217, %cond3A_218 : i32
        scf.if %cond3A_219 {
          %ge3A = arith.constant 1 : i32
          %ge3A_220 = arith.cmpi sge, %add3A_89, %ge3A : i32
          %convert_element_type3A_221 = arith.extui %ge3A_220 : i1 to i32
          %cond3A_222 = arith.constant 0 : i32
          %cond3A_223 = arith.cmpi ne, %convert_element_type3A_221, %cond3A_222 : i32
          scf.if %cond3A_223 {
            %dma_wait3A_236 = arith.constant 0 : i32
            %dma_wait3A_237 = tpu.memref_slice %arg6[%mul3A_2, %dma_wait3A_236] : memref<160000x256xf32, #tpu.memory_space<hbm>> -> memref<64x256xf32, #tpu.memory_space<hbm>>
            %dma_wait3A_238 = arith.constant 0 : i32
            %dma_wait3A_239 = tpu.memref_slice %arg6[%mul3A_2, %dma_wait3A_238] : memref<160000x256xf32, #tpu.memory_space<hbm>> -> memref<64x256xf32, #tpu.memory_space<hbm>>
            tpu.wait_dma2 semaphore(%arg24 : memref<!tpu.dma_semaphore, #tpu.memory_space<semaphore_mem>>) src(%arg12 : memref<64x256xf32, #tpu.memory_space<vmem>>) dst(%dma_wait3A_239 : memref<64x256xf32, #tpu.memory_space<hbm>>)
            %dma_wait3A_240 = arith.constant 0 : i32
            %dma_wait3A_241 = tpu.memref_slice %arg7[%mul3A_2, %dma_wait3A_240] : memref<160000x256xf32, #tpu.memory_space<hbm>> -> memref<64x256xf32, #tpu.memory_space<hbm>>
            %dma_wait3A_242 = arith.constant 0 : i32
            %dma_wait3A_243 = tpu.memref_slice %arg7[%mul3A_2, %dma_wait3A_242] : memref<160000x256xf32, #tpu.memory_space<hbm>> -> memref<64x256xf32, #tpu.memory_space<hbm>>
            tpu.wait_dma2 semaphore(%arg27 : memref<!tpu.dma_semaphore, #tpu.memory_space<semaphore_mem>>) src(%arg15 : memref<64x256xf32, #tpu.memory_space<vmem>>) dst(%dma_wait3A_243 : memref<64x256xf32, #tpu.memory_space<hbm>>)
          } else {
          }
          %add3A_224 = arith.constant 2 : i32
          %add3A_225 = arith.addi %add3A_89, %add3A_224 : i32
          %mul3A_226 = arith.constant 64 : i32
          %mul3A_227 = arith.muli %add3A_225, %mul3A_226 : i32
          %dma_start3A_228 = tpu.memref_slice %arg8[%mul3A_227] : memref<5000xi32, #tpu.memory_space<vmem>> -> memref<64xi32, #tpu.memory_space<vmem>>
          %dma_start3A_229 = arith.constant 0 : i32
          %dma_start3A_230 = arith.constant 0 : i32
          %dma_start3A_231 = tpu.memref_slice %arg2[%dma_start3A_229, %dma_start3A_230] : memref<10000x256xf32, #tpu.memory_space<hbm>> -> memref<10000x256xf32, #tpu.memory_space<hbm>>
          tpu.enqueue_indirect_dma source(%dma_start3A_231 : memref<10000x256xf32, #tpu.memory_space<hbm>>) target(%arg12 : memref<64x256xf32, #tpu.memory_space<vmem>>) offsets(%dma_start3A_228 : memref<64xi32, #tpu.memory_space<vmem>>) semaphore(%arg18 : memref<!tpu.dma_semaphore, #tpu.memory_space<semaphore_mem>>)
          %dma_start3A_232 = tpu.memref_slice %arg9[%mul3A_227] : memref<5000xi32, #tpu.memory_space<vmem>> -> memref<64xi32, #tpu.memory_space<vmem>>
          %dma_start3A_233 = arith.constant 0 : i32
          %dma_start3A_234 = arith.constant 0 : i32
          %dma_start3A_235 = tpu.memref_slice %arg3[%dma_start3A_233, %dma_start3A_234] : memref<10000x256xf32, #tpu.memory_space<hbm>> -> memref<10000x256xf32, #tpu.memory_space<hbm>>
          tpu.enqueue_indirect_dma source(%dma_start3A_235 : memref<10000x256xf32, #tpu.memory_space<hbm>>) target(%arg15 : memref<64x256xf32, #tpu.memory_space<vmem>>) offsets(%dma_start3A_232 : memref<64xi32, #tpu.memory_space<vmem>>) semaphore(%arg21 : memref<!tpu.dma_semaphore, #tpu.memory_space<semaphore_mem>>)
        } else {
        }
      } else {
      }
    }
    %scan3A_25 = arith.constant 78 : i32
    %dma_wait3A = arith.constant 0 : i32
    %dma_wait3A_26 = tpu.memref_slice %arg6[%mul3A_2, %dma_wait3A] : memref<160000x256xf32, #tpu.memory_space<hbm>> -> memref<64x256xf32, #tpu.memory_space<hbm>>
    %dma_wait3A_27 = arith.constant 0 : i32
    %dma_wait3A_28 = tpu.memref_slice %arg6[%mul3A_2, %dma_wait3A_27] : memref<160000x256xf32, #tpu.memory_space<hbm>> -> memref<64x256xf32, #tpu.memory_space<hbm>>
    tpu.wait_dma2 semaphore(%arg22 : memref<!tpu.dma_semaphore, #tpu.memory_space<semaphore_mem>>) src(%arg10 : memref<64x256xf32, #tpu.memory_space<vmem>>) dst(%dma_wait3A_28 : memref<64x256xf32, #tpu.memory_space<hbm>>)
    %dma_wait3A_29 = arith.constant 0 : i32
    %dma_wait3A_30 = tpu.memref_slice %arg7[%mul3A_2, %dma_wait3A_29] : memref<160000x256xf32, #tpu.memory_space<hbm>> -> memref<64x256xf32, #tpu.memory_space<hbm>>
    %dma_wait3A_31 = arith.constant 0 : i32
    %dma_wait3A_32 = tpu.memref_slice %arg7[%mul3A_2, %dma_wait3A_31] : memref<160000x256xf32, #tpu.memory_space<hbm>> -> memref<64x256xf32, #tpu.memory_space<hbm>>
    tpu.wait_dma2 semaphore(%arg25 : memref<!tpu.dma_semaphore, #tpu.memory_space<semaphore_mem>>) src(%arg13 : memref<64x256xf32, #tpu.memory_space<vmem>>) dst(%dma_wait3A_32 : memref<64x256xf32, #tpu.memory_space<hbm>>)
    %dma_wait3A_33 = arith.constant 0 : i32
    %dma_wait3A_34 = tpu.memref_slice %arg6[%mul3A_2, %dma_wait3A_33] : memref<160000x256xf32, #tpu.memory_space<hbm>> -> memref<64x256xf32, #tpu.memory_space<hbm>>
    %dma_wait3A_35 = arith.constant 0 : i32
    %dma_wait3A_36 = tpu.memref_slice %arg6[%mul3A_2, %dma_wait3A_35] : memref<160000x256xf32, #tpu.memory_space<hbm>> -> memref<64x256xf32, #tpu.memory_space<hbm>>
    tpu.wait_dma2 semaphore(%arg23 : memref<!tpu.dma_semaphore, #tpu.memory_space<semaphore_mem>>) src(%arg11 : memref<64x256xf32, #tpu.memory_space<vmem>>) dst(%dma_wait3A_36 : memref<64x256xf32, #tpu.memory_space<hbm>>)
    %dma_wait3A_37 = arith.constant 0 : i32
    %dma_wait3A_38 = tpu.memref_slice %arg7[%mul3A_2, %dma_wait3A_37] : memref<160000x256xf32, #tpu.memory_space<hbm>> -> memref<64x256xf32, #tpu.memory_space<hbm>>
    %dma_wait3A_39 = arith.constant 0 : i32
    %dma_wait3A_40 = tpu.memref_slice %arg7[%mul3A_2, %dma_wait3A_39] : memref<160000x256xf32, #tpu.memory_space<hbm>> -> memref<64x256xf32, #tpu.memory_space<hbm>>
    tpu.wait_dma2 semaphore(%arg26 : memref<!tpu.dma_semaphore, #tpu.memory_space<semaphore_mem>>) src(%arg14 : memref<64x256xf32, #tpu.memory_space<vmem>>) dst(%dma_wait3A_40 : memref<64x256xf32, #tpu.memory_space<hbm>>)
    %dma_wait3A_41 = arith.constant 0 : i32
    %dma_wait3A_42 = tpu.memref_slice %arg6[%mul3A_2, %dma_wait3A_41] : memref<160000x256xf32, #tpu.memory_space<hbm>> -> memref<64x256xf32, #tpu.memory_space<hbm>>
    %dma_wait3A_43 = arith.constant 0 : i32
    %dma_wait3A_44 = tpu.memref_slice %arg6[%mul3A_2, %dma_wait3A_43] : memref<160000x256xf32, #tpu.memory_space<hbm>> -> memref<64x256xf32, #tpu.memory_space<hbm>>
    tpu.wait_dma2 semaphore(%arg24 : memref<!tpu.dma_semaphore, #tpu.memory_space<semaphore_mem>>) src(%arg12 : memref<64x256xf32, #tpu.memory_space<vmem>>) dst(%dma_wait3A_44 : memref<64x256xf32, #tpu.memory_space<hbm>>)
    %dma_wait3A_45 = arith.constant 0 : i32
    %dma_wait3A_46 = tpu.memref_slice %arg7[%mul3A_2, %dma_wait3A_45] : memref<160000x256xf32, #tpu.memory_space<hbm>> -> memref<64x256xf32, #tpu.memory_space<hbm>>
    %dma_wait3A_47 = arith.constant 0 : i32
    %dma_wait3A_48 = tpu.memref_slice %arg7[%mul3A_2, %dma_wait3A_47] : memref<160000x256xf32, #tpu.memory_space<hbm>> -> memref<64x256xf32, #tpu.memory_space<hbm>>
    tpu.wait_dma2 semaphore(%arg27 : memref<!tpu.dma_semaphore, #tpu.memory_space<semaphore_mem>>) src(%arg15 : memref<64x256xf32, #tpu.memory_space<vmem>>) dst(%dma_wait3A_48 : memref<64x256xf32, #tpu.memory_space<hbm>>)
    %dma_start3A_49 = arith.constant 0 : i32
    %dma_start3A_50 = arith.constant 0 : i32
    %dma_start3A_51 = tpu.memref_slice %arg10[%dma_start3A_49, %dma_start3A_50] : memref<64x256xf32, #tpu.memory_space<vmem>> -> memref<8x256xf32, #tpu.memory_space<vmem>>
    %dma_start3A_52 = arith.constant 4992 : i32
    %dma_start3A_53 = tpu.memref_slice %arg8[%dma_start3A_52] : memref<5000xi32, #tpu.memory_space<vmem>> -> memref<8xi32, #tpu.memory_space<vmem>>
    %dma_start3A_54 = arith.constant 0 : i32
    %dma_start3A_55 = arith.constant 0 : i32
    %dma_start3A_56 = tpu.memref_slice %arg2[%dma_start3A_54, %dma_start3A_55] : memref<10000x256xf32, #tpu.memory_space<hbm>> -> memref<10000x256xf32, #tpu.memory_space<hbm>>
    tpu.enqueue_indirect_dma source(%dma_start3A_56 : memref<10000x256xf32, #tpu.memory_space<hbm>>) target(%dma_start3A_51 : memref<8x256xf32, #tpu.memory_space<vmem>>) offsets(%dma_start3A_53 : memref<8xi32, #tpu.memory_space<vmem>>) semaphore(%arg16 : memref<!tpu.dma_semaphore, #tpu.memory_space<semaphore_mem>>)
    %dma_start3A_57 = arith.constant 0 : i32
    %dma_start3A_58 = arith.constant 0 : i32
    %dma_start3A_59 = tpu.memref_slice %arg13[%dma_start3A_57, %dma_start3A_58] : memref<64x256xf32, #tpu.memory_space<vmem>> -> memref<8x256xf32, #tpu.memory_space<vmem>>
    %dma_start3A_60 = arith.constant 4992 : i32
    %dma_start3A_61 = tpu.memref_slice %arg9[%dma_start3A_60] : memref<5000xi32, #tpu.memory_space<vmem>> -> memref<8xi32, #tpu.memory_space<vmem>>
    %dma_start3A_62 = arith.constant 0 : i32
    %dma_start3A_63 = arith.constant 0 : i32
    %dma_start3A_64 = tpu.memref_slice %arg3[%dma_start3A_62, %dma_start3A_63] : memref<10000x256xf32, #tpu.memory_space<hbm>> -> memref<10000x256xf32, #tpu.memory_space<hbm>>
    tpu.enqueue_indirect_dma source(%dma_start3A_64 : memref<10000x256xf32, #tpu.memory_space<hbm>>) target(%dma_start3A_59 : memref<8x256xf32, #tpu.memory_space<vmem>>) offsets(%dma_start3A_61 : memref<8xi32, #tpu.memory_space<vmem>>) semaphore(%arg19 : memref<!tpu.dma_semaphore, #tpu.memory_space<semaphore_mem>>)
    %dma_wait3A_65 = arith.constant 0 : i32
    %dma_wait3A_66 = arith.constant 0 : i32
    %dma_wait3A_67 = tpu.memref_slice %arg10[%dma_wait3A_65, %dma_wait3A_66] : memref<64x256xf32, #tpu.memory_space<vmem>> -> memref<8x256xf32, #tpu.memory_space<vmem>>
    %dma_wait3A_68 = arith.constant 4992 : i32
    %dma_wait3A_69 = tpu.memref_slice %arg8[%dma_wait3A_68] : memref<5000xi32, #tpu.memory_space<vmem>> -> memref<8xi32, #tpu.memory_space<vmem>>
    %dma_wait3A_70 = arith.constant 0 : i32
    %dma_wait3A_71 = arith.constant 0 : i32
    %dma_wait3A_72 = tpu.memref_slice %arg2[%dma_wait3A_70, %dma_wait3A_71] : memref<10000x256xf32, #tpu.memory_space<hbm>> -> memref<10000x256xf32, #tpu.memory_space<hbm>>
    tpu.wait_indirect_dma semaphore(%arg16 : memref<!tpu.dma_semaphore, #tpu.memory_space<semaphore_mem>>) src(%dma_wait3A_72 : memref<10000x256xf32, #tpu.memory_space<hbm>>) dst(%dma_wait3A_67 : memref<8x256xf32, #tpu.memory_space<vmem>>)
    %dma_wait3A_73 = arith.constant 0 : i32
    %dma_wait3A_74 = arith.constant 0 : i32
    %dma_wait3A_75 = tpu.memref_slice %arg13[%dma_wait3A_73, %dma_wait3A_74] : memref<64x256xf32, #tpu.memory_space<vmem>> -> memref<8x256xf32, #tpu.memory_space<vmem>>
    %dma_wait3A_76 = arith.constant 4992 : i32
    %dma_wait3A_77 = tpu.memref_slice %arg9[%dma_wait3A_76] : memref<5000xi32, #tpu.memory_space<vmem>> -> memref<8xi32, #tpu.memory_space<vmem>>
    %dma_wait3A_78 = arith.constant 0 : i32
    %dma_wait3A_79 = arith.constant 0 : i32
    %dma_wait3A_80 = tpu.memref_slice %arg3[%dma_wait3A_78, %dma_wait3A_79] : memref<10000x256xf32, #tpu.memory_space<hbm>> -> memref<10000x256xf32, #tpu.memory_space<hbm>>
    tpu.wait_indirect_dma semaphore(%arg19 : memref<!tpu.dma_semaphore, #tpu.memory_space<semaphore_mem>>) src(%dma_wait3A_80 : memref<10000x256xf32, #tpu.memory_space<hbm>>) dst(%dma_wait3A_75 : memref<8x256xf32, #tpu.memory_space<vmem>>)
    %add3A_81 = arith.constant 4992 : i32
    %add3A_82 = arith.addi %mul3A_2, %add3A_81 : i32
    "tpu.region"() ({
      %run_scoped3A = tpu.sem_alloc : memref<!tpu.dma_semaphore, #tpu.memory_space<semaphore_mem>>
      %dma_start3A_85 = arith.constant 0 : i32
      %dma_start3A_86 = arith.constant 0 : i32
      %dma_start3A_87 = tpu.memref_slice %arg10[%dma_start3A_85, %dma_start3A_86] : memref<64x256xf32, #tpu.memory_space<vmem>> -> memref<8x256xf32, #tpu.memory_space<vmem>>
      %dma_start3A_88 = arith.constant 0 : i32
      %dma_start3A_89 = tpu.memref_slice %arg6[%add3A_82, %dma_start3A_88] : memref<160000x256xf32, #tpu.memory_space<hbm>> -> memref<8x256xf32, #tpu.memory_space<hbm>>
      %dma_start3A_90 = arith.constant 0 : i32
      %dma_start3A_91 = tpu.memref_slice %arg6[%add3A_82, %dma_start3A_90] : memref<160000x256xf32, #tpu.memory_space<hbm>> -> memref<8x256xf32, #tpu.memory_space<hbm>>
      %dma_start3A_92 = arith.constant 0 : i32
      %dma_start3A_93 = arith.constant 0 : i32
      %dma_start3A_94 = tpu.memref_slice %arg10[%dma_start3A_92, %dma_start3A_93] : memref<64x256xf32, #tpu.memory_space<vmem>> -> memref<8x256xf32, #tpu.memory_space<vmem>>
      tpu.enqueue_dma source(%dma_start3A_94 : memref<8x256xf32, #tpu.memory_space<vmem>>) target(%dma_start3A_91 : memref<8x256xf32, #tpu.memory_space<hbm>>) target_semaphore(%run_scoped3A : memref<!tpu.dma_semaphore, #tpu.memory_space<semaphore_mem>>)
      %dma_wait3A_95 = arith.constant 0 : i32
      %dma_wait3A_96 = arith.constant 0 : i32
      %dma_wait3A_97 = tpu.memref_slice %arg10[%dma_wait3A_95, %dma_wait3A_96] : memref<64x256xf32, #tpu.memory_space<vmem>> -> memref<8x256xf32, #tpu.memory_space<vmem>>
      %dma_wait3A_98 = arith.constant 0 : i32
      %dma_wait3A_99 = tpu.memref_slice %arg6[%add3A_82, %dma_wait3A_98] : memref<160000x256xf32, #tpu.memory_space<hbm>> -> memref<8x256xf32, #tpu.memory_space<hbm>>
      %dma_wait3A_100 = arith.constant 0 : i32
      %dma_wait3A_101 = tpu.memref_slice %arg6[%add3A_82, %dma_wait3A_100] : memref<160000x256xf32, #tpu.memory_space<hbm>> -> memref<8x256xf32, #tpu.memory_space<hbm>>
      %dma_wait3A_102 = arith.constant 0 : i32
      %dma_wait3A_103 = arith.constant 0 : i32
      %dma_wait3A_104 = tpu.memref_slice %arg10[%dma_wait3A_102, %dma_wait3A_103] : memref<64x256xf32, #tpu.memory_space<vmem>> -> memref<8x256xf32, #tpu.memory_space<vmem>>
      tpu.wait_dma2 semaphore(%run_scoped3A : memref<!tpu.dma_semaphore, #tpu.memory_space<semaphore_mem>>) src(%dma_wait3A_104 : memref<8x256xf32, #tpu.memory_space<vmem>>) dst(%dma_wait3A_101 : memref<8x256xf32, #tpu.memory_space<hbm>>)
      tpu.yield
    }) : () -> ()
    %add3A_83 = arith.constant 4992 : i32
    %add3A_84 = arith.addi %mul3A_2, %add3A_83 : i32
    "tpu.region"() ({
      %run_scoped3A = tpu.sem_alloc : memref<!tpu.dma_semaphore, #tpu.memory_space<semaphore_mem>>
      %dma_start3A_85 = arith.constant 0 : i32
      %dma_start3A_86 = arith.constant 0 : i32
      %dma_start3A_87 = tpu.memref_slice %arg13[%dma_start3A_85, %dma_start3A_86] : memref<64x256xf32, #tpu.memory_space<vmem>> -> memref<8x256xf32, #tpu.memory_space<vmem>>
      %dma_start3A_88 = arith.constant 0 : i32
      %dma_start3A_89 = tpu.memref_slice %arg7[%add3A_84, %dma_start3A_88] : memref<160000x256xf32, #tpu.memory_space<hbm>> -> memref<8x256xf32, #tpu.memory_space<hbm>>
      %dma_start3A_90 = arith.constant 0 : i32
      %dma_start3A_91 = tpu.memref_slice %arg7[%add3A_84, %dma_start3A_90] : memref<160000x256xf32, #tpu.memory_space<hbm>> -> memref<8x256xf32, #tpu.memory_space<hbm>>
      %dma_start3A_92 = arith.constant 0 : i32
      %dma_start3A_93 = arith.constant 0 : i32
      %dma_start3A_94 = tpu.memref_slice %arg13[%dma_start3A_92, %dma_start3A_93] : memref<64x256xf32, #tpu.memory_space<vmem>> -> memref<8x256xf32, #tpu.memory_space<vmem>>
      tpu.enqueue_dma source(%dma_start3A_94 : memref<8x256xf32, #tpu.memory_space<vmem>>) target(%dma_start3A_91 : memref<8x256xf32, #tpu.memory_space<hbm>>) target_semaphore(%run_scoped3A : memref<!tpu.dma_semaphore, #tpu.memory_space<semaphore_mem>>)
      %dma_wait3A_95 = arith.constant 0 : i32
      %dma_wait3A_96 = arith.constant 0 : i32
      %dma_wait3A_97 = tpu.memref_slice %arg13[%dma_wait3A_95, %dma_wait3A_96] : memref<64x256xf32, #tpu.memory_space<vmem>> -> memref<8x256xf32, #tpu.memory_space<vmem>>
      %dma_wait3A_98 = arith.constant 0 : i32
      %dma_wait3A_99 = tpu.memref_slice %arg7[%add3A_84, %dma_wait3A_98] : memref<160000x256xf32, #tpu.memory_space<hbm>> -> memref<8x256xf32, #tpu.memory_space<hbm>>
      %dma_wait3A_100 = arith.constant 0 : i32
      %dma_wait3A_101 = tpu.memref_slice %arg7[%add3A_84, %dma_wait3A_100] : memref<160000x256xf32, #tpu.memory_space<hbm>> -> memref<8x256xf32, #tpu.memory_space<hbm>>
      %dma_wait3A_102 = arith.constant 0 : i32
      %dma_wait3A_103 = arith.constant 0 : i32
      %dma_wait3A_104 = tpu.memref_slice %arg13[%dma_wait3A_102, %dma_wait3A_103] : memref<64x256xf32, #tpu.memory_space<vmem>> -> memref<8x256xf32, #tpu.memory_space<vmem>>
      tpu.wait_dma2 semaphore(%run_scoped3A : memref<!tpu.dma_semaphore, #tpu.memory_space<semaphore_mem>>) src(%dma_wait3A_104 : memref<8x256xf32, #tpu.memory_space<vmem>>) dst(%dma_wait3A_101 : memref<8x256xf32, #tpu.memory_space<hbm>>)
      tpu.yield
    }) : () -> ()
    return
  }
}

module attributes {stable_mosaic.version = 14 : i64} {
  func.func @_edge_body(%arg0: i32, %arg1: memref<1600x256xf32, #tpu.memory_space<vmem>>, %arg2: memref<1600x256xf32, #tpu.memory_space<vmem>>, %arg3: memref<1600x256xf32, #tpu.memory_space<vmem>>, %arg4: memref<256x256xf32, #tpu.memory_space<vmem>>, %arg5: memref<256x256xf32, #tpu.memory_space<vmem>>, %arg6: memref<256x256xf32, #tpu.memory_space<vmem>>, %arg7: memref<1x256xf32, #tpu.memory_space<vmem>>, %arg8: memref<1x256xf32, #tpu.memory_space<vmem>>, %arg9: memref<1x256xf32, #tpu.memory_space<vmem>>, %arg10: memref<1x256xf32, #tpu.memory_space<vmem>>, %arg11: memref<1x256xf32, #tpu.memory_space<vmem>>, %arg12: memref<1600x256xf32, #tpu.memory_space<vmem>>, %arg13: memref<1600x256xf32, #tpu.memory_space<vmem>>) attributes {dimension_semantics = [#tpu.dimension_semantics<arbitrary>], iteration_bounds = array<i64: 100>, scalar_prefetch = 0 : i64, scratch_operands = 0 : i64, tpu.core_type = #tpu.core_type<tc>, window_params = [{transform_indices = @transform_0, window_bounds = array<i64: 1600, 256>}, {transform_indices = @transform_1, window_bounds = array<i64: 1600, 256>}, {transform_indices = @transform_2, window_bounds = array<i64: 1600, 256>}, {pipeline_mode = #tpu.pipeline_mode<synchronous>, transform_indices = @transform_3, window_bounds = array<i64: 256, 256>}, {pipeline_mode = #tpu.pipeline_mode<synchronous>, transform_indices = @transform_4, window_bounds = array<i64: 256, 256>}, {pipeline_mode = #tpu.pipeline_mode<synchronous>, transform_indices = @transform_5, window_bounds = array<i64: 256, 256>}, {pipeline_mode = #tpu.pipeline_mode<synchronous>, transform_indices = @transform_6, window_bounds = array<i64: 1, 256>}, {pipeline_mode = #tpu.pipeline_mode<synchronous>, transform_indices = @transform_7, window_bounds = array<i64: 1, 256>}, {pipeline_mode = #tpu.pipeline_mode<synchronous>, transform_indices = @transform_8, window_bounds = array<i64: 1, 256>}, {pipeline_mode = #tpu.pipeline_mode<synchronous>, transform_indices = @transform_9, window_bounds = array<i64: 1, 256>}, {pipeline_mode = #tpu.pipeline_mode<synchronous>, transform_indices = @transform_10, window_bounds = array<i64: 1, 256>}, {transform_indices = @transform_11, window_bounds = array<i64: 1600, 256>}, {transform_indices = @transform_12, window_bounds = array<i64: 1600, 256>}]} {
    %get3A = arith.constant 0 : index
    %get3A_0 = arith.constant 0 : index
    %get3A_1 = vector.load %arg3[%get3A, %get3A_0] : memref<1600x256xf32, #tpu.memory_space<vmem>>, vector<1600x256xf32>
    %get3A_2 = arith.constant 0 : index
    %get3A_3 = arith.constant 0 : index
    %get3A_4 = vector.load %arg1[%get3A_2, %get3A_3] : memref<1600x256xf32, #tpu.memory_space<vmem>>, vector<1600x256xf32>
    %get3A_5 = arith.constant 0 : index
    %get3A_6 = arith.constant 0 : index
    %get3A_7 = vector.load %arg2[%get3A_5, %get3A_6] : memref<1600x256xf32, #tpu.memory_space<vmem>>, vector<1600x256xf32>
    %add3A = arith.addf %get3A_4, %get3A_7 : vector<1600x256xf32>
    %get3A_8 = arith.constant 0 : index
    %get3A_9 = arith.constant 0 : index
    %get3A_10 = vector.load %arg4[%get3A_8, %get3A_9] : memref<256x256xf32, #tpu.memory_space<vmem>>, vector<256x256xf32>
    %dot_general3A = arith.constant dense<0.000000e+00> : vector<1600x256xf32>
    %dot_general3A_11 = tpu.matmul %get3A_1, %get3A_10, %dot_general3A {dimension_numbers = #tpu.dot_dimension_numbers<[1], [0], [0], [1], [0, 0, 1, 1], [], []>, transpose_lhs_hint = false} : vector<1600x256xf32>, vector<256x256xf32>, vector<1600x256xf32> -> vector<1600x256xf32>
    %add3A_12 = arith.addf %add3A, %dot_general3A_11 : vector<1600x256xf32>
    %get3A_13 = arith.constant 0 : index
    %get3A_14 = arith.constant 0 : index
    %get3A_15 = vector.load %arg7[%get3A_13, %get3A_14] : memref<1x256xf32, #tpu.memory_space<vmem>>, vector<1x256xf32>
    %add3A_16 = vector.broadcast %get3A_15 : vector<1x256xf32> to vector<1600x256xf32>
    %add3A_17 = arith.addf %add3A_12, %add3A_16 : vector<1600x256xf32>
    %max3A = arith.constant 0.000000e+00 : f32
    %max3A_18 = vector.broadcast %max3A : f32 to vector<1600x256xf32>
    %max3A_19 = arith.maximumf %add3A_17, %max3A_18 : vector<1600x256xf32>
    %get3A_20 = arith.constant 0 : index
    %get3A_21 = arith.constant 0 : index
    %get3A_22 = vector.load %arg5[%get3A_20, %get3A_21] : memref<256x256xf32, #tpu.memory_space<vmem>>, vector<256x256xf32>
    %dot_general3A_23 = arith.constant dense<0.000000e+00> : vector<1600x256xf32>
    %dot_general3A_24 = tpu.matmul %max3A_19, %get3A_22, %dot_general3A_23 {dimension_numbers = #tpu.dot_dimension_numbers<[1], [0], [0], [1], [0, 0, 1, 1], [], []>, transpose_lhs_hint = false} : vector<1600x256xf32>, vector<256x256xf32>, vector<1600x256xf32> -> vector<1600x256xf32>
    %get3A_25 = arith.constant 0 : index
    %get3A_26 = arith.constant 0 : index
    %get3A_27 = vector.load %arg8[%get3A_25, %get3A_26] : memref<1x256xf32, #tpu.memory_space<vmem>>, vector<1x256xf32>
    %add3A_28 = vector.broadcast %get3A_27 : vector<1x256xf32> to vector<1600x256xf32>
    %add3A_29 = arith.addf %dot_general3A_24, %add3A_28 : vector<1600x256xf32>
    %max3A_30 = arith.constant 0.000000e+00 : f32
    %max3A_31 = vector.broadcast %max3A_30 : f32 to vector<1600x256xf32>
    %max3A_32 = arith.maximumf %add3A_29, %max3A_31 : vector<1600x256xf32>
    %get3A_33 = arith.constant 0 : index
    %get3A_34 = arith.constant 0 : index
    %get3A_35 = vector.load %arg6[%get3A_33, %get3A_34] : memref<256x256xf32, #tpu.memory_space<vmem>>, vector<256x256xf32>
    %dot_general3A_36 = arith.constant dense<0.000000e+00> : vector<1600x256xf32>
    %dot_general3A_37 = tpu.matmul %max3A_32, %get3A_35, %dot_general3A_36 {dimension_numbers = #tpu.dot_dimension_numbers<[1], [0], [0], [1], [0, 0, 1, 1], [], []>, transpose_lhs_hint = false} : vector<1600x256xf32>, vector<256x256xf32>, vector<1600x256xf32> -> vector<1600x256xf32>
    %get3A_38 = arith.constant 0 : index
    %get3A_39 = arith.constant 0 : index
    %get3A_40 = vector.load %arg9[%get3A_38, %get3A_39] : memref<1x256xf32, #tpu.memory_space<vmem>>, vector<1x256xf32>
    %add3A_41 = vector.broadcast %get3A_40 : vector<1x256xf32> to vector<1600x256xf32>
    %add3A_42 = arith.addf %dot_general3A_37, %add3A_41 : vector<1600x256xf32>
    %get3A_43 = arith.constant 0 : index
    %get3A_44 = arith.constant 0 : index
    %get3A_45 = vector.load %arg10[%get3A_43, %get3A_44] : memref<1x256xf32, #tpu.memory_space<vmem>>, vector<1x256xf32>
    %get3A_46 = arith.constant 0 : index
    %get3A_47 = arith.constant 0 : index
    %get3A_48 = vector.load %arg11[%get3A_46, %get3A_47] : memref<1x256xf32, #tpu.memory_space<vmem>>, vector<1x256xf32>
    %reduce_sum3A = arith.constant dense<0.000000e+00> : vector<1600xf32>
    %reduce_sum3A_49 = vector.multi_reduction <add>, %add3A_42, %reduce_sum3A [1] : vector<1600x256xf32> to vector<1600xf32>
    %broadcast_in_dim3A = vector.shape_cast %reduce_sum3A_49 : vector<1600xf32> to vector<1600x1xf32>
    %div3A = arith.constant 2.560000e+02 : f32
    %div3A_50 = vector.broadcast %div3A : f32 to vector<1600x1xf32>
    %div3A_51 = arith.divf %broadcast_in_dim3A, %div3A_50 : vector<1600x1xf32>
    %jit3A = arith.constant 0 : i32
    %reduce_sum3A_52 = arith.constant dense<0.000000e+00> : vector<1600xf32>
    %reduce_sum3A_53 = vector.multi_reduction <add>, %add3A_42, %reduce_sum3A_52 [1] : vector<1600x256xf32> to vector<1600xf32>
    %broadcast_in_dim3A_54 = vector.shape_cast %reduce_sum3A_53 : vector<1600xf32> to vector<1600x1xf32>
    %div3A_55 = arith.constant 2.560000e+02 : f32
    %div3A_56 = vector.broadcast %div3A_55 : f32 to vector<1600x1xf32>
    %div3A_57 = arith.divf %broadcast_in_dim3A_54, %div3A_56 : vector<1600x1xf32>
    %sub3A = vector.broadcast %div3A_57 : vector<1600x1xf32> to vector<1600x256xf32>
    %sub3A_58 = arith.subf %add3A_42, %sub3A : vector<1600x256xf32>
    %square3A = arith.mulf %sub3A_58, %sub3A_58 : vector<1600x256xf32>
    %convert_element_type3A = arith.sitofp %jit3A : i32 to f32
    %sub3A_59 = arith.constant 2.560000e+02 : f32
    %sub3A_60 = arith.subf %sub3A_59, %convert_element_type3A : f32
    %reduce_sum3A_61 = arith.constant dense<0.000000e+00> : vector<1600xf32>
    %reduce_sum3A_62 = vector.multi_reduction <add>, %square3A, %reduce_sum3A_61 [1] : vector<1600x256xf32> to vector<1600xf32>
    %broadcast_in_dim3A_63 = vector.shape_cast %reduce_sum3A_62 : vector<1600xf32> to vector<1600x1xf32>
    %div3A_64 = vector.broadcast %sub3A_60 : f32 to vector<1600x1xf32>
    %div3A_65 = arith.divf %broadcast_in_dim3A_63, %div3A_64 : vector<1600x1xf32>
    %gt3A = arith.constant 0.000000e+00 : f32
    %gt3A_66 = arith.cmpf ogt, %sub3A_60, %gt3A : f32
    %jit3A_67 = arith.constant 0x7FC00000 : f32
    %broadcast_in_dim3A_68 = vector.broadcast %jit3A_67 : f32 to vector<1600x1xf32>
    %select_n3A = arith.select %gt3A_66, %div3A_65, %broadcast_in_dim3A_68 : vector<1600x1xf32>
    %sub3A_69 = vector.broadcast %div3A_51 : vector<1600x1xf32> to vector<1600x256xf32>
    %sub3A_70 = arith.subf %add3A_42, %sub3A_69 : vector<1600x256xf32>
    %add3A_71 = arith.constant 9.99999974E-6 : f32
    %add3A_72 = vector.broadcast %add3A_71 : f32 to vector<1600x1xf32>
    %add3A_73 = arith.addf %select_n3A, %add3A_72 : vector<1600x1xf32>
    %sqrt3A = math.sqrt %add3A_73 : vector<1600x1xf32>
    %div3A_74 = vector.broadcast %sqrt3A : vector<1600x1xf32> to vector<1600x256xf32>
    %div3A_75 = arith.divf %sub3A_70, %div3A_74 : vector<1600x256xf32>
    %mul3A = vector.broadcast %get3A_45 : vector<1x256xf32> to vector<1600x256xf32>
    %mul3A_76 = arith.mulf %div3A_75, %mul3A : vector<1600x256xf32>
    %add3A_77 = vector.broadcast %get3A_48 : vector<1x256xf32> to vector<1600x256xf32>
    %add3A_78 = arith.addf %mul3A_76, %add3A_77 : vector<1600x256xf32>
    %swap3A = arith.constant 0 : index
    %swap3A_79 = arith.constant 0 : index
    %swap3A_80 = vector.load %arg12[%swap3A, %swap3A_79] : memref<1600x256xf32, #tpu.memory_space<vmem>>, vector<1600x256xf32>
    tpu.vector_store %arg12[%swap3A, %swap3A_79], %add3A_78 {strides = array<i32>} : memref<1600x256xf32, #tpu.memory_space<vmem>>, vector<1600x256xf32>,
    %add3A_81 = arith.addf %add3A_78, %get3A_1 : vector<1600x256xf32>
    %swap3A_82 = arith.constant 0 : index
    %swap3A_83 = arith.constant 0 : index
    %swap3A_84 = vector.load %arg13[%swap3A_82, %swap3A_83] : memref<1600x256xf32, #tpu.memory_space<vmem>>, vector<1600x256xf32>
    tpu.vector_store %arg13[%swap3A_82, %swap3A_83], %add3A_81 {strides = array<i32>} : memref<1600x256xf32, #tpu.memory_space<vmem>>, vector<1600x256xf32>,
    return
  }
  func.func @transform_0(%arg0: i32) -> (i32, i32) {
    %c0_i32 = arith.constant 0 : i32
    %c0_i32_0 = arith.constant 0 : i32
    return %arg0, %c0_i32 : i32, i32
  }
  func.func @transform_1(%arg0: i32) -> (i32, i32) {
    %c0_i32 = arith.constant 0 : i32
    %c0_i32_0 = arith.constant 0 : i32
    return %arg0, %c0_i32 : i32, i32
  }
  func.func @transform_2(%arg0: i32) -> (i32, i32) {
    %c0_i32 = arith.constant 0 : i32
    %c0_i32_0 = arith.constant 0 : i32
    return %arg0, %c0_i32 : i32, i32
  }
  func.func @transform_3(%arg0: i32) -> (i32, i32) {
    %c0_i32 = arith.constant 0 : i32
    %c0_i32_0 = arith.constant 0 : i32
    %c0_i32_1 = arith.constant 0 : i32
    return %c0_i32, %c0_i32_0 : i32, i32
  }
  func.func @transform_4(%arg0: i32) -> (i32, i32) {
    %c0_i32 = arith.constant 0 : i32
    %c0_i32_0 = arith.constant 0 : i32
    %c0_i32_1 = arith.constant 0 : i32
    return %c0_i32, %c0_i32_0 : i32, i32
  }
  func.func @transform_5(%arg0: i32) -> (i32, i32) {
    %c0_i32 = arith.constant 0 : i32
    %c0_i32_0 = arith.constant 0 : i32
    %c0_i32_1 = arith.constant 0 : i32
    return %c0_i32, %c0_i32_0 : i32, i32
  }
  func.func @transform_6(%arg0: i32) -> (i32, i32) {
    %c0_i32 = arith.constant 0 : i32
    %c0_i32_0 = arith.constant 0 : i32
    %c0_i32_1 = arith.constant 0 : i32
    return %c0_i32, %c0_i32_0 : i32, i32
  }
  func.func @transform_7(%arg0: i32) -> (i32, i32) {
    %c0_i32 = arith.constant 0 : i32
    %c0_i32_0 = arith.constant 0 : i32
    %c0_i32_1 = arith.constant 0 : i32
    return %c0_i32, %c0_i32_0 : i32, i32
  }
  func.func @transform_8(%arg0: i32) -> (i32, i32) {
    %c0_i32 = arith.constant 0 : i32
    %c0_i32_0 = arith.constant 0 : i32
    %c0_i32_1 = arith.constant 0 : i32
    return %c0_i32, %c0_i32_0 : i32, i32
  }
  func.func @transform_9(%arg0: i32) -> (i32, i32) {
    %c0_i32 = arith.constant 0 : i32
    %c0_i32_0 = arith.constant 0 : i32
    %c0_i32_1 = arith.constant 0 : i32
    return %c0_i32, %c0_i32_0 : i32, i32
  }
  func.func @transform_10(%arg0: i32) -> (i32, i32) {
    %c0_i32 = arith.constant 0 : i32
    %c0_i32_0 = arith.constant 0 : i32
    %c0_i32_1 = arith.constant 0 : i32
    return %c0_i32, %c0_i32_0 : i32, i32
  }
  func.func @transform_11(%arg0: i32) -> (i32, i32) {
    %c0_i32 = arith.constant 0 : i32
    %c0_i32_0 = arith.constant 0 : i32
    return %arg0, %c0_i32 : i32, i32
  }
  func.func @transform_12(%arg0: i32) -> (i32, i32) {
    %c0_i32 = arith.constant 0 : i32
    %c0_i32_0 = arith.constant 0 : i32
    return %arg0, %c0_i32 : i32, i32
  }
}

module attributes {stable_mosaic.version = 14 : i64} {
  func.func @_preproj_body(%arg0: i32, %arg1: memref<400x256xf32, #tpu.memory_space<vmem>>, %arg2: memref<256x256xf32, #tpu.memory_space<vmem>>, %arg3: memref<256x256xf32, #tpu.memory_space<vmem>>, %arg4: memref<400x256xf32, #tpu.memory_space<vmem>>, %arg5: memref<400x256xf32, #tpu.memory_space<vmem>>) attributes {dimension_semantics = [#tpu.dimension_semantics<arbitrary>], iteration_bounds = array<i64: 25>, scalar_prefetch = 0 : i64, scratch_operands = 0 : i64, tpu.core_type = #tpu.core_type<tc>, window_params = [{transform_indices = @transform_0, window_bounds = array<i64: 400, 256>}, {pipeline_mode = #tpu.pipeline_mode<synchronous>, transform_indices = @transform_1, window_bounds = array<i64: 256, 256>}, {pipeline_mode = #tpu.pipeline_mode<synchronous>, transform_indices = @transform_2, window_bounds = array<i64: 256, 256>}, {transform_indices = @transform_3, window_bounds = array<i64: 400, 256>}, {transform_indices = @transform_4, window_bounds = array<i64: 400, 256>}]} {
    %get3A = arith.constant 0 : index
    %get3A_0 = arith.constant 0 : index
    %get3A_1 = vector.load %arg1[%get3A, %get3A_0] : memref<400x256xf32, #tpu.memory_space<vmem>>, vector<400x256xf32>
    %get3A_2 = arith.constant 0 : index
    %get3A_3 = arith.constant 0 : index
    %get3A_4 = vector.load %arg2[%get3A_2, %get3A_3] : memref<256x256xf32, #tpu.memory_space<vmem>>, vector<256x256xf32>
    %dot_general3A = arith.constant dense<0.000000e+00> : vector<400x256xf32>
    %dot_general3A_5 = tpu.matmul %get3A_1, %get3A_4, %dot_general3A {dimension_numbers = #tpu.dot_dimension_numbers<[1], [0], [0], [1], [0, 0, 1, 1], [], []>, transpose_lhs_hint = false} : vector<400x256xf32>, vector<256x256xf32>, vector<400x256xf32> -> vector<400x256xf32>
    %swap3A = arith.constant 0 : index
    %swap3A_6 = arith.constant 0 : index
    %swap3A_7 = vector.load %arg4[%swap3A, %swap3A_6] : memref<400x256xf32, #tpu.memory_space<vmem>>, vector<400x256xf32>
    tpu.vector_store %arg4[%swap3A, %swap3A_6], %dot_general3A_5 {strides = array<i32>} : memref<400x256xf32, #tpu.memory_space<vmem>>, vector<400x256xf32>,
    %get3A_8 = arith.constant 0 : index
    %get3A_9 = arith.constant 0 : index
    %get3A_10 = vector.load %arg3[%get3A_8, %get3A_9] : memref<256x256xf32, #tpu.memory_space<vmem>>, vector<256x256xf32>
    %dot_general3A_11 = arith.constant dense<0.000000e+00> : vector<400x256xf32>
    %dot_general3A_12 = tpu.matmul %get3A_1, %get3A_10, %dot_general3A_11 {dimension_numbers = #tpu.dot_dimension_numbers<[1], [0], [0], [1], [0, 0, 1, 1], [], []>, transpose_lhs_hint = false} : vector<400x256xf32>, vector<256x256xf32>, vector<400x256xf32> -> vector<400x256xf32>
    %swap3A_13 = arith.constant 0 : index
    %swap3A_14 = arith.constant 0 : index
    %swap3A_15 = vector.load %arg5[%swap3A_13, %swap3A_14] : memref<400x256xf32, #tpu.memory_space<vmem>>, vector<400x256xf32>
    tpu.vector_store %arg5[%swap3A_13, %swap3A_14], %dot_general3A_12 {strides = array<i32>} : memref<400x256xf32, #tpu.memory_space<vmem>>, vector<400x256xf32>,
    return
  }
  func.func @transform_0(%arg0: i32) -> (i32, i32) {
    %c0_i32 = arith.constant 0 : i32
    %c0_i32_0 = arith.constant 0 : i32
    return %arg0, %c0_i32 : i32, i32
  }
  func.func @transform_1(%arg0: i32) -> (i32, i32) {
    %c0_i32 = arith.constant 0 : i32
    %c0_i32_0 = arith.constant 0 : i32
    %c0_i32_1 = arith.constant 0 : i32
    return %c0_i32, %c0_i32_0 : i32, i32
  }
  func.func @transform_2(%arg0: i32) -> (i32, i32) {
    %c0_i32 = arith.constant 0 : i32
    %c0_i32_0 = arith.constant 0 : i32
    %c0_i32_1 = arith.constant 0 : i32
    return %c0_i32, %c0_i32_0 : i32, i32
  }
  func.func @transform_3(%arg0: i32) -> (i32, i32) {
    %c0_i32 = arith.constant 0 : i32
    %c0_i32_0 = arith.constant 0 : i32
    return %arg0, %c0_i32 : i32, i32
  }
  func.func @transform_4(%arg0: i32) -> (i32, i32) {
    %c0_i32 = arith.constant 0 : i32
    %c0_i32_0 = arith.constant 0 : i32
    return %arg0, %c0_i32 : i32, i32
  }
}

module attributes {stable_mosaic.version = 14 : i64} {
  func.func @_node_body(%arg0: i32, %arg1: memref<400x256xf32, #tpu.memory_space<vmem>>, %arg2: memref<400x256xf32, #tpu.memory_space<vmem>>, %arg3: memref<256x256xf32, #tpu.memory_space<vmem>>, %arg4: memref<256x256xf32, #tpu.memory_space<vmem>>, %arg5: memref<256x256xf32, #tpu.memory_space<vmem>>, %arg6: memref<256x256xf32, #tpu.memory_space<vmem>>, %arg7: memref<1x256xf32, #tpu.memory_space<vmem>>, %arg8: memref<1x256xf32, #tpu.memory_space<vmem>>, %arg9: memref<1x256xf32, #tpu.memory_space<vmem>>, %arg10: memref<1x256xf32, #tpu.memory_space<vmem>>, %arg11: memref<1x256xf32, #tpu.memory_space<vmem>>, %arg12: memref<400x256xf32, #tpu.memory_space<vmem>>) attributes {dimension_semantics = [#tpu.dimension_semantics<arbitrary>], iteration_bounds = array<i64: 25>, scalar_prefetch = 0 : i64, scratch_operands = 0 : i64, tpu.core_type = #tpu.core_type<tc>, window_params = [{transform_indices = @transform_0, window_bounds = array<i64: 400, 256>}, {transform_indices = @transform_1, window_bounds = array<i64: 400, 256>}, {pipeline_mode = #tpu.pipeline_mode<synchronous>, transform_indices = @transform_2, window_bounds = array<i64: 256, 256>}, {pipeline_mode = #tpu.pipeline_mode<synchronous>, transform_indices = @transform_3, window_bounds = array<i64: 256, 256>}, {pipeline_mode = #tpu.pipeline_mode<synchronous>, transform_indices = @transform_4, window_bounds = array<i64: 256, 256>}, {pipeline_mode = #tpu.pipeline_mode<synchronous>, transform_indices = @transform_5, window_bounds = array<i64: 256, 256>}, {pipeline_mode = #tpu.pipeline_mode<synchronous>, transform_indices = @transform_6, window_bounds = array<i64: 1, 256>}, {pipeline_mode = #tpu.pipeline_mode<synchronous>, transform_indices = @transform_7, window_bounds = array<i64: 1, 256>}, {pipeline_mode = #tpu.pipeline_mode<synchronous>, transform_indices = @transform_8, window_bounds = array<i64: 1, 256>}, {pipeline_mode = #tpu.pipeline_mode<synchronous>, transform_indices = @transform_9, window_bounds = array<i64: 1, 256>}, {pipeline_mode = #tpu.pipeline_mode<synchronous>, transform_indices = @transform_10, window_bounds = array<i64: 1, 256>}, {transform_indices = @transform_11, window_bounds = array<i64: 400, 256>}]} {
    %get3A = arith.constant 0 : index
    %get3A_0 = arith.constant 0 : index
    %get3A_1 = vector.load %arg1[%get3A, %get3A_0] : memref<400x256xf32, #tpu.memory_space<vmem>>, vector<400x256xf32>
    %get3A_2 = arith.constant 0 : index
    %get3A_3 = arith.constant 0 : index
    %get3A_4 = vector.load %arg3[%get3A_2, %get3A_3] : memref<256x256xf32, #tpu.memory_space<vmem>>, vector<256x256xf32>
    %dot_general3A = arith.constant dense<0.000000e+00> : vector<400x256xf32>
    %dot_general3A_5 = tpu.matmul %get3A_1, %get3A_4, %dot_general3A {dimension_numbers = #tpu.dot_dimension_numbers<[1], [0], [0], [1], [0, 0, 1, 1], [], []>, transpose_lhs_hint = false} : vector<400x256xf32>, vector<256x256xf32>, vector<400x256xf32> -> vector<400x256xf32>
    %get3A_6 = arith.constant 0 : index
    %get3A_7 = arith.constant 0 : index
    %get3A_8 = vector.load %arg2[%get3A_6, %get3A_7] : memref<400x256xf32, #tpu.memory_space<vmem>>, vector<400x256xf32>
    %get3A_9 = arith.constant 0 : index
    %get3A_10 = arith.constant 0 : index
    %get3A_11 = vector.load %arg4[%get3A_9, %get3A_10] : memref<256x256xf32, #tpu.memory_space<vmem>>, vector<256x256xf32>
    %dot_general3A_12 = arith.constant dense<0.000000e+00> : vector<400x256xf32>
    %dot_general3A_13 = tpu.matmul %get3A_8, %get3A_11, %dot_general3A_12 {dimension_numbers = #tpu.dot_dimension_numbers<[1], [0], [0], [1], [0, 0, 1, 1], [], []>, transpose_lhs_hint = false} : vector<400x256xf32>, vector<256x256xf32>, vector<400x256xf32> -> vector<400x256xf32>
    %add3A = arith.addf %dot_general3A_5, %dot_general3A_13 : vector<400x256xf32>
    %get3A_14 = arith.constant 0 : index
    %get3A_15 = arith.constant 0 : index
    %get3A_16 = vector.load %arg7[%get3A_14, %get3A_15] : memref<1x256xf32, #tpu.memory_space<vmem>>, vector<1x256xf32>
    %add3A_17 = vector.broadcast %get3A_16 : vector<1x256xf32> to vector<400x256xf32>
    %add3A_18 = arith.addf %add3A, %add3A_17 : vector<400x256xf32>
    %max3A = arith.constant 0.000000e+00 : f32
    %max3A_19 = vector.broadcast %max3A : f32 to vector<400x256xf32>
    %max3A_20 = arith.maximumf %add3A_18, %max3A_19 : vector<400x256xf32>
    %get3A_21 = arith.constant 0 : index
    %get3A_22 = arith.constant 0 : index
    %get3A_23 = vector.load %arg5[%get3A_21, %get3A_22] : memref<256x256xf32, #tpu.memory_space<vmem>>, vector<256x256xf32>
    %dot_general3A_24 = arith.constant dense<0.000000e+00> : vector<400x256xf32>
    %dot_general3A_25 = tpu.matmul %max3A_20, %get3A_23, %dot_general3A_24 {dimension_numbers = #tpu.dot_dimension_numbers<[1], [0], [0], [1], [0, 0, 1, 1], [], []>, transpose_lhs_hint = false} : vector<400x256xf32>, vector<256x256xf32>, vector<400x256xf32> -> vector<400x256xf32>
    %get3A_26 = arith.constant 0 : index
    %get3A_27 = arith.constant 0 : index
    %get3A_28 = vector.load %arg8[%get3A_26, %get3A_27] : memref<1x256xf32, #tpu.memory_space<vmem>>, vector<1x256xf32>
    %add3A_29 = vector.broadcast %get3A_28 : vector<1x256xf32> to vector<400x256xf32>
    %add3A_30 = arith.addf %dot_general3A_25, %add3A_29 : vector<400x256xf32>
    %max3A_31 = arith.constant 0.000000e+00 : f32
    %max3A_32 = vector.broadcast %max3A_31 : f32 to vector<400x256xf32>
    %max3A_33 = arith.maximumf %add3A_30, %max3A_32 : vector<400x256xf32>
    %get3A_34 = arith.constant 0 : index
    %get3A_35 = arith.constant 0 : index
    %get3A_36 = vector.load %arg6[%get3A_34, %get3A_35] : memref<256x256xf32, #tpu.memory_space<vmem>>, vector<256x256xf32>
    %dot_general3A_37 = arith.constant dense<0.000000e+00> : vector<400x256xf32>
    %dot_general3A_38 = tpu.matmul %max3A_33, %get3A_36, %dot_general3A_37 {dimension_numbers = #tpu.dot_dimension_numbers<[1], [0], [0], [1], [0, 0, 1, 1], [], []>, transpose_lhs_hint = false} : vector<400x256xf32>, vector<256x256xf32>, vector<400x256xf32> -> vector<400x256xf32>
    %get3A_39 = arith.constant 0 : index
    %get3A_40 = arith.constant 0 : index
    %get3A_41 = vector.load %arg9[%get3A_39, %get3A_40] : memref<1x256xf32, #tpu.memory_space<vmem>>, vector<1x256xf32>
    %add3A_42 = vector.broadcast %get3A_41 : vector<1x256xf32> to vector<400x256xf32>
    %add3A_43 = arith.addf %dot_general3A_38, %add3A_42 : vector<400x256xf32>
    %get3A_44 = arith.constant 0 : index
    %get3A_45 = arith.constant 0 : index
    %get3A_46 = vector.load %arg10[%get3A_44, %get3A_45] : memref<1x256xf32, #tpu.memory_space<vmem>>, vector<1x256xf32>
    %get3A_47 = arith.constant 0 : index
    %get3A_48 = arith.constant 0 : index
    %get3A_49 = vector.load %arg11[%get3A_47, %get3A_48] : memref<1x256xf32, #tpu.memory_space<vmem>>, vector<1x256xf32>
    %reduce_sum3A = arith.constant dense<0.000000e+00> : vector<400xf32>
    %reduce_sum3A_50 = vector.multi_reduction <add>, %add3A_43, %reduce_sum3A [1] : vector<400x256xf32> to vector<400xf32>
    %broadcast_in_dim3A = vector.shape_cast %reduce_sum3A_50 : vector<400xf32> to vector<400x1xf32>
    %div3A = arith.constant 2.560000e+02 : f32
    %div3A_51 = vector.broadcast %div3A : f32 to vector<400x1xf32>
    %div3A_52 = arith.divf %broadcast_in_dim3A, %div3A_51 : vector<400x1xf32>
    %jit3A = arith.constant 0 : i32
    %reduce_sum3A_53 = arith.constant dense<0.000000e+00> : vector<400xf32>
    %reduce_sum3A_54 = vector.multi_reduction <add>, %add3A_43, %reduce_sum3A_53 [1] : vector<400x256xf32> to vector<400xf32>
    %broadcast_in_dim3A_55 = vector.shape_cast %reduce_sum3A_54 : vector<400xf32> to vector<400x1xf32>
    %div3A_56 = arith.constant 2.560000e+02 : f32
    %div3A_57 = vector.broadcast %div3A_56 : f32 to vector<400x1xf32>
    %div3A_58 = arith.divf %broadcast_in_dim3A_55, %div3A_57 : vector<400x1xf32>
    %sub3A = vector.broadcast %div3A_58 : vector<400x1xf32> to vector<400x256xf32>
    %sub3A_59 = arith.subf %add3A_43, %sub3A : vector<400x256xf32>
    %square3A = arith.mulf %sub3A_59, %sub3A_59 : vector<400x256xf32>
    %convert_element_type3A = arith.sitofp %jit3A : i32 to f32
    %sub3A_60 = arith.constant 2.560000e+02 : f32
    %sub3A_61 = arith.subf %sub3A_60, %convert_element_type3A : f32
    %reduce_sum3A_62 = arith.constant dense<0.000000e+00> : vector<400xf32>
    %reduce_sum3A_63 = vector.multi_reduction <add>, %square3A, %reduce_sum3A_62 [1] : vector<400x256xf32> to vector<400xf32>
    %broadcast_in_dim3A_64 = vector.shape_cast %reduce_sum3A_63 : vector<400xf32> to vector<400x1xf32>
    %div3A_65 = vector.broadcast %sub3A_61 : f32 to vector<400x1xf32>
    %div3A_66 = arith.divf %broadcast_in_dim3A_64, %div3A_65 : vector<400x1xf32>
    %gt3A = arith.constant 0.000000e+00 : f32
    %gt3A_67 = arith.cmpf ogt, %sub3A_61, %gt3A : f32
    %jit3A_68 = arith.constant 0x7FC00000 : f32
    %broadcast_in_dim3A_69 = vector.broadcast %jit3A_68 : f32 to vector<400x1xf32>
    %select_n3A = arith.select %gt3A_67, %div3A_66, %broadcast_in_dim3A_69 : vector<400x1xf32>
    %sub3A_70 = vector.broadcast %div3A_52 : vector<400x1xf32> to vector<400x256xf32>
    %sub3A_71 = arith.subf %add3A_43, %sub3A_70 : vector<400x256xf32>
    %add3A_72 = arith.constant 9.99999974E-6 : f32
    %add3A_73 = vector.broadcast %add3A_72 : f32 to vector<400x1xf32>
    %add3A_74 = arith.addf %select_n3A, %add3A_73 : vector<400x1xf32>
    %sqrt3A = math.sqrt %add3A_74 : vector<400x1xf32>
    %div3A_75 = vector.broadcast %sqrt3A : vector<400x1xf32> to vector<400x256xf32>
    %div3A_76 = arith.divf %sub3A_71, %div3A_75 : vector<400x256xf32>
    %mul3A = vector.broadcast %get3A_46 : vector<1x256xf32> to vector<400x256xf32>
    %mul3A_77 = arith.mulf %div3A_76, %mul3A : vector<400x256xf32>
    %add3A_78 = vector.broadcast %get3A_49 : vector<1x256xf32> to vector<400x256xf32>
    %add3A_79 = arith.addf %mul3A_77, %add3A_78 : vector<400x256xf32>
    %add3A_80 = arith.addf %add3A_79, %get3A_1 : vector<400x256xf32>
    %swap3A = arith.constant 0 : index
    %swap3A_81 = arith.constant 0 : index
    %swap3A_82 = vector.load %arg12[%swap3A, %swap3A_81] : memref<400x256xf32, #tpu.memory_space<vmem>>, vector<400x256xf32>
    tpu.vector_store %arg12[%swap3A, %swap3A_81], %add3A_80 {strides = array<i32>} : memref<400x256xf32, #tpu.memory_space<vmem>>, vector<400x256xf32>,
    return
  }
  func.func @transform_0(%arg0: i32) -> (i32, i32) {
    %c0_i32 = arith.constant 0 : i32
    %c0_i32_0 = arith.constant 0 : i32
    return %arg0, %c0_i32 : i32, i32
  }
  func.func @transform_1(%arg0: i32) -> (i32, i32) {
    %c0_i32 = arith.constant 0 : i32
    %c0_i32_0 = arith.constant 0 : i32
    return %arg0, %c0_i32 : i32, i32
  }
  func.func @transform_2(%arg0: i32) -> (i32, i32) {
    %c0_i32 = arith.constant 0 : i32
    %c0_i32_0 = arith.constant 0 : i32
    %c0_i32_1 = arith.constant 0 : i32
    return %c0_i32, %c0_i32_0 : i32, i32
  }
  func.func @transform_3(%arg0: i32) -> (i32, i32) {
    %c0_i32 = arith.constant 0 : i32
    %c0_i32_0 = arith.constant 0 : i32
    %c0_i32_1 = arith.constant 0 : i32
    return %c0_i32, %c0_i32_0 : i32, i32
  }
  func.func @transform_4(%arg0: i32) -> (i32, i32) {
    %c0_i32 = arith.constant 0 : i32
    %c0_i32_0 = arith.constant 0 : i32
    %c0_i32_1 = arith.constant 0 : i32
    return %c0_i32, %c0_i32_0 : i32, i32
  }
  func.func @transform_5(%arg0: i32) -> (i32, i32) {
    %c0_i32 = arith.constant 0 : i32
    %c0_i32_0 = arith.constant 0 : i32
    %c0_i32_1 = arith.constant 0 : i32
    return %c0_i32, %c0_i32_0 : i32, i32
  }
  func.func @transform_6(%arg0: i32) -> (i32, i32) {
    %c0_i32 = arith.constant 0 : i32
    %c0_i32_0 = arith.constant 0 : i32
    %c0_i32_1 = arith.constant 0 : i32
    return %c0_i32, %c0_i32_0 : i32, i32
  }
  func.func @transform_7(%arg0: i32) -> (i32, i32) {
    %c0_i32 = arith.constant 0 : i32
    %c0_i32_0 = arith.constant 0 : i32
    %c0_i32_1 = arith.constant 0 : i32
    return %c0_i32, %c0_i32_0 : i32, i32
  }
  func.func @transform_8(%arg0: i32) -> (i32, i32) {
    %c0_i32 = arith.constant 0 : i32
    %c0_i32_0 = arith.constant 0 : i32
    %c0_i32_1 = arith.constant 0 : i32
    return %c0_i32, %c0_i32_0 : i32, i32
  }
  func.func @transform_9(%arg0: i32) -> (i32, i32) {
    %c0_i32 = arith.constant 0 : i32
    %c0_i32_0 = arith.constant 0 : i32
    %c0_i32_1 = arith.constant 0 : i32
    return %c0_i32, %c0_i32_0 : i32, i32
  }
  func.func @transform_10(%arg0: i32) -> (i32, i32) {
    %c0_i32 = arith.constant 0 : i32
    %c0_i32_0 = arith.constant 0 : i32
    %c0_i32_1 = arith.constant 0 : i32
    return %c0_i32, %c0_i32_0 : i32, i32
  }
  func.func @transform_11(%arg0: i32) -> (i32, i32) {
    %c0_i32 = arith.constant 0 : i32
    %c0_i32_0 = arith.constant 0 : i32
    return %arg0, %c0_i32 : i32, i32
  }
}

</mosaic_0001>

<sc_bundles>
// kernel: kernel.11.cloned.1.call-start
scs
__scs_entry_jumppad:
0x0: {  	(pc) =	sbr.rel $0x88, $3  }
0x1: {  	(tag) =	ssettag $0x0;
	lr =	simm.s32 $0x1  }
0x2: {  	[smem:$0x3F8D] =	sst lr;
	_ =	strace $0xD0000000  }
0x3: {  	_ = 	snop  }
0x4: {  	_ = 	snop  }
0x5: {  	_ = 	snop  }
0x6: {  	_ = 	snop  }
0x7: {  	_ = 	snop  }
__scs_overlays_trampoline_lowered:
0x8: {  	[smem:$0x3F9C] =	sst s0  }
0x9: {  	[smem:$0x3F9D] =	sst s1  }
0xa: {  	[smem:$0x3F9E] =	sst s2  }
0xb: {  	[smem:$0x3F9F] =	sst s3  }
0xc: {  	[smem:$0x3FA0] =	sst s4  }
0xd: {  	[smem:$0x3FA1] =	sst s5  }
0xe: {  	[smem:$0x3FA2] =	sst s6  }
0xf: {  	[smem:$0x3FA3] =	sst s7  }
0x10: {  	[smem:$0x3FA4] =	sst s8  }
0x11: {  	[smem:$0x3FA5] =	sst s9;
	s0 =	simm.s32 @!p0 $0x0  }
0x12: {  	s1 =	sld [smem:$0x3F8B];
	s0 =	simm.s32 @p0 $0x1  }
0x13: {  	[smem:$0x3FA6] =	sst s0;
	s0 =	simm.s32 @!p1 $0x0  }
0x14: {  	s2 =	sld [smem:$0x3F8A];
	s0 =	simm.s32 @p1 $0x1  }
0x15: {  	[smem:$0x3FA7] =	sst s0;
	s0 =	simm.s32 @!p2 $0x0  }
0x16: {  	s3 =	sld [smem:$0x3FDB];
	s0 =	simm.s32 @p2 $0x1  }
0x17: {  	s4 =	simm.s32 $0x1BF5;
	[smem:$0x3FA9] =	sst s0  }
0x18: {  	s0 =	sld [smem:$0x3F8C];
	_ =	swait.ge [sflag:s4], $0x0  }
0x19: {  	s7 =	sld [smem:$0x3F8D]  }
0x1a: {  	s8 =	sadd.s32 $0xFFFFE003, lr  }
0x1b: {  	s9 =	sadd.s32 $0xFFFFFEF7, lr;
	s5 =	simm.s32 $0xFFFFFFFF;
	p2 =	slt.u32 s8, $0xFFFFF086  }
0x1c: {  	p1 =	slt.u32 s9, $0xF7A;
	s5 =	simm.s32 @!p2 $0x0  }
0x1d: {  	s5 =	simm.s32 @p1 $0x1;
	p0 =	seq.s32 s7, s2  }
0x1e: {  	s7 =	smul.u32 @!p0 $0xF7A, s2;
	p2 =	seq.s32 @!p0 s5, $0x0  }
0x1f: {  	s9 =	smul.u32 $0xF7A, s1;
	s8 =	simm.s32 @!p0 $0x1BF5;
	p2 =	por !p2, p0  }
0x20: {  	[sflag:s8] =	ssyncset.s32 @!p0 $0xFFFFF086;
	s6 =	sadd.s32 @!p0 s3, s7;
	s7 =	simm.s32 @!p0 $0x108  }
0x21: {  	s3 =	sadd.s32 s3, s9;
	s6 =	sadd.s32 @!p0 $0x88, s6;
	s7 =	simm.s32 @p2 $0x1082  }
0x22: {  	[simem:s7], [sflag:s8] =	dma.local @!p0 [hbm:s6], $0xF7A  }
0x23: {  	s9 =	sor.u32 $0xD0000000, s2;
	s6 =	simm.s32 $0x108;
	_ =	swait.ge @!p0 [sflag:s8], $0x0  }
0x24: {  	s3 =	sadd.s32 $0x88, s3;
	s6 =	simm.s32 @!p1 $0x1082;
	[sflag:s4] =	ssyncset.s32 $0xFFFFF086  }
0x25: {  	[simem:s6], [sflag:s4] =	dma.local [hbm:s3], $0xF7A  }
0x26: {  	[smem:$0x3F8D] =	sst s1;
	(tag) =	ssettag s2;
	_ =	strace s9  }
0x27: {  	s1 =	sld [smem:$0x3F9D]  }
0x28: {  	s2 =	sld [smem:$0x3F9E]  }
0x29: {  	s4 =	sld [smem:$0x3FA0]  }
0x2a: {  	p0 =	seq.s32 s5, $0x0;
	s5 =	sld [smem:$0x3FA1]  }
0x2b: {  	s6 =	sld [smem:$0x3FA2]  }
0x2c: {  	s7 =	sld [smem:$0x3FA3]  }
0x2d: {  	s3 =	simm.s32 $0x108;
	s8 =	sld [smem:$0x3FA4]  }
0x2e: {  	s3 =	simm.s32 @!p0 $0x1082;
	s9 =	sld [smem:$0x3FA5]  }
0x2f: {  	lr =	sadd.s32 s0, s3;
	s0 =	sld [smem:$0x3F9C]  }
0x30: {  	s3 =	sld [smem:$0x3F9F]  }
0x31: {  	[smem:$0x3FA8] =	sst s10  }
0x32: {  	s10 =	sld [smem:$0x3FA6];
	_ =	sdelay $0x3  }
0x33: {  	p0 =	seq.s32 s10, $0x1;
	s10 =	sld [smem:$0x3FA8];
	_ =	sdelay $0x3  }
0x34: {  	[smem:$0x3FA8] =	sst s10  }
0x35: {  	s10 =	sld [smem:$0x3FA7];
	_ =	sdelay $0x3  }
0x36: {  	p1 =	seq.s32 s10, $0x1;
	s10 =	sld [smem:$0x3FA8];
	_ =	sdelay $0x3  }
0x37: {  	[smem:$0x3FA8] =	sst s10  }
0x38: {  	s10 =	sld [smem:$0x3FA9]  }
0x39: {  	_ = 	snop;
	(pc) =	sbr.ind lr, $3  }
0x3a: {  	_ = 	snop  }
0x3b: {  	_ = 	snop  }
0x3c: {  	p2 =	seq.s32 s10, $0x1;
	s10 =	sld [smem:$0x3FA8]  }
0x3d: {  	_ =	shalt  }
0x3e: {  	_ =	shalt  }
0x3f: {  	_ =	shalt  }
0x40: {  	_ =	shalt  }
0x41: {  	_ =	shalt  }
0x42: {  	_ =	shalt  }
0x43: {  	_ =	shalt  }
0x44: {  	_ =	shalt  }
0x45: {  	_ =	shalt  }
0x46: {  	_ =	shalt  }
0x47: {  	_ =	shalt  }
0x48: {  	_ =	shalt  }
0x49: {  	_ =	shalt  }
0x4a: {  	_ =	shalt  }
0x4b: {  	_ =	shalt  }
0x4c: {  	_ =	shalt  }
0x4d: {  	_ =	shalt  }
0x4e: {  	_ =	shalt  }
0x4f: {  	_ =	shalt  }
0x50: {  	_ =	shalt  }
0x51: {  	_ =	shalt  }
0x52: {  	_ =	shalt  }
0x53: {  	_ =	shalt  }
0x54: {  	_ =	shalt  }
0x55: {  	_ =	shalt  }
0x56: {  	_ =	shalt  }
0x57: {  	_ =	shalt  }
0x58: {  	_ =	shalt  }
0x59: {  	_ =	shalt  }
0x5a: {  	_ =	shalt  }
0x5b: {  	_ =	shalt  }
0x5c: {  	_ =	shalt  }
0x5d: {  	_ =	shalt  }
0x5e: {  	_ =	shalt  }
0x5f: {  	_ =	shalt  }
0x60: {  	_ =	shalt  }
0x61: {  	_ =	shalt  }
0x62: {  	_ =	shalt  }
0x63: {  	_ =	shalt  }
0x64: {  	_ =	shalt  }
0x65: {  	_ =	shalt  }
0x66: {  	_ =	shalt  }
0x67: {  	_ =	shalt  }
0x68: {  	_ =	shalt  }
0x69: {  	_ =	shalt  }
0x6a: {  	_ =	shalt  }
0x6b: {  	_ =	shalt  }
0x6c: {  	_ =	shalt  }
0x6d: {  	_ =	shalt  }
0x6e: {  	_ =	shalt  }
0x6f: {  	_ =	shalt  }
0x70: {  	_ =	shalt  }
0x71: {  	_ =	shalt  }
0x72: {  	_ =	shalt  }
0x73: {  	_ =	shalt  }
0x74: {  	_ =	shalt  }
0x75: {  	_ =	shalt  }
0x76: {  	_ =	shalt  }
0x77: {  	_ =	shalt  }
0x78: {  	_ =	shalt  }
0x79: {  	_ =	shalt  }
0x7a: {  	_ =	shalt  }
0x7b: {  	_ =	shalt  }
0x7c: {  	_ =	shalt  }
0x7d: {  	_ =	shalt  }
0x7e: {  	_ =	shalt  }
0x7f: {  	_ =	shalt  }
0x80: {  	_ =	shalt  }
0x81: {  	_ =	shalt  }
0x82: {  	_ =	shalt  }
0x83: {  	_ =	shalt  }
0x84: {  	_ =	shalt  }
0x85: {  	_ =	shalt  }
0x86: {  	_ =	shalt  }
0x87: {  	_ =	shalt  }
.Lfunc_end0:
.L_simem_size_0:
called_computation.1_lowered:
.L_overlay_start_0:
0x88: {  	s2 =	sld [smem:$0x3FD9]  }
0x89: {  	s3 =	sld [smem:$0x3FFE];
	_ =	sdelay $0x1  }
0x8a: {  	s1 =	srdreg.scid  }
0x8b: {  	s0 =	sand.u32 $0x1, s1  }
0x8c: {  	s14 =	sshll.u32 s0, $0xA;
	s2 =	sadd.s32 s3, s2  }
0x8d: {  	s2 =	sadd.s32 s2, s14  }
0x8e: {  	[smem:$0x3FB4] =	sst s2  }
0x8f: {  	_ = 	snop  }
0x90: {  	s2 =	sld [smem:$0x3FD0];
	_ =	sdelay $0x1  }
0x91: {  	s15 =	sld [smem:$0x3FC9]  }
0x92: {  	s5 =	simm.s32 $0xB;
	s6 =	simm.s32 $0x10;
	s4 =	sld [smem:$0x3FC8]  }
0x93: {  	[smem:s6], [sflag:s5] =	dma.local [hbm:s2], $0x1  }
0x94: {  	_ =	swait.eq [sflag:s5], $0x1  }
0x95: {  	[sflag:s5] =	ssyncset.done $0x0  }
0x96: {  	s16 =	sld [smem:$0x10];
	[sflag:s5] =	ssyncadd.s32 $0xFFFFFFFF  }
0x97: {  	s17 =	sld [smem:$0x11];
	(tm) =	ssettm $0x1  }
0x98: {  	s18 =	sld [smem:$0x3FFB];
	_ =	sdelay $0x3  }
0x99: {  	_ =	strace s18  }
0x9a: {  	s6 =	sld [smem:$0x3FFC];
	_ =	sdelay $0x3  }
0x9b: {  	_ =	strace s6  }
0x9c: {  	s6 =	sld [smem:$0x3FFD];
	_ =	sdelay $0x3  }
0x9d: {  	_ =	strace s6  }
0x9e: {  	_ =	strace $0x8FFFFFFF  }
0x9f: {  	s19 =	sld [smem:$0x3FDB];
	_ =	sdelay $0x1  }
0xa0: {  	s7 =	simm.s32 $_scs_section_size  }
0xa1: {  	s8 =	simm.s32 $_size__tile_overlayer_lowered;
	s9 =	simm.s32 $_tile_overlayer_lowered  }
0xa2: {  	s22 =	simm.s32 $0x1BFF;
	s21 =	sshll.u32 s9, $0x1;
	s6 =	sadd.s32 s7, s19  }
0xa3: {  	s10 =	simm.s32 $0x0;
	s20 =	sshll.u32 s8, $0x1;
	s8 =	sadd.s32 s21, s6  }
0xa4: {  	[timem:s10], [sflag:s22] =	dma.local [hbm:s8], s20  }
0xa5: {  	_ =	swait.ge [sflag:s22], s20  }
0xa6: {  	s7 =	ssub.s32 $0x0, s20;
	[sflag:s22] =	ssyncset.done $0x0  }
0xa7: {  	[sflag:s22] =	ssyncadd.s32 s7;
	_ =	sdelay $0x1  }
0xa8: {  	s23 =	simm.s32 $0x1B8B  }
0xa9: {  	_ =	swait.ge [sflag:s23], $0x1  }
0xaa: {  	[sflag:s23] =	ssyncset.done $0x0  }
0xab: {  	s25 =	simm.s32 $0x1B8E;
	s24 =	sld [smem:$0x3FFE];
	[sflag:s23] =	ssyncadd.s32 $0xFFFFFFFF  }
0xac: {  	s26 =	simm.s32 $execute0_lowered;
	[smem:$0x3FD2] =	sst s25  }
0xad: {  	s8 =	sshll.u32 s26, $0x1;
	_ =	strace $0x80000046;
	[dreg:$0x1] =	wrdreg $0xFFFFFFFF  }
0xae: {  	s28 =	simm.s32 $_size_execute0_lowered;
	s6 =	sadd.s32 s6, s8;
	[dreg:$0x0] =	wrdreg $0x0  }
0xaf: {  	s8 =	sshll.u32 s28, $0x1;
	[dreg:$0x2] =	wrdreg s6  }
0xb0: {  	[dreg:$0x3] =	wrdreg s8  }
0xb1: {  	[dreg:$0x4] =	wrdreg $0xC0  }
0xb2: {  	_ =	task [dreg:s10], $0x5FFFF  }
0xb3: {  	[dreg:$0x1] =	wrdreg $0xFFFFFFFF  }
0xb4: {  	[dreg:$0x0] =	wrdreg $0x60  }
0xb5: {  	[dreg:$0x2] =	wrdreg s16  }
0xb6: {  	[dreg:$0x3] =	wrdreg s17  }
0xb7: {  	[dreg:$0x4] =	wrdreg s15  }
0xb8: {  	[dreg:$0x5] =	wrdreg s4  }
0xb9: {  	[dreg:$0x6] =	wrdreg s24  }
0xba: {  	[dreg:$0x7] =	wrdreg $0xA  }
0xbb: {  	_ =	task.clear_ibuf [dreg:s10], $0x8FFFF;
	_ =	strace $0x90000046  }
0xbc: {  	s29 =	simm.s32 $0xA;
	_ =	strace $0x80000048  }
0xbd: {  	_ =	swait.ge [sflag:s29], $0x1  }
0xbe: {  	[sflag:s29] =	ssyncadd.s32 $0xFFFFFFFF  }
0xbf: {  	_ =	strace $0x90000048  }
0xc0: {  	_ =	sfence  }
0xc1: {  	s30 =	sld [smem:$0x0];
	_ =	sdelay $0x2  }
0xc2: {  	s31 =	sshll.u32 s1, $0xD;
	s1 =	sshrl.u32 s1, $0x2  }
0xc3: {  	s3 =	sand.u32 $0x4000, s31;
	s1 =	sadd.s32 s1, s30  }
0xc4: {  	s0 =	sor.u32 s3, s0;
	s1 =	sshll.u32 s1, $0x11  }
0xc5: {  	s0 =	sor.u32 s1, s0  }
0xc6: {  	s0 =	sadd.s32 $0x8F2B, s0  }
0xc7: {  	[sflag:s0] =	ssyncadd.remote.s32 $0x1  }
0xc8: {  	_ =	sfence.sel $0xFFFF  }
0xc9: {  	[dreg:$0x0] =	wrdreg $0xFFFFFFFF;
	(pc) =	sbr.abs _section_cstart, $3  }
0xca: {  	[dreg:$0x1] =	wrdreg $0xFFFFFFFF  }
0xcb: {  	_ =	task.clear_ibuf [dreg:s10], $0x2FFFF;
	_ =	strace $0x9FFFFFFF  }
0xcc: {  	(tm) =	ssettm $0x7FFFFFFF  }
0xcd: {  	_ =	shalt  }
tec
execute0_lowered:
.L_overlay_start_1:
0x0: {  	(tag) =	ssettag $0x1  }
0x1: {  	s0 =	rddreg [dreg:$0x0]  }
0x2: {  	s2 =	rddreg [dreg:$0x1]  }
0x3: {  	s1 =	rddreg [dreg:$0x2]  }
0x4: {  	s3 =	rddreg [dreg:$0x3];
	s4 =	srdreg.scid  }
0x5: {  	s11 =	stileid.u32;
	s5 =	rddreg [dreg:$0x4];
	s14 =	simm.s32 $0x2800  }
0x6: {  	s31 =	simm.s32 $0x6800;
	s15 =	simm.s32 $0x14000;
	s16 =	simm.s32 $0x14800  }
0x7: {  	s17 =	simm.s32 $0x15000;
	s18 =	simm.s32 $0x15800;
	s19 =	simm.s32 $0x16000  }
0x8: {  	s20 =	simm.s32 $0x3;
	s28 =	simm.s32 $0x2;
	s29 =	simm.s32 $0x5  }
0x9: {  	s30 =	simm.s32 $0x0;
	s6 =	sand.u32 $0x1, s4;
	s7 =	sshll.u32 s11, $0x1  }
0xa: {  	s4 =	simm.s32 $0x0;
	s9 =	sadd.s32 $0x4200, s5;
	s11 =	smul.u32 $0x271000, s11  }
0xb: {  	s7 =	sor.u32 s6, s7;
	s10 =	ssub.s32 $0x2, s6;
	s6 =	smul.u32 $0x138800, s6  }
0xc: {  	s5 =	sadd.s32 $0x4E6200, s5;
	[smem:$0x7FF] =	sst s4;
	s8 =	smul.u32 $0x271, s7  }
0xd: {  	_ =	strace $0x80000047;
	s7 =	smul.u32 $0x138800, s7;
	s12 =	sshrl.u32 s10, $0x1  }
0xe: {  	s10 =	ssub.s32 s10, s12;
	s22 =	sadd.s32 s6, s11;
	s12 =	simm.s32 $0xD  }
0xf: {  	s11 =	simm.s32 $0x13800;
	s1 =	sadd.s32 s1, s8;
	s21 =	sshrl.u32 s7, $0x3  }
0x10: {  	s3 =	sadd.s32 s3, s8;
	s24 =	sshrl.u32 s22, $0x3;
	[dreg:$0x6] =	wrdreg s1  }
0x11: {  	s25 =	smax.u32 s10, $0x1;
	s22 =	simm.s32 $0xE800;
	[dreg:$0x7] =	wrdreg s3  }
0x12: {  	s10 =	simm.s32 $0x13000;
	s1 =	sadd.s32 $0x27000, s21;
	[dreg:$0xa] =	wrdreg s25  }
.Ltmp0:
0x13: {  	s26 =	sadd.s32 s24, s5;
	s21 =	simm.s32 $0x6;
	(pc) =	sbr.rel .LBB2_1-.Ltmp0, $4  }
0x14: {  	s25 =	simm.s32 $0x1;
	s23 =	sadd.s32 s9, s1;
	[dreg:$0xb] =	wrdreg s26  }
0x15: {  	v2 =	vlaneseq.u32;
	s1 =	sadd.s32 s5, s1;
	s26 =	simm.s32 $0x4;
	[dreg:$0x8] =	wrdreg s23  }
0x16: {  	vm0 =	vmmov $0xffff;
	v1 =	vshrl.u32 v2, $0x3;
	[dreg:$0x9] =	wrdreg s1;
	s1 =	sadd.s32 s24, s9;
	s9 =	simm.s32 $0x12800  }
0x17: {  	v0 =	vand.u32 $0x7, v2;
	v2 =	vor.u32 $0x8, v2;
	v1 =	vmul.u32 $0x8, v1;
	s23 =	simm.s32 $0xA800;
	s24 =	simm.s32 $0x16800;
	[dreg:$0xc] =	wrdreg s1  }
.LBB2_12:
0x18: {  	s1 =	simm.s32 $0x7  }
0x19: {  	_ =	swait.ge [sflag:s1], $0x4000  }
0x1a: {  	[sflag:s1] =	ssyncset.done $0x0  }
0x1b: {  	s8 =	simm.s32 $0xA;
	[sflag:s1] =	ssyncadd.s32 $0xFFFFC000  }
0x1c: {  	_ =	swait.ge [sflag:s8], $0x4000  }
0x1d: {  	[sflag:s8] =	ssyncset.done $0x0  }
0x1e: {  	s13 =	simm.s32 $0x8;
	[sflag:s8] =	ssyncadd.s32 $0xFFFFC000  }
0x1f: {  	_ =	swait.ge [sflag:s13], $0x4000  }
0x20: {  	[sflag:s13] =	ssyncset.done $0x0  }
0x21: {  	s3 =	simm.s32 $0xB;
	[sflag:s13] =	ssyncadd.s32 $0xFFFFC000  }
0x22: {  	_ =	swait.ge [sflag:s3], $0x4000  }
0x23: {  	[sflag:s3] =	ssyncset.done $0x0  }
0x24: {  	s5 =	simm.s32 $0x9;
	[sflag:s3] =	ssyncadd.s32 $0xFFFFC000  }
0x25: {  	_ =	swait.ge [sflag:s5], $0x4000  }
0x26: {  	[sflag:s5] =	ssyncset.done $0x0  }
0x27: {  	s6 =	simm.s32 $0xC;
	[sflag:s5] =	ssyncadd.s32 $0xFFFFC000  }
0x28: {  	_ =	swait.ge [sflag:s6], $0x4000  }
0x29: {  	[sflag:s6] =	ssyncset.done $0x0  }
0x2a: {  	[sflag:s6] =	ssyncadd.s32 $0xFFFFC000  }
0x2b: {  	v3 =	vld.msk [tilespmem:$0x1380], $0xff;
	_ =	sdelay $0x4  }
0x2c: {  	v4 =	vshll.u32 v3, $0x1  }
0x2d: {  	v3 =	vand.u32 $0x7, v3;
	v4 =	vand.u32 $0xFFFFFFF0, v4  }
0x2e: {  	v3 =	vor.u32 v3, v4  }
0x2f: {  	v3 =	vperm.xlane v3, v0;
	_ =	sdelay $0x1  }
0x30: {  	v3 =	vadd.s32 v1, v3;
	_ =	sdelay $0x4  }
0x31: {  	[tilespmem:s14], [sflag:$0x1] =	stream.indirect_vreg.gather [hbm4b:s0+s4], $0x80, v3, vm0, $0xb8;
	[tilespmem:$0x1A800] =	vst v63  }
0x32: {  	v3 =	vld.msk [tilespmem:$0x2780], $0xff;
	_ =	sdelay $0x4  }
0x33: {  	v63 =	vshll.u32 v3, $0x1  }
0x34: {  	v3 =	vand.u32 $0x7, v3;
	v4 =	vand.u32 $0xFFFFFFF0, v63  }
0x35: {  	v3 =	vor.u32 v3, v4  }
0x36: {  	v3 =	vperm.xlane v3, v0;
	_ =	sdelay $0x1  }
0x37: {  	v3 =	vadd.s32 v1, v3;
	_ =	sdelay $0x4  }
0x38: {  	[tilespmem:s22], [sflag:$0x4] =	stream.indirect_vreg.gather [hbm4b:s2+s4], $0x80, v3, vm0, $0xb8;
	[tilespmem:$0x1A800] =	vst v63  }
0x39: {  	_ =	swait.ge [sflag:s25], $0x800  }
0x3a: {  	[sflag:s25] =	ssyncset.done $0x0  }
0x3b: {  	[sflag:s25] =	ssyncadd.s32 $0xFFFFF800  }
0x3c: {  	_ =	swait.ge [sflag:s26], $0x800  }
0x3d: {  	[sflag:s26] =	ssyncset.done $0x0  }
0x3e: {  	s7 =	rddreg [dreg:$0x8];
	[sflag:s26] =	ssyncadd.s32 $0xFFFFF800  }
0x3f: {  	[hbm4b:s7+s4] =	stream.linear.scatter [tilespmem:s14], [sflag:$0xD], $0x800, $0x38;
	[tilespmem:$0x1A800] =	vst v63  }
0x40: {  	_ =	swait.ge [sflag:s12], $0x800  }
0x41: {  	[sflag:s12] =	ssyncset.done $0x0  }
0x42: {  	s8 =	rddreg [dreg:$0x9];
	[sflag:s12] =	ssyncadd.s32 $0xFFFFF800  }
0x43: {  	[hbm4b:s8+s4] =	stream.linear.scatter [tilespmem:s22], [sflag:$0xD], $0x800, $0x38;
	[tilespmem:$0x1A800] =	vst v63  }
0x44: {  	_ =	swait.ge [sflag:s12], $0x800  }
0x45: {  	s30 =	sadd.s32 $0x1, s30;
	s13 =	rddreg [dreg:$0xa]  }
0x46: {  	p0 =	sne.s32 s30, s13  }
.Ltmp1:
0x47: {  	_ = 	snop;
	(pc) =	sbr.rel @!p0 .LBB2_13-.Ltmp1, $3  }
0x48: {  	_ =	sdelay $0x1  }
0x49: {  	[sflag:s12] =	ssyncset.done $0x0  }
0x4a: {  	[sflag:s12] =	ssyncadd.s32 $0xFFFFF800  }
.LBB2_1:
0x4b: {  	s1 =	rddreg [dreg:$0x6]  }
0x4c: {  	[tilespmem:s4], [sflag:$0xD] =	stream.linear.gather [hbm4b:s1+s4], $0x1388, $0x38;
	[tilespmem:$0x1A800] =	vst v63  }
0x4d: {  	_ =	swait.ge [sflag:s12], $0x1388  }
0x4e: {  	[sflag:s12] =	ssyncset.done $0x0  }
0x4f: {  	s3 =	simm.s32 $0x1400;
	s6 =	rddreg [dreg:$0x7];
	[sflag:s12] =	ssyncadd.s32 $0xFFFFEC78  }
0x50: {  	[tilespmem:s3], [sflag:$0xD] =	stream.linear.gather [hbm4b:s6+s4], $0x1388, $0x38;
	[tilespmem:$0x1A800] =	vst v63  }
0x51: {  	_ =	swait.ge [sflag:s12], $0x1388  }
0x52: {  	[sflag:s12] =	ssyncset.done $0x0  }
0x53: {  	[sflag:s12] =	ssyncadd.s32 $0xFFFFEC78  }
0x54: {  	v3 =	vld [tilespmem:$0x0];
	_ =	sdelay $0x4  }
0x55: {  	v4 =	vshll.u32 v3, $0x1  }
0x56: {  	v3 =	vand.u32 $0x7, v3;
	v4 =	vand.u32 $0xFFFFFFF0, v4  }
0x57: {  	v3 =	vor.u32 v3, v4  }
0x58: {  	v4 =	vperm.xlane v3, v0;
	_ =	sdelay $0x1  }
0x59: {  	v3 =	vperm.xlane v3, v2;
	v4 =	vadd.s32 v1, v4;
	_ =	sdelay $0x1  }
0x5a: {  	v3 =	vadd.s32 v1, v3;
	_ =	sdelay $0x2  }
0x5b: {  	[tilespmem:s14], [sflag:$0x1] =	stream.indirect_vreg.gather [hbm4b:s0+s4], $0x80, v4, vm0, $0xb8;
	[tilespmem:$0x1A800] =	vst v63  }
0x5c: {  	s7 =	simm.s32 $0x3000  }
0x5d: {  	[tilespmem:s7], [sflag:$0x1] =	stream.indirect_vreg.gather [hbm4b:s0+s4], $0x80, v3, vm0, $0xb8;
	[tilespmem:$0x1A800] =	vst v63  }
0x5e: {  	v3 =	vld [tilespmem:$0x10];
	_ =	sdelay $0x4  }
0x5f: {  	v49 =	vshll.u32 v3, $0x1  }
0x60: {  	v3 =	vand.u32 $0x7, v3;
	v4 =	vand.u32 $0xFFFFFFF0, v49  }
0x61: {  	v3 =	vor.u32 v3, v4  }
0x62: {  	v4 =	vperm.xlane v3, v0;
	_ =	sdelay $0x1  }
0x63: {  	v3 =	vperm.xlane v3, v2;
	v4 =	vadd.s32 v1, v4;
	_ =	sdelay $0x1  }
0x64: {  	v3 =	vadd.s32 v1, v3;
	_ =	sdelay $0x1  }
0x65: {  	s8 =	simm.s32 $0x3800  }
0x66: {  	[tilespmem:s8], [sflag:$0x1] =	stream.indirect_vreg.gather [hbm4b:s0+s4], $0x80, v4, vm0, $0xb8;
	[tilespmem:$0x1A800] =	vst v63  }
0x67: {  	s13 =	simm.s32 $0x4000  }
0x68: {  	[tilespmem:s13], [sflag:$0x1] =	stream.indirect_vreg.gather [hbm4b:s0+s4], $0x80, v3, vm0, $0xb8;
	[tilespmem:$0x1A800] =	vst v63  }
0x69: {  	v3 =	vld [tilespmem:$0x20];
	_ =	sdelay $0x4  }
0x6a: {  	v50 =	vshll.u32 v3, $0x1  }
0x6b: {  	v3 =	vand.u32 $0x7, v3;
	v4 =	vand.u32 $0xFFFFFFF0, v50  }
0x6c: {  	v3 =	vor.u32 v3, v4  }
0x6d: {  	v4 =	vperm.xlane v3, v0;
	_ =	sdelay $0x1  }
0x6e: {  	v3 =	vperm.xlane v3, v2;
	v4 =	vadd.s32 v1, v4;
	_ =	sdelay $0x1  }
0x6f: {  	v3 =	vadd.s32 v1, v3;
	_ =	sdelay $0x1  }
0x70: {  	s3 =	simm.s32 $0x4800  }
0x71: {  	[tilespmem:s3], [sflag:$0x1] =	stream.indirect_vreg.gather [hbm4b:s0+s4], $0x80, v4, vm0, $0xb8;
	[tilespmem:$0x1A800] =	vst v63  }
0x72: {  	s5 =	simm.s32 $0x5000  }
0x73: {  	[tilespmem:s5], [sflag:$0x1] =	stream.indirect_vreg.gather [hbm4b:s0+s4], $0x80, v3, vm0, $0xb8;
	[tilespmem:$0x1A800] =	vst v63  }
0x74: {  	v3 =	vld [tilespmem:$0x30];
	_ =	sdelay $0x4  }
0x75: {  	v51 =	vshll.u32 v3, $0x1  }
0x76: {  	v3 =	vand.u32 $0x7, v3;
	v4 =	vand.u32 $0xFFFFFFF0, v51  }
0x77: {  	v3 =	vor.u32 v3, v4  }
0x78: {  	v4 =	vperm.xlane v3, v0;
	_ =	sdelay $0x1  }
0x79: {  	v3 =	vperm.xlane v3, v2;
	v4 =	vadd.s32 v1, v4;
	_ =	sdelay $0x1  }
0x7a: {  	v3 =	vadd.s32 v1, v3;
	_ =	sdelay $0x1  }
0x7b: {  	s6 =	simm.s32 $0x5800  }
0x7c: {  	[tilespmem:s6], [sflag:$0x1] =	stream.indirect_vreg.gather [hbm4b:s0+s4], $0x80, v4, vm0, $0xb8;
	[tilespmem:$0x1A800] =	vst v63  }
0x7d: {  	s7 =	simm.s32 $0x6000  }
0x7e: {  	[tilespmem:s7], [sflag:$0x1] =	stream.indirect_vreg.gather [hbm4b:s0+s4], $0x80, v3, vm0, $0xb8;
	[tilespmem:$0x1A800] =	vst v63  }
0x7f: {  	v3 =	vld [tilespmem:$0x1400];
	_ =	sdelay $0x4  }
0x80: {  	v52 =	vshll.u32 v3, $0x1  }
0x81: {  	v3 =	vand.u32 $0x7, v3;
	v4 =	vand.u32 $0xFFFFFFF0, v52  }
0x82: {  	v3 =	vor.u32 v3, v4  }
0x83: {  	v4 =	vperm.xlane v3, v0;
	_ =	sdelay $0x1  }
0x84: {  	v3 =	vperm.xlane v3, v2;
	v4 =	vadd.s32 v1, v4;
	_ =	sdelay $0x1  }
0x85: {  	v3 =	vadd.s32 v1, v3;
	_ =	sdelay $0x2  }
0x86: {  	[tilespmem:s22], [sflag:$0x4] =	stream.indirect_vreg.gather [hbm4b:s2+s4], $0x80, v4, vm0, $0xb8;
	[tilespmem:$0x1A800] =	vst v63  }
0x87: {  	s8 =	simm.s32 $0xF000  }
0x88: {  	[tilespmem:s8], [sflag:$0x4] =	stream.indirect_vreg.gather [hbm4b:s2+s4], $0x80, v3, vm0, $0xb8;
	[tilespmem:$0x1A800] =	vst v63  }
0x89: {  	v3 =	vld [tilespmem:$0x1410];
	_ =	sdelay $0x4  }
0x8a: {  	v53 =	vshll.u32 v3, $0x1  }
0x8b: {  	v3 =	vand.u32 $0x7, v3;
	v4 =	vand.u32 $0xFFFFFFF0, v53  }
0x8c: {  	v3 =	vor.u32 v3, v4  }
0x8d: {  	v4 =	vperm.xlane v3, v0;
	_ =	sdelay $0x1  }
0x8e: {  	v3 =	vperm.xlane v3, v2;
	v4 =	vadd.s32 v1, v4;
	_ =	sdelay $0x1  }
0x8f: {  	v3 =	vadd.s32 v1, v3;
	_ =	sdelay $0x1  }
0x90: {  	s13 =	simm.s32 $0xF800  }
0x91: {  	[tilespmem:s13], [sflag:$0x4] =	stream.indirect_vreg.gather [hbm4b:s2+s4], $0x80, v4, vm0, $0xb8;
	[tilespmem:$0x1A800] =	vst v63  }
0x92: {  	s3 =	simm.s32 $0x10000  }
0x93: {  	[tilespmem:s3], [sflag:$0x4] =	stream.indirect_vreg.gather [hbm4b:s2+s4], $0x80, v3, vm0, $0xb8;
	[tilespmem:$0x1A800] =	vst v63  }
0x94: {  	v3 =	vld [tilespmem:$0x1420];
	_ =	sdelay $0x4  }
0x95: {  	v54 =	vshll.u32 v3, $0x1  }
0x96: {  	v3 =	vand.u32 $0x7, v3;
	v4 =	vand.u32 $0xFFFFFFF0, v54  }
0x97: {  	v3 =	vor.u32 v3, v4  }
0x98: {  	v4 =	vperm.xlane v3, v0;
	_ =	sdelay $0x1  }
0x99: {  	v3 =	vperm.xlane v3, v2;
	v4 =	vadd.s32 v1, v4;
	_ =	sdelay $0x1  }
0x9a: {  	v3 =	vadd.s32 v1, v3;
	_ =	sdelay $0x1  }
0x9b: {  	s5 =	simm.s32 $0x10800  }
0x9c: {  	[tilespmem:s5], [sflag:$0x4] =	stream.indirect_vreg.gather [hbm4b:s2+s4], $0x80, v4, vm0, $0xb8;
	[tilespmem:$0x1A800] =	vst v63  }
0x9d: {  	s6 =	simm.s32 $0x11000  }
0x9e: {  	[tilespmem:s6], [sflag:$0x4] =	stream.indirect_vreg.gather [hbm4b:s2+s4], $0x80, v3, vm0, $0xb8;
	[tilespmem:$0x1A800] =	vst v63  }
0x9f: {  	v3 =	vld [tilespmem:$0x1430];
	_ =	sdelay $0x4  }
0xa0: {  	v55 =	vshll.u32 v3, $0x1  }
0xa1: {  	v3 =	vand.u32 $0x7, v3;
	v4 =	vand.u32 $0xFFFFFFF0, v55  }
0xa2: {  	v3 =	vor.u32 v3, v4  }
0xa3: {  	v4 =	vperm.xlane v3, v0;
	_ =	sdelay $0x1  }
0xa4: {  	v3 =	vperm.xlane v3, v2;
	v4 =	vadd.s32 v1, v4;
	_ =	sdelay $0x1  }
0xa5: {  	v3 =	vadd.s32 v1, v3;
	_ =	sdelay $0x1  }
0xa6: {  	s7 =	simm.s32 $0x11800  }
0xa7: {  	[tilespmem:s7], [sflag:$0x4] =	stream.indirect_vreg.gather [hbm4b:s2+s4], $0x80, v4, vm0, $0xb8;
	[tilespmem:$0x1A800] =	vst v63  }
0xa8: {  	s8 =	simm.s32 $0x12000  }
0xa9: {  	[tilespmem:s8], [sflag:$0x4] =	stream.indirect_vreg.gather [hbm4b:s2+s4], $0x80, v3, vm0, $0xb8;
	[tilespmem:$0x1A800] =	vst v63  }
0xaa: {  	v3 =	vld [tilespmem:$0x40];
	_ =	sdelay $0x4  }
0xab: {  	v56 =	vshll.u32 v3, $0x1  }
0xac: {  	v3 =	vand.u32 $0x7, v3;
	v4 =	vand.u32 $0xFFFFFFF0, v56  }
0xad: {  	v3 =	vor.u32 v3, v4  }
0xae: {  	v4 =	vperm.xlane v3, v0;
	_ =	sdelay $0x1  }
0xaf: {  	v3 =	vperm.xlane v3, v2;
	v4 =	vadd.s32 v1, v4;
	_ =	sdelay $0x1  }
0xb0: {  	v3 =	vadd.s32 v1, v3;
	_ =	sdelay $0x2  }
0xb1: {  	[tilespmem:s31], [sflag:$0x2] =	stream.indirect_vreg.gather [hbm4b:s0+s4], $0x80, v4, vm0, $0xb8;
	[tilespmem:$0x1A800] =	vst v63  }
0xb2: {  	s13 =	simm.s32 $0x7000  }
0xb3: {  	[tilespmem:s13], [sflag:$0x2] =	stream.indirect_vreg.gather [hbm4b:s0+s4], $0x80, v3, vm0, $0xb8;
	[tilespmem:$0x1A800] =	vst v63  }
0xb4: {  	v3 =	vld [tilespmem:$0x50];
	_ =	sdelay $0x4  }
0xb5: {  	v57 =	vshll.u32 v3, $0x1  }
0xb6: {  	v3 =	vand.u32 $0x7, v3;
	v4 =	vand.u32 $0xFFFFFFF0, v57  }
0xb7: {  	v3 =	vor.u32 v3, v4  }
0xb8: {  	v4 =	vperm.xlane v3, v0;
	_ =	sdelay $0x1  }
0xb9: {  	v3 =	vperm.xlane v3, v2;
	v4 =	vadd.s32 v1, v4;
	_ =	sdelay $0x1  }
0xba: {  	v3 =	vadd.s32 v1, v3;
	_ =	sdelay $0x1  }
0xbb: {  	s3 =	simm.s32 $0x7800  }
0xbc: {  	[tilespmem:s3], [sflag:$0x2] =	stream.indirect_vreg.gather [hbm4b:s0+s4], $0x80, v4, vm0, $0xb8;
	[tilespmem:$0x1A800] =	vst v63  }
0xbd: {  	s5 =	simm.s32 $0x8000  }
0xbe: {  	[tilespmem:s5], [sflag:$0x2] =	stream.indirect_vreg.gather [hbm4b:s0+s4], $0x80, v3, vm0, $0xb8;
	[tilespmem:$0x1A800] =	vst v63  }
0xbf: {  	v3 =	vld [tilespmem:$0x60];
	_ =	sdelay $0x4  }
0xc0: {  	v58 =	vshll.u32 v3, $0x1  }
0xc1: {  	v3 =	vand.u32 $0x7, v3;
	v4 =	vand.u32 $0xFFFFFFF0, v58  }
0xc2: {  	v3 =	vor.u32 v3, v4  }
0xc3: {  	v4 =	vperm.xlane v3, v0;
	_ =	sdelay $0x1  }
0xc4: {  	v3 =	vperm.xlane v3, v2;
	v4 =	vadd.s32 v1, v4;
	_ =	sdelay $0x1  }
0xc5: {  	v3 =	vadd.s32 v1, v3;
	_ =	sdelay $0x1  }
0xc6: {  	s6 =	simm.s32 $0x8800  }
0xc7: {  	[tilespmem:s6], [sflag:$0x2] =	stream.indirect_vreg.gather [hbm4b:s0+s4], $0x80, v4, vm0, $0xb8;
	[tilespmem:$0x1A800] =	vst v63  }
0xc8: {  	s7 =	simm.s32 $0x9000  }
0xc9: {  	[tilespmem:s7], [sflag:$0x2] =	stream.indirect_vreg.gather [hbm4b:s0+s4], $0x80, v3, vm0, $0xb8;
	[tilespmem:$0x1A800] =	vst v63  }
0xca: {  	v3 =	vld [tilespmem:$0x70];
	_ =	sdelay $0x4  }
0xcb: {  	v59 =	vshll.u32 v3, $0x1  }
0xcc: {  	v3 =	vand.u32 $0x7, v3;
	v4 =	vand.u32 $0xFFFFFFF0, v59  }
0xcd: {  	v3 =	vor.u32 v3, v4  }
0xce: {  	v4 =	vperm.xlane v3, v0;
	_ =	sdelay $0x1  }
0xcf: {  	v3 =	vperm.xlane v3, v2;
	v4 =	vadd.s32 v1, v4;
	_ =	sdelay $0x1  }
0xd0: {  	v3 =	vadd.s32 v1, v3;
	_ =	sdelay $0x1  }
0xd1: {  	s8 =	simm.s32 $0x9800  }
0xd2: {  	[tilespmem:s8], [sflag:$0x2] =	stream.indirect_vreg.gather [hbm4b:s0+s4], $0x80, v4, vm0, $0xb8;
	[tilespmem:$0x1A800] =	vst v63  }
0xd3: {  	s13 =	simm.s32 $0xA000  }
0xd4: {  	[tilespmem:s13], [sflag:$0x2] =	stream.indirect_vreg.gather [hbm4b:s0+s4], $0x80, v3, vm0, $0xb8;
	[tilespmem:$0x1A800] =	vst v63  }
0xd5: {  	v3 =	vld [tilespmem:$0x1440];
	_ =	sdelay $0x4  }
0xd6: {  	v60 =	vshll.u32 v3, $0x1  }
0xd7: {  	v3 =	vand.u32 $0x7, v3;
	v4 =	vand.u32 $0xFFFFFFF0, v60  }
0xd8: {  	v3 =	vor.u32 v3, v4  }
0xd9: {  	v4 =	vperm.xlane v3, v0;
	_ =	sdelay $0x1  }
0xda: {  	v3 =	vperm.xlane v3, v2;
	v4 =	vadd.s32 v1, v4;
	_ =	sdelay $0x1  }
0xdb: {  	v3 =	vadd.s32 v1, v3;
	_ =	sdelay $0x2  }
0xdc: {  	[tilespmem:s9], [sflag:$0x5] =	stream.indirect_vreg.gather [hbm4b:s2+s4], $0x80, v4, vm0, $0xb8;
	[tilespmem:$0x1A800] =	vst v63  }
0xdd: {  	_ = 	snop  }
0xde: {  	[tilespmem:s10], [sflag:$0x5] =	stream.indirect_vreg.gather [hbm4b:s2+s4], $0x80, v3, vm0, $0xb8;
	[tilespmem:$0x1A800] =	vst v63  }
0xdf: {  	v3 =	vld [tilespmem:$0x1450];
	_ =	sdelay $0x4  }
0xe0: {  	v61 =	vshll.u32 v3, $0x1  }
0xe1: {  	v3 =	vand.u32 $0x7, v3;
	v4 =	vand.u32 $0xFFFFFFF0, v61  }
0xe2: {  	v3 =	vor.u32 v3, v4  }
0xe3: {  	v4 =	vperm.xlane v3, v0;
	_ =	sdelay $0x1  }
0xe4: {  	v3 =	vperm.xlane v3, v2;
	v4 =	vadd.s32 v1, v4;
	_ =	sdelay $0x1  }
0xe5: {  	v3 =	vadd.s32 v1, v3;
	_ =	sdelay $0x2  }
0xe6: {  	[tilespmem:s11], [sflag:$0x5] =	stream.indirect_vreg.gather [hbm4b:s2+s4], $0x80, v4, vm0, $0xb8;
	[tilespmem:$0x1A800] =	vst v63  }
0xe7: {  	_ = 	snop  }
0xe8: {  	[tilespmem:s15], [sflag:$0x5] =	stream.indirect_vreg.gather [hbm4b:s2+s4], $0x80, v3, vm0, $0xb8;
	[tilespmem:$0x1A800] =	vst v63  }
0xe9: {  	v3 =	vld [tilespmem:$0x1460];
	_ =	sdelay $0x4  }
0xea: {  	v62 =	vshll.u32 v3, $0x1  }
0xeb: {  	v3 =	vand.u32 $0x7, v3;
	v4 =	vand.u32 $0xFFFFFFF0, v62  }
0xec: {  	v3 =	vor.u32 v3, v4  }
0xed: {  	v4 =	vperm.xlane v3, v0;
	_ =	sdelay $0x1  }
0xee: {  	v3 =	vperm.xlane v3, v2;
	v4 =	vadd.s32 v1, v4;
	_ =	sdelay $0x1  }
0xef: {  	v3 =	vadd.s32 v1, v3;
	_ =	sdelay $0x2  }
0xf0: {  	[tilespmem:s16], [sflag:$0x5] =	stream.indirect_vreg.gather [hbm4b:s2+s4], $0x80, v4, vm0, $0xb8;
	[tilespmem:$0x1A800] =	vst v63  }
0xf1: {  	_ = 	snop  }
0xf2: {  	[tilespmem:s17], [sflag:$0x5] =	stream.indirect_vreg.gather [hbm4b:s2+s4], $0x80, v3, vm0, $0xb8;
	[tilespmem:$0x1A800] =	vst v63  }
0xf3: {  	v3 =	vld [tilespmem:$0x1470];
	_ =	sdelay $0x4  }
0xf4: {  	v63 =	vshll.u32 v3, $0x1  }
0xf5: {  	v3 =	vand.u32 $0x7, v3;
	v4 =	vand.u32 $0xFFFFFFF0, v63  }
0xf6: {  	v3 =	vor.u32 v3, v4  }
0xf7: {  	v4 =	vperm.xlane v3, v0;
	_ =	sdelay $0x1  }
0xf8: {  	v3 =	vperm.xlane v3, v2;
	v4 =	vadd.s32 v1, v4;
	_ =	sdelay $0x1  }
0xf9: {  	v3 =	vadd.s32 v1, v3  }
.Ltmp2:
0xfa: {  	_ = 	snop;
	(pc) =	sbr.rel .LBB2_2-.Ltmp2, $4  }
0xfb: {  	s1 =	simm.s32 $0xB0;
	s5 =	rddreg [dreg:$0xb]  }
0xfc: {  	[tilespmem:s18], [sflag:$0x5] =	stream.indirect_vreg.gather [hbm4b:s2+s4], $0x80, v4, vm0, $0xb8;
	[tilespmem:$0x1A800] =	vst v63  }
0xfd: {  	s3 =	simm.s32 $0x14B0;
	s6 =	simm.s32 $0x2;
	s13 =	rddreg [dreg:$0xc]  }
0xfe: {  	[tilespmem:s19], [sflag:$0x5] =	stream.indirect_vreg.gather [hbm4b:s2+s4], $0x80, v3, vm0, $0xb8;
	[tilespmem:$0x1A800] =	vst v63  }
.LBB2_10:
0xff: {  	p0 =	seq.s32 s6, $0x2  }
0x100: {  	s7 =	simm.s32 @!p0 $0x9  }
0x101: {  	_ =	swait.ge @!p0 [sflag:s7], $0x4000  }
0x102: {  	[sflag:s7] =	ssyncset.done @!p0 $0x0  }
0x103: {  	[sflag:s7] =	ssyncadd.s32 @!p0 $0xFFFFC000;
	s7 =	simm.s32 @!p0 $0xC  }
0x104: {  	_ =	swait.ge @!p0 [sflag:s7], $0x4000  }
0x105: {  	[sflag:s7] =	ssyncset.done @!p0 $0x0  }
0x106: {  	[sflag:s7] =	ssyncadd.s32 @!p0 $0xFFFFC000  }
0x107: {  	v3 =	vld [tilespmem:s1+$0xFFFFFFD0];
	_ =	sdelay $0x4  }
0x108: {  	v4 =	vshll.u32 v3, $0x1  }
0x109: {  	v3 =	vand.u32 $0x7, v3;
	v4 =	vand.u32 $0xFFFFFFF0, v4  }
0x10a: {  	v3 =	vor.u32 v3, v4  }
0x10b: {  	v4 =	vperm.xlane v3, v0;
	_ =	sdelay $0x1  }
0x10c: {  	v3 =	vperm.xlane v3, v2;
	v4 =	vadd.s32 v1, v4;
	_ =	sdelay $0x1  }
0x10d: {  	v3 =	vadd.s32 v1, v3;
	_ =	sdelay $0x2  }
0x10e: {  	[tilespmem:s23], [sflag:$0x3] =	stream.indirect_vreg.gather [hbm4b:s0+s4], $0x80, v4, vm0, $0xb8;
	[tilespmem:$0x1A800] =	vst v63  }
0x10f: {  	s8 =	simm.s32 $0xB000  }
0x110: {  	[tilespmem:s8], [sflag:$0x3] =	stream.indirect_vreg.gather [hbm4b:s0+s4], $0x80, v3, vm0, $0xb8;
	[tilespmem:$0x1A800] =	vst v63  }
0x111: {  	v3 =	vld [tilespmem:s1+$0xFFFFFFE0];
	_ =	sdelay $0x4  }
0x112: {  	v57 =	vshll.u32 v3, $0x1  }
0x113: {  	v3 =	vand.u32 $0x7, v3;
	v4 =	vand.u32 $0xFFFFFFF0, v57  }
0x114: {  	v3 =	vor.u32 v3, v4  }
0x115: {  	v4 =	vperm.xlane v3, v0;
	_ =	sdelay $0x1  }
0x116: {  	v3 =	vperm.xlane v3, v2;
	v4 =	vadd.s32 v1, v4;
	_ =	sdelay $0x1  }
0x117: {  	v3 =	vadd.s32 v1, v3;
	_ =	sdelay $0x1  }
0x118: {  	s8 =	simm.s32 $0xB800  }
0x119: {  	[tilespmem:s8], [sflag:$0x3] =	stream.indirect_vreg.gather [hbm4b:s0+s4], $0x80, v4, vm0, $0xb8;
	[tilespmem:$0x1A800] =	vst v63  }
0x11a: {  	s8 =	simm.s32 $0xC000  }
0x11b: {  	[tilespmem:s8], [sflag:$0x3] =	stream.indirect_vreg.gather [hbm4b:s0+s4], $0x80, v3, vm0, $0xb8;
	[tilespmem:$0x1A800] =	vst v63  }
0x11c: {  	v3 =	vld [tilespmem:s1+$0xFFFFFFF0];
	_ =	sdelay $0x4  }
0x11d: {  	v58 =	vshll.u32 v3, $0x1  }
0x11e: {  	v3 =	vand.u32 $0x7, v3;
	v4 =	vand.u32 $0xFFFFFFF0, v58  }
0x11f: {  	v3 =	vor.u32 v3, v4  }
0x120: {  	v4 =	vperm.xlane v3, v0;
	_ =	sdelay $0x1  }
0x121: {  	v3 =	vperm.xlane v3, v2;
	v4 =	vadd.s32 v1, v4;
	_ =	sdelay $0x1  }
0x122: {  	v3 =	vadd.s32 v1, v3;
	_ =	sdelay $0x1  }
0x123: {  	s8 =	simm.s32 $0xC800  }
0x124: {  	[tilespmem:s8], [sflag:$0x3] =	stream.indirect_vreg.gather [hbm4b:s0+s4], $0x80, v4, vm0, $0xb8;
	[tilespmem:$0x1A800] =	vst v63  }
0x125: {  	s8 =	simm.s32 $0xD000  }
0x126: {  	[tilespmem:s8], [sflag:$0x3] =	stream.indirect_vreg.gather [hbm4b:s0+s4], $0x80, v3, vm0, $0xb8;
	[tilespmem:$0x1A800] =	vst v63  }
0x127: {  	v3 =	vld [tilespmem:s1+$0x0];
	_ =	sdelay $0x4  }
0x128: {  	v59 =	vshll.u32 v3, $0x1  }
0x129: {  	v3 =	vand.u32 $0x7, v3;
	v4 =	vand.u32 $0xFFFFFFF0, v59  }
0x12a: {  	v3 =	vor.u32 v3, v4  }
0x12b: {  	v4 =	vperm.xlane v3, v0;
	_ =	sdelay $0x1  }
0x12c: {  	v3 =	vperm.xlane v3, v2;
	v4 =	vadd.s32 v1, v4;
	_ =	sdelay $0x1  }
0x12d: {  	v3 =	vadd.s32 v1, v3;
	_ =	sdelay $0x1  }
0x12e: {  	s8 =	simm.s32 $0xD800  }
0x12f: {  	[tilespmem:s8], [sflag:$0x3] =	stream.indirect_vreg.gather [hbm4b:s0+s4], $0x80, v4, vm0, $0xb8;
	[tilespmem:$0x1A800] =	vst v63  }
0x130: {  	s8 =	simm.s32 $0xE000  }
0x131: {  	[tilespmem:s8], [sflag:$0x3] =	stream.indirect_vreg.gather [hbm4b:s0+s4], $0x80, v3, vm0, $0xb8;
	[tilespmem:$0x1A800] =	vst v63  }
0x132: {  	v3 =	vld [tilespmem:s3+$0xFFFFFFD0];
	_ =	sdelay $0x4  }
0x133: {  	v60 =	vshll.u32 v3, $0x1  }
0x134: {  	v3 =	vand.u32 $0x7, v3;
	v4 =	vand.u32 $0xFFFFFFF0, v60  }
0x135: {  	v3 =	vor.u32 v3, v4  }
0x136: {  	v4 =	vperm.xlane v3, v0;
	_ =	sdelay $0x1  }
0x137: {  	v3 =	vperm.xlane v3, v2;
	v4 =	vadd.s32 v1, v4;
	_ =	sdelay $0x1  }
0x138: {  	v3 =	vadd.s32 v1, v3;
	_ =	sdelay $0x2  }
0x139: {  	[tilespmem:s24], [sflag:$0x6] =	stream.indirect_vreg.gather [hbm4b:s2+s4], $0x80, v4, vm0, $0xb8;
	[tilespmem:$0x1A800] =	vst v63  }
0x13a: {  	s8 =	simm.s32 $0x17000  }
0x13b: {  	[tilespmem:s8], [sflag:$0x6] =	stream.indirect_vreg.gather [hbm4b:s2+s4], $0x80, v3, vm0, $0xb8;
	[tilespmem:$0x1A800] =	vst v63  }
0x13c: {  	v3 =	vld [tilespmem:s3+$0xFFFFFFE0];
	_ =	sdelay $0x4  }
0x13d: {  	v61 =	vshll.u32 v3, $0x1  }
0x13e: {  	v3 =	vand.u32 $0x7, v3;
	v4 =	vand.u32 $0xFFFFFFF0, v61  }
0x13f: {  	v3 =	vor.u32 v3, v4  }
0x140: {  	v4 =	vperm.xlane v3, v0;
	_ =	sdelay $0x1  }
0x141: {  	v3 =	vperm.xlane v3, v2;
	v4 =	vadd.s32 v1, v4;
	_ =	sdelay $0x1  }
0x142: {  	v3 =	vadd.s32 v1, v3;
	_ =	sdelay $0x1  }
0x143: {  	s8 =	simm.s32 $0x17800  }
0x144: {  	[tilespmem:s8], [sflag:$0x6] =	stream.indirect_vreg.gather [hbm4b:s2+s4], $0x80, v4, vm0, $0xb8;
	[tilespmem:$0x1A800] =	vst v63  }
0x145: {  	s8 =	simm.s32 $0x18000  }
0x146: {  	[tilespmem:s8], [sflag:$0x6] =	stream.indirect_vreg.gather [hbm4b:s2+s4], $0x80, v3, vm0, $0xb8;
	[tilespmem:$0x1A800] =	vst v63  }
0x147: {  	v3 =	vld [tilespmem:s3+$0xFFFFFFF0];
	_ =	sdelay $0x4  }
0x148: {  	v62 =	vshll.u32 v3, $0x1  }
0x149: {  	v3 =	vand.u32 $0x7, v3;
	v4 =	vand.u32 $0xFFFFFFF0, v62  }
0x14a: {  	v3 =	vor.u32 v3, v4  }
0x14b: {  	v4 =	vperm.xlane v3, v0;
	_ =	sdelay $0x1  }
0x14c: {  	v3 =	vperm.xlane v3, v2;
	v4 =	vadd.s32 v1, v4;
	_ =	sdelay $0x1  }
0x14d: {  	v3 =	vadd.s32 v1, v3;
	_ =	sdelay $0x1  }
0x14e: {  	s8 =	simm.s32 $0x18800  }
0x14f: {  	[tilespmem:s8], [sflag:$0x6] =	stream.indirect_vreg.gather [hbm4b:s2+s4], $0x80, v4, vm0, $0xb8;
	[tilespmem:$0x1A800] =	vst v63  }
0x150: {  	s8 =	simm.s32 $0x19000  }
0x151: {  	[tilespmem:s8], [sflag:$0x6] =	stream.indirect_vreg.gather [hbm4b:s2+s4], $0x80, v3, vm0, $0xb8;
	[tilespmem:$0x1A800] =	vst v63  }
0x152: {  	v3 =	vld [tilespmem:s3+$0x0];
	_ =	sdelay $0x4  }
0x153: {  	v63 =	vshll.u32 v3, $0x1  }
0x154: {  	v3 =	vand.u32 $0x7, v3;
	v4 =	vand.u32 $0xFFFFFFF0, v63  }
0x155: {  	v3 =	vor.u32 v3, v4  }
0x156: {  	v4 =	vperm.xlane v3, v0;
	_ =	sdelay $0x1  }
0x157: {  	v3 =	vperm.xlane v3, v2;
	v4 =	vadd.s32 v1, v4;
	_ =	sdelay $0x1  }
0x158: {  	v3 =	vadd.s32 v1, v3;
	_ =	sdelay $0x1  }
0x159: {  	s8 =	simm.s32 $0x19800  }
0x15a: {  	[tilespmem:s8], [sflag:$0x6] =	stream.indirect_vreg.gather [hbm4b:s2+s4], $0x80, v4, vm0, $0xb8;
	[tilespmem:$0x1A800] =	vst v63  }
0x15b: {  	s8 =	simm.s32 $0x1A000  }
0x15c: {  	[tilespmem:s8], [sflag:$0x6] =	stream.indirect_vreg.gather [hbm4b:s2+s4], $0x80, v3, vm0, $0xb8;
	[tilespmem:$0x1A800] =	vst v63  }
.LBB2_11:
0x15d: {  	s6 =	sadd.s32 $0x1, s6  }
0x15e: {  	p0 =	sne.s32 s6, $0x50  }
.Ltmp3:
0x15f: {  	_ = 	snop;
	(pc) =	sbr.rel @!p0 .LBB2_12-.Ltmp3, $3  }
0x160: {  	_ =	sdelay $0x1  }
0x161: {  	s5 =	sadd.s32 $0x800, s5  }
0x162: {  	s13 =	sadd.s32 $0x800, s13;
	s3 =	sadd.s32 $0x40, s3;
	s1 =	sadd.s32 $0x40, s1  }
.LBB2_2:
0x163: {  	s7 =	sadd.s32 $0xFFFFFFFE, s6  }
0x164: {  	s8 =	smul.u32 $0xAB, s7;
	_ =	sdelay $0x1  }
0x165: {  	s8 =	sshrl.u32 s8, $0x9  }
0x166: {  	s8 =	sand.u32 $0x7F, s8  }
0x167: {  	s8 =	smul.u32 $0x3, s8;
	_ =	sdelay $0x1  }
0x168: {  	s8 =	ssub.s32 s7, s8  }
0x169: {  	s8 =	sand.u32 $0xFF, s8  }
0x16a: {  	p0 =	seq.s32 s8, $0x2  }
.Ltmp4:
0x16b: {  	_ = 	snop;
	(pc) =	sbr.rel @p0 .LBB2_4-.Ltmp4, $1  }
0x16c: {  	_ =	sdelay $0x3  }
0x16d: {  	p0 =	seq.s32 s8, $0x1  }
0x16e: {  	_ =	swait.ge @p0 [sflag:s28], $0x4000  }
0x16f: {  	[sflag:s28] =	ssyncset.done @p0 $0x0  }
0x170: {  	[sflag:s28] =	ssyncadd.s32 @p0 $0xFFFFC000  }
0x171: {  	_ =	swait.ge @p0 [sflag:s29], $0x4000  }
0x172: {  	[sflag:s29] =	ssyncset.done @p0 $0x0  }
0x173: {  	[sflag:s29] =	ssyncadd.s32 @p0 $0xFFFFC000  }
0x174: {  	[hbm4b:s13+s4] =	stream.linear.scatter @p0 [tilespmem:s31], [sflag:$0x8], $0x4000, $0x38;
	[tilespmem:$0x1A800] =	vst v63  }
0x175: {  	_ = 	snop  }
0x176: {  	[hbm4b:s5+s4] =	stream.linear.scatter @p0 [tilespmem:s9], [sflag:$0xB], $0x4000, $0x38;
	[tilespmem:$0x1A800] =	vst v63  }
0x177: {  	_ =	swait.ge @!p0 [sflag:s25], $0x4000  }
0x178: {  	[sflag:s25] =	ssyncset.done @!p0 $0x0  }
0x179: {  	[sflag:s25] =	ssyncadd.s32 @!p0 $0xFFFFC000  }
0x17a: {  	_ =	swait.ge @!p0 [sflag:s26], $0x4000  }
.Ltmp5:
0x17b: {  	[sflag:s26] =	ssyncset.done @!p0 $0x0;
	(pc) =	sbr.rel .LBB2_5-.Ltmp5, $4  }
0x17c: {  	[sflag:s26] =	ssyncadd.s32 @!p0 $0xFFFFC000  }
0x17d: {  	[hbm4b:s13+s4] =	stream.linear.scatter @!p0 [tilespmem:s14], [sflag:$0x7], $0x4000, $0x38;
	[tilespmem:$0x1A800] =	vst v63  }
0x17e: {  	_ = 	snop  }
0x17f: {  	[hbm4b:s5+s4] =	stream.linear.scatter @!p0 [tilespmem:s22], [sflag:$0xA], $0x4000, $0x38;
	[tilespmem:$0x1A800] =	vst v63  }
.LBB2_4:
0x180: {  	_ =	swait.ge [sflag:s20], $0x4000  }
0x181: {  	[sflag:s20] =	ssyncset.done $0x0  }
0x182: {  	[sflag:s20] =	ssyncadd.s32 $0xFFFFC000  }
0x183: {  	_ =	swait.ge [sflag:s21], $0x4000  }
0x184: {  	[sflag:s21] =	ssyncset.done $0x0  }
0x185: {  	[sflag:s21] =	ssyncadd.s32 $0xFFFFC000  }
0x186: {  	[hbm4b:s13+s4] =	stream.linear.scatter [tilespmem:s23], [sflag:$0x9], $0x4000, $0x38;
	[tilespmem:$0x1A800] =	vst v63  }
0x187: {  	_ = 	snop  }
0x188: {  	[hbm4b:s5+s4] =	stream.linear.scatter [tilespmem:s24], [sflag:$0xC], $0x4000, $0x38;
	[tilespmem:$0x1A800] =	vst v63  }
.LBB2_5:
0x189: {  	p0 =	sgt.u32 s7, $0x4B  }
.Ltmp6:
0x18a: {  	_ = 	snop;
	(pc) =	sbr.rel @p0 .LBB2_11-.Ltmp6, $1  }
0x18b: {  	_ =	sdelay $0x3  }
0x18c: {  	s7 =	smul.u32 $0xAB, s6;
	_ =	sdelay $0x1  }
0x18d: {  	s7 =	sshrl.u32 s7, $0x9  }
0x18e: {  	s7 =	sand.u32 $0x7F, s7  }
0x18f: {  	s7 =	smul.u32 $0x3, s7;
	_ =	sdelay $0x1  }
0x190: {  	s7 =	ssub.s32 s6, s7  }
0x191: {  	s7 =	sand.u32 $0xFF, s7  }
0x192: {  	p0 =	seq.s32 s7, $0x2  }
.Ltmp7:
0x193: {  	_ = 	snop;
	(pc) =	sbr.rel @p0 .LBB2_10-.Ltmp7, $1  }
0x194: {  	_ =	sdelay $0x3  }
0x195: {  	p0 =	seq.s32 s7, $0x1  }
.Ltmp8:
0x196: {  	_ = 	snop;
	(pc) =	sbr.rel @!p0 .LBB2_8-.Ltmp8, $1  }
0x197: {  	_ =	sdelay $0x3  }
0x198: {  	p0 =	seq.s32 s6, $0x2  }
0x199: {  	s7 =	simm.s32 @!p0 $0x8  }
0x19a: {  	_ =	swait.ge @!p0 [sflag:s7], $0x4000  }
0x19b: {  	[sflag:s7] =	ssyncset.done @!p0 $0x0  }
0x19c: {  	[sflag:s7] =	ssyncadd.s32 @!p0 $0xFFFFC000;
	s7 =	simm.s32 @!p0 $0xB  }
0x19d: {  	_ =	swait.ge @!p0 [sflag:s7], $0x4000  }
0x19e: {  	[sflag:s7] =	ssyncset.done @!p0 $0x0  }
0x19f: {  	[sflag:s7] =	ssyncadd.s32 @!p0 $0xFFFFC000  }
0x1a0: {  	v3 =	vld [tilespmem:s1+$0xFFFFFFD0];
	_ =	sdelay $0x4  }
0x1a1: {  	v4 =	vshll.u32 v3, $0x1  }
0x1a2: {  	v3 =	vand.u32 $0x7, v3;
	v4 =	vand.u32 $0xFFFFFFF0, v4  }
0x1a3: {  	v3 =	vor.u32 v3, v4  }
0x1a4: {  	v4 =	vperm.xlane v3, v0;
	_ =	sdelay $0x1  }
0x1a5: {  	v3 =	vperm.xlane v3, v2;
	v4 =	vadd.s32 v1, v4;
	_ =	sdelay $0x1  }
0x1a6: {  	v3 =	vadd.s32 v1, v3;
	_ =	sdelay $0x2  }
0x1a7: {  	[tilespmem:s31], [sflag:$0x2] =	stream.indirect_vreg.gather [hbm4b:s0+s4], $0x80, v4, vm0, $0xb8;
	[tilespmem:$0x1A800] =	vst v63  }
0x1a8: {  	s8 =	simm.s32 $0x7000  }
0x1a9: {  	[tilespmem:s8], [sflag:$0x2] =	stream.indirect_vreg.gather [hbm4b:s0+s4], $0x80, v3, vm0, $0xb8;
	[tilespmem:$0x1A800] =	vst v63  }
0x1aa: {  	v3 =	vld [tilespmem:s1+$0xFFFFFFE0];
	_ =	sdelay $0x4  }
0x1ab: {  	v57 =	vshll.u32 v3, $0x1  }
0x1ac: {  	v3 =	vand.u32 $0x7, v3;
	v4 =	vand.u32 $0xFFFFFFF0, v57  }
0x1ad: {  	v3 =	vor.u32 v3, v4  }
0x1ae: {  	v4 =	vperm.xlane v3, v0;
	_ =	sdelay $0x1  }
0x1af: {  	v3 =	vperm.xlane v3, v2;
	v4 =	vadd.s32 v1, v4;
	_ =	sdelay $0x1  }
0x1b0: {  	v3 =	vadd.s32 v1, v3;
	_ =	sdelay $0x1  }
0x1b1: {  	s8 =	simm.s32 $0x7800  }
0x1b2: {  	[tilespmem:s8], [sflag:$0x2] =	stream.indirect_vreg.gather [hbm4b:s0+s4], $0x80, v4, vm0, $0xb8;
	[tilespmem:$0x1A800] =	vst v63  }
0x1b3: {  	s8 =	simm.s32 $0x8000  }
0x1b4: {  	[tilespmem:s8], [sflag:$0x2] =	stream.indirect_vreg.gather [hbm4b:s0+s4], $0x80, v3, vm0, $0xb8;
	[tilespmem:$0x1A800] =	vst v63  }
0x1b5: {  	v3 =	vld [tilespmem:s1+$0xFFFFFFF0];
	_ =	sdelay $0x4  }
0x1b6: {  	v58 =	vshll.u32 v3, $0x1  }
0x1b7: {  	v3 =	vand.u32 $0x7, v3;
	v4 =	vand.u32 $0xFFFFFFF0, v58  }
0x1b8: {  	v3 =	vor.u32 v3, v4  }
0x1b9: {  	v4 =	vperm.xlane v3, v0;
	_ =	sdelay $0x1  }
0x1ba: {  	v3 =	vperm.xlane v3, v2;
	v4 =	vadd.s32 v1, v4;
	_ =	sdelay $0x1  }
0x1bb: {  	v3 =	vadd.s32 v1, v3;
	_ =	sdelay $0x1  }
0x1bc: {  	s8 =	simm.s32 $0x8800  }
0x1bd: {  	[tilespmem:s8], [sflag:$0x2] =	stream.indirect_vreg.gather [hbm4b:s0+s4], $0x80, v4, vm0, $0xb8;
	[tilespmem:$0x1A800] =	vst v63  }
0x1be: {  	s8 =	simm.s32 $0x9000  }
0x1bf: {  	[tilespmem:s8], [sflag:$0x2] =	stream.indirect_vreg.gather [hbm4b:s0+s4], $0x80, v3, vm0, $0xb8;
	[tilespmem:$0x1A800] =	vst v63  }
0x1c0: {  	v3 =	vld [tilespmem:s1+$0x0];
	_ =	sdelay $0x4  }
0x1c1: {  	v59 =	vshll.u32 v3, $0x1  }
0x1c2: {  	v3 =	vand.u32 $0x7, v3;
	v4 =	vand.u32 $0xFFFFFFF0, v59  }
0x1c3: {  	v3 =	vor.u32 v3, v4  }
0x1c4: {  	v4 =	vperm.xlane v3, v0;
	_ =	sdelay $0x1  }
0x1c5: {  	v3 =	vperm.xlane v3, v2;
	v4 =	vadd.s32 v1, v4;
	_ =	sdelay $0x1  }
0x1c6: {  	v3 =	vadd.s32 v1, v3;
	_ =	sdelay $0x1  }
0x1c7: {  	s8 =	simm.s32 $0x9800  }
0x1c8: {  	[tilespmem:s8], [sflag:$0x2] =	stream.indirect_vreg.gather [hbm4b:s0+s4], $0x80, v4, vm0, $0xb8;
	[tilespmem:$0x1A800] =	vst v63  }
0x1c9: {  	s8 =	simm.s32 $0xA000  }
0x1ca: {  	[tilespmem:s8], [sflag:$0x2] =	stream.indirect_vreg.gather [hbm4b:s0+s4], $0x80, v3, vm0, $0xb8;
	[tilespmem:$0x1A800] =	vst v63  }
0x1cb: {  	v3 =	vld [tilespmem:s3+$0xFFFFFFD0];
	_ =	sdelay $0x4  }
0x1cc: {  	v60 =	vshll.u32 v3, $0x1  }
0x1cd: {  	v3 =	vand.u32 $0x7, v3;
	v4 =	vand.u32 $0xFFFFFFF0, v60  }
0x1ce: {  	v3 =	vor.u32 v3, v4  }
0x1cf: {  	v4 =	vperm.xlane v3, v0;
	_ =	sdelay $0x1  }
0x1d0: {  	v3 =	vperm.xlane v3, v2;
	v4 =	vadd.s32 v1, v4;
	_ =	sdelay $0x1  }
0x1d1: {  	v3 =	vadd.s32 v1, v3;
	_ =	sdelay $0x2  }
0x1d2: {  	[tilespmem:s9], [sflag:$0x5] =	stream.indirect_vreg.gather [hbm4b:s2+s4], $0x80, v4, vm0, $0xb8;
	[tilespmem:$0x1A800] =	vst v63  }
0x1d3: {  	_ = 	snop  }
0x1d4: {  	[tilespmem:s10], [sflag:$0x5] =	stream.indirect_vreg.gather [hbm4b:s2+s4], $0x80, v3, vm0, $0xb8;
	[tilespmem:$0x1A800] =	vst v63  }
0x1d5: {  	v3 =	vld [tilespmem:s3+$0xFFFFFFE0];
	_ =	sdelay $0x4  }
0x1d6: {  	v61 =	vshll.u32 v3, $0x1  }
0x1d7: {  	v3 =	vand.u32 $0x7, v3;
	v4 =	vand.u32 $0xFFFFFFF0, v61  }
0x1d8: {  	v3 =	vor.u32 v3, v4  }
0x1d9: {  	v4 =	vperm.xlane v3, v0;
	_ =	sdelay $0x1  }
0x1da: {  	v3 =	vperm.xlane v3, v2;
	v4 =	vadd.s32 v1, v4;
	_ =	sdelay $0x1  }
0x1db: {  	v3 =	vadd.s32 v1, v3;
	_ =	sdelay $0x2  }
0x1dc: {  	[tilespmem:s11], [sflag:$0x5] =	stream.indirect_vreg.gather [hbm4b:s2+s4], $0x80, v4, vm0, $0xb8;
	[tilespmem:$0x1A800] =	vst v63  }
0x1dd: {  	_ = 	snop  }
0x1de: {  	[tilespmem:s15], [sflag:$0x5] =	stream.indirect_vreg.gather [hbm4b:s2+s4], $0x80, v3, vm0, $0xb8;
	[tilespmem:$0x1A800] =	vst v63  }
0x1df: {  	v3 =	vld [tilespmem:s3+$0xFFFFFFF0];
	_ =	sdelay $0x4  }
0x1e0: {  	v62 =	vshll.u32 v3, $0x1  }
0x1e1: {  	v3 =	vand.u32 $0x7, v3;
	v4 =	vand.u32 $0xFFFFFFF0, v62  }
0x1e2: {  	v3 =	vor.u32 v3, v4  }
0x1e3: {  	v4 =	vperm.xlane v3, v0;
	_ =	sdelay $0x1  }
0x1e4: {  	v3 =	vperm.xlane v3, v2;
	v4 =	vadd.s32 v1, v4;
	_ =	sdelay $0x1  }
0x1e5: {  	v3 =	vadd.s32 v1, v3;
	_ =	sdelay $0x2  }
0x1e6: {  	[tilespmem:s16], [sflag:$0x5] =	stream.indirect_vreg.gather [hbm4b:s2+s4], $0x80, v4, vm0, $0xb8;
	[tilespmem:$0x1A800] =	vst v63  }
0x1e7: {  	_ = 	snop  }
0x1e8: {  	[tilespmem:s17], [sflag:$0x5] =	stream.indirect_vreg.gather [hbm4b:s2+s4], $0x80, v3, vm0, $0xb8;
	[tilespmem:$0x1A800] =	vst v63  }
0x1e9: {  	v3 =	vld [tilespmem:s3+$0x0];
	_ =	sdelay $0x4  }
0x1ea: {  	v63 =	vshll.u32 v3, $0x1  }
0x1eb: {  	v3 =	vand.u32 $0x7, v3;
	v4 =	vand.u32 $0xFFFFFFF0, v63  }
0x1ec: {  	v3 =	vor.u32 v3, v4  }
0x1ed: {  	v4 =	vperm.xlane v3, v0;
	_ =	sdelay $0x1  }
0x1ee: {  	v3 =	vperm.xlane v3, v2;
	v4 =	vadd.s32 v1, v4;
	_ =	sdelay $0x1  }
0x1ef: {  	v3 =	vadd.s32 v1, v3  }
.Ltmp9:
0x1f0: {  	_ = 	snop;
	(pc) =	sbr.rel .LBB2_11-.Ltmp9, $4  }
0x1f1: {  	_ = 	snop  }
0x1f2: {  	[tilespmem:s18], [sflag:$0x5] =	stream.indirect_vreg.gather [hbm4b:s2+s4], $0x80, v4, vm0, $0xb8;
	[tilespmem:$0x1A800] =	vst v63  }
0x1f3: {  	_ = 	snop  }
0x1f4: {  	[tilespmem:s19], [sflag:$0x5] =	stream.indirect_vreg.gather [hbm4b:s2+s4], $0x80, v3, vm0, $0xb8;
	[tilespmem:$0x1A800] =	vst v63  }
.LBB2_8:
0x1f5: {  	p0 =	seq.s32 s6, $0x2  }
0x1f6: {  	s7 =	simm.s32 @!p0 $0x7  }
0x1f7: {  	_ =	swait.ge @!p0 [sflag:s7], $0x4000  }
0x1f8: {  	[sflag:s7] =	ssyncset.done @!p0 $0x0  }
0x1f9: {  	[sflag:s7] =	ssyncadd.s32 @!p0 $0xFFFFC000;
	s7 =	simm.s32 @!p0 $0xA  }
0x1fa: {  	_ =	swait.ge @!p0 [sflag:s7], $0x4000  }
0x1fb: {  	[sflag:s7] =	ssyncset.done @!p0 $0x0  }
0x1fc: {  	[sflag:s7] =	ssyncadd.s32 @!p0 $0xFFFFC000  }
0x1fd: {  	v3 =	vld [tilespmem:s1+$0xFFFFFFD0];
	_ =	sdelay $0x4  }
0x1fe: {  	v4 =	vshll.u32 v3, $0x1  }
0x1ff: {  	v3 =	vand.u32 $0x7, v3;
	v4 =	vand.u32 $0xFFFFFFF0, v4  }
0x200: {  	v3 =	vor.u32 v3, v4  }
0x201: {  	v4 =	vperm.xlane v3, v0;
	_ =	sdelay $0x1  }
0x202: {  	v3 =	vperm.xlane v3, v2;
	v4 =	vadd.s32 v1, v4;
	_ =	sdelay $0x1  }
0x203: {  	v3 =	vadd.s32 v1, v3;
	_ =	sdelay $0x2  }
0x204: {  	[tilespmem:s14], [sflag:$0x1] =	stream.indirect_vreg.gather [hbm4b:s0+s4], $0x80, v4, vm0, $0xb8;
	[tilespmem:$0x1A800] =	vst v63  }
0x205: {  	s8 =	simm.s32 $0x3000  }
0x206: {  	[tilespmem:s8], [sflag:$0x1] =	stream.indirect_vreg.gather [hbm4b:s0+s4], $0x80, v3, vm0, $0xb8;
	[tilespmem:$0x1A800] =	vst v63  }
0x207: {  	v3 =	vld [tilespmem:s1+$0xFFFFFFE0];
	_ =	sdelay $0x4  }
0x208: {  	v57 =	vshll.u32 v3, $0x1  }
0x209: {  	v3 =	vand.u32 $0x7, v3;
	v4 =	vand.u32 $0xFFFFFFF0, v57  }
0x20a: {  	v3 =	vor.u32 v3, v4  }
0x20b: {  	v4 =	vperm.xlane v3, v0;
	_ =	sdelay $0x1  }
0x20c: {  	v3 =	vperm.xlane v3, v2;
	v4 =	vadd.s32 v1, v4;
	_ =	sdelay $0x1  }
0x20d: {  	v3 =	vadd.s32 v1, v3;
	_ =	sdelay $0x1  }
0x20e: {  	s8 =	simm.s32 $0x3800  }
0x20f: {  	[tilespmem:s8], [sflag:$0x1] =	stream.indirect_vreg.gather [hbm4b:s0+s4], $0x80, v4, vm0, $0xb8;
	[tilespmem:$0x1A800] =	vst v63  }
0x210: {  	s8 =	simm.s32 $0x4000  }
0x211: {  	[tilespmem:s8], [sflag:$0x1] =	stream.indirect_vreg.gather [hbm4b:s0+s4], $0x80, v3, vm0, $0xb8;
	[tilespmem:$0x1A800] =	vst v63  }
0x212: {  	v3 =	vld [tilespmem:s1+$0xFFFFFFF0];
	_ =	sdelay $0x4  }
0x213: {  	v58 =	vshll.u32 v3, $0x1  }
0x214: {  	v3 =	vand.u32 $0x7, v3;
	v4 =	vand.u32 $0xFFFFFFF0, v58  }
0x215: {  	v3 =	vor.u32 v3, v4  }
0x216: {  	v4 =	vperm.xlane v3, v0;
	_ =	sdelay $0x1  }
0x217: {  	v3 =	vperm.xlane v3, v2;
	v4 =	vadd.s32 v1, v4;
	_ =	sdelay $0x1  }
0x218: {  	v3 =	vadd.s32 v1, v3;
	_ =	sdelay $0x1  }
0x219: {  	s8 =	simm.s32 $0x4800  }
0x21a: {  	[tilespmem:s8], [sflag:$0x1] =	stream.indirect_vreg.gather [hbm4b:s0+s4], $0x80, v4, vm0, $0xb8;
	[tilespmem:$0x1A800] =	vst v63  }
0x21b: {  	s8 =	simm.s32 $0x5000  }
0x21c: {  	[tilespmem:s8], [sflag:$0x1] =	stream.indirect_vreg.gather [hbm4b:s0+s4], $0x80, v3, vm0, $0xb8;
	[tilespmem:$0x1A800] =	vst v63  }
0x21d: {  	v3 =	vld [tilespmem:s1+$0x0];
	_ =	sdelay $0x4  }
0x21e: {  	v59 =	vshll.u32 v3, $0x1  }
0x21f: {  	v3 =	vand.u32 $0x7, v3;
	v4 =	vand.u32 $0xFFFFFFF0, v59  }
0x220: {  	v3 =	vor.u32 v3, v4  }
0x221: {  	v4 =	vperm.xlane v3, v0;
	_ =	sdelay $0x1  }
0x222: {  	v3 =	vperm.xlane v3, v2;
	v4 =	vadd.s32 v1, v4;
	_ =	sdelay $0x1  }
0x223: {  	v3 =	vadd.s32 v1, v3;
	_ =	sdelay $0x1  }
0x224: {  	s8 =	simm.s32 $0x5800  }
0x225: {  	[tilespmem:s8], [sflag:$0x1] =	stream.indirect_vreg.gather [hbm4b:s0+s4], $0x80, v4, vm0, $0xb8;
	[tilespmem:$0x1A800] =	vst v63  }
0x226: {  	s8 =	simm.s32 $0x6000  }
0x227: {  	[tilespmem:s8], [sflag:$0x1] =	stream.indirect_vreg.gather [hbm4b:s0+s4], $0x80, v3, vm0, $0xb8;
	[tilespmem:$0x1A800] =	vst v63  }
0x228: {  	v3 =	vld [tilespmem:s3+$0xFFFFFFD0];
	_ =	sdelay $0x4  }
0x229: {  	v60 =	vshll.u32 v3, $0x1  }
0x22a: {  	v3 =	vand.u32 $0x7, v3;
	v4 =	vand.u32 $0xFFFFFFF0, v60  }
0x22b: {  	v3 =	vor.u32 v3, v4  }
0x22c: {  	v4 =	vperm.xlane v3, v0;
	_ =	sdelay $0x1  }
0x22d: {  	v3 =	vperm.xlane v3, v2;
	v4 =	vadd.s32 v1, v4;
	_ =	sdelay $0x1  }
0x22e: {  	v3 =	vadd.s32 v1, v3;
	_ =	sdelay $0x2  }
0x22f: {  	[tilespmem:s22], [sflag:$0x4] =	stream.indirect_vreg.gather [hbm4b:s2+s4], $0x80, v4, vm0, $0xb8;
	[tilespmem:$0x1A800] =	vst v63  }
0x230: {  	s8 =	simm.s32 $0xF000  }
0x231: {  	[tilespmem:s8], [sflag:$0x4] =	stream.indirect_vreg.gather [hbm4b:s2+s4], $0x80, v3, vm0, $0xb8;
	[tilespmem:$0x1A800] =	vst v63  }
0x232: {  	v3 =	vld [tilespmem:s3+$0xFFFFFFE0];
	_ =	sdelay $0x4  }
0x233: {  	v61 =	vshll.u32 v3, $0x1  }
0x234: {  	v3 =	vand.u32 $0x7, v3;
	v4 =	vand.u32 $0xFFFFFFF0, v61  }
0x235: {  	v3 =	vor.u32 v3, v4  }
0x236: {  	v4 =	vperm.xlane v3, v0;
	_ =	sdelay $0x1  }
0x237: {  	v3 =	vperm.xlane v3, v2;
	v4 =	vadd.s32 v1, v4;
	_ =	sdelay $0x1  }
0x238: {  	v3 =	vadd.s32 v1, v3;
	_ =	sdelay $0x1  }
0x239: {  	s8 =	simm.s32 $0xF800  }
0x23a: {  	[tilespmem:s8], [sflag:$0x4] =	stream.indirect_vreg.gather [hbm4b:s2+s4], $0x80, v4, vm0, $0xb8;
	[tilespmem:$0x1A800] =	vst v63  }
0x23b: {  	s8 =	simm.s32 $0x10000  }
0x23c: {  	[tilespmem:s8], [sflag:$0x4] =	stream.indirect_vreg.gather [hbm4b:s2+s4], $0x80, v3, vm0, $0xb8;
	[tilespmem:$0x1A800] =	vst v63  }
0x23d: {  	v3 =	vld [tilespmem:s3+$0xFFFFFFF0];
	_ =	sdelay $0x4  }
0x23e: {  	v62 =	vshll.u32 v3, $0x1  }
0x23f: {  	v3 =	vand.u32 $0x7, v3;
	v4 =	vand.u32 $0xFFFFFFF0, v62  }
0x240: {  	v3 =	vor.u32 v3, v4  }
0x241: {  	v4 =	vperm.xlane v3, v0;
	_ =	sdelay $0x1  }
0x242: {  	v3 =	vperm.xlane v3, v2;
	v4 =	vadd.s32 v1, v4;
	_ =	sdelay $0x1  }
0x243: {  	v3 =	vadd.s32 v1, v3;
	_ =	sdelay $0x1  }
0x244: {  	s8 =	simm.s32 $0x10800  }
0x245: {  	[tilespmem:s8], [sflag:$0x4] =	stream.indirect_vreg.gather [hbm4b:s2+s4], $0x80, v4, vm0, $0xb8;
	[tilespmem:$0x1A800] =	vst v63  }
0x246: {  	s8 =	simm.s32 $0x11000  }
0x247: {  	[tilespmem:s8], [sflag:$0x4] =	stream.indirect_vreg.gather [hbm4b:s2+s4], $0x80, v3, vm0, $0xb8;
	[tilespmem:$0x1A800] =	vst v63  }
0x248: {  	v3 =	vld [tilespmem:s3+$0x0];
	_ =	sdelay $0x4  }
0x249: {  	v63 =	vshll.u32 v3, $0x1  }
0x24a: {  	v3 =	vand.u32 $0x7, v3;
	v4 =	vand.u32 $0xFFFFFFF0, v63  }
0x24b: {  	v3 =	vor.u32 v3, v4  }
0x24c: {  	v4 =	vperm.xlane v3, v0;
	_ =	sdelay $0x1  }
0x24d: {  	v3 =	vperm.xlane v3, v2;
	v4 =	vadd.s32 v1, v4;
	_ =	sdelay $0x1  }
0x24e: {  	v3 =	vadd.s32 v1, v3  }
.Ltmp10:
0x24f: {  	_ = 	snop;
	(pc) =	sbr.rel .LBB2_11-.Ltmp10, $4  }
0x250: {  	s8 =	simm.s32 $0x11800  }
0x251: {  	[tilespmem:s8], [sflag:$0x4] =	stream.indirect_vreg.gather [hbm4b:s2+s4], $0x80, v4, vm0, $0xb8;
	[tilespmem:$0x1A800] =	vst v63  }
0x252: {  	s8 =	simm.s32 $0x12000  }
0x253: {  	[tilespmem:s8], [sflag:$0x4] =	stream.indirect_vreg.gather [hbm4b:s2+s4], $0x80, v3, vm0, $0xb8;
	[tilespmem:$0x1A800] =	vst v63  }
.LBB2_13:
0x254: {  	_ =	sfence.sel $0x180000  }
0x255: {  	[bflag:$0x0] =	sbarrier.arrive $0xFFFF  }
0x256: {  	_ =	strace $0x90000047  }
0x257: {  	s0 =	stileid.u32;
	[bflag:$0x2] =	sbarrier.arrive $0xFFFF  }
0x258: {  	p0 =	sne.s32 s0, $0x0;
	s0 =	rddreg [dreg:$0x5]  }
0x259: {  	s0 =	sadd.s32 @!p0 $0x100000, s0  }
0x25a: {  	[sflag:s0] =	ssyncadd.tile.s32 @!p0 $0x1;
	_ =	shalt  }
.Lfunc_end2:
_tile_overlayer_lowered:
.L_overlay_start_2:
0x25b: {  	(tag) =	ssettag $0x2  }
0x25c: {  	s0 =	rddreg [dreg:$0x0];
	s2 =	stileid.u32  }
0x25d: {  	s1 =	rddreg [dreg:$0x1];
	p0 =	sne.s32 s2, $0x0  }
0x25e: {  	s3 =	rddreg [dreg:$0x2];
	[bflag:$0x3] =	sbarrier.arrive $0xFFFF;
	s2 =	simm.s32 @!p0 $0x1C0D  }
0x25f: {  	[timem:s3], [sflag:s2] =	dma.local @!p0 [hbm:s0], s1  }
0x260: {  	s0 =	simm.s32 @!p0 $0xD  }
0x261: {  	_ =	swait.ge @!p0 [sflag:s0], s1  }
0x262: {  	s1 =	ssub.s32 @!p0 $0x0, s1;
	[sflag:s0] =	ssyncset.done @!p0 $0x0  }
0x263: {  	[sflag:s0] =	ssyncadd.s32 @!p0 s1  }
0x264: {  	[bflag:$0x3] =	sbarrier.arrive $0xFFFF  }
0x265: {  	_ =	shalt  }

// kernel: kernel.14.cloned.1.call-start
scs
__scs_entry_jumppad:
0x0: {  	(pc) =	sbr.rel $0x88, $3  }
0x1: {  	(tag) =	ssettag $0x0;
	lr =	simm.s32 $0x1  }
0x2: {  	[smem:$0x3F8D] =	sst lr;
	_ =	strace $0xD0000000  }
0x3: {  	_ = 	snop  }
0x4: {  	_ = 	snop  }
0x5: {  	_ = 	snop  }
0x6: {  	_ = 	snop  }
0x7: {  	_ = 	snop  }
__scs_overlays_trampoline_lowered:
0x8: {  	[smem:$0x3F9C] =	sst s0  }
0x9: {  	[smem:$0x3F9D] =	sst s1  }
0xa: {  	[smem:$0x3F9E] =	sst s2  }
0xb: {  	[smem:$0x3F9F] =	sst s3  }
0xc: {  	[smem:$0x3FA0] =	sst s4  }
0xd: {  	[smem:$0x3FA1] =	sst s5  }
0xe: {  	[smem:$0x3FA2] =	sst s6  }
0xf: {  	[smem:$0x3FA3] =	sst s7  }
0x10: {  	[smem:$0x3FA4] =	sst s8  }
0x11: {  	[smem:$0x3FA5] =	sst s9;
	s0 =	simm.s32 @!p0 $0x0  }
0x12: {  	s1 =	sld [smem:$0x3F8B];
	s0 =	simm.s32 @p0 $0x1  }
0x13: {  	[smem:$0x3FA6] =	sst s0;
	s0 =	simm.s32 @!p1 $0x0  }
0x14: {  	s2 =	sld [smem:$0x3F8A];
	s0 =	simm.s32 @p1 $0x1  }
0x15: {  	[smem:$0x3FA7] =	sst s0;
	s0 =	simm.s32 @!p2 $0x0  }
0x16: {  	s3 =	sld [smem:$0x3FDB];
	s0 =	simm.s32 @p2 $0x1  }
0x17: {  	s4 =	simm.s32 $0x1BF5;
	[smem:$0x3FA9] =	sst s0  }
0x18: {  	s0 =	sld [smem:$0x3F8C];
	_ =	swait.ge [sflag:s4], $0x0  }
0x19: {  	s7 =	sld [smem:$0x3F8D]  }
0x1a: {  	s8 =	sadd.s32 $0xFFFFE003, lr  }
0x1b: {  	s9 =	sadd.s32 $0xFFFFFEF7, lr;
	s5 =	simm.s32 $0xFFFFFFFF;
	p2 =	slt.u32 s8, $0xFFFFF086  }
0x1c: {  	p1 =	slt.u32 s9, $0xF7A;
	s5 =	simm.s32 @!p2 $0x0  }
0x1d: {  	s5 =	simm.s32 @p1 $0x1;
	p0 =	seq.s32 s7, s2  }
0x1e: {  	s7 =	smul.u32 @!p0 $0xF7A, s2;
	p2 =	seq.s32 @!p0 s5, $0x0  }
0x1f: {  	s9 =	smul.u32 $0xF7A, s1;
	s8 =	simm.s32 @!p0 $0x1BF5;
	p2 =	por !p2, p0  }
0x20: {  	[sflag:s8] =	ssyncset.s32 @!p0 $0xFFFFF086;
	s6 =	sadd.s32 @!p0 s3, s7;
	s7 =	simm.s32 @!p0 $0x108  }
0x21: {  	s3 =	sadd.s32 s3, s9;
	s6 =	sadd.s32 @!p0 $0x88, s6;
	s7 =	simm.s32 @p2 $0x1082  }
0x22: {  	[simem:s7], [sflag:s8] =	dma.local @!p0 [hbm:s6], $0xF7A  }
0x23: {  	s9 =	sor.u32 $0xD0000000, s2;
	s6 =	simm.s32 $0x108;
	_ =	swait.ge @!p0 [sflag:s8], $0x0  }
0x24: {  	s3 =	sadd.s32 $0x88, s3;
	s6 =	simm.s32 @!p1 $0x1082;
	[sflag:s4] =	ssyncset.s32 $0xFFFFF086  }
0x25: {  	[simem:s6], [sflag:s4] =	dma.local [hbm:s3], $0xF7A  }
0x26: {  	[smem:$0x3F8D] =	sst s1;
	(tag) =	ssettag s2;
	_ =	strace s9  }
0x27: {  	s1 =	sld [smem:$0x3F9D]  }
0x28: {  	s2 =	sld [smem:$0x3F9E]  }
0x29: {  	s4 =	sld [smem:$0x3FA0]  }
0x2a: {  	p0 =	seq.s32 s5, $0x0;
	s5 =	sld [smem:$0x3FA1]  }
0x2b: {  	s6 =	sld [smem:$0x3FA2]  }
0x2c: {  	s7 =	sld [smem:$0x3FA3]  }
0x2d: {  	s3 =	simm.s32 $0x108;
	s8 =	sld [smem:$0x3FA4]  }
0x2e: {  	s3 =	simm.s32 @!p0 $0x1082;
	s9 =	sld [smem:$0x3FA5]  }
0x2f: {  	lr =	sadd.s32 s0, s3;
	s0 =	sld [smem:$0x3F9C]  }
0x30: {  	s3 =	sld [smem:$0x3F9F]  }
0x31: {  	[smem:$0x3FA8] =	sst s10  }
0x32: {  	s10 =	sld [smem:$0x3FA6];
	_ =	sdelay $0x3  }
0x33: {  	p0 =	seq.s32 s10, $0x1;
	s10 =	sld [smem:$0x3FA8];
	_ =	sdelay $0x3  }
0x34: {  	[smem:$0x3FA8] =	sst s10  }
0x35: {  	s10 =	sld [smem:$0x3FA7];
	_ =	sdelay $0x3  }
0x36: {  	p1 =	seq.s32 s10, $0x1;
	s10 =	sld [smem:$0x3FA8];
	_ =	sdelay $0x3  }
0x37: {  	[smem:$0x3FA8] =	sst s10  }
0x38: {  	s10 =	sld [smem:$0x3FA9]  }
0x39: {  	_ = 	snop;
	(pc) =	sbr.ind lr, $3  }
0x3a: {  	_ = 	snop  }
0x3b: {  	_ = 	snop  }
0x3c: {  	p2 =	seq.s32 s10, $0x1;
	s10 =	sld [smem:$0x3FA8]  }
0x3d: {  	_ =	shalt  }
0x3e: {  	_ =	shalt  }
0x3f: {  	_ =	shalt  }
0x40: {  	_ =	shalt  }
0x41: {  	_ =	shalt  }
0x42: {  	_ =	shalt  }
0x43: {  	_ =	shalt  }
0x44: {  	_ =	shalt  }
0x45: {  	_ =	shalt  }
0x46: {  	_ =	shalt  }
0x47: {  	_ =	shalt  }
0x48: {  	_ =	shalt  }
0x49: {  	_ =	shalt  }
0x4a: {  	_ =	shalt  }
0x4b: {  	_ =	shalt  }
0x4c: {  	_ =	shalt  }
0x4d: {  	_ =	shalt  }
0x4e: {  	_ =	shalt  }
0x4f: {  	_ =	shalt  }
0x50: {  	_ =	shalt  }
0x51: {  	_ =	shalt  }
0x52: {  	_ =	shalt  }
0x53: {  	_ =	shalt  }
0x54: {  	_ =	shalt  }
0x55: {  	_ =	shalt  }
0x56: {  	_ =	shalt  }
0x57: {  	_ =	shalt  }
0x58: {  	_ =	shalt  }
0x59: {  	_ =	shalt  }
0x5a: {  	_ =	shalt  }
0x5b: {  	_ =	shalt  }
0x5c: {  	_ =	shalt  }
0x5d: {  	_ =	shalt  }
0x5e: {  	_ =	shalt  }
0x5f: {  	_ =	shalt  }
0x60: {  	_ =	shalt  }
0x61: {  	_ =	shalt  }
0x62: {  	_ =	shalt  }
0x63: {  	_ =	shalt  }
0x64: {  	_ =	shalt  }
0x65: {  	_ =	shalt  }
0x66: {  	_ =	shalt  }
0x67: {  	_ =	shalt  }
0x68: {  	_ =	shalt  }
0x69: {  	_ =	shalt  }
0x6a: {  	_ =	shalt  }
0x6b: {  	_ =	shalt  }
0x6c: {  	_ =	shalt  }
0x6d: {  	_ =	shalt  }
0x6e: {  	_ =	shalt  }
0x6f: {  	_ =	shalt  }
0x70: {  	_ =	shalt  }
0x71: {  	_ =	shalt  }
0x72: {  	_ =	shalt  }
0x73: {  	_ =	shalt  }
0x74: {  	_ =	shalt  }
0x75: {  	_ =	shalt  }
0x76: {  	_ =	shalt  }
0x77: {  	_ =	shalt  }
0x78: {  	_ =	shalt  }
0x79: {  	_ =	shalt  }
0x7a: {  	_ =	shalt  }
0x7b: {  	_ =	shalt  }
0x7c: {  	_ =	shalt  }
0x7d: {  	_ =	shalt  }
0x7e: {  	_ =	shalt  }
0x7f: {  	_ =	shalt  }
0x80: {  	_ =	shalt  }
0x81: {  	_ =	shalt  }
0x82: {  	_ =	shalt  }
0x83: {  	_ =	shalt  }
0x84: {  	_ =	shalt  }
0x85: {  	_ =	shalt  }
0x86: {  	_ =	shalt  }
0x87: {  	_ =	shalt  }
.Lfunc_end0:
.L_simem_size_0:
called_computation.2_lowered:
.L_overlay_start_0:
0x88: {  	s2 =	sld [smem:$0x3FD9]  }
0x89: {  	s3 =	sld [smem:$0x3FFE];
	_ =	sdelay $0x1  }
0x8a: {  	s1 =	srdreg.scid  }
0x8b: {  	s0 =	sand.u32 $0x1, s1  }
0x8c: {  	s16 =	sshll.u32 s0, $0xA;
	s2 =	sadd.s32 s3, s2  }
0x8d: {  	s2 =	sadd.s32 s2, s16  }
0x8e: {  	[smem:$0x3FB4] =	sst s2  }
0x8f: {  	_ = 	snop  }
0x90: {  	(tm) =	ssettm $0x1  }
0x91: {  	s17 =	sld [smem:$0x3FFB];
	_ =	sdelay $0x3  }
0x92: {  	_ =	strace s17  }
0x93: {  	s2 =	sld [smem:$0x3FFC];
	_ =	sdelay $0x3  }
0x94: {  	_ =	strace s2  }
0x95: {  	s2 =	sld [smem:$0x3FFD];
	_ =	sdelay $0x3  }
0x96: {  	_ =	strace s2  }
0x97: {  	_ =	strace $0x8FFFFFFF  }
0x98: {  	s18 =	sld [smem:$0x3FDB];
	_ =	sdelay $0x1  }
0x99: {  	s19 =	simm.s32 $_scs_section_size  }
0x9a: {  	s4 =	simm.s32 $_size__tile_overlayer_lowered;
	s5 =	simm.s32 $_tile_overlayer_lowered  }
0x9b: {  	s22 =	simm.s32 $0x1BFF;
	s21 =	sshll.u32 s5, $0x1;
	s2 =	sadd.s32 s19, s18  }
0x9c: {  	s6 =	simm.s32 $0x0;
	s20 =	sshll.u32 s4, $0x1;
	s4 =	sadd.s32 s21, s2  }
0x9d: {  	[timem:s6], [sflag:s22] =	dma.local [hbm:s4], s20  }
0x9e: {  	_ =	swait.ge [sflag:s22], s20  }
0x9f: {  	s3 =	ssub.s32 $0x0, s20;
	[sflag:s22] =	ssyncset.done $0x0  }
0xa0: {  	[sflag:s22] =	ssyncadd.s32 s3;
	_ =	sdelay $0x1  }
0xa1: {  	s23 =	simm.s32 $0x1B8B  }
0xa2: {  	_ =	swait.ge [sflag:s23], $0x1  }
0xa3: {  	[sflag:s23] =	ssyncset.done $0x0  }
0xa4: {  	s25 =	simm.s32 $0x1B8E;
	s24 =	sld [smem:$0x3FFE];
	[sflag:s23] =	ssyncadd.s32 $0xFFFFFFFF  }
0xa5: {  	s26 =	simm.s32 $execute0_lowered;
	[smem:$0x3FD2] =	sst s25  }
0xa6: {  	s4 =	sshll.u32 s26, $0x1;
	_ =	strace $0x8000004C;
	[dreg:$0x1] =	wrdreg $0xFFFFFFFF  }
0xa7: {  	s28 =	simm.s32 $_size_execute0_lowered;
	s2 =	sadd.s32 s2, s4;
	[dreg:$0x0] =	wrdreg $0x0  }
0xa8: {  	s4 =	sshll.u32 s28, $0x1;
	[dreg:$0x2] =	wrdreg s2  }
0xa9: {  	[dreg:$0x3] =	wrdreg s4  }
0xaa: {  	[dreg:$0x4] =	wrdreg $0xC0  }
0xab: {  	_ =	task [dreg:s6], $0x5FFFF  }
0xac: {  	[dreg:$0x1] =	wrdreg $0xFFFFFFFF  }
0xad: {  	[dreg:$0x0] =	wrdreg $0x60  }
0xae: {  	[dreg:$0x2] =	wrdreg s24  }
0xaf: {  	[dreg:$0x3] =	wrdreg $0x9  }
0xb0: {  	_ =	task.clear_ibuf [dreg:s6], $0x4FFFF;
	_ =	strace $0x9000004C  }
0xb1: {  	s29 =	simm.s32 $0x9;
	_ =	strace $0x8000004E  }
0xb2: {  	_ =	swait.ge [sflag:s29], $0x1  }
0xb3: {  	[sflag:s29] =	ssyncadd.s32 $0xFFFFFFFF  }
0xb4: {  	_ =	strace $0x9000004E  }
0xb5: {  	_ =	sfence  }
0xb6: {  	s30 =	sld [smem:$0x0];
	_ =	sdelay $0x2  }
0xb7: {  	s31 =	sshll.u32 s1, $0xD;
	s1 =	sshrl.u32 s1, $0x2  }
0xb8: {  	s3 =	sand.u32 $0x4000, s31;
	s1 =	sadd.s32 s1, s30  }
0xb9: {  	s0 =	sor.u32 s3, s0;
	s1 =	sshll.u32 s1, $0x11  }
0xba: {  	s0 =	sor.u32 s1, s0  }
0xbb: {  	s0 =	sadd.s32 $0x8F2B, s0  }
0xbc: {  	[sflag:s0] =	ssyncadd.remote.s32 $0x1  }
0xbd: {  	_ =	sfence.sel $0xFFFF  }
0xbe: {  	[dreg:$0x0] =	wrdreg $0xFFFFFFFF;
	(pc) =	sbr.abs _section_cstart, $3  }
0xbf: {  	[dreg:$0x1] =	wrdreg $0xFFFFFFFF  }
0xc0: {  	_ =	task.clear_ibuf [dreg:s6], $0x2FFFF;
	_ =	strace $0x9FFFFFFF  }
0xc1: {  	(tm) =	ssettm $0x7FFFFFFF  }
tec
execute0_lowered:
.L_overlay_start_1:
0x0: {  	(tag) =	ssettag $0x1  }
0x1: {  	s0 =	rddreg [dreg:$0x0];
	s2 =	simm.s32 $0x0  }
0x2: {  	s1 =	srdreg.scid;
	s3 =	stileid.u32;
	s11 =	simm.s32 $0x2  }
0x3: {  	s12 =	simm.s32 $0x1;
	s15 =	simm.s32 $0x15880;
	s16 =	simm.s32 $0x16080  }
0x4: {  	s17 =	simm.s32 $0x16880;
	s18 =	simm.s32 $0x17080;
	s19 =	simm.s32 $0x17880  }
0x5: {  	s20 =	simm.s32 $0x18080;
	s21 =	simm.s32 $0x18880;
	s28 =	simm.s32 $0x1B880  }
0x6: {  	s29 =	simm.s32 $0x1C080;
	s30 =	simm.s32 $0x1C880;
	s31 =	simm.s32 $0x1D080  }
0x7: {  	s14 =	simm.s32 $0x0;
	[smem:$0x7FF] =	sst s2;
	s1 =	sand.u32 $0x1, s1  }
0x8: {  	s4 =	sshll.u32 s3, $0x1;
	s3 =	sadd.s32 $0xB0C800, s0;
	s5 =	sadd.s32 $0x9C8200, s0  }
0x9: {  	s6 =	sadd.s32 $0xA6A400, s0;
	_ =	strace $0x8000004D;
	[dreg:$0x2] =	wrdreg s5  }
0xa: {  	s4 =	sor.u32 s1, s4;
	[dreg:$0x3] =	wrdreg s6;
	s1 =	ssub.s32 $0x2, s1  }
0xb: {  	s22 =	smul.u32 $0x2800, s4;
	s23 =	sshll.u32 s4, $0x1;
	s24 =	sshrl.u32 s1, $0x1  }
0xc: {  	s4 =	smul.u32 $0x28880, s4;
	s6 =	sadd.s32 s23, s0;
	s1 =	ssub.s32 s1, s24  }
.Ltmp0:
0xd: {  	s23 =	simm.s32 $0x19880;
	s24 =	simm.s32 $0x1A080;
	(pc) =	sbr.rel .LBB2_1-.Ltmp0, $4  }
0xe: {  	s0 =	sadd.s32 s22, s0;
	[dreg:$0x4] =	wrdreg s4;
	s25 =	sadd.s32 $0xB0C600, s6  }
0xf: {  	v0 =	vlaneseq.u32;
	v1 =	vimm.f32 $0.0e+00;
	vm0 =	vmmov $0xffff;
	s26 =	smax.u32 s1, $0x1;
	s22 =	simm.s32 $0x19080;
	[dreg:$0x5] =	wrdreg s25  }
0x10: {  	v3 =	vshrl.u32 v0, $0x3;
	v2 =	vand.u32 $0x7, v0;
	v4 =	vor.u32 $0x8, v0;
	s1 =	simm.s32 $0x0;
	s0 =	sadd.s32 $0x4200, s0;
	[dreg:$0x7] =	wrdreg s26  }
0x11: {  	v5 =	vmul.u32 $0x100, v0;
	v3 =	vmul.u32 $0x8, v3;
	v6 =	vmul.u32 $0x80, v2;
	s25 =	simm.s32 $0x1A880;
	s26 =	simm.s32 $0x1B080;
	[dreg:$0x6] =	wrdreg s0  }
.LBB2_12:
0x12: {  	s0 =	rddreg [dreg:$0x6]  }
0x13: {  	[hbm4b:s0+s2] =	stream.linear.scatter [tilespmem:s2], [sflag:$0x2], $0x14000, $0x38;
	[tilespmem:$0x1D880] =	vst v63  }
0x14: {  	_ =	swait.ge [sflag:s11], $0x14000  }
0x15: {  	s1 =	rddreg [dreg:$0x8]  }
0x16: {  	s13 =	rddreg [dreg:$0x7];
	s1 =	sadd.s32 $0x1, s1  }
0x17: {  	p0 =	sne.s32 s1, s13  }
.Ltmp1:
0x18: {  	_ = 	snop;
	(pc) =	sbr.rel @!p0 .LBB2_13-.Ltmp1, $3  }
0x19: {  	_ =	sdelay $0x1  }
0x1a: {  	[sflag:s11] =	ssyncset.done $0x0  }
0x1b: {  	[sflag:s11] =	ssyncadd.s32 $0xFFFEC000  }
.LBB2_1:
0x1c: {  	s0 =	sand.u32 $0x1F800, s2;
	s13 =	sand.u32 $0x380, s2  }
0x1d: {  	s0 =	sor.u32 s13, s0  }
0x1e: {  	[tilespmem:s0+$0x470] =	vst v1  }
0x1f: {  	[tilespmem:s0+$0x0] =	vst v1  }
0x20: {  	[tilespmem:s0+$0x10] =	vst v1  }
0x21: {  	[tilespmem:s0+$0x20] =	vst v1  }
0x22: {  	[tilespmem:s0+$0x30] =	vst v1  }
0x23: {  	[tilespmem:s0+$0x40] =	vst v1  }
0x24: {  	[tilespmem:s0+$0x50] =	vst v1  }
0x25: {  	[tilespmem:s0+$0x60] =	vst v1  }
0x26: {  	[tilespmem:s0+$0x70] =	vst v1  }
0x27: {  	[tilespmem:s0+$0x400] =	vst v1  }
0x28: {  	[tilespmem:s0+$0x410] =	vst v1  }
0x29: {  	[tilespmem:s0+$0x420] =	vst v1  }
0x2a: {  	[tilespmem:s0+$0x430] =	vst v1  }
0x2b: {  	[dreg:$0x8] =	wrdreg s1;
	s4 =	simm.s32 $0x100;
	s1 =	simm.s32 $0x80;
	[tilespmem:s0+$0x440] =	vst v1  }
0x2c: {  	s5 =	sand.u32 $0x1F800, s4;
	s6 =	sand.u32 $0x380, s1;
	s4 =	simm.s32 $0x200;
	[tilespmem:s0+$0x450] =	vst v1  }
.LBB2_2:
0x2d: {  	p0 =	sne.s32 s4, $0x14700;
	[tilespmem:s0+$0x460] =	vst v1;
	s0 =	sor.u32 s6, s5  }
0x2e: {  	[tilespmem:s0+$0x470] =	vst v1  }
0x2f: {  	[tilespmem:s0+$0x0] =	vst v1  }
0x30: {  	[tilespmem:s0+$0x10] =	vst v1  }
0x31: {  	[tilespmem:s0+$0x20] =	vst v1  }
0x32: {  	[tilespmem:s0+$0x30] =	vst v1  }
0x33: {  	[tilespmem:s0+$0x40] =	vst v1  }
0x34: {  	[tilespmem:s0+$0x50] =	vst v1  }
0x35: {  	[tilespmem:s0+$0x60] =	vst v1  }
0x36: {  	[tilespmem:s0+$0x70] =	vst v1  }
0x37: {  	[tilespmem:s0+$0x400] =	vst v1  }
.Ltmp2:
0x38: {  	[tilespmem:s0+$0x410] =	vst v1;
	(pc) =	sbr.rel @p0 .LBB2_2-.Ltmp2, $4  }
0x39: {  	[tilespmem:s0+$0x420] =	vst v1  }
0x3a: {  	[tilespmem:s0+$0x430] =	vst v1  }
0x3b: {  	s1 =	sadd.s32 $0x80, s1;
	[tilespmem:s0+$0x440] =	vst v1  }
0x3c: {  	s5 =	sand.u32 $0x1F800, s4;
	s4 =	sadd.s32 $0x100, s4;
	s6 =	sand.u32 $0x380, s1;
	[tilespmem:s0+$0x450] =	vst v1  }
0x3d: {  	s1 =	sor.u32 s6, s5;
	[tilespmem:s0+$0x460] =	vst v1  }
0x3e: {  	[tilespmem:s1+$0x470] =	vst v1  }
0x3f: {  	[tilespmem:s1+$0x0] =	vst v1  }
0x40: {  	[tilespmem:s1+$0x10] =	vst v1  }
0x41: {  	[tilespmem:s1+$0x20] =	vst v1  }
0x42: {  	[tilespmem:s1+$0x30] =	vst v1  }
0x43: {  	[tilespmem:s1+$0x40] =	vst v1  }
0x44: {  	[tilespmem:s1+$0x50] =	vst v1  }
0x45: {  	[tilespmem:s1+$0x60] =	vst v1  }
0x46: {  	[tilespmem:s1+$0x70] =	vst v1  }
0x47: {  	[tilespmem:s1+$0x400] =	vst v1  }
0x48: {  	[tilespmem:s1+$0x410] =	vst v1  }
0x49: {  	[tilespmem:s1+$0x420] =	vst v1  }
0x4a: {  	[tilespmem:s1+$0x430] =	vst v1  }
0x4b: {  	[tilespmem:s1+$0x440] =	vst v1  }
0x4c: {  	[tilespmem:s1+$0x450] =	vst v1  }
0x4d: {  	s9 =	rddreg [dreg:$0x5];
	s4 =	simm.s32 $0x15800;
	[tilespmem:s1+$0x460] =	vst v1;
	s1 =	simm.s32 $0x0  }
0x4e: {  	[tilespmem:s4], [sflag:$0x2] =	stream.linear.gather [hbm4b:s9+s1], $0x10, $0x38;
	[tilespmem:$0x1D880] =	vst v63  }
0x4f: {  	_ =	swait.ge [sflag:s11], $0x10  }
0x50: {  	[sflag:s11] =	ssyncset.done $0x0  }
0x51: {  	[sflag:s11] =	ssyncadd.s32 $0xFFFFFFF0  }
0x52: {  	v7 =	vld [tilespmem:$0x15800];
	_ =	sdelay $0x4  }
0x53: {  	v7 =	vxor.u32 $0x80000000, v7  }
0x54: {  	(xrf0) =	vmax.scan.msk.u32 $0xffff, v7;
	_ =	sdelay $0x5  }
0x55: {  	v7, _, _ =	vpop (xrf0)  }
0x56: {  	(v2sf) =	vpush v7, $0xF;
	_ =	sdelay $0xe  }
0x57: {  	s10 =	spop (v2sf)  }
0x58: {  	s0 =	simm.s32 $0x1;
	s13 =	sadd.s32 $0x80000001, s10;
	p0 =	slt.s32 s10, $0xFFFFFFFF  }
0x59: {  	s0 =	simm.s32 @!p0 $0x0;
	s6 =	sshra.s32 s13, $0x1F  }
0x5a: {  	s7 =	sand.u32 $0x1, s13;
	s0 =	sadd.s32 s0, s6  }
0x5b: {  	p1 =	seq.s32 s7, $0x1;
	p4 =	sne.s32 s0, $0x1  }
0x5c: {  	s8 =	sshrl.u32 s13, $0x1F;
	p0 =	por !p4, !p1  }
0x5d: {  	s4 =	simm.s32 $0x1;
	s0 =	sadd.s32 s8, s13;
	p0 =	por !p0, !p0  }
0x5e: {  	s0 =	sshra.s32 s0, $0x1;
	s4 =	simm.s32 @!p0 $0x0  }
0x5f: {  	s8 =	ssub.s32 s0, s4  }
0x60: {  	s0 =	sadd.s32 $0xF, s8  }
0x61: {  	s9 =	sand.u32 $0xF, s0  }
0x62: {  	p5 =	slt.s32 s8, $0xFFFFFFF2;
	s10 =	sshra.s32 s0, $0x1F;
	p6 =	sne.s32 s9, $0x0  }
0x63: {  	s13 =	sshrl.u32 s10, $0x1C;
	p0 =	por !p5, !p6  }
0x64: {  	s4 =	simm.s32 $0x1;
	s0 =	sadd.s32 s13, s0;
	p0 =	por !p0, !p0  }
0x65: {  	s0 =	sshra.s32 s0, $0x4;
	s4 =	simm.s32 @!p0 $0x0  }
0x66: {  	s7 =	ssub.s32 s0, s4  }
0x67: {  	p0 =	slt.s32 s7, $0x1  }
.Ltmp3:
0x68: {  	_ = 	snop;
	(pc) =	sbr.rel @!p0 .LBB2_4-.Ltmp3, $4  }
.Ltmp4:
0x69: {  	_ = 	snop;
	(pc) =	sbr.rel @p0 .LBB2_12-.Ltmp4, $4  }
0x6a: {  	_ = 	snop  }
0x6b: {  	_ = 	snop  }
0x6c: {  	s10 =	smov.u32 s8;
	s9 =	simm.s32 $0x0  }
0x6d: {  	_ = 	snop  }
.LBB2_11:
0x6e: {  	s9 =	sadd.s32 $0x1, s9  }
0x6f: {  	p0 =	sne.s32 s9, s7  }
.Ltmp5:
0x70: {  	_ = 	snop;
	(pc) =	sbr.rel @!p0 .LBB2_12-.Ltmp5, $2  }
0x71: {  	_ =	sdelay $0x2  }
0x72: {  	s10 =	sadd.s32 $0xFFFFFFF0, s10  }
.LBB2_4:
0x73: {  	s0 =	sshll.u32 s9, $0xB;
	s4 =	rddreg [dreg:$0x4]  }
0x74: {  	s0 =	sadd.s32 s4, s0  }
0x75: {  	s13 =	rddreg [dreg:$0x2];
	s0 =	sshrl.u32 s0, $0x3  }
0x76: {  	s5 =	simm.s32 $0x14800;
	s4 =	sadd.s32 s13, s0  }
0x77: {  	[tilespmem:s5], [sflag:$0x2] =	stream.linear.gather [hbm4b:s4+s1], $0x800, $0x38;
	[tilespmem:$0x1D880] =	vst v63  }
0x78: {  	_ =	swait.ge [sflag:s11], $0x800  }
0x79: {  	s6 =	simm.s32 $0x15000;
	[sflag:s11] =	ssyncset.done $0x0;
	s5 =	rddreg [dreg:$0x3]  }
0x7a: {  	s13 =	sshll.u32 s9, $0x4;
	[sflag:s11] =	ssyncadd.s32 $0xFFFFF800;
	s0 =	sadd.s32 s5, s0  }
0x7b: {  	[tilespmem:s6], [sflag:$0x2] =	stream.linear.gather [hbm4b:s0+s1], $0x800, $0x38;
	[tilespmem:$0x1D880] =	vst v63  }
0x7c: {  	s0 =	ssub.s32 s8, s13  }
0x7d: {  	p0 =	slt.s32 s0, $0x1  }
.Ltmp6:
0x7e: {  	_ = 	snop;
	(pc) =	sbr.rel @p0 .LBB2_11-.Ltmp6, $4  }
0x7f: {  	_ = 	snop  }
0x80: {  	_ =	swait.ge [sflag:s11], $0x800  }
0x81: {  	[sflag:s11] =	ssyncset.done $0x0  }
0x82: {  	[sflag:s11] =	ssyncadd.s32 $0xFFFFF800  }
0x83: {  	p0 =	sgt.s32 s10, $0x1;
	s0 =	smov.u32 s10  }
0x84: {  	s0 =	simm.s32 @!p0 $0x1  }
0x85: {  	s13 =	simm.s32 $0x0;
	s0 =	smin.u32 s0, $0x10  }
.LBB2_6:
0x86: {  	s4 =	sshll.u32 s13, $0x9  }
0x87: {  	s4 =	sshra.s32 s4, $0x2  }
0x88: {  	v7 =	vld [tilespmem:s4+$0x14800];
	_ =	sdelay $0x4  }
0x89: {  	v8 =	vshll.u32 v7, $0x1  }
0x8a: {  	v7 =	vand.u32 $0x7, v7;
	v8 =	vand.u32 $0xFFFFFFF0, v8  }
0x8b: {  	v7 =	vor.u32 v7, v8  }
0x8c: {  	v8 =	vperm.xlane v7, v2;
	_ =	sdelay $0x1  }
0x8d: {  	v7 =	vperm.xlane v7, v4;
	v8 =	vadd.s32 v3, v8;
	_ =	sdelay $0x1  }
0x8e: {  	v7 =	vadd.s32 v3, v7;
	_ =	sdelay $0x2  }
0x8f: {  	[tilespmem:s15], [sflag:$0x1] =	stream.indirect_vreg.gather [hbm4b:s3+s14], $0x80, v8, vm0, $0xb8;
	[tilespmem:$0x1D880] =	vst v63  }
0x90: {  	_ = 	snop  }
0x91: {  	[tilespmem:s16], [sflag:$0x1] =	stream.indirect_vreg.gather [hbm4b:s3+s14], $0x80, v7, vm0, $0xb8;
	[tilespmem:$0x1D880] =	vst v63  }
0x92: {  	v7 =	vld [tilespmem:s4+$0x14810];
	_ =	sdelay $0x4  }
0x93: {  	v8 =	vshll.u32 v7, $0x1  }
0x94: {  	v7 =	vand.u32 $0x7, v7;
	v8 =	vand.u32 $0xFFFFFFF0, v8  }
0x95: {  	v7 =	vor.u32 v7, v8  }
0x96: {  	v8 =	vperm.xlane v7, v2;
	_ =	sdelay $0x1  }
0x97: {  	v7 =	vperm.xlane v7, v4;
	v8 =	vadd.s32 v3, v8;
	_ =	sdelay $0x1  }
0x98: {  	v7 =	vadd.s32 v3, v7;
	_ =	sdelay $0x2  }
0x99: {  	[tilespmem:s17], [sflag:$0x1] =	stream.indirect_vreg.gather [hbm4b:s3+s14], $0x80, v8, vm0, $0xb8;
	[tilespmem:$0x1D880] =	vst v63  }
0x9a: {  	_ = 	snop  }
0x9b: {  	[tilespmem:s18], [sflag:$0x1] =	stream.indirect_vreg.gather [hbm4b:s3+s14], $0x80, v7, vm0, $0xb8;
	[tilespmem:$0x1D880] =	vst v63  }
0x9c: {  	v7 =	vld [tilespmem:s4+$0x14820];
	_ =	sdelay $0x4  }
0x9d: {  	v8 =	vshll.u32 v7, $0x1  }
0x9e: {  	v7 =	vand.u32 $0x7, v7;
	v8 =	vand.u32 $0xFFFFFFF0, v8  }
0x9f: {  	v7 =	vor.u32 v7, v8  }
0xa0: {  	v8 =	vperm.xlane v7, v2;
	_ =	sdelay $0x1  }
0xa1: {  	v7 =	vperm.xlane v7, v4;
	v8 =	vadd.s32 v3, v8;
	_ =	sdelay $0x1  }
0xa2: {  	v7 =	vadd.s32 v3, v7;
	_ =	sdelay $0x2  }
0xa3: {  	[tilespmem:s19], [sflag:$0x1] =	stream.indirect_vreg.gather [hbm4b:s3+s14], $0x80, v8, vm0, $0xb8;
	[tilespmem:$0x1D880] =	vst v63  }
0xa4: {  	_ = 	snop  }
0xa5: {  	[tilespmem:s20], [sflag:$0x1] =	stream.indirect_vreg.gather [hbm4b:s3+s14], $0x80, v7, vm0, $0xb8;
	[tilespmem:$0x1D880] =	vst v63  }
0xa6: {  	v7 =	vld [tilespmem:s4+$0x14830];
	_ =	sdelay $0x4  }
0xa7: {  	v8 =	vshll.u32 v7, $0x1  }
0xa8: {  	v7 =	vand.u32 $0x7, v7;
	v8 =	vand.u32 $0xFFFFFFF0, v8  }
0xa9: {  	v7 =	vor.u32 v7, v8  }
0xaa: {  	v8 =	vperm.xlane v7, v2;
	_ =	sdelay $0x1  }
0xab: {  	v7 =	vperm.xlane v7, v4;
	v8 =	vadd.s32 v3, v8;
	_ =	sdelay $0x1  }
0xac: {  	v7 =	vadd.s32 v3, v7;
	_ =	sdelay $0x2  }
0xad: {  	[tilespmem:s21], [sflag:$0x1] =	stream.indirect_vreg.gather [hbm4b:s3+s14], $0x80, v8, vm0, $0xb8;
	[tilespmem:$0x1D880] =	vst v63  }
0xae: {  	_ = 	snop  }
0xaf: {  	[tilespmem:s22], [sflag:$0x1] =	stream.indirect_vreg.gather [hbm4b:s3+s14], $0x80, v7, vm0, $0xb8;
	[tilespmem:$0x1D880] =	vst v63  }
0xb0: {  	v7 =	vld [tilespmem:s4+$0x14840];
	_ =	sdelay $0x4  }
0xb1: {  	v8 =	vshll.u32 v7, $0x1  }
0xb2: {  	v7 =	vand.u32 $0x7, v7;
	v8 =	vand.u32 $0xFFFFFFF0, v8  }
0xb3: {  	v7 =	vor.u32 v7, v8  }
0xb4: {  	v8 =	vperm.xlane v7, v2;
	_ =	sdelay $0x1  }
0xb5: {  	v7 =	vperm.xlane v7, v4;
	v8 =	vadd.s32 v3, v8;
	_ =	sdelay $0x1  }
0xb6: {  	v7 =	vadd.s32 v3, v7;
	_ =	sdelay $0x2  }
0xb7: {  	[tilespmem:s23], [sflag:$0x1] =	stream.indirect_vreg.gather [hbm4b:s3+s14], $0x80, v8, vm0, $0xb8;
	[tilespmem:$0x1D880] =	vst v63  }
0xb8: {  	_ = 	snop  }
0xb9: {  	[tilespmem:s24], [sflag:$0x1] =	stream.indirect_vreg.gather [hbm4b:s3+s14], $0x80, v7, vm0, $0xb8;
	[tilespmem:$0x1D880] =	vst v63  }
0xba: {  	v7 =	vld [tilespmem:s4+$0x14850];
	_ =	sdelay $0x4  }
0xbb: {  	v8 =	vshll.u32 v7, $0x1  }
0xbc: {  	v7 =	vand.u32 $0x7, v7;
	v8 =	vand.u32 $0xFFFFFFF0, v8  }
0xbd: {  	v7 =	vor.u32 v7, v8  }
0xbe: {  	v8 =	vperm.xlane v7, v2;
	_ =	sdelay $0x1  }
0xbf: {  	v7 =	vperm.xlane v7, v4;
	v8 =	vadd.s32 v3, v8;
	_ =	sdelay $0x1  }
0xc0: {  	v7 =	vadd.s32 v3, v7;
	_ =	sdelay $0x2  }
0xc1: {  	[tilespmem:s25], [sflag:$0x1] =	stream.indirect_vreg.gather [hbm4b:s3+s14], $0x80, v8, vm0, $0xb8;
	[tilespmem:$0x1D880] =	vst v63  }
0xc2: {  	_ = 	snop  }
0xc3: {  	[tilespmem:s26], [sflag:$0x1] =	stream.indirect_vreg.gather [hbm4b:s3+s14], $0x80, v7, vm0, $0xb8;
	[tilespmem:$0x1D880] =	vst v63  }
0xc4: {  	v7 =	vld [tilespmem:s4+$0x14860];
	_ =	sdelay $0x4  }
0xc5: {  	v8 =	vshll.u32 v7, $0x1  }
0xc6: {  	v7 =	vand.u32 $0x7, v7;
	v8 =	vand.u32 $0xFFFFFFF0, v8  }
0xc7: {  	v7 =	vor.u32 v7, v8  }
0xc8: {  	v8 =	vperm.xlane v7, v2;
	_ =	sdelay $0x1  }
0xc9: {  	v7 =	vperm.xlane v7, v4;
	v8 =	vadd.s32 v3, v8;
	_ =	sdelay $0x1  }
0xca: {  	v7 =	vadd.s32 v3, v7;
	_ =	sdelay $0x2  }
0xcb: {  	[tilespmem:s28], [sflag:$0x1] =	stream.indirect_vreg.gather [hbm4b:s3+s14], $0x80, v8, vm0, $0xb8;
	[tilespmem:$0x1D880] =	vst v63  }
0xcc: {  	_ = 	snop  }
0xcd: {  	[tilespmem:s29], [sflag:$0x1] =	stream.indirect_vreg.gather [hbm4b:s3+s14], $0x80, v7, vm0, $0xb8;
	[tilespmem:$0x1D880] =	vst v63  }
0xce: {  	v7 =	vld [tilespmem:s4+$0x14870];
	_ =	sdelay $0x4  }
0xcf: {  	v8 =	vshll.u32 v7, $0x1  }
0xd0: {  	v7 =	vand.u32 $0x7, v7;
	v8 =	vand.u32 $0xFFFFFFF0, v8  }
0xd1: {  	v7 =	vor.u32 v7, v8  }
0xd2: {  	v8 =	vperm.xlane v7, v2;
	_ =	sdelay $0x1  }
0xd3: {  	v7 =	vperm.xlane v7, v4;
	v8 =	vadd.s32 v3, v8;
	_ =	sdelay $0x1  }
0xd4: {  	v7 =	vadd.s32 v3, v7;
	_ =	sdelay $0x2  }
0xd5: {  	[tilespmem:s30], [sflag:$0x1] =	stream.indirect_vreg.gather [hbm4b:s3+s14], $0x80, v8, vm0, $0xb8;
	[tilespmem:$0x1D880] =	vst v63  }
0xd6: {  	_ = 	snop  }
0xd7: {  	[tilespmem:s31], [sflag:$0x1] =	stream.indirect_vreg.gather [hbm4b:s3+s14], $0x80, v7, vm0, $0xb8;
	[tilespmem:$0x1D880] =	vst v63  }
0xd8: {  	_ =	swait.ge [sflag:s12], $0x8000  }
0xd9: {  	s4 =	sadd.s32 $0x15000, s4;
	[sflag:s12] =	ssyncset.done $0x0  }
0xda: {  	v7 =	vmov s4;
	s4 =	simm.s32 $0x0;
	[sflag:s12] =	ssyncadd.s32 $0xFFFF8000  }
.LBB2_7:
0xdb: {  	_ =	sdelay $0x2  }
0xdc: {  	s5 =	sshll.u32 s4, $0x4  }
0xdd: {  	v8 =	vld.idx.msk [tilespmem:v7+s5+$0x0 ss:$0x1], $0xffff  }
0xde: {  	s6 =	simm.s32 $0x3  }
0xdf: {  	v9 =	vmov s5;
	v12 =	vadd.s32 s6, v0  }
0xe0: {  	s6 =	simm.s32 $0x2;
	v9 =	vshll.u32 v9, $0x8;
	v14 =	vshll.u32 v12, $0x3;
	v15 =	vand.u32 $0x7F, v12  }
0xe1: {  	v12 =	vadd.s32 s6, v0;
	v9 =	vor.u32 v5, v9;
	v14 =	vand.u32 $0x400, v14  }
0xe2: {  	v20 =	vand.u32 $0x7F, v12;
	v10 =	vshll.u32 v8, $0x8;
	v8 =	vshll.u32 v8, $0x7  }
0xe3: {  	v9 =	vand.u32 $0x7800, v9;
	v10 =	vand.u32 $0xFFFFF800, v10;
	v8 =	vand.u32 $0x380, v8  }
0xe4: {  	v9 =	vor.u32 v6, v9;
	v8 =	vor.u32 v10, v8;
	v10 =	vadd.s32 s14, v0  }
0xe5: {  	v16 =	vor.u32 v15, v9;
	v11 =	vand.u32 $0x7F, v10;
	v10 =	vshll.u32 v10, $0x3  }
0xe6: {  	s6 =	simm.s32 $0x1;
	v19 =	vor.u32 v14, v16;
	v13 =	vand.u32 $0x400, v10;
	v10 =	vor.u32 v11, v9  }
0xe7: {  	v16 =	vadd.s32 s6, v0;
	v18 =	vor.u32 v13, v10;
	v10 =	vshll.u32 v12, $0x3  }
0xe8: {  	v22 =	vand.u32 $0x7F, v16;
	v21 =	vand.u32 $0x400, v10;
	v10 =	vshll.u32 v16, $0x3  }
0xe9: {  	s6 =	simm.s32 $0x4;
	v12 =	vor.u32 v20, v9;
	v16 =	vor.u32 v11, v8;
	v25 =	vand.u32 $0x400, v10  }
0xea: {  	v10 =	vor.u32 v22, v9;
	v24 =	vor.u32 v21, v12;
	v12 =	vadd.s32 s6, v0  }
0xeb: {  	s6 =	simm.s32 $0x7;
	v17 =	vor.u32 v13, v16;
	v13 =	vor.u32 v15, v8;
	v26 =	vor.u32 v25, v10  }
0xec: {  	v10 =	vand.u32 $0x7F, v12;
	v12 =	vshll.u32 v12, $0x3;
	v23 =	vadd.s32 s6, v0  }
0xed: {  	v12 =	vand.u32 $0x400, v12;
	v27 =	vor.u32 v10, v9;
	v11 =	vand.u32 $0x7F, v23;
	v16 =	vld.idx.msk [tilespmem:v18+s15+$0x0], $0xffff  }
0xee: {  	v15 =	vld.idx.msk [tilespmem:v19+s15+$0x0], $0xffff;
	v18 =	vshll.u32 v23, $0x3;
	v23 =	vor.u32 v20, v8;
	v20 =	vor.u32 v14, v13  }
0xef: {  	s6 =	simm.s32 $0x6;
	v14 =	vor.u32 v22, v8;
	v22 =	vor.u32 v11, v9;
	v23 =	vor.u32 v21, v23;
	v19 =	vld.idx.msk [tilespmem:v24+s15+$0x0], $0xffff  }
0xf0: {  	v13 =	vand.u32 $0x400, v18;
	v18 =	vor.u32 v25, v14;
	v24 =	vadd.s32 s6, v0;
	v14 =	vld.idx.msk [tilespmem:v26+s15+$0x0], $0xffff  }
0xf1: {  	s5 =	simm.s32 $0x8;
	v21 =	vor.u32 v12, v27;
	s6 =	simm.s32 $0x5;
	v22 =	vor.u32 v13, v22;
	v25 =	vshll.u32 v24, $0x3  }
.LBB2_8:
0xf2: {  	p0 =	slt.u32 s5, $0xFC;
	v26 =	vadd.s32 s6, v0;
	v24 =	vand.u32 $0x7F, v24;
	v25 =	vand.u32 $0x400, v25;
	[tilespmem:v17+s2+$0x0] =	vst.idx.add.f32.msk $0xffff, v16  }
0xf3: {  	v27 =	vand.u32 $0x7F, v26;
	v16 =	vshll.u32 v26, $0x3;
	v17 =	vor.u32 v24, v9;
	[tilespmem:v20+s2+$0x0] =	vst.idx.add.f32.msk $0xffff, v15  }
0xf4: {  	v26 =	vand.u32 $0x400, v16;
	v15 =	vor.u32 v27, v9;
	v20 =	vor.u32 v25, v17;
	[tilespmem:v23+s2+$0x0] =	vst.idx.add.f32.msk $0xffff, v19  }
0xf5: {  	v16 =	vadd.s32 s5, v0;
	v23 =	vor.u32 v26, v15;
	[tilespmem:v18+s2+$0x0] =	vst.idx.add.f32.msk $0xffff, v14  }
0xf6: {  	s6 =	sadd.s32 $0x3, s5;
	v14 =	vshll.u32 v16, $0x3;
	v15 =	vor.u32 v10, v8;
	v10 =	vand.u32 $0x7F, v16  }
0xf7: {  	v18 =	vadd.s32 s6, v0;
	v14 =	vand.u32 $0x400, v14;
	v28 =	vor.u32 v10, v9;
	v16 =	vld.idx.msk [tilespmem:v21+s15+$0x0], $0xffff  }
.Ltmp7:
0xf8: {  	v17 =	vor.u32 v12, v15;
	v21 =	vor.u32 v11, v8;
	v11 =	vand.u32 $0x7F, v18;
	v12 =	vmovc v14;
	v15 =	vld.idx.msk [tilespmem:v22+s15+$0x0], $0xffff;
	(pc) =	sbr.rel @p0 .LBB2_8-.Ltmp7, $4  }
0xf9: {  	v14 =	vshll.u32 v18, $0x3;
	v18 =	vor.u32 v24, v8;
	v19 =	vld.idx.msk [tilespmem:v20+s15+$0x0], $0xffff;
	v20 =	vor.u32 v13, v21  }
0xfa: {  	s6 =	sadd.s32 $0x2, s5;
	v13 =	vand.u32 $0x400, v14;
	v21 =	vor.u32 v27, v8;
	v14 =	vld.idx.msk [tilespmem:v23+s15+$0x0], $0xffff;
	v23 =	vor.u32 v25, v18  }
0xfb: {  	v24 =	vadd.s32 s6, v0;
	v22 =	vor.u32 v11, v9;
	v18 =	vor.u32 v26, v21  }
0xfc: {  	s6 =	sadd.s32 $0x1, s5;
	s5 =	sadd.s32 $0x4, s5;
	v21 =	vor.u32 v12, v28;
	v25 =	vshll.u32 v24, $0x3;
	v22 =	vor.u32 v13, v22  }
0xfd: {  	_ =	sdelay $0x1  }
0xfe: {  	v26 =	vadd.s32 s6, v0;
	v24 =	vand.u32 $0x7F, v24;
	v25 =	vand.u32 $0x400, v25  }
0xff: {  	v27 =	vand.u32 $0x7F, v26;
	v26 =	vshll.u32 v26, $0x3;
	v28 =	vor.u32 v24, v9  }
0x100: {  	[tilespmem:v17+s2+$0x0] =	vst.idx.add.f32.msk $0xffff, v16;
	v56 =	vand.u32 $0x400, v26;
	v57 =	vor.u32 v27, v9;
	v58 =	vor.u32 v25, v28  }
0x101: {  	[tilespmem:v20+s2+$0x0] =	vst.idx.add.f32.msk $0xffff, v15;
	v9 =	vor.u32 v56, v57  }
0x102: {  	v10 =	vor.u32 v10, v8;
	v59 =	vld.idx.msk [tilespmem:v21+s15+$0x0], $0xffff  }
0x103: {  	v11 =	vor.u32 v11, v8;
	v60 =	vld.idx.msk [tilespmem:v22+s15+$0x0], $0xffff;
	v10 =	vor.u32 v12, v10  }
0x104: {  	[tilespmem:v23+s2+$0x0] =	vst.idx.add.f32.msk $0xffff, v19;
	v61 =	vor.u32 v24, v8;
	v11 =	vor.u32 v13, v11  }
0x105: {  	s4 =	sadd.s32 $0x1, s4;
	v8 =	vor.u32 v27, v8;
	v63 =	vor.u32 v25, v61;
	v62 =	vld.idx.msk [tilespmem:v58+s15+$0x0], $0xffff  }
0x106: {  	p0 =	sne.s32 s4, $0x8;
	v8 =	vor.u32 v56, v8;
	v9 =	vld.idx.msk [tilespmem:v9+s15+$0x0], $0xffff  }
.Ltmp8:
0x107: {  	[tilespmem:v18+s2+$0x0] =	vst.idx.add.f32.msk $0xffff, v14;
	(pc) =	sbr.rel @p0 .LBB2_7-.Ltmp8, $4  }
0x108: {  	[tilespmem:v10+s2+$0x0] =	vst.idx.add.f32.msk $0xffff, v59  }
0x109: {  	[tilespmem:v11+s2+$0x0] =	vst.idx.add.f32.msk $0xffff, v60  }
0x10a: {  	[tilespmem:v63+s2+$0x0] =	vst.idx.add.f32.msk $0xffff, v62  }
0x10b: {  	[tilespmem:v8+s2+$0x0] =	vst.idx.add.f32.msk $0xffff, v9  }
0x10c: {  	s13 =	sadd.s32 $0x1, s13  }
0x10d: {  	p0 =	sne.s32 s13, s0  }
.Ltmp9:
0x10e: {  	_ = 	snop;
	(pc) =	sbr.rel @p0 .LBB2_6-.Ltmp9, $4  }
.Ltmp10:
0x10f: {  	_ = 	snop;
	(pc) =	sbr.rel @!p0 .LBB2_11-.Ltmp10, $4  }
0x110: {  	_ = 	snop  }
0x111: {  	_ = 	snop  }
0x112: {  	_ = 	snop  }
0x113: {  	_ = 	snop  }
.LBB2_13:
0x114: {  	_ =	sfence.sel $0x180000  }
0x115: {  	[bflag:$0x0] =	sbarrier.arrive $0xFFFF  }
0x116: {  	_ =	strace $0x9000004D  }
0x117: {  	s0 =	stileid.u32;
	[bflag:$0x2] =	sbarrier.arrive $0xFFFF  }
0x118: {  	p0 =	sne.s32 s0, $0x0;
	s0 =	rddreg [dreg:$0x1]  }
0x119: {  	s0 =	sadd.s32 @!p0 $0x100000, s0  }
0x11a: {  	[sflag:s0] =	ssyncadd.tile.s32 @!p0 $0x1;
	_ =	shalt  }
.Lfunc_end2:
_tile_overlayer_lowered:
.L_overlay_start_2:
0x11b: {  	(tag) =	ssettag $0x2  }
0x11c: {  	s0 =	rddreg [dreg:$0x0];
	s2 =	stileid.u32  }
0x11d: {  	s1 =	rddreg [dreg:$0x1];
	p0 =	sne.s32 s2, $0x0  }
0x11e: {  	s3 =	rddreg [dreg:$0x2];
	[bflag:$0x3] =	sbarrier.arrive $0xFFFF;
	s2 =	simm.s32 @!p0 $0x1C02  }
0x11f: {  	[timem:s3], [sflag:s2] =	dma.local @!p0 [hbm:s0], s1  }
0x120: {  	s0 =	simm.s32 @!p0 $0x2  }
0x121: {  	_ =	swait.ge @!p0 [sflag:s0], s1  }
0x122: {  	s1 =	ssub.s32 @!p0 $0x0, s1;
	[sflag:s0] =	ssyncset.done @!p0 $0x0  }
0x123: {  	[sflag:s0] =	ssyncadd.s32 @!p0 s1  }
0x124: {  	[bflag:$0x3] =	sbarrier.arrive $0xFFFF  }
0x125: {  	_ =	shalt  }

// kernel: kernel.8.cloned.1.call-start
scs
__scs_entry_jumppad:
0x0: {  	(pc) =	sbr.rel $0x88, $3  }
0x1: {  	(tag) =	ssettag $0x0;
	lr =	simm.s32 $0x1  }
0x2: {  	[smem:$0x3F8D] =	sst lr;
	_ =	strace $0xD0000000  }
0x3: {  	_ = 	snop  }
0x4: {  	_ = 	snop  }
0x5: {  	_ = 	snop  }
0x6: {  	_ = 	snop  }
0x7: {  	_ = 	snop  }
__scs_overlays_trampoline_lowered:
0x8: {  	[smem:$0x3F9C] =	sst s0  }
0x9: {  	[smem:$0x3F9D] =	sst s1  }
0xa: {  	[smem:$0x3F9E] =	sst s2  }
0xb: {  	[smem:$0x3F9F] =	sst s3  }
0xc: {  	[smem:$0x3FA0] =	sst s4  }
0xd: {  	[smem:$0x3FA1] =	sst s5  }
0xe: {  	[smem:$0x3FA2] =	sst s6  }
0xf: {  	[smem:$0x3FA3] =	sst s7  }
0x10: {  	[smem:$0x3FA4] =	sst s8  }
0x11: {  	[smem:$0x3FA5] =	sst s9;
	s0 =	simm.s32 @!p0 $0x0  }
0x12: {  	s1 =	sld [smem:$0x3F8B];
	s0 =	simm.s32 @p0 $0x1  }
0x13: {  	[smem:$0x3FA6] =	sst s0;
	s0 =	simm.s32 @!p1 $0x0  }
0x14: {  	s2 =	sld [smem:$0x3F8A];
	s0 =	simm.s32 @p1 $0x1  }
0x15: {  	[smem:$0x3FA7] =	sst s0;
	s0 =	simm.s32 @!p2 $0x0  }
0x16: {  	s3 =	sld [smem:$0x3FDB];
	s0 =	simm.s32 @p2 $0x1  }
0x17: {  	s4 =	simm.s32 $0x1BF5;
	[smem:$0x3FA9] =	sst s0  }
0x18: {  	s0 =	sld [smem:$0x3F8C];
	_ =	swait.ge [sflag:s4], $0x0  }
0x19: {  	s7 =	sld [smem:$0x3F8D]  }
0x1a: {  	s8 =	sadd.s32 $0xFFFFE003, lr  }
0x1b: {  	s9 =	sadd.s32 $0xFFFFFEF7, lr;
	s5 =	simm.s32 $0xFFFFFFFF;
	p2 =	slt.u32 s8, $0xFFFFF086  }
0x1c: {  	p1 =	slt.u32 s9, $0xF7A;
	s5 =	simm.s32 @!p2 $0x0  }
0x1d: {  	s5 =	simm.s32 @p1 $0x1;
	p0 =	seq.s32 s7, s2  }
0x1e: {  	s7 =	smul.u32 @!p0 $0xF7A, s2;
	p2 =	seq.s32 @!p0 s5, $0x0  }
0x1f: {  	s9 =	smul.u32 $0xF7A, s1;
	s8 =	simm.s32 @!p0 $0x1BF5;
	p2 =	por !p2, p0  }
0x20: {  	[sflag:s8] =	ssyncset.s32 @!p0 $0xFFFFF086;
	s6 =	sadd.s32 @!p0 s3, s7;
	s7 =	simm.s32 @!p0 $0x108  }
0x21: {  	s3 =	sadd.s32 s3, s9;
	s6 =	sadd.s32 @!p0 $0x88, s6;
	s7 =	simm.s32 @p2 $0x1082  }
0x22: {  	[simem:s7], [sflag:s8] =	dma.local @!p0 [hbm:s6], $0xF7A  }
0x23: {  	s9 =	sor.u32 $0xD0000000, s2;
	s6 =	simm.s32 $0x108;
	_ =	swait.ge @!p0 [sflag:s8], $0x0  }
0x24: {  	s3 =	sadd.s32 $0x88, s3;
	s6 =	simm.s32 @!p1 $0x1082;
	[sflag:s4] =	ssyncset.s32 $0xFFFFF086  }
0x25: {  	[simem:s6], [sflag:s4] =	dma.local [hbm:s3], $0xF7A  }
0x26: {  	[smem:$0x3F8D] =	sst s1;
	(tag) =	ssettag s2;
	_ =	strace s9  }
0x27: {  	s1 =	sld [smem:$0x3F9D]  }
0x28: {  	s2 =	sld [smem:$0x3F9E]  }
0x29: {  	s4 =	sld [smem:$0x3FA0]  }
0x2a: {  	p0 =	seq.s32 s5, $0x0;
	s5 =	sld [smem:$0x3FA1]  }
0x2b: {  	s6 =	sld [smem:$0x3FA2]  }
0x2c: {  	s7 =	sld [smem:$0x3FA3]  }
0x2d: {  	s3 =	simm.s32 $0x108;
	s8 =	sld [smem:$0x3FA4]  }
0x2e: {  	s3 =	simm.s32 @!p0 $0x1082;
	s9 =	sld [smem:$0x3FA5]  }
0x2f: {  	lr =	sadd.s32 s0, s3;
	s0 =	sld [smem:$0x3F9C]  }
0x30: {  	s3 =	sld [smem:$0x3F9F]  }
0x31: {  	[smem:$0x3FA8] =	sst s10  }
0x32: {  	s10 =	sld [smem:$0x3FA6];
	_ =	sdelay $0x3  }
0x33: {  	p0 =	seq.s32 s10, $0x1;
	s10 =	sld [smem:$0x3FA8];
	_ =	sdelay $0x3  }
0x34: {  	[smem:$0x3FA8] =	sst s10  }
0x35: {  	s10 =	sld [smem:$0x3FA7];
	_ =	sdelay $0x3  }
0x36: {  	p1 =	seq.s32 s10, $0x1;
	s10 =	sld [smem:$0x3FA8];
	_ =	sdelay $0x3  }
0x37: {  	[smem:$0x3FA8] =	sst s10  }
0x38: {  	s10 =	sld [smem:$0x3FA9]  }
0x39: {  	_ = 	snop;
	(pc) =	sbr.ind lr, $3  }
0x3a: {  	_ = 	snop  }
0x3b: {  	_ = 	snop  }
0x3c: {  	p2 =	seq.s32 s10, $0x1;
	s10 =	sld [smem:$0x3FA8]  }
0x3d: {  	_ =	shalt  }
0x3e: {  	_ =	shalt  }
0x3f: {  	_ =	shalt  }
0x40: {  	_ =	shalt  }
0x41: {  	_ =	shalt  }
0x42: {  	_ =	shalt  }
0x43: {  	_ =	shalt  }
0x44: {  	_ =	shalt  }
0x45: {  	_ =	shalt  }
0x46: {  	_ =	shalt  }
0x47: {  	_ =	shalt  }
0x48: {  	_ =	shalt  }
0x49: {  	_ =	shalt  }
0x4a: {  	_ =	shalt  }
0x4b: {  	_ =	shalt  }
0x4c: {  	_ =	shalt  }
0x4d: {  	_ =	shalt  }
0x4e: {  	_ =	shalt  }
0x4f: {  	_ =	shalt  }
0x50: {  	_ =	shalt  }
0x51: {  	_ =	shalt  }
0x52: {  	_ =	shalt  }
0x53: {  	_ =	shalt  }
0x54: {  	_ =	shalt  }
0x55: {  	_ =	shalt  }
0x56: {  	_ =	shalt  }
0x57: {  	_ =	shalt  }
0x58: {  	_ =	shalt  }
0x59: {  	_ =	shalt  }
0x5a: {  	_ =	shalt  }
0x5b: {  	_ =	shalt  }
0x5c: {  	_ =	shalt  }
0x5d: {  	_ =	shalt  }
0x5e: {  	_ =	shalt  }
0x5f: {  	_ =	shalt  }
0x60: {  	_ =	shalt  }
0x61: {  	_ =	shalt  }
0x62: {  	_ =	shalt  }
0x63: {  	_ =	shalt  }
0x64: {  	_ =	shalt  }
0x65: {  	_ =	shalt  }
0x66: {  	_ =	shalt  }
0x67: {  	_ =	shalt  }
0x68: {  	_ =	shalt  }
0x69: {  	_ =	shalt  }
0x6a: {  	_ =	shalt  }
0x6b: {  	_ =	shalt  }
0x6c: {  	_ =	shalt  }
0x6d: {  	_ =	shalt  }
0x6e: {  	_ =	shalt  }
0x6f: {  	_ =	shalt  }
0x70: {  	_ =	shalt  }
0x71: {  	_ =	shalt  }
0x72: {  	_ =	shalt  }
0x73: {  	_ =	shalt  }
0x74: {  	_ =	shalt  }
0x75: {  	_ =	shalt  }
0x76: {  	_ =	shalt  }
0x77: {  	_ =	shalt  }
0x78: {  	_ =	shalt  }
0x79: {  	_ =	shalt  }
0x7a: {  	_ =	shalt  }
0x7b: {  	_ =	shalt  }
0x7c: {  	_ =	shalt  }
0x7d: {  	_ =	shalt  }
0x7e: {  	_ =	shalt  }
0x7f: {  	_ =	shalt  }
0x80: {  	_ =	shalt  }
0x81: {  	_ =	shalt  }
0x82: {  	_ =	shalt  }
0x83: {  	_ =	shalt  }
0x84: {  	_ =	shalt  }
0x85: {  	_ =	shalt  }
0x86: {  	_ =	shalt  }
0x87: {  	_ =	shalt  }
.Lfunc_end0:
.L_simem_size_0:
called_computation_lowered:
.L_overlay_start_0:
0x88: {  	s2 =	sld [smem:$0x3FD9]  }
0x89: {  	s3 =	sld [smem:$0x3FFE];
	_ =	sdelay $0x1  }
0x8a: {  	s1 =	srdreg.scid  }
0x8b: {  	s0 =	sand.u32 $0x1, s1  }
0x8c: {  	s17 =	sshll.u32 s0, $0xA;
	s2 =	sadd.s32 s3, s2  }
0x8d: {  	s2 =	sadd.s32 s2, s17  }
0x8e: {  	[smem:$0x3FB4] =	sst s2  }
0x8f: {  	_ = 	snop  }
0x90: {  	s18 =	sld [smem:$0x3FC8];
	(tm) =	ssettm $0x1  }
0x91: {  	s19 =	sld [smem:$0x3FFB];
	_ =	sdelay $0x3  }
0x92: {  	_ =	strace s19  }
0x93: {  	s2 =	sld [smem:$0x3FFC];
	_ =	sdelay $0x3  }
0x94: {  	_ =	strace s2  }
0x95: {  	s2 =	sld [smem:$0x3FFD];
	_ =	sdelay $0x3  }
0x96: {  	_ =	strace s2  }
0x97: {  	_ =	strace $0x8FFFFFFF  }
0x98: {  	s20 =	sld [smem:$0x3FDB];
	_ =	sdelay $0x1  }
0x99: {  	s4 =	simm.s32 $_scs_section_size  }
0x9a: {  	s5 =	simm.s32 $_size__tile_overlayer_lowered;
	s6 =	simm.s32 $_tile_overlayer_lowered  }
0x9b: {  	s7 =	simm.s32 $0x1BFF;
	s21 =	sshll.u32 s6, $0x1;
	s4 =	sadd.s32 s4, s20  }
0x9c: {  	s22 =	simm.s32 $0x0;
	s5 =	sshll.u32 s5, $0x1;
	s6 =	sadd.s32 s21, s4  }
0x9d: {  	[timem:s22], [sflag:s7] =	dma.local [hbm:s6], s5  }
0x9e: {  	_ =	swait.ge [sflag:s7], s5  }
0x9f: {  	s5 =	ssub.s32 $0x0, s5;
	[sflag:s7] =	ssyncset.done $0x0  }
0xa0: {  	[sflag:s7] =	ssyncadd.s32 s5;
	_ =	sdelay $0x1  }
0xa1: {  	s23 =	simm.s32 $0x1B8B  }
0xa2: {  	_ =	swait.ge [sflag:s23], $0x1  }
0xa3: {  	[sflag:s23] =	ssyncset.done $0x0  }
0xa4: {  	[sflag:s23] =	ssyncadd.s32 $0xFFFFFFFF  }
0xa5: {  	s5 =	sld [smem:$0x0]  }
0xa6: {  	s6 =	sand.u32 $0xFFFFFFFE, s1  }
0xa7: {  	p0 =	sne.s32 s1, s6  }
0xa8: {  	s6 =	sshll.u32 @p0 s6, $0xE  }
0xa9: {  	s6 =	sadd.s32 @p0 $0x11B8D, s6;
	s7 =	sshll.u32 @p0 s5, $0x11  }
0xaa: {  	s6 =	sor.u32 @p0 s7, s6  }
0xab: {  	[sflag:s6] =	ssyncadd.remote.s32 @p0 $0x1;
	_ =	sdelay $0x1  }
0xac: {  	s6 =	simm.s32 @p0 $0x1B8D  }
0xad: {  	_ =	swait.eq @p0 [sflag:s6], $0x1  }
0xae: {  	[sflag:s6] =	ssyncadd.s32 @p0 $0xFFFFFFFF  }
0xaf: {  	s7 =	sshll.u32 @!p0 s1, $0xE  }
0xb0: {  	s7 =	sor.u32 @!p0 $0x4000, s7;
	s6 =	simm.s32 @!p0 $0x1B8D  }
0xb1: {  	s5 =	sshll.u32 @!p0 s5, $0x11;
	s7 =	sadd.s32 @!p0 $0x11B8D, s7;
	_ =	swait.eq @!p0 [sflag:s6], $0x1  }
0xb2: {  	s5 =	sor.u32 @!p0 s5, s7;
	[sflag:s6] =	ssyncadd.s32 @!p0 $0xFFFFFFFF  }
0xb3: {  	s25 =	simm.s32 $0x1B8E;
	s24 =	sld [smem:$0x3FFE];
	[sflag:s5] =	ssyncadd.remote.s32 @!p0 $0x1  }
0xb4: {  	s26 =	simm.s32 $execute0_lowered;
	[smem:$0x3FD2] =	sst s25  }
0xb5: {  	s6 =	sshll.u32 s26, $0x1;
	_ =	strace $0x80000049;
	[dreg:$0x1] =	wrdreg $0xFFFFFFFF  }
0xb6: {  	s28 =	simm.s32 $_size_execute0_lowered;
	s4 =	sadd.s32 s4, s6;
	[dreg:$0x0] =	wrdreg $0x0  }
0xb7: {  	s6 =	sshll.u32 s28, $0x1;
	[dreg:$0x2] =	wrdreg s4  }
0xb8: {  	[dreg:$0x3] =	wrdreg s6  }
0xb9: {  	[dreg:$0x4] =	wrdreg $0xC0  }
0xba: {  	_ =	task [dreg:s22], $0x5FFFF  }
0xbb: {  	[dreg:$0x1] =	wrdreg $0xFFFFFFFF  }
0xbc: {  	[dreg:$0x0] =	wrdreg $0x60  }
0xbd: {  	[dreg:$0x2] =	wrdreg s18  }
0xbe: {  	[dreg:$0x3] =	wrdreg s24  }
0xbf: {  	[dreg:$0x4] =	wrdreg $0x9  }
0xc0: {  	_ =	task.clear_ibuf [dreg:s22], $0x5FFFF;
	_ =	strace $0x90000049  }
0xc1: {  	s29 =	simm.s32 $0x9;
	_ =	strace $0x8000004B  }
0xc2: {  	_ =	swait.ge [sflag:s29], $0x1  }
0xc3: {  	[sflag:s29] =	ssyncadd.s32 $0xFFFFFFFF  }
0xc4: {  	_ =	strace $0x9000004B  }
0xc5: {  	_ =	sfence  }
0xc6: {  	s30 =	sld [smem:$0x0];
	_ =	sdelay $0x2  }
0xc7: {  	s31 =	sshll.u32 s1, $0xD;
	s1 =	sshrl.u32 s1, $0x2  }
0xc8: {  	s4 =	sand.u32 $0x4000, s31;
	s1 =	sadd.s32 s1, s30  }
0xc9: {  	s0 =	sor.u32 s4, s0;
	s1 =	sshll.u32 s1, $0x11  }
0xca: {  	s0 =	sor.u32 s1, s0  }
0xcb: {  	s0 =	sadd.s32 $0x8F2B, s0  }
0xcc: {  	[sflag:s0] =	ssyncadd.remote.s32 $0x1  }
0xcd: {  	_ =	sfence.sel $0xFFFF  }
0xce: {  	[dreg:$0x0] =	wrdreg $0xFFFFFFFF;
	(pc) =	sbr.abs _section_cstart, $3  }
0xcf: {  	[dreg:$0x1] =	wrdreg $0xFFFFFFFF  }
0xd0: {  	_ =	task.clear_ibuf [dreg:s22], $0x2FFFF;
	_ =	strace $0x9FFFFFFF  }
0xd1: {  	(tm) =	ssettm $0x7FFFFFFF  }
tec
execute0_lowered:
.L_overlay_start_1:
0x0: {  	(tag) =	ssettag $0x1  }
0x1: {  	s1 =	rddreg [dreg:$0x0]  }
0x2: {  	s6 =	rddreg [dreg:$0x1]  }
0x3: {  	s0 =	rddreg [dreg:$0x2];
	s3 =	simm.s32 $0x0;
	s4 =	srdreg.scid  }
0x4: {  	s2 =	stileid.u32;
	s15 =	simm.s32 $0x2;
	s16 =	simm.s32 $0x4  }
0x5: {  	s17 =	simm.s32 $0x3200;
	s18 =	simm.s32 $0x6;
	s19 =	simm.s32 $0x1000  }
0x6: {  	s20 =	simm.s32 $0x2100;
	s21 =	simm.s32 $0x800;
	s22 =	simm.s32 $0x0  }
0x7: {  	[smem:$0x7FF] =	sst s3;
	s7 =	sand.u32 $0x1, s4;
	s4 =	sadd.s32 $0x9C8200, s6  }
0x8: {  	s8 =	sshll.u32 s2, $0x1;
	s5 =	sadd.s32 $0xA6A400, s6;
	s12 =	smul.u32 $0x51100, s2  }
0x9: {  	_ =	strace $0x8000004A;
	s8 =	sor.u32 s7, s8;
	s13 =	smul.u32 $0x28880, s7  }
0xa: {  	s10 =	ssub.s32 $0x2, s7;
	s9 =	sshll.u32 s8, $0x1;
	s11 =	smul.u32 $0x140, s8  }
.Ltmp0:
0xb: {  	s30 =	sshrl.u32 s10, $0x1;
	s9 =	sadd.s32 s9, s6;
	(pc) =	sbr.rel .LBB2_1-.Ltmp0, $4  }
0xc: {  	v2 =	vlaneseq.u32;
	v3 =	vimm.s32 $0x0;
	v4 =	vimm.s32 $0x140;
	s10 =	ssub.s32 s10, s30;
	s6 =	smul.u32 $0x28880, s8;
	s31 =	smin.u32 s11, $0x25D0  }
0xd: {  	v5 =	vor.u32 $0x10, v2;
	v6 =	vor.u32 $0x20, v2;
	v7 =	vor.u32 $0x30, v2;
	s7 =	sadd.s32 $0xB0C600, s9;
	s8 =	smax.u32 s10, $0x1;
	s9 =	sadd.s32 s13, s12  }
0xe: {  	v8 =	vor.u32 $0x40, v2;
	v9 =	vor.u32 $0x50, v2;
	s10 =	simm.s32 $0x1;
	v0 =	vmov s11;
	s11 =	simm.s32 $0x3;
	s14 =	sadd.s32 $0x140, s31  }
0xf: {  	v10 =	vor.u32 $0x60, v2;
	v11 =	vor.u32 $0x70, v2;
	s12 =	simm.s32 $0x5;
	s13 =	simm.s32 $0x1880;
	v1 =	vmov s14;
	s14 =	simm.s32 $0x2980  }
.LBB2_21:
0x10: {  	s24 =	sadd.s32 s4, s23;
	[sflag:s18] =	ssyncadd.s32 @p0 $0xFFFFF800  }
0x11: {  	[hbm4b:s24+s3] =	stream.linear.scatter [tilespmem:s19], [sflag:$0x6], $0x800, $0x38;
	[tilespmem:$0x3280] =	vst v63  }
0x12: {  	_ =	swait.ge [sflag:s18], $0x800  }
0x13: {  	[sflag:s18] =	ssyncset.done $0x0  }
0x14: {  	s31 =	sadd.s32 s5, s23;
	[sflag:s18] =	ssyncadd.s32 $0xFFFFF800  }
0x15: {  	[hbm4b:s31+s3] =	stream.linear.scatter [tilespmem:s20], [sflag:$0x6], $0x800, $0x38;
	[tilespmem:$0x3280] =	vst v63  }
0x16: {  	_ =	swait.ge [sflag:s18], $0x800  }
0x17: {  	[sflag:s18] =	ssyncset.done $0x0  }
0x18: {  	[sflag:s18] =	ssyncadd.s32 $0xFFFFF800  }
.LBB2_22:
0x19: {  	s22 =	sadd.s32 $0x1, s22  }
0x1a: {  	p0 =	sne.s32 s22, s8  }
.Ltmp1:
0x1b: {  	_ = 	snop;
	(pc) =	sbr.rel @!p0 .LBB2_23-.Ltmp1, $1  }
0x1c: {  	_ =	sdelay $0x3  }
.LBB2_1:
0x1d: {  	s24 =	simm.s32 $0x1040  }
0x1e: {  	s23 =	simm.s32 $0x18C0;
	[tilespmem:s24+$0xFFFFFFC0] =	vst v3  }
0x1f: {  	[tilespmem:s23+$0xFFFFFFC0] =	vst v3  }
0x20: {  	[tilespmem:s24+$0xFFFFFFD0] =	vst v3  }
0x21: {  	[tilespmem:s23+$0xFFFFFFD0] =	vst v3  }
0x22: {  	[tilespmem:s24+$0xFFFFFFE0] =	vst v3  }
0x23: {  	[tilespmem:s23+$0xFFFFFFE0] =	vst v3  }
0x24: {  	[tilespmem:s24+$0xFFFFFFF0] =	vst v3  }
0x25: {  	[tilespmem:s23+$0xFFFFFFF0] =	vst v3  }
0x26: {  	[tilespmem:s24+$0x0] =	vst v3  }
0x27: {  	[tilespmem:s23+$0x0] =	vst v3  }
0x28: {  	[tilespmem:s24+$0x10] =	vst v3  }
0x29: {  	[tilespmem:s23+$0x10] =	vst v3  }
0x2a: {  	[tilespmem:s24+$0x20] =	vst v3  }
0x2b: {  	[tilespmem:s23+$0x20] =	vst v3  }
0x2c: {  	[tilespmem:s24+$0x30] =	vst v3  }
0x2d: {  	s25 =	simm.s32 $0x10C0;
	s24 =	simm.s32 $0x0;
	[tilespmem:s23+$0x30] =	vst v3  }
.LBB2_2:
0x2e: {  	[tilespmem:s25+$0xFFFFFFC0] =	vst v3;
	s23 =	sadd.s32 $0x80, s23  }
0x2f: {  	[tilespmem:s23+$0xFFFFFFC0] =	vst v3  }
0x30: {  	[tilespmem:s25+$0xFFFFFFD0] =	vst v3  }
0x31: {  	[tilespmem:s23+$0xFFFFFFD0] =	vst v3  }
0x32: {  	[tilespmem:s25+$0xFFFFFFE0] =	vst v3  }
0x33: {  	[tilespmem:s23+$0xFFFFFFE0] =	vst v3  }
0x34: {  	[tilespmem:s25+$0xFFFFFFF0] =	vst v3  }
0x35: {  	[tilespmem:s23+$0xFFFFFFF0] =	vst v3  }
0x36: {  	[tilespmem:s25+$0x0] =	vst v3  }
0x37: {  	s24 =	sadd.s32 $0x8, s24;
	[tilespmem:s23+$0x0] =	vst v3  }
0x38: {  	p0 =	slt.u32 s24, $0x80;
	[tilespmem:s25+$0x10] =	vst v3  }
.Ltmp2:
0x39: {  	[tilespmem:s23+$0x10] =	vst v3;
	(pc) =	sbr.rel @p0 .LBB2_2-.Ltmp2, $4  }
0x3a: {  	[tilespmem:s25+$0x20] =	vst v3  }
0x3b: {  	[tilespmem:s23+$0x20] =	vst v3  }
0x3c: {  	[tilespmem:s25+$0x30] =	vst v3  }
0x3d: {  	s25 =	sadd.s32 $0x80, s25;
	[tilespmem:s23+$0x30] =	vst v3  }
.Ltmp3:
0x3e: {  	s23 =	simm.s32 $0x0;
	(pc) =	sbr.rel .LBB2_4-.Ltmp3, $4  }
0x3f: {  	[tilespmem:s23], [sflag:$0x1] =	stream.linear.gather [hbm4b:s1+s23], $0x7D0, $0x38;
	[tilespmem:$0x3280] =	vst v63  }
0x40: {  	_ =	swait.ge [sflag:s10], $0x7D0  }
0x41: {  	[sflag:s10] =	ssyncset.done $0x0  }
0x42: {  	v12 =	vimm.s32 $0x0;
	s24 =	simm.s32 $0x0;
	[sflag:s10] =	ssyncadd.s32 $0xFFFFF830  }
.LBB2_8:
0x43: {  	_ =	sdelay $0x2  }
0x44: {  	vm6 =	vmand vm4, vm6  }
0x45: {  	vm13 =	vge.s32 v17, v0;
	[tilespmem:v29+s20+$0x0] =	vst.idx.msk $0xffff, v18;
	v59 =	vsel vm6, $0x1, v3  }
0x46: {  	vm8 =	vlt.s32 v17, v1;
	vm5 =	vmand vm5, vm7;
	vm14 =	vge.s32 v19, v0;
	(xrf0) =	vadd.scan.msk.s32 $0xffff, v59  }
0x47: {  	[tilespmem:v27+s19+$0x0] =	vst.idx.msk $0xffff, v35;
	v30 =	vnsel vm3, $0x810, v30;
	vm15 =	vlt.s32 v19, v1;
	v61 =	vsel vm5, $0x1, v3  }
0x48: {  	v36 =	vnsel vm1, $0x810, v31;
	v38 =	vadd.s32 $0xFFFFFFFF, v32;
	vm4 =	vmand vm13, vm8;
	(xrf0) =	vadd.scan.msk.s32 $0xffff, v61  }
0x49: {  	[tilespmem:v25+s19+$0x0] =	vst.idx.msk $0xffff, v34;
	v60 =	vmpcnt.ones.xlane vm6;
	v62 =	vmpcnt.ones.xlane vm5;
	v63 =	vsel vm4, $0x1, v3  }
0x4a: {  	s26 =	sadd.s32 $0x40, s28;
	vm3 =	vmand vm14, vm15;
	[tilespmem:v25+s20+$0x0] =	vst.idx.msk $0xffff, v13;
	v13 =	vadd.s32 v33, v20;
	(xrf0) =	vadd.scan.msk.s32 $0xffff, v63  }
0x4b: {  	[tilespmem:v27+s20+$0x0] =	vst.idx.msk $0xffff, v16;
	v16 =	vnsel vm2, $0x810, v38;
	v39 =	vor.u32 s26, v2;
	s28 =	sadd.s32 $0x10, s26;
	v37 =	vsel vm3, $0x1, v3  }
0x4c: {  	v13 =	vadd.s32 $0xFFFFFFFF, v13;
	v42 =	vor.u32 s28, v2;
	(xrf0) =	vadd.scan.msk.s32 $0xffff, v37;
	[tilespmem:v30+s19+$0x0] =	vst.idx.msk $0xffff, v39;
	v40, _, _ =	vpop (xrf0)  }
0x4d: {  	vm8 =	vmmov vm6;
	v13 =	vnsel vm0, $0x810, v13;
	[tilespmem:v36+s19+$0x0] =	vst.idx.msk $0xffff, v42;
	v41 =	vadd.s32 v40, v28  }
0x4e: {  	s29 =	sadd.s32 $0x20, s26;
	vm9 =	vmmov vm5;
	v22 =	vadd.s32 v22, v60;
	[tilespmem:v30+s20+$0x0] =	vst.idx.msk $0xffff, v26;
	v44, _, _ =	vpop (xrf0);
	v20 =	vadd.s32 $0xFFFFFFFF, v41  }
0x4f: {  	v45 =	vor.u32 s29, v2;
	[tilespmem:v36+s20+$0x0] =	vst.idx.msk $0xffff, v24;
	v27 =	vadd.s32 v44, v22;
	v46 =	vnsel vm8, $0x810, v20  }
0x50: {  	s30 =	sadd.s32 $0x30, s26;
	v43 =	vmpcnt.ones.xlane vm4;
	v47 =	vadd.s32 v22, v62;
	[tilespmem:v16+s19+$0x0] =	vst.idx.msk $0xffff, v45;
	v48, _, _ =	vpop (xrf0);
	v49 =	vadd.s32 $0xFFFFFFFF, v27  }
0x51: {  	v50 =	vor.u32 s30, v2;
	[tilespmem:v16+s20+$0x0] =	vst.idx.msk $0xffff, v23;
	v22 =	vadd.s32 v48, v47;
	v51 =	vnsel vm9, $0x810, v49  }
0x52: {  	s26 =	sadd.s32 $0x40, s26;
	vm10 =	vmmov vm4;
	[tilespmem:v13+s19+$0x0] =	vst.idx.msk $0xffff, v50;
	v20 =	vadd.s32 v47, v43;
	v52, _, _ =	vpop (xrf0);
	v22 =	vadd.s32 $0xFFFFFFFF, v22  }
0x53: {  	v54 =	vor.u32 s26, v2;
	[tilespmem:v13+s20+$0x0] =	vst.idx.msk $0xffff, v21;
	v13 =	vadd.s32 v52, v20;
	v53 =	vnsel vm10, $0x810, v22  }
0x54: {  	v15 =	vsub.s32 v15, v0;
	vm11 =	vmmov vm3;
	s31 =	sadd.s32 $0x10, s26;
	v13 =	vadd.s32 $0xFFFFFFFF, v13;
	[tilespmem:v46+s19+$0x0] =	vst.idx.msk $0xffff, v54  }
0x55: {  	v55 =	vor.u32 s31, v2;
	v13 =	vnsel vm11, $0x810, v13;
	[tilespmem:v46+s20+$0x0] =	vst.idx.msk $0xffff, v15  }
0x56: {  	v14 =	vsub.s32 v14, v0;
	s29 =	sadd.s32 $0x20, s26;
	[tilespmem:v51+s19+$0x0] =	vst.idx.msk $0xffff, v55  }
0x57: {  	v15 =	vor.u32 s29, v2;
	[tilespmem:v51+s20+$0x0] =	vst.idx.msk $0xffff, v14  }
0x58: {  	s26 =	sadd.s32 $0x30, s26;
	v14 =	vsub.s32 v17, v0;
	[tilespmem:v53+s19+$0x0] =	vst.idx.msk $0xffff, v15  }
0x59: {  	v15 =	vor.u32 s26, v2;
	[tilespmem:v53+s20+$0x0] =	vst.idx.msk $0xffff, v14  }
0x5a: {  	v14 =	vsub.s32 v19, v0;
	[tilespmem:v13+s19+$0x0] =	vst.idx.msk $0xffff, v15  }
0x5b: {  	[tilespmem:v13+s20+$0x0] =	vst.idx.msk $0xffff, v14  }
0x5c: {  	v13 =	vld [tilespmem:$0x7C0];
	_ =	sdelay $0x4  }
0x5d: {  	vm12 =	vge.s32 v13, v0;
	vm13 =	vlt.s32 v13, v1  }
0x5e: {  	vm0 =	vmand vm12, vm13  }
0x5f: {  	v14 =	vsel vm0, $0x1, v3  }
0x60: {  	(xrf0) =	vadd.scan.msk.s32 $0xffff, v14;
	v14 =	vxor.u32 $0x80000000, v12  }
0x61: {  	(xrf0) =	vmax.scan.msk.u32 $0xffff, v14;
	_ =	sdelay $0x4  }
0x62: {  	v14, _, _ =	vpop (xrf0)  }
0x63: {  	v15, _, _ =	vpop (xrf0)  }
0x64: {  	v56 =	vmpcnt.ones.xlane vm3;
	(v2sf) =	vpush v15, $0xF;
	_ =	sdelay $0x1  }
0x65: {  	v15 =	vadd.s32 v20, v56  }
0x66: {  	v14 =	vadd.s32 v14, v15  }
0x67: {  	v57 =	vmpcnt.ones.xlane vm0;
	v14 =	vadd.s32 $0xFFFFFFFF, v14  }
0x68: {  	v14 =	vnsel vm0, $0x810, v14  }
0x69: {  	v15 =	vadd.s32 v15, v57  }
0x6a: {  	v16 =	vadd.s32 v2, v15  }
0x6b: {  	s25 =	sadd.s32 $0x7C0, s25;
	v58 =	vadd.s32 v5, v15  }
0x6c: {  	v59 =	vor.u32 s25, v2;
	v60 =	vadd.s32 v6, v15  }
0x6d: {  	v13 =	vsub.s32 v13, v0;
	v61 =	vadd.s32 v7, v15;
	[tilespmem:v14+s19+$0x0] =	vst.idx.msk $0xffff, v59  }
0x6e: {  	[tilespmem:v14+s20+$0x0] =	vst.idx.msk $0xffff, v13;
	v13 =	vadd.s32 v8, v15  }
0x6f: {  	v14 =	vadd.s32 v9, v15;
	[tilespmem:v16+s20+$0x0] =	vst.idx.msk $0xffff, v4  }
0x70: {  	v62 =	vadd.s32 v10, v15;
	[tilespmem:v58+s20+$0x0] =	vst.idx.msk $0xffff, v4  }
0x71: {  	v63 =	vadd.s32 v11, v15;
	[tilespmem:v60+s20+$0x0] =	vst.idx.msk $0xffff, v4  }
0x72: {  	[tilespmem:v61+s20+$0x0] =	vst.idx.msk $0xffff, v4;
	s30 =	spop (v2sf)  }
0x73: {  	[tilespmem:v13+s20+$0x0] =	vst.idx.msk $0xffff, v4;
	v13 =	vadd.s32 $0x3F, v15;
	s25 =	sshll.u32 s30, $0x6  }
0x74: {  	[tilespmem:v14+s20+$0x0] =	vst.idx.msk $0xffff, v4;
	v14 =	vshra.s32 v13, $0x1F;
	v15 =	vand.u32 $0x3F, v13;
	s25 =	sadd.s32 s6, s25  }
0x75: {  	vm14 =	vlt.s32 v13, $0x1;
	[tilespmem:v62+s20+$0x0] =	vst.idx.msk $0xffff, v4;
	v14 =	vshrl.u32 v14, $0x1A;
	vm15 =	vne.s32 v15, $0x0;
	s25 =	sshrl.u32 s25, $0x3  }
0x76: {  	[tilespmem:v63+s20+$0x0] =	vst.idx.msk $0xffff, v4;
	v13 =	vadd.s32 v14, v13;
	vm0 =	vmand vm14, vm15;
	s31 =	sadd.s32 s4, s25  }
0x77: {  	v13 =	vshra.s32 v13, $0x6;
	v14 =	vsel vm0, $0xFFFFFFFF, v3;
	[hbm4b:s31+s3] =	stream.linear.scatter [tilespmem:s19], [sflag:$0x2], $0x880, $0x38;
	[tilespmem:$0x3280] =	vst v63  }
0x78: {  	s25 =	sadd.s32 s5, s25;
	v13 =	vadd.s32 v14, v13  }
0x79: {  	v12 =	vadd.s32 v12, v13;
	[hbm4b:s25+s3] =	stream.linear.scatter [tilespmem:s20], [sflag:$0x4], $0x880, $0x38;
	[tilespmem:$0x3280] =	vst v63  }
.LBB2_14:
0x7a: {  	s24 =	sadd.s32 $0x1, s24  }
0x7b: {  	p0 =	sne.s32 s24, $0x50  }
.Ltmp4:
0x7c: {  	_ = 	snop;
	(pc) =	sbr.rel @!p0 .LBB2_15-.Ltmp4, $4  }
0x7d: {  	_ = 	snop  }
0x7e: {  	_ =	swait.ge [sflag:s10], $0x7D0  }
0x7f: {  	[sflag:s10] =	ssyncset.done $0x0  }
0x80: {  	s23 =	sadd.s32 $0x7D0, s23;
	[sflag:s10] =	ssyncadd.s32 $0xFFFFF830  }
.LBB2_4:
0x81: {  	p0 =	seq.s32 s24, $0x4F  }
.Ltmp5:
0x82: {  	_ = 	snop;
	(pc) =	sbr.rel @!p0 .LBB2_5-.Ltmp5, $2  }
0x83: {  	_ =	sdelay $0x2  }
0x84: {  	s25 =	smul.u32 $0x7D0, s24  }
.LBB2_10:
0x85: {  	_ =	swait.ge [sflag:s11], $0x880  }
0x86: {  	[sflag:s11] =	ssyncset.done $0x0  }
0x87: {  	[sflag:s11] =	ssyncadd.s32 $0xFFFFF780  }
0x88: {  	_ =	swait.ge [sflag:s12], $0x880  }
0x89: {  	[sflag:s12] =	ssyncset.done $0x0  }
0x8a: {  	[sflag:s12] =	ssyncadd.s32 $0xFFFFF780  }
.LBB2_11:
0x8b: {  	s26 =	simm.s32 $0x820  }
0x8c: {  	v13 =	vld [tilespmem:s26+$0xFFFFFFE0]  }
0x8d: {  	v14 =	vld [tilespmem:s26+$0xFFFFFFF0]  }
0x8e: {  	v15 =	vld [tilespmem:s26+$0x0]  }
0x8f: {  	s31 =	simm.s32 $0x860;
	v17 =	vld [tilespmem:s26+$0x10]  }
0x90: {  	v24 =	vld [tilespmem:s31+$0xFFFFFFE0];
	_ =	sdelay $0x1  }
0x91: {  	v19 =	vimm.s32 $0x0;
	s29 =	sadd.s32 $0x20, s23  }
0x92: {  	v35 =	vor.u32 s29, v2;
	vm0 =	vge.s32 v13, v0;
	vm1 =	vlt.s32 v13, v1  }
0x93: {  	vm2 =	vge.s32 v14, v0;
	vm3 =	vlt.s32 v14, v1;
	vm4 =	vlt.s32 v15, v1  }
0x94: {  	v31 =	vsub.s32 v13, v0;
	v13 =	vsub.s32 v17, v0;
	vm5 =	vlt.s32 v24, v1  }
0x95: {  	vm0 =	vmand vm0, vm1;
	vm1 =	vge.s32 v15, v0;
	vm3 =	vmand vm2, vm3  }
0x96: {  	vm2 =	vge.s32 v17, v0;
	v16 =	vmpcnt.ones.xlane vm0;
	v18 =	vsel vm0, $0x1, v3  }
0x97: {  	vm1 =	vmand vm1, vm4;
	v20 =	vsel vm3, $0x1, v3;
	vm4 =	vlt.s32 v17, v1  }
0x98: {  	(xrf0) =	vadd.scan.msk.s32 $0xffff, v18;
	v18 =	vmpcnt.ones.xlane vm3;
	v21 =	vsel vm1, $0x1, v3;
	vm4 =	vmand vm2, vm4  }
0x99: {  	v17 =	vld [tilespmem:s31+$0x0];
	vm2 =	vmmov vm0;
	(xrf0) =	vadd.scan.msk.s32 $0xffff, v20;
	v20 =	vadd.s32 v19, v16;
	v16 =	vmpcnt.ones.xlane vm1  }
0x9a: {  	v30 =	vld [tilespmem:s31+$0x10];
	vm0 =	vmmov vm3;
	(xrf0) =	vadd.scan.msk.s32 $0xffff, v21;
	v21 =	vadd.s32 v20, v18;
	v18 =	vmpcnt.ones.xlane vm4  }
0x9b: {  	v22 =	vsel vm4, $0x1, v3;
	vm3 =	vmmov vm4;
	v23 =	vadd.s32 v21, v16  }
0x9c: {  	vm4 =	vge.s32 v24, v0;
	v28 =	vadd.s32 v23, v18;
	v18 =	vsub.s32 v14, v0;
	v14 =	vld [tilespmem:s31+$0xFFFFFFF0]  }
0x9d: {  	vm1 =	vmmov vm1;
	v16 =	vsub.s32 v15, v0;
	(xrf0) =	vadd.scan.msk.s32 $0xffff, v22;
	vm4 =	vmand vm4, vm5  }
0x9e: {  	vm5 =	vge.s32 v17, v0;
	vm8 =	vlt.s32 v17, v1;
	v25 =	vsel vm4, $0x1, v3;
	v15, _, _ =	vpop (xrf0)  }
0x9f: {  	vm5 =	vmand vm5, vm8;
	vm8 =	vlt.s32 v30, v1;
	v15 =	vadd.s32 v15, v19;
	v19, _, _ =	vpop (xrf0)  }
0xa0: {  	v29 =	vsel vm5, $0x1, v3;
	v15 =	vadd.s32 $0xFFFFFFFF, v15;
	v19 =	vadd.s32 v19, v20;
	v20, _, _ =	vpop (xrf0)  }
0xa1: {  	v19 =	vadd.s32 $0xFFFFFFFF, v19;
	v21 =	vadd.s32 v20, v21;
	vm6 =	vge.s32 v14, v0  }
0xa2: {  	vm7 =	vlt.s32 v14, v1;
	v20 =	vmpcnt.ones.xlane vm4;
	v36 =	vnsel vm2, $0x810, v15  }
0xa3: {  	(xrf0) =	vadd.scan.msk.s32 $0xffff, v25;
	v26, _, _ =	vpop (xrf0);
	vm2 =	vmmov vm5;
	vm6 =	vmand vm6, vm7;
	vm7 =	vge.s32 v30, v0  }
0xa4: {  	v23 =	vadd.s32 v26, v23;
	v15 =	vadd.s32 $0xFFFFFFFF, v21;
	v27 =	vsel vm6, $0x1, v3  }
0xa5: {  	v26 =	vsub.s32 v24, v0;
	v24 =	vsub.s32 v14, v0;
	v22 =	vmpcnt.ones.xlane vm6;
	(xrf0) =	vadd.scan.msk.s32 $0xffff, v27  }
0xa6: {  	v32 =	vadd.s32 v28, v20;
	v20 =	vmpcnt.ones.xlane vm5;
	vm7 =	vmand vm7, vm8  }
0xa7: {  	s26 =	simm.s32 $0x8A0;
	v21 =	vadd.s32 $0xFFFFFFFF, v23;
	v23 =	vsub.s32 v17, v0;
	(xrf0) =	vadd.scan.msk.s32 $0xffff, v29;
	v29 =	vnsel vm0, $0x810, v19  }
0xa8: {  	v14 =	vld [tilespmem:s26+$0xFFFFFFF0];
	v34 =	vsel vm7, $0x1, v3;
	v27 =	vnsel vm1, $0x810, v15;
	v25 =	vnsel vm3, $0x810, v21  }
0xa9: {  	v15 =	vld [tilespmem:s26+$0xFFFFFFE0];
	v21 =	vsub.s32 v30, v0;
	vm3 =	vmmov vm4;
	vm1 =	vmmov vm6;
	v17, _, _ =	vpop (xrf0);
	(xrf0) =	vadd.scan.msk.s32 $0xffff, v34  }
0xaa: {  	s28 =	sadd.s32 $0x10, s23;
	v33 =	vadd.s32 v32, v22;
	v19 =	vor.u32 s23, v2;
	v17 =	vadd.s32 v17, v28  }
0xab: {  	v22 =	vmpcnt.ones.xlane vm7;
	[tilespmem:v36+s13+$0x0] =	vst.idx.msk $0xffff, v19;
	v19 =	vor.u32 s28, v2;
	v30 =	vadd.s32 $0xFFFFFFFF, v17;
	v17 =	vld [tilespmem:s26+$0x0];
	v28, _, _ =	vpop (xrf0)  }
0xac: {  	vm0 =	vmmov vm7;
	v20 =	vadd.s32 v33, v20;
	s28 =	sadd.s32 $0x30, s23;
	[tilespmem:v29+s13+$0x0] =	vst.idx.msk $0xffff, v19;
	v19 =	vld [tilespmem:s26+$0x10];
	v28 =	vadd.s32 v28, v32  }
0xad: {  	v22 =	vadd.s32 v20, v22;
	v34 =	vor.u32 s28, v2;
	vm5 =	vge.s32 v14, v0  }
0xae: {  	vm7 =	vlt.s32 v14, v1;
	vm4 =	vge.s32 v15, v0;
	vm6 =	vlt.s32 v15, v1;
	v63, _, _ =	vpop (xrf0)  }
0xaf: {  	s29 =	simm.s32 $0x8;
	[tilespmem:v36+s14+$0x0] =	vst.idx.msk $0xffff, v31;
	s28 =	smov.u32 s23;
	v31 =	vadd.s32 $0xFFFFFFFF, v28;
	v32 =	vadd.s32 v63, v33;
	v33, _, _ =	vpop (xrf0);
	v28 =	vmov v22  }
.LBB2_12:
0xb0: {  	s29 =	sadd.s32 $0x4, s29;
	vm4 =	vmand vm4, vm6;
	vm8 =	vge.s32 v17, v0;
	vm9 =	vlt.s32 v17, v1;
	[tilespmem:v29+s14+$0x0] =	vst.idx.msk $0xffff, v18  }
0xb1: {  	vm6 =	vmand vm5, vm7;
	v36 =	vmovc v26;
	p1 =	slt.u32 s29, $0x78;
	v29 =	vmpcnt.ones.xlane vm4;
	vm7 =	vge.s32 v19, v0;
	[tilespmem:v27+s13+$0x0] =	vst.idx.msk $0xffff, v35  }
0xb2: {  	v18 =	vmovc v24;
	v26 =	vmpcnt.ones.xlane vm6;
	vm5 =	vmand vm8, vm9;
	vm8 =	vlt.s32 v19, v1;
	[tilespmem:v27+s14+$0x0] =	vst.idx.msk $0xffff, v16  }
0xb3: {  	vm7 =	vmand vm7, vm8;
	v16 =	vmovc v23;
	v37 =	vadd.s32 v22, v29;
	v22 =	vmpcnt.ones.xlane vm5;
	[tilespmem:v25+s13+$0x0] =	vst.idx.msk $0xffff, v34  }
0xb4: {  	v23 =	vsel vm4, $0x1, v3;
	v24 =	vmpcnt.ones.xlane vm7;
	v38 =	vadd.s32 v37, v26;
	[tilespmem:v25+s14+$0x0] =	vst.idx.msk $0xffff, v13;
	v13 =	vmovc v21  }
0xb5: {  	v21 =	vsel vm6, $0x1, v3;
	v25 =	vsel vm5, $0x1, v3;
	v26 =	vadd.s32 v38, v22;
	(xrf0) =	vadd.scan.msk.s32 $0xffff, v23  }
0xb6: {  	v23 =	vsel vm7, $0x1, v3;
	v22 =	vadd.s32 v26, v24;
	(xrf0) =	vadd.scan.msk.s32 $0xffff, v21;
	v21 =	vadd.s32 v33, v20;
	v20 =	vmovc v26  }
0xb7: {  	v33 =	vnsel vm3, $0x810, v30;
	v24 =	vadd.s32 $0xFFFFFFFF, v32;
	(xrf0) =	vadd.scan.msk.s32 $0xffff, v25;
	v21 =	vadd.s32 $0xFFFFFFFF, v21  }
0xb8: {  	s26 =	sadd.s32 $0x40, s26;
	v29 =	vnsel vm1, $0x810, v31;
	v27 =	vnsel vm2, $0x810, v24;
	(xrf0) =	vadd.scan.msk.s32 $0xffff, v23;
	v25 =	vnsel vm0, $0x810, v21  }
0xb9: {  	v26 =	vsub.s32 v15, v0;
	v24 =	vsub.s32 v14, v0;
	v23 =	vsub.s32 v17, v0;
	v15 =	vld [tilespmem:s26+$0xFFFFFFE0]  }
0xba: {  	s28 =	sadd.s32 $0x40, s28;
	vm1 =	vmmov vm6;
	vm3 =	vmmov vm4;
	v21 =	vsub.s32 v19, v0;
	v14 =	vld [tilespmem:s26+$0xFFFFFFF0]  }
.Ltmp6:
0xbb: {  	s30 =	sadd.s32 $0x10, s28;
	s31 =	sadd.s32 $0x20, s28;
	v31 =	vor.u32 s28, v2;
	vm2 =	vmmov vm5;
	vm0 =	vmmov vm7;
	v17 =	vld [tilespmem:s26+$0x0];
	v30, _, _ =	vpop (xrf0);
	(pc) =	sbr.rel @p1 .LBB2_12-.Ltmp6, $4  }
0xbc: {  	v39 =	vor.u32 s30, v2;
	v35 =	vor.u32 s31, v2;
	s30 =	sadd.s32 $0x30, s28;
	v19 =	vld [tilespmem:s26+$0x10];
	v28 =	vadd.s32 v30, v28;
	v32, _, _ =	vpop (xrf0);
	[tilespmem:v33+s13+$0x0] =	vst.idx.msk $0xffff, v31  }
0xbd: {  	v34 =	vor.u32 s30, v2;
	v30 =	vadd.s32 $0xFFFFFFFF, v28;
	v37 =	vadd.s32 v32, v37;
	v32, _, _ =	vpop (xrf0);
	[tilespmem:v33+s14+$0x0] =	vst.idx.msk $0xffff, v36  }
0xbe: {  	vm4 =	vge.s32 v15, v0;
	v31 =	vadd.s32 $0xFFFFFFFF, v37;
	v32 =	vadd.s32 v32, v38;
	v33, _, _ =	vpop (xrf0);
	[tilespmem:v29+s13+$0x0] =	vst.idx.msk $0xffff, v39  }
0xbf: {  	vm6 =	vlt.s32 v15, v1;
	vm5 =	vge.s32 v14, v0;
	vm7 =	vlt.s32 v14, v1;
	v28 =	vmovc v22  }
0xc0: {  	_ =	sdelay $0x2  }
0xc1: {  	vm6 =	vmand vm4, vm6  }
0xc2: {  	vm13 =	vge.s32 v17, v0;
	[tilespmem:v29+s14+$0x0] =	vst.idx.msk $0xffff, v18;
	v59 =	vsel vm6, $0x1, v3  }
0xc3: {  	vm8 =	vlt.s32 v17, v1;
	vm5 =	vmand vm5, vm7;
	v30 =	vnsel vm3, $0x810, v30;
	(xrf0) =	vadd.scan.msk.s32 $0xffff, v59  }
0xc4: {  	[tilespmem:v27+s13+$0x0] =	vst.idx.msk $0xffff, v35;
	v36 =	vnsel vm1, $0x810, v31;
	v38 =	vadd.s32 $0xFFFFFFFF, v32;
	v61 =	vsel vm5, $0x1, v3  }
0xc5: {  	v60 =	vmpcnt.ones.xlane vm6;
	vm14 =	vge.s32 v19, v0;
	vm4 =	vmand vm13, vm8;
	(xrf0) =	vadd.scan.msk.s32 $0xffff, v61  }
0xc6: {  	[tilespmem:v25+s13+$0x0] =	vst.idx.msk $0xffff, v34;
	v62 =	vmpcnt.ones.xlane vm5;
	vm15 =	vlt.s32 v19, v1;
	v63 =	vsel vm4, $0x1, v3  }
0xc7: {  	s26 =	sadd.s32 $0x40, s28;
	[tilespmem:v25+s14+$0x0] =	vst.idx.msk $0xffff, v13;
	v13 =	vadd.s32 v33, v20;
	vm3 =	vmand vm14, vm15;
	(xrf0) =	vadd.scan.msk.s32 $0xffff, v63  }
0xc8: {  	[tilespmem:v27+s14+$0x0] =	vst.idx.msk $0xffff, v16;
	v16 =	vnsel vm2, $0x810, v38;
	v39 =	vor.u32 s26, v2;
	s28 =	sadd.s32 $0x10, s26;
	v37 =	vsel vm3, $0x1, v3  }
0xc9: {  	v13 =	vadd.s32 $0xFFFFFFFF, v13;
	v42 =	vor.u32 s28, v2;
	(xrf0) =	vadd.scan.msk.s32 $0xffff, v37;
	[tilespmem:v30+s13+$0x0] =	vst.idx.msk $0xffff, v39;
	v40, _, _ =	vpop (xrf0)  }
0xca: {  	vm8 =	vmmov vm6;
	v13 =	vnsel vm0, $0x810, v13;
	[tilespmem:v36+s13+$0x0] =	vst.idx.msk $0xffff, v42;
	v41 =	vadd.s32 v40, v28  }
0xcb: {  	s29 =	sadd.s32 $0x20, s26;
	vm9 =	vmmov vm5;
	v22 =	vadd.s32 v22, v60;
	[tilespmem:v30+s14+$0x0] =	vst.idx.msk $0xffff, v26;
	v44, _, _ =	vpop (xrf0);
	v20 =	vadd.s32 $0xFFFFFFFF, v41  }
0xcc: {  	v45 =	vor.u32 s29, v2;
	[tilespmem:v36+s14+$0x0] =	vst.idx.msk $0xffff, v24;
	v27 =	vadd.s32 v44, v22;
	v46 =	vnsel vm8, $0x810, v20  }
0xcd: {  	s30 =	sadd.s32 $0x30, s26;
	v43 =	vmpcnt.ones.xlane vm4;
	v47 =	vadd.s32 v22, v62;
	[tilespmem:v16+s13+$0x0] =	vst.idx.msk $0xffff, v45;
	v48, _, _ =	vpop (xrf0);
	v49 =	vadd.s32 $0xFFFFFFFF, v27  }
0xce: {  	v50 =	vor.u32 s30, v2;
	[tilespmem:v16+s14+$0x0] =	vst.idx.msk $0xffff, v23;
	v22 =	vadd.s32 v48, v47;
	v51 =	vnsel vm9, $0x810, v49  }
0xcf: {  	s26 =	sadd.s32 $0x40, s26;
	vm10 =	vmmov vm4;
	[tilespmem:v13+s13+$0x0] =	vst.idx.msk $0xffff, v50;
	v20 =	vadd.s32 v47, v43;
	v52, _, _ =	vpop (xrf0);
	v22 =	vadd.s32 $0xFFFFFFFF, v22  }
0xd0: {  	v54 =	vor.u32 s26, v2;
	[tilespmem:v13+s14+$0x0] =	vst.idx.msk $0xffff, v21;
	v13 =	vadd.s32 v52, v20;
	v53 =	vnsel vm10, $0x810, v22  }
0xd1: {  	v15 =	vsub.s32 v15, v0;
	s31 =	sadd.s32 $0x10, s26;
	vm11 =	vmmov vm3;
	v13 =	vadd.s32 $0xFFFFFFFF, v13;
	[tilespmem:v46+s13+$0x0] =	vst.idx.msk $0xffff, v54  }
0xd2: {  	v55 =	vor.u32 s31, v2;
	v13 =	vnsel vm11, $0x810, v13;
	[tilespmem:v46+s14+$0x0] =	vst.idx.msk $0xffff, v15  }
0xd3: {  	v14 =	vsub.s32 v14, v0;
	s29 =	sadd.s32 $0x20, s26;
	[tilespmem:v51+s13+$0x0] =	vst.idx.msk $0xffff, v55  }
0xd4: {  	v15 =	vor.u32 s29, v2;
	[tilespmem:v51+s14+$0x0] =	vst.idx.msk $0xffff, v14  }
0xd5: {  	s26 =	sadd.s32 $0x30, s26;
	v14 =	vsub.s32 v17, v0;
	[tilespmem:v53+s13+$0x0] =	vst.idx.msk $0xffff, v15  }
0xd6: {  	v15 =	vor.u32 s26, v2;
	[tilespmem:v53+s14+$0x0] =	vst.idx.msk $0xffff, v14  }
0xd7: {  	v14 =	vsub.s32 v19, v0;
	[tilespmem:v13+s13+$0x0] =	vst.idx.msk $0xffff, v15  }
0xd8: {  	[tilespmem:v13+s14+$0x0] =	vst.idx.msk $0xffff, v14  }
0xd9: {  	v13 =	vld [tilespmem:$0xFC0];
	_ =	sdelay $0x4  }
0xda: {  	vm12 =	vge.s32 v13, v0;
	vm13 =	vlt.s32 v13, v1  }
0xdb: {  	vm0 =	vmand vm12, vm13  }
0xdc: {  	v14 =	vsel vm0, $0x1, v3  }
0xdd: {  	(xrf0) =	vadd.scan.msk.s32 $0xffff, v14;
	v14 =	vxor.u32 $0x80000000, v12  }
0xde: {  	(xrf0) =	vmax.scan.msk.u32 $0xffff, v14;
	_ =	sdelay $0x4  }
0xdf: {  	v14, _, _ =	vpop (xrf0)  }
0xe0: {  	v15, _, _ =	vpop (xrf0)  }
0xe1: {  	v56 =	vmpcnt.ones.xlane vm3;
	(v2sf) =	vpush v15, $0xF;
	_ =	sdelay $0x1  }
0xe2: {  	v15 =	vadd.s32 v20, v56  }
0xe3: {  	v14 =	vadd.s32 v14, v15  }
0xe4: {  	v57 =	vmpcnt.ones.xlane vm0;
	v14 =	vadd.s32 $0xFFFFFFFF, v14  }
0xe5: {  	v14 =	vnsel vm0, $0x810, v14  }
0xe6: {  	v15 =	vadd.s32 v15, v57  }
0xe7: {  	v16 =	vadd.s32 v2, v15  }
0xe8: {  	s25 =	sadd.s32 $0x7C0, s25;
	v58 =	vadd.s32 v5, v15  }
0xe9: {  	v59 =	vor.u32 s25, v2;
	v60 =	vadd.s32 v6, v15  }
0xea: {  	v13 =	vsub.s32 v13, v0;
	v61 =	vadd.s32 v7, v15;
	[tilespmem:v14+s13+$0x0] =	vst.idx.msk $0xffff, v59  }
0xeb: {  	[tilespmem:v14+s14+$0x0] =	vst.idx.msk $0xffff, v13;
	v13 =	vadd.s32 v8, v15  }
0xec: {  	v14 =	vadd.s32 v9, v15;
	[tilespmem:v16+s14+$0x0] =	vst.idx.msk $0xffff, v4  }
0xed: {  	v62 =	vadd.s32 v10, v15;
	[tilespmem:v58+s14+$0x0] =	vst.idx.msk $0xffff, v4  }
0xee: {  	v63 =	vadd.s32 v11, v15;
	[tilespmem:v60+s14+$0x0] =	vst.idx.msk $0xffff, v4  }
0xef: {  	[tilespmem:v61+s14+$0x0] =	vst.idx.msk $0xffff, v4;
	s30 =	spop (v2sf)  }
0xf0: {  	[tilespmem:v13+s14+$0x0] =	vst.idx.msk $0xffff, v4;
	v13 =	vadd.s32 $0x3F, v15;
	s25 =	sshll.u32 s30, $0x6  }
0xf1: {  	[tilespmem:v14+s14+$0x0] =	vst.idx.msk $0xffff, v4;
	v14 =	vshra.s32 v13, $0x1F;
	v15 =	vand.u32 $0x3F, v13;
	s25 =	sadd.s32 s6, s25  }
.Ltmp7:
0xf2: {  	vm14 =	vlt.s32 v13, $0x1;
	[tilespmem:v62+s14+$0x0] =	vst.idx.msk $0xffff, v4;
	v14 =	vshrl.u32 v14, $0x1A;
	vm15 =	vne.s32 v15, $0x0;
	s25 =	sshrl.u32 s25, $0x3;
	(pc) =	sbr.rel @!p0 .LBB2_14-.Ltmp7, $4  }
.Ltmp8:
0xf3: {  	[tilespmem:v63+s14+$0x0] =	vst.idx.msk $0xffff, v4;
	v13 =	vadd.s32 v14, v13;
	vm0 =	vmand vm14, vm15;
	s31 =	sadd.s32 s4, s25;
	(pc) =	sbr.rel @p0 .LBB2_15-.Ltmp8, $4  }
0xf4: {  	v13 =	vshra.s32 v13, $0x6;
	v14 =	vsel vm0, $0xFFFFFFFF, v3;
	[hbm4b:s31+s3] =	stream.linear.scatter [tilespmem:s13], [sflag:$0x3], $0x880, $0x38;
	[tilespmem:$0x3280] =	vst v63  }
0xf5: {  	s25 =	sadd.s32 s5, s25;
	v13 =	vadd.s32 v14, v13  }
0xf6: {  	v12 =	vadd.s32 v12, v13;
	[hbm4b:s25+s3] =	stream.linear.scatter [tilespmem:s14], [sflag:$0x5], $0x880, $0x38;
	[tilespmem:$0x3280] =	vst v63  }
0xf7: {  	_ = 	snop  }
.LBB2_5:
0xf8: {  	s26 =	sand.u32 $0x1, s24  }
0xf9: {  	p2 =	seq.s32 s26, $0x1  }
.Ltmp9:
0xfa: {  	_ = 	snop;
	(pc) =	sbr.rel @p2 .LBB2_9-.Ltmp9, $4  }
0xfb: {  	_ = 	snop  }
0xfc: {  	s28 =	sshrl.u32 s25, $0x3  }
0xfd: {  	s31 =	sadd.s32 s1, s28  }
0xfe: {  	p1 =	slt.u32 s24, $0x2;
	s26 =	sadd.s32 $0xFA, s31  }
0xff: {  	[tilespmem:s21], [sflag:$0x1] =	stream.linear.gather [hbm4b:s26+s3], $0x7D0, $0x38;
	[tilespmem:$0x3280] =	vst v63  }
0x100: {  	s26 =	simm.s32 @!p1 $0x2  }
0x101: {  	_ =	swait.ge @!p1 [sflag:s26], $0x880  }
0x102: {  	[sflag:s26] =	ssyncset.done @!p1 $0x0  }
0x103: {  	[sflag:s26] =	ssyncadd.s32 @!p1 $0xFFFFF780;
	s26 =	simm.s32 @!p1 $0x4  }
0x104: {  	_ =	swait.ge @!p1 [sflag:s26], $0x880  }
0x105: {  	[sflag:s26] =	ssyncset.done @!p1 $0x0  }
0x106: {  	s30 =	simm.s32 $0x20;
	[sflag:s26] =	ssyncadd.s32 @!p1 $0xFFFFF780  }
0x107: {  	v13 =	vld [tilespmem:s30+$0xFFFFFFE0]  }
0x108: {  	v14 =	vld [tilespmem:s30+$0xFFFFFFF0]  }
0x109: {  	v15 =	vld [tilespmem:s30+$0x0]  }
0x10a: {  	s31 =	simm.s32 $0x60;
	v17 =	vld [tilespmem:s30+$0x10]  }
0x10b: {  	v24 =	vld [tilespmem:s31+$0xFFFFFFE0];
	_ =	sdelay $0x1  }
0x10c: {  	v19 =	vimm.s32 $0x0;
	s29 =	sadd.s32 $0x20, s23  }
0x10d: {  	v35 =	vor.u32 s29, v2;
	vm0 =	vge.s32 v13, v0;
	vm1 =	vlt.s32 v13, v1  }
0x10e: {  	vm2 =	vge.s32 v14, v0;
	vm3 =	vlt.s32 v14, v1;
	vm4 =	vlt.s32 v15, v1  }
0x10f: {  	v31 =	vsub.s32 v13, v0;
	v13 =	vsub.s32 v17, v0;
	vm5 =	vlt.s32 v24, v1  }
0x110: {  	vm0 =	vmand vm0, vm1;
	vm1 =	vge.s32 v15, v0;
	vm3 =	vmand vm2, vm3  }
0x111: {  	vm2 =	vge.s32 v17, v0;
	v16 =	vmpcnt.ones.xlane vm0;
	v18 =	vsel vm0, $0x1, v3  }
0x112: {  	vm1 =	vmand vm1, vm4;
	v20 =	vsel vm3, $0x1, v3;
	vm4 =	vlt.s32 v17, v1  }
0x113: {  	(xrf0) =	vadd.scan.msk.s32 $0xffff, v18;
	v18 =	vmpcnt.ones.xlane vm3;
	v21 =	vsel vm1, $0x1, v3;
	vm4 =	vmand vm2, vm4  }
0x114: {  	v17 =	vld [tilespmem:s31+$0x0];
	vm2 =	vmmov vm0;
	(xrf0) =	vadd.scan.msk.s32 $0xffff, v20;
	v20 =	vadd.s32 v19, v16;
	v16 =	vmpcnt.ones.xlane vm1  }
0x115: {  	v30 =	vld [tilespmem:s31+$0x10];
	vm0 =	vmmov vm3;
	(xrf0) =	vadd.scan.msk.s32 $0xffff, v21;
	v21 =	vadd.s32 v20, v18;
	v18 =	vmpcnt.ones.xlane vm4  }
0x116: {  	v22 =	vsel vm4, $0x1, v3;
	vm3 =	vmmov vm4;
	v23 =	vadd.s32 v21, v16  }
0x117: {  	vm4 =	vge.s32 v24, v0;
	v28 =	vadd.s32 v23, v18;
	v18 =	vsub.s32 v14, v0;
	v14 =	vld [tilespmem:s31+$0xFFFFFFF0]  }
0x118: {  	vm1 =	vmmov vm1;
	v16 =	vsub.s32 v15, v0;
	(xrf0) =	vadd.scan.msk.s32 $0xffff, v22;
	vm4 =	vmand vm4, vm5  }
0x119: {  	vm5 =	vge.s32 v17, v0;
	vm8 =	vlt.s32 v17, v1;
	v25 =	vsel vm4, $0x1, v3;
	v15, _, _ =	vpop (xrf0)  }
0x11a: {  	vm5 =	vmand vm5, vm8;
	vm8 =	vlt.s32 v30, v1;
	v15 =	vadd.s32 v15, v19;
	v19, _, _ =	vpop (xrf0)  }
0x11b: {  	v29 =	vsel vm5, $0x1, v3;
	v15 =	vadd.s32 $0xFFFFFFFF, v15;
	v19 =	vadd.s32 v19, v20;
	v20, _, _ =	vpop (xrf0)  }
0x11c: {  	v19 =	vadd.s32 $0xFFFFFFFF, v19;
	v21 =	vadd.s32 v20, v21;
	vm6 =	vge.s32 v14, v0  }
0x11d: {  	vm7 =	vlt.s32 v14, v1;
	v20 =	vmpcnt.ones.xlane vm4;
	v36 =	vnsel vm2, $0x810, v15  }
0x11e: {  	(xrf0) =	vadd.scan.msk.s32 $0xffff, v25;
	v26, _, _ =	vpop (xrf0);
	vm2 =	vmmov vm5;
	vm6 =	vmand vm6, vm7;
	vm7 =	vge.s32 v30, v0  }
0x11f: {  	v23 =	vadd.s32 v26, v23;
	v15 =	vadd.s32 $0xFFFFFFFF, v21;
	v27 =	vsel vm6, $0x1, v3  }
0x120: {  	v26 =	vsub.s32 v24, v0;
	v24 =	vsub.s32 v14, v0;
	v22 =	vmpcnt.ones.xlane vm6;
	(xrf0) =	vadd.scan.msk.s32 $0xffff, v27  }
0x121: {  	v32 =	vadd.s32 v28, v20;
	v20 =	vmpcnt.ones.xlane vm5;
	vm7 =	vmand vm7, vm8  }
0x122: {  	s26 =	simm.s32 $0xA0;
	v21 =	vadd.s32 $0xFFFFFFFF, v23;
	v23 =	vsub.s32 v17, v0;
	(xrf0) =	vadd.scan.msk.s32 $0xffff, v29;
	v29 =	vnsel vm0, $0x810, v19  }
0x123: {  	v14 =	vld [tilespmem:s26+$0xFFFFFFF0];
	v34 =	vsel vm7, $0x1, v3;
	v27 =	vnsel vm1, $0x810, v15;
	v25 =	vnsel vm3, $0x810, v21  }
0x124: {  	v15 =	vld [tilespmem:s26+$0xFFFFFFE0];
	v21 =	vsub.s32 v30, v0;
	vm3 =	vmmov vm4;
	vm1 =	vmmov vm6;
	v17, _, _ =	vpop (xrf0);
	(xrf0) =	vadd.scan.msk.s32 $0xffff, v34  }
0x125: {  	s28 =	sadd.s32 $0x10, s23;
	v33 =	vadd.s32 v32, v22;
	v19 =	vor.u32 s23, v2;
	v17 =	vadd.s32 v17, v28  }
0x126: {  	v22 =	vmpcnt.ones.xlane vm7;
	[tilespmem:v36+s19+$0x0] =	vst.idx.msk $0xffff, v19;
	v19 =	vor.u32 s28, v2;
	v30 =	vadd.s32 $0xFFFFFFFF, v17;
	v17 =	vld [tilespmem:s26+$0x0];
	v28, _, _ =	vpop (xrf0)  }
0x127: {  	vm0 =	vmmov vm7;
	v20 =	vadd.s32 v33, v20;
	s28 =	sadd.s32 $0x30, s23;
	[tilespmem:v29+s19+$0x0] =	vst.idx.msk $0xffff, v19;
	v19 =	vld [tilespmem:s26+$0x10];
	v28 =	vadd.s32 v28, v32  }
0x128: {  	v22 =	vadd.s32 v20, v22;
	v34 =	vor.u32 s28, v2;
	vm5 =	vge.s32 v14, v0  }
0x129: {  	vm7 =	vlt.s32 v14, v1;
	vm4 =	vge.s32 v15, v0;
	vm6 =	vlt.s32 v15, v1;
	v63, _, _ =	vpop (xrf0)  }
0x12a: {  	s29 =	simm.s32 $0x8;
	[tilespmem:v36+s20+$0x0] =	vst.idx.msk $0xffff, v31;
	s28 =	smov.u32 s23;
	v31 =	vadd.s32 $0xFFFFFFFF, v28;
	v32 =	vadd.s32 v63, v33;
	v33, _, _ =	vpop (xrf0);
	v28 =	vmov v22  }
.LBB2_7:
0x12b: {  	s29 =	sadd.s32 $0x4, s29;
	vm4 =	vmand vm4, vm6;
	vm8 =	vge.s32 v17, v0;
	vm9 =	vlt.s32 v17, v1;
	[tilespmem:v29+s20+$0x0] =	vst.idx.msk $0xffff, v18  }
0x12c: {  	vm6 =	vmand vm5, vm7;
	vm7 =	vge.s32 v19, v0;
	v36 =	vmovc v26;
	p0 =	slt.u32 s29, $0x78;
	v29 =	vmpcnt.ones.xlane vm4;
	[tilespmem:v27+s19+$0x0] =	vst.idx.msk $0xffff, v35  }
0x12d: {  	v18 =	vmovc v24;
	v26 =	vmpcnt.ones.xlane vm6;
	vm5 =	vmand vm8, vm9;
	vm8 =	vlt.s32 v19, v1;
	[tilespmem:v27+s20+$0x0] =	vst.idx.msk $0xffff, v16  }
0x12e: {  	vm7 =	vmand vm7, vm8;
	v16 =	vmovc v23;
	v37 =	vadd.s32 v22, v29;
	v22 =	vmpcnt.ones.xlane vm5;
	[tilespmem:v25+s19+$0x0] =	vst.idx.msk $0xffff, v34  }
0x12f: {  	v23 =	vsel vm4, $0x1, v3;
	v24 =	vmpcnt.ones.xlane vm7;
	v38 =	vadd.s32 v37, v26;
	[tilespmem:v25+s20+$0x0] =	vst.idx.msk $0xffff, v13;
	v13 =	vmovc v21  }
0x130: {  	v21 =	vsel vm6, $0x1, v3;
	v25 =	vsel vm5, $0x1, v3;
	v26 =	vadd.s32 v38, v22;
	(xrf0) =	vadd.scan.msk.s32 $0xffff, v23  }
0x131: {  	v23 =	vsel vm7, $0x1, v3;
	v22 =	vadd.s32 v26, v24;
	(xrf0) =	vadd.scan.msk.s32 $0xffff, v21;
	v21 =	vadd.s32 v33, v20;
	v20 =	vmovc v26  }
0x132: {  	v33 =	vnsel vm3, $0x810, v30;
	v24 =	vadd.s32 $0xFFFFFFFF, v32;
	(xrf0) =	vadd.scan.msk.s32 $0xffff, v25;
	v21 =	vadd.s32 $0xFFFFFFFF, v21  }
0x133: {  	s26 =	sadd.s32 $0x40, s26;
	v29 =	vnsel vm1, $0x810, v31;
	v27 =	vnsel vm2, $0x810, v24;
	(xrf0) =	vadd.scan.msk.s32 $0xffff, v23;
	v25 =	vnsel vm0, $0x810, v21  }
0x134: {  	v26 =	vsub.s32 v15, v0;
	v24 =	vsub.s32 v14, v0;
	v23 =	vsub.s32 v17, v0;
	v15 =	vld [tilespmem:s26+$0xFFFFFFE0]  }
0x135: {  	s28 =	sadd.s32 $0x40, s28;
	vm1 =	vmmov vm6;
	vm3 =	vmmov vm4;
	v21 =	vsub.s32 v19, v0;
	v14 =	vld [tilespmem:s26+$0xFFFFFFF0]  }
.Ltmp10:
0x136: {  	s30 =	sadd.s32 $0x10, s28;
	s31 =	sadd.s32 $0x20, s28;
	v31 =	vor.u32 s28, v2;
	vm2 =	vmmov vm5;
	vm0 =	vmmov vm7;
	v17 =	vld [tilespmem:s26+$0x0];
	v30, _, _ =	vpop (xrf0);
	(pc) =	sbr.rel @p0 .LBB2_7-.Ltmp10, $4  }
0x137: {  	v39 =	vor.u32 s30, v2;
	v35 =	vor.u32 s31, v2;
	s30 =	sadd.s32 $0x30, s28;
	v19 =	vld [tilespmem:s26+$0x10];
	v28 =	vadd.s32 v30, v28;
	v32, _, _ =	vpop (xrf0);
	[tilespmem:v33+s19+$0x0] =	vst.idx.msk $0xffff, v31  }
0x138: {  	v34 =	vor.u32 s30, v2;
	v30 =	vadd.s32 $0xFFFFFFFF, v28;
	v37 =	vadd.s32 v32, v37;
	v32, _, _ =	vpop (xrf0);
	[tilespmem:v33+s20+$0x0] =	vst.idx.msk $0xffff, v36  }
0x139: {  	vm4 =	vge.s32 v15, v0;
	v31 =	vadd.s32 $0xFFFFFFFF, v37;
	v32 =	vadd.s32 v32, v38;
	v33, _, _ =	vpop (xrf0);
	[tilespmem:v29+s19+$0x0] =	vst.idx.msk $0xffff, v39  }
0x13a: {  	vm6 =	vlt.s32 v15, v1;
	vm5 =	vge.s32 v14, v0;
	vm7 =	vlt.s32 v14, v1;
	v28 =	vmovc v22  }
.Ltmp11:
0x13b: {  	_ = 	snop;
	(pc) =	sbr.rel .LBB2_8-.Ltmp11, $1  }
0x13c: {  	_ =	sdelay $0x3  }
.LBB2_9:
.Ltmp12:
0x13d: {  	(pc) =	sbr.rel @p1 .LBB2_11-.Ltmp12, $4  }
.Ltmp13:
0x13e: {  	(pc) =	sbr.rel @!p1 .LBB2_10-.Ltmp13, $4  }
0x13f: {  	_ = 	snop  }
0x140: {  	_ = 	snop  }
0x141: {  	[tilespmem:s3], [sflag:$0x1] =	stream.linear.gather [hbm4b:s26+s3], $0x7D0, $0x38;
	[tilespmem:$0x3280] =	vst v63  }
0x142: {  	_ = 	snop  }
.LBB2_15:
0x143: {  	_ =	swait.ge [sflag:s15], $0x880  }
0x144: {  	[sflag:s15] =	ssyncset.done $0x0  }
0x145: {  	[sflag:s15] =	ssyncadd.s32 $0xFFFFF780  }
0x146: {  	_ =	swait.ge [sflag:s16], $0x880  }
0x147: {  	[sflag:s16] =	ssyncset.done $0x0  }
0x148: {  	[sflag:s16] =	ssyncadd.s32 $0xFFFFF780  }
0x149: {  	_ =	swait.ge [sflag:s11], $0x880  }
0x14a: {  	[sflag:s11] =	ssyncset.done $0x0  }
0x14b: {  	[sflag:s11] =	ssyncadd.s32 $0xFFFFF780  }
0x14c: {  	_ =	swait.ge [sflag:s12], $0x880  }
0x14d: {  	[sflag:s12] =	ssyncset.done $0x0  }
0x14e: {  	[sflag:s12] =	ssyncadd.s32 $0xFFFFF780  }
0x14f: {  	s23 =	simm.s32 $0x0;
	[tilespmem:$0x3200] =	vst v12  }
0x150: {  	[hbm4b:s7+s23] =	stream.linear.scatter [tilespmem:s17], [sflag:$0x6], $0x10, $0x38;
	[tilespmem:$0x3280] =	vst v63  }
0x151: {  	_ =	swait.ge [sflag:s18], $0x10  }
0x152: {  	[sflag:s18] =	ssyncset.done $0x0  }
0x153: {  	s24 =	simm.s32 $0x40;
	s23 =	simm.s32 $0x0;
	[sflag:s18] =	ssyncadd.s32 $0xFFFFFFF0  }
.LBB2_16:
0x154: {  	p0 =	sne.s32 s24, $0x21C0;
	[tilespmem:s23+$0x1000] =	vst v3;
	s25 =	smov.u32 s24;
	s24 =	sadd.s32 $0x40, s24  }
.Ltmp14:
0x155: {  	[tilespmem:s23+$0x2100] =	vst v4;
	(pc) =	sbr.rel @p0 .LBB2_16-.Ltmp14, $2  }
0x156: {  	_ =	sdelay $0x2  }
0x157: {  	s23 =	sshra.s32 s25, $0x2  }
0x158: {  	v12 =	vxor.u32 $0x80000000, v12  }
0x159: {  	(xrf0) =	vmax.scan.msk.u32 $0xffff, v12;
	_ =	sdelay $0x5  }
0x15a: {  	v12, _, _ =	vpop (xrf0)  }
0x15b: {  	(v2sf) =	vpush v12, $0xF;
	_ =	sdelay $0xe  }
0x15c: {  	s24 =	spop (v2sf)  }
0x15d: {  	s25 =	sxor.u32 $0x80000000, s24  }
0x15e: {  	s26 =	simm.s32 $0x1;
	p0 =	sne.s32 s24, $0x800000BF;
	s25 =	ssub.s32 $0xBF, s25  }
0x15f: {  	s26 =	simm.s32 @!p0 $0x0;
	s28 =	sshra.s32 s25, $0x1F  }
0x160: {  	s29 =	sand.u32 $0x1F, s25;
	s26 =	sor.u32 s26, s28  }
0x161: {  	p1 =	sne.s32 s29, $0x0;
	p6 =	sne.s32 s26, $0x1  }
0x162: {  	s31 =	sshrl.u32 s28, $0x1B;
	p0 =	por !p1, !p6  }
0x163: {  	s25 =	sadd.s32 s31, s25;
	s26 =	simm.s32 $0x1;
	p0 =	por !p0, !p0  }
0x164: {  	s25 =	sshra.s32 s25, $0x5;
	s26 =	simm.s32 @!p0 $0x0  }
0x165: {  	s26 =	ssub.s32 s25, s26  }
0x166: {  	p0 =	slt.s32 s26, $0x1  }
.Ltmp15:
0x167: {  	_ = 	snop;
	(pc) =	sbr.rel @p0 .LBB2_22-.Ltmp15, $3  }
0x168: {  	_ =	sdelay $0x1  }
0x169: {  	[tilespmem:s23+$0x1000] =	vst v3  }
0x16a: {  	[tilespmem:s23+$0x2100] =	vst v4  }
0x16b: {  	p1 =	sne.s32 s26, $0x1  }
.Ltmp16:
0x16c: {  	_ = 	snop;
	(pc) =	sbr.rel @!p1 .LBB2_21-.Ltmp16, $4  }
0x16d: {  	_ = 	snop  }
0x16e: {  	s23 =	sshll.u32 s24, $0x6  }
0x16f: {  	s25 =	sadd.s32 s23, s9  }
0x170: {  	s24 =	sadd.s32 $0xFFFFFFFF, s26;
	p0 =	por $0x0, $0x0;
	s23 =	sshrl.u32 s25, $0x3  }
0x171: {  	s26 =	sadd.s32 s4, s23  }
0x172: {  	[hbm4b:s26+s3] =	stream.linear.scatter [tilespmem:s19], [sflag:$0x6], $0x800, $0x38;
	[tilespmem:$0x3280] =	vst v63  }
0x173: {  	p1 =	sne.s32 s24, $0x1;
	_ =	swait.ge [sflag:s18], $0x800  }
.Ltmp17:
0x174: {  	[sflag:s18] =	ssyncset.done $0x0;
	(pc) =	sbr.rel @!p1 .LBB2_21-.Ltmp17, $4  }
0x175: {  	s31 =	sadd.s32 s5, s23;
	[sflag:s18] =	ssyncadd.s32 $0xFFFFF800  }
0x176: {  	[hbm4b:s31+s3] =	stream.linear.scatter [tilespmem:s20], [sflag:$0x6], $0x800, $0x38;
	[tilespmem:$0x3280] =	vst v63  }
0x177: {  	s24 =	sadd.s32 $0xFFFFFFFF, s24;
	s25 =	sadd.s32 $0x800, s25;
	_ =	swait.ge [sflag:s18], $0x800  }
0x178: {  	p0 =	por $0x1, $0x1;
	s23 =	sshrl.u32 s25, $0x3;
	[sflag:s18] =	ssyncset.done $0x0  }
.LBB2_20:
0x179: {  	p1 =	sne.s32 s24, $0x1;
	s26 =	sadd.s32 s4, s23;
	[sflag:s18] =	ssyncadd.s32 $0xFFFFF800  }
0x17a: {  	[hbm4b:s26+s3] =	stream.linear.scatter [tilespmem:s19], [sflag:$0x6], $0x800, $0x38;
	[tilespmem:$0x3280] =	vst v63  }
0x17b: {  	s24 =	sadd.s32 $0xFFFFFFFF, s24;
	_ =	swait.ge [sflag:s18], $0x800  }
.Ltmp18:
0x17c: {  	[sflag:s18] =	ssyncset.done $0x0;
	(pc) =	sbr.rel @p1 .LBB2_20-.Ltmp18, $4  }
0x17d: {  	s23 =	sadd.s32 s5, s23;
	[sflag:s18] =	ssyncadd.s32 $0xFFFFF800  }
0x17e: {  	[hbm4b:s23+s3] =	stream.linear.scatter [tilespmem:s20], [sflag:$0x6], $0x800, $0x38;
	[tilespmem:$0x3280] =	vst v63  }
0x17f: {  	s25 =	sadd.s32 $0x800, s25;
	_ =	swait.ge [sflag:s18], $0x800  }
0x180: {  	s23 =	sshrl.u32 s25, $0x3;
	[sflag:s18] =	ssyncset.done $0x0  }
.Ltmp19:
0x181: {  	_ = 	snop;
	(pc) =	sbr.rel .LBB2_21-.Ltmp19, $1  }
0x182: {  	_ =	sdelay $0x3  }
.LBB2_23:
0x183: {  	_ =	sfence.sel $0x180000  }
0x184: {  	[bflag:$0x0] =	sbarrier.arrive $0xFFFF  }
0x185: {  	p0 =	sne.s32 s2, $0x0;
	_ =	strace $0x9000004A  }
0x186: {  	s0 =	sadd.s32 @!p0 $0x100000, s0;
	[bflag:$0x2] =	sbarrier.arrive $0xFFFF  }
0x187: {  	[sflag:s0] =	ssyncadd.tile.s32 @!p0 $0x1;
	_ =	shalt  }
.Lfunc_end2:
_tile_overlayer_lowered:
.L_overlay_start_2:
0x188: {  	(tag) =	ssettag $0x2  }
0x189: {  	s0 =	rddreg [dreg:$0x0];
	s2 =	stileid.u32  }
0x18a: {  	s1 =	rddreg [dreg:$0x1];
	p0 =	sne.s32 s2, $0x0  }
0x18b: {  	s3 =	rddreg [dreg:$0x2];
	[bflag:$0x3] =	sbarrier.arrive $0xFFFF;
	s2 =	simm.s32 @!p0 $0x1C06  }
0x18c: {  	[timem:s3], [sflag:s2] =	dma.local @!p0 [hbm:s0], s1  }
0x18d: {  	s0 =	simm.s32 @!p0 $0x6  }
0x18e: {  	_ =	swait.ge @!p0 [sflag:s0], s1  }
0x18f: {  	s1 =	ssub.s32 @!p0 $0x0, s1;
	[sflag:s0] =	ssyncset.done @!p0 $0x0  }
0x190: {  	[sflag:s0] =	ssyncadd.s32 @!p0 s1  }
0x191: {  	[bflag:$0x3] =	sbarrier.arrive $0xFFFF  }
0x192: {  	_ =	shalt  }

</sc_bundles>
